<compile_context>
chip_gen: v7x
topology: tpu7x:2x2x1
jax: 0.10.2.dev20260603
libtpu: 0.0.44.dev20260713+nightly
codegen_flags: <defaults>
</compile_context>

<pallas_src>
import jax
import jax.numpy as jnp
import numpy as np
from jax import lax
from jax.experimental import pallas as pl
from jax.experimental.pallas import tpu as pltpu
from jax.experimental.pallas import tpu_sc as plsc

N_NODES = 100000
N_EDGES = 6400000
NUM_TYPES = 16
FACTOR = 1.0 / np.sqrt(64.0)

NC = 2
NS = 16
NW = NC * NS
L = 16

K = 2048
NCH = N_EDGES // K
NT_MIN = NCH // NW
NPACK = N_NODES // 4
NT_REM = NCH - NT_MIN * NW
NBUF = 4

NSEG = 6256
NPAD = NS * NSEG


def _sc_body(energy_hbm, eidx_hbm, species_hbm, scale_hbm, out_hbm,
             species_v, scale_v,
             e0, e1, e2, e3, cn0, cn1, cn2, cn3, v0, v1, v2, v3,
             x0, x1, x2, x3, s0, s1, s2, s3, ss0, ss1, zbuf, accum_sh):
    cid = lax.axis_index("c")
    sid = lax.axis_index("s")
    wid = cid * NS + sid

    e_b = (e0, e1, e2, e3)
    cn_b = (cn0, cn1, cn2, cn3)
    v_b = (v0, v1, v2, v3)
    x_b = (x0, x1, x2, x3)
    sem_b = (s0, s1, s2, s3)
    sem_s = (ss0, ss1)

    pltpu.sync_copy(species_hbm, species_v)
    pltpu.sync_copy(scale_hbm, scale_v)

    def zbody(i, _):
        zbuf[pl.ds(i * L, L)] = jnp.zeros((L,), jnp.float32)
        return _

    lax.fori_loop(0, NSEG // L, zbody, None)
    pltpu.sync_copy(zbuf, accum_sh.at[pl.ds(sid * NSEG, NSEG)])
    plsc.subcore_barrier()

    def base_of(t):
        return (t * NW + wid) * K

    def fire_in(t, b):
        base = base_of(t)
        pltpu.async_copy(energy_hbm.at[pl.ds(base, K)], e_b[b], sem_b[b])
        pltpu.async_copy(eidx_hbm.at[:, pl.ds(base, K)], cn_b[b], sem_b[b])

    def wait_in(t, b):
        base = base_of(t)
        pltpu.make_async_copy(energy_hbm.at[pl.ds(base, K)], e_b[b],
                              sem_b[b]).wait()
        pltpu.make_async_copy(eidx_hbm.at[:, pl.ds(base, K)], cn_b[b],
                              sem_b[b]).wait()

    def compute(t, b):
        @plsc.parallel_loop(0, K, step=L, unroll=4)
        def gbody(off):
            ci = cn_b[b][0, pl.ds(off, L)]
            ni = cn_b[b][1, pl.ds(off, L)]
            x_b[b][pl.ds(off, L)] = ci
            wc = plsc.load_gather(species_v, [ci >> 2])
            wn = plsc.load_gather(species_v, [ni >> 2])
            sc = (wc >> ((ci & 3) << 3)) & 0xFF
            sn = (wn >> ((ni & 3) << 3)) & 0xFF
            comb = (sc << 4) + sn
            v_b[b][pl.ds(off, L)] = e_b[b][pl.ds(off, L)] * \
                plsc.load_gather(scale_v, [comb])

    def fire_scatter(b, p):
        pltpu.async_copy(v_b[b], accum_sh.at[x_b[b]], sem_s[p], add=True)

    def wait_scatter(b, p):
        pltpu.make_async_copy(v_b[b], accum_sh.at[x_b[b]], sem_s[p]).wait()

    def step(t, j):
        wait_in(t, j)
        wait_scatter((j + 2) % NBUF, j % 2)
        fire_in(t + 2, (j + 2) % NBUF)
        compute(t, j)
        fire_scatter(j, j % 2)

    fire_in(0, 0)
    fire_in(1, 1)
    for t in range(NBUF):
        wait_in(t, t % NBUF)
        if t >= 2:
            wait_scatter((t + 2) % NBUF, t % 2)
        fire_in(t + 2, (t + 2) % NBUF)
        compute(t, t % NBUF)
        fire_scatter(t % NBUF, t % 2)

    def block_body(t4, _):
        for j in range(NBUF):
            step(t4 * NBUF + j, j)
        return _

    lax.fori_loop(1, (NT_MIN - NBUF) // NBUF, block_body, None)

    extra = wid < NT_REM

    for t in range((NT_MIN - NBUF) // NBUF * NBUF, NT_MIN):
        j = t % NBUF
        wait_in(t, j)
        wait_scatter((j + 2) % NBUF, j % 2)
        if t + 2 < NT_MIN:
            fire_in(t + 2, (j + 2) % NBUF)
        elif t + 2 == NT_MIN:
            @pl.when(extra)
            def _fire_extra(t=t, j=j):
                fire_in(t + 2, (j + 2) % NBUF)
        compute(t, j)
        fire_scatter(j, j % 2)
    for t in (NT_MIN - 2, NT_MIN - 1):
        wait_scatter(t % NBUF, t % 2)

    @pl.when(extra)
    def _extra_chunk():
        j = NT_MIN % NBUF
        wait_in(NT_MIN, j)
        compute(NT_MIN, j)
        pltpu.sync_copy(v_b[j], accum_sh.at[x_b[j]], add=True)

    plsc.subcore_barrier()

    pltpu.sync_copy(accum_sh.at[pl.ds(sid * NSEG, NSEG)], zbuf)
    pltpu.sync_copy(zbuf, out_hbm.at[pl.ds(cid * NPAD + sid * NSEG, NSEG)])


@jax.jit
def _sc_call(energy, eidx, species, scale):
    mesh = plsc.VectorSubcoreMesh(core_axis_name="c", subcore_axis_name="s")
    return pl.kernel(
        _sc_body,
        out_type=jax.ShapeDtypeStruct((NC * NPAD,), jnp.float32),
        mesh=mesh,
        compiler_params=pltpu.CompilerParams(needs_layout_passes=False),
        scratch_types=[
            pltpu.VMEM((NPACK,), jnp.int32),
            pltpu.VMEM((NUM_TYPES * NUM_TYPES,), jnp.float32),
            *([pltpu.VMEM((K,), jnp.float32)] * NBUF),
            *([pltpu.VMEM((2, K), jnp.int32)] * NBUF),
            *([pltpu.VMEM((K,), jnp.float32)] * NBUF),
            *([pltpu.VMEM((K,), jnp.int32)] * NBUF),
            *([pltpu.SemaphoreType.DMA] * NBUF),
            pltpu.SemaphoreType.DMA,
            pltpu.SemaphoreType.DMA,
            pltpu.VMEM((NSEG,), jnp.float32),
            pltpu.VMEM_SHARED((NPAD,), jnp.float32),
        ],
    )(energy, eidx, species, scale)


def kernel(edge_energy, per_edge_scales, edge_index, atom_types):
    energy = edge_energy.reshape(N_EDGES)
    scale = (per_edge_scales * FACTOR).reshape(NUM_TYPES * NUM_TYPES)
    sp8 = atom_types.reshape(N_NODES).astype(jnp.int8)
    species = jax.lax.bitcast_convert_type(sp8.reshape(NPACK, 4), jnp.int32)
    partials = _sc_call(energy, edge_index, species, scale)
    return (partials[:N_NODES] + partials[NPAD:NPAD + N_NODES])[:, None]

# --- scband reference (transcript-rebuilt; emitter-appended) ---
"""Pipeline reference for scband-edgewise-energy-sum-59777354826469 (READ-ONLY COPY).

The authoritative reference and input builder live on the scoring server;
editing this copy changes nothing except your own understanding.
"""

import jax, jax.numpy as jnp
import numpy as np

N_NODES = 100000
N_EDGES = 6400000
NUM_TYPES = 16
AVG_NUM_NEIGHBORS = 64.0
FACTOR = 1.0 / np.sqrt(AVG_NUM_NEIGHBORS)


def setup_inputs(seed: int = 0) -> dict:
    key = jax.random.key(seed)
    k1, k2, k3 = jax.random.split(key, 3)
    edge_energy = jax.random.normal(k1, (N_EDGES, 1), dtype=jnp.float32)
    edge_index = jax.random.randint(k2, (2, N_EDGES), 0, N_NODES, dtype=jnp.int32)
    atom_types = jax.random.randint(k3, (N_NODES, 1), 0, NUM_TYPES, dtype=jnp.int32)
    # learned parameter: per-(center_species, neighbor_species) edge energy scales
    per_edge_scales = jnp.ones((NUM_TYPES, NUM_TYPES), dtype=jnp.float32)
    return {
        "edge_energy": edge_energy,
        "per_edge_scales": per_edge_scales,
        "edge_index": edge_index,
        "atom_types": atom_types,
    }


def reference(edge_energy, per_edge_scales, edge_index, atom_types):
    edge_center = edge_index[0]
    edge_neighbor = edge_index[1]
    species = jnp.squeeze(atom_types, -1)
    center_species = species[edge_center]
    neighbor_species = species[edge_neighbor]
    # per-species-pair scale (gather from [num_types, num_types] table)
    scales = per_edge_scales[center_species, neighbor_species][:, None]
    edge_eng = edge_energy * scales
    # scatter-add edge energies into center atoms
    atom_eng = jax.ops.segment_sum(edge_eng, edge_center, num_segments=N_NODES)
    atom_eng = atom_eng * FACTOR
    return atom_eng

if __name__ == "__main__":
    import jax
    _d = setup_inputs()
    print(jax.jit(kernel)(*tuple(_d.values())))

</pallas_src>

<mosaic_0001>
#map = affine_map<(d0, d1) -> (0)>
#map1 = affine_map<(d0, d1) -> (0, 0)>
module attributes {stable_mosaic.version = 14 : i64} {
  func.func @_sc_body(%arg0: i32, %arg1: i32, %arg2: memref<6400000xf32, #tpu.memory_space<hbm>>, %arg3: memref<2x6400000xi32, #tpu.memory_space<hbm>>, %arg4: memref<25000xi32, #tpu.memory_space<hbm>>, %arg5: memref<256xf32, #tpu.memory_space<hbm>>, %arg6: memref<200192xf32, #tpu.memory_space<hbm>>, %arg7: memref<25000xi32, #tpu.memory_space<vmem>>, %arg8: memref<256xf32, #tpu.memory_space<vmem>>, %arg9: memref<2048xf32, #tpu.memory_space<vmem>>, %arg10: memref<2048xf32, #tpu.memory_space<vmem>>, %arg11: memref<2048xf32, #tpu.memory_space<vmem>>, %arg12: memref<2048xf32, #tpu.memory_space<vmem>>, %arg13: memref<2x2048xi32, #tpu.memory_space<vmem>>, %arg14: memref<2x2048xi32, #tpu.memory_space<vmem>>, %arg15: memref<2x2048xi32, #tpu.memory_space<vmem>>, %arg16: memref<2x2048xi32, #tpu.memory_space<vmem>>, %arg17: memref<2048xf32, #tpu.memory_space<vmem>>, %arg18: memref<2048xf32, #tpu.memory_space<vmem>>, %arg19: memref<2048xf32, #tpu.memory_space<vmem>>, %arg20: memref<2048xf32, #tpu.memory_space<vmem>>, %arg21: memref<2048xi32, #tpu.memory_space<vmem>>, %arg22: memref<2048xi32, #tpu.memory_space<vmem>>, %arg23: memref<2048xi32, #tpu.memory_space<vmem>>, %arg24: memref<2048xi32, #tpu.memory_space<vmem>>, %arg25: memref<!tpu.dma_semaphore, #tpu.memory_space<semaphore_mem>>, %arg26: memref<!tpu.dma_semaphore, #tpu.memory_space<semaphore_mem>>, %arg27: memref<!tpu.dma_semaphore, #tpu.memory_space<semaphore_mem>>, %arg28: memref<!tpu.dma_semaphore, #tpu.memory_space<semaphore_mem>>, %arg29: memref<!tpu.dma_semaphore, #tpu.memory_space<semaphore_mem>>, %arg30: memref<!tpu.dma_semaphore, #tpu.memory_space<semaphore_mem>>, %arg31: memref<6256xf32, #tpu.memory_space<vmem>>, %arg32: memref<100096xf32, #tpu.memory_space<vmem_shared>>) attributes {dimension_semantics = [#tpu.dimension_semantics<core_parallel>, #tpu.dimension_semantics<subcore_parallel>], iteration_bounds = array<i64: 2, 16>, scalar_prefetch = 0 : i64, scratch_operands = 26 : i64, tpu.core_type = #tpu.core_type<sc_vector_subcore>, window_params = [{transform_indices = #map}, {transform_indices = #map1}, {transform_indices = #map}, {transform_indices = #map}, {transform_indices = #map}]} {
    %mul3A = arith.constant 16 : i32
    %mul3A_0 = arith.muli %arg0, %mul3A : i32
    %add3A = arith.addi %mul3A_0, %arg1 : i32
    "tpu.region"() ({
      %run_scoped3A = tpu.sem_alloc : memref<!tpu.dma_semaphore, #tpu.memory_space<semaphore_mem>>
      tpu.enqueue_dma source(%arg4 : memref<25000xi32, #tpu.memory_space<hbm>>) target(%arg7 : memref<25000xi32, #tpu.memory_space<vmem>>) target_semaphore(%run_scoped3A : memref<!tpu.dma_semaphore, #tpu.memory_space<semaphore_mem>>)
      tpu.wait_dma2 semaphore(%run_scoped3A : memref<!tpu.dma_semaphore, #tpu.memory_space<semaphore_mem>>) src(%arg4 : memref<25000xi32, #tpu.memory_space<hbm>>) dst(%arg7 : memref<25000xi32, #tpu.memory_space<vmem>>)
      tpu.yield
    }) : () -> ()
    "tpu.region"() ({
      %run_scoped3A = tpu.sem_alloc : memref<!tpu.dma_semaphore, #tpu.memory_space<semaphore_mem>>
      tpu.enqueue_dma source(%arg5 : memref<256xf32, #tpu.memory_space<hbm>>) target(%arg8 : memref<256xf32, #tpu.memory_space<vmem>>) target_semaphore(%run_scoped3A : memref<!tpu.dma_semaphore, #tpu.memory_space<semaphore_mem>>)
      tpu.wait_dma2 semaphore(%run_scoped3A : memref<!tpu.dma_semaphore, #tpu.memory_space<semaphore_mem>>) src(%arg5 : memref<256xf32, #tpu.memory_space<hbm>>) dst(%arg8 : memref<256xf32, #tpu.memory_space<vmem>>)
      tpu.yield
    }) : () -> ()
    %scan3A = arith.constant 0 : i32
    %scan3A_1 = arith.constant 391 : i32
    %scan3A_2 = arith.addi %scan3A, %scan3A_1 : i32
    %scan3A_3 = arith.constant 1 : i32
    scf.for %scan3A_265 = %scan3A to %scan3A_2 step %scan3A_3  : i32 {
      %broadcast_in_dim3A = arith.constant 0.000000e+00 : f32
      %broadcast_in_dim3A_266 = vector.broadcast %broadcast_in_dim3A : f32 to vector<16xf32>
      %mul3A_267 = arith.constant 16 : i32
      %mul3A_268 = arith.muli %scan3A_265, %mul3A_267 : i32
      %swap3A = arith.index_cast %mul3A_268 : i32 to index
      %swap3A_269 = tpu.vector_load %arg31[%swap3A] {strides = array<i32>} : memref<6256xf32, #tpu.memory_space<vmem>>, vector<16xf32>,
      tpu.vector_store %arg31[%swap3A], %broadcast_in_dim3A_266 {strides = array<i32>} : memref<6256xf32, #tpu.memory_space<vmem>>, vector<16xf32>,
    }
    %scan3A_4 = arith.constant 391 : i32
    %mul3A_5 = arith.constant 6256 : i32
    %mul3A_6 = arith.muli %arg1, %mul3A_5 : i32
    "tpu.region"() ({
      %run_scoped3A = tpu.sem_alloc : memref<!tpu.dma_semaphore, #tpu.memory_space<semaphore_mem>>
      %dma_start3A_265 = tpu.memref_slice %arg32[%mul3A_6] : memref<100096xf32, #tpu.memory_space<vmem_shared>> -> memref<6256xf32, #tpu.memory_space<vmem_shared>>
      %dma_start3A_266 = tpu.memref_slice %arg32[%mul3A_6] : memref<100096xf32, #tpu.memory_space<vmem_shared>> -> memref<6256xf32, #tpu.memory_space<vmem_shared>>
      tpu.enqueue_dma source(%arg31 : memref<6256xf32, #tpu.memory_space<vmem>>) target(%dma_start3A_266 : memref<6256xf32, #tpu.memory_space<vmem_shared>>) target_semaphore(%run_scoped3A : memref<!tpu.dma_semaphore, #tpu.memory_space<semaphore_mem>>)
      %dma_wait3A_267 = tpu.memref_slice %arg32[%mul3A_6] : memref<100096xf32, #tpu.memory_space<vmem_shared>> -> memref<6256xf32, #tpu.memory_space<vmem_shared>>
      %dma_wait3A_268 = tpu.memref_slice %arg32[%mul3A_6] : memref<100096xf32, #tpu.memory_space<vmem_shared>> -> memref<6256xf32, #tpu.memory_space<vmem_shared>>
      tpu.wait_dma2 semaphore(%run_scoped3A : memref<!tpu.dma_semaphore, #tpu.memory_space<semaphore_mem>>) src(%arg31 : memref<6256xf32, #tpu.memory_space<vmem>>) dst(%dma_wait3A_268 : memref<6256xf32, #tpu.memory_space<vmem_shared>>)
      tpu.yield
    }) : () -> ()
    %barrier3A = arith.constant 0 : index
    tpu.barrier barrier_id(%barrier3A)
    %add3A_7 = arith.constant 0 : i32
    %add3A_8 = arith.addi %add3A_7, %add3A : i32
    %mul3A_9 = arith.constant 2048 : i32
    %mul3A_10 = arith.muli %add3A_8, %mul3A_9 : i32
    %dma_start3A = tpu.memref_slice %arg2[%mul3A_10] : memref<6400000xf32, #tpu.memory_space<hbm>> -> memref<2048xf32, #tpu.memory_space<hbm>>
    %dma_start3A_11 = tpu.memref_slice %arg2[%mul3A_10] : memref<6400000xf32, #tpu.memory_space<hbm>> -> memref<2048xf32, #tpu.memory_space<hbm>>
    tpu.enqueue_dma source(%dma_start3A_11 : memref<2048xf32, #tpu.memory_space<hbm>>) target(%arg9 : memref<2048xf32, #tpu.memory_space<vmem>>) target_semaphore(%arg25 : memref<!tpu.dma_semaphore, #tpu.memory_space<semaphore_mem>>)
    %dma_start3A_12 = arith.constant 0 : i32
    %dma_start3A_13 = tpu.memref_slice %arg3[%dma_start3A_12, %mul3A_10] : memref<2x6400000xi32, #tpu.memory_space<hbm>> -> memref<2x2048xi32, #tpu.memory_space<hbm>>
    %dma_start3A_14 = arith.constant 0 : i32
    %dma_start3A_15 = tpu.memref_slice %arg3[%dma_start3A_14, %mul3A_10] : memref<2x6400000xi32, #tpu.memory_space<hbm>> -> memref<2x2048xi32, #tpu.memory_space<hbm>>
    tpu.enqueue_dma source(%dma_start3A_15 : memref<2x2048xi32, #tpu.memory_space<hbm>>) target(%arg13 : memref<2x2048xi32, #tpu.memory_space<vmem>>) target_semaphore(%arg25 : memref<!tpu.dma_semaphore, #tpu.memory_space<semaphore_mem>>)
    %add3A_16 = arith.constant 32 : i32
    %add3A_17 = arith.addi %add3A_16, %add3A : i32
    %mul3A_18 = arith.constant 2048 : i32
    %mul3A_19 = arith.muli %add3A_17, %mul3A_18 : i32
    %dma_start3A_20 = tpu.memref_slice %arg2[%mul3A_19] : memref<6400000xf32, #tpu.memory_space<hbm>> -> memref<2048xf32, #tpu.memory_space<hbm>>
    %dma_start3A_21 = tpu.memref_slice %arg2[%mul3A_19] : memref<6400000xf32, #tpu.memory_space<hbm>> -> memref<2048xf32, #tpu.memory_space<hbm>>
    tpu.enqueue_dma source(%dma_start3A_21 : memref<2048xf32, #tpu.memory_space<hbm>>) target(%arg10 : memref<2048xf32, #tpu.memory_space<vmem>>) target_semaphore(%arg26 : memref<!tpu.dma_semaphore, #tpu.memory_space<semaphore_mem>>)
    %dma_start3A_22 = arith.constant 0 : i32
    %dma_start3A_23 = tpu.memref_slice %arg3[%dma_start3A_22, %mul3A_19] : memref<2x6400000xi32, #tpu.memory_space<hbm>> -> memref<2x2048xi32, #tpu.memory_space<hbm>>
    %dma_start3A_24 = arith.constant 0 : i32
    %dma_start3A_25 = tpu.memref_slice %arg3[%dma_start3A_24, %mul3A_19] : memref<2x6400000xi32, #tpu.memory_space<hbm>> -> memref<2x2048xi32, #tpu.memory_space<hbm>>
    tpu.enqueue_dma source(%dma_start3A_25 : memref<2x2048xi32, #tpu.memory_space<hbm>>) target(%arg14 : memref<2x2048xi32, #tpu.memory_space<vmem>>) target_semaphore(%arg26 : memref<!tpu.dma_semaphore, #tpu.memory_space<semaphore_mem>>)
    %add3A_26 = arith.constant 0 : i32
    %add3A_27 = arith.addi %add3A_26, %add3A : i32
    %mul3A_28 = arith.constant 2048 : i32
    %mul3A_29 = arith.muli %add3A_27, %mul3A_28 : i32
    %dma_wait3A = tpu.memref_slice %arg2[%mul3A_29] : memref<6400000xf32, #tpu.memory_space<hbm>> -> memref<2048xf32, #tpu.memory_space<hbm>>
    %dma_wait3A_30 = tpu.memref_slice %arg2[%mul3A_29] : memref<6400000xf32, #tpu.memory_space<hbm>> -> memref<2048xf32, #tpu.memory_space<hbm>>
    tpu.wait_dma2 semaphore(%arg25 : memref<!tpu.dma_semaphore, #tpu.memory_space<semaphore_mem>>) src(%dma_wait3A_30 : memref<2048xf32, #tpu.memory_space<hbm>>) dst(%arg9 : memref<2048xf32, #tpu.memory_space<vmem>>)
    %dma_wait3A_31 = arith.constant 0 : i32
    %dma_wait3A_32 = tpu.memref_slice %arg3[%dma_wait3A_31, %mul3A_29] : memref<2x6400000xi32, #tpu.memory_space<hbm>> -> memref<2x2048xi32, #tpu.memory_space<hbm>>
    %dma_wait3A_33 = arith.constant 0 : i32
    %dma_wait3A_34 = tpu.memref_slice %arg3[%dma_wait3A_33, %mul3A_29] : memref<2x6400000xi32, #tpu.memory_space<hbm>> -> memref<2x2048xi32, #tpu.memory_space<hbm>>
    tpu.wait_dma2 semaphore(%arg25 : memref<!tpu.dma_semaphore, #tpu.memory_space<semaphore_mem>>) src(%dma_wait3A_34 : memref<2x2048xi32, #tpu.memory_space<hbm>>) dst(%arg13 : memref<2x2048xi32, #tpu.memory_space<vmem>>)
    %add3A_35 = arith.constant 64 : i32
    %add3A_36 = arith.addi %add3A_35, %add3A : i32
    %mul3A_37 = arith.constant 2048 : i32
    %mul3A_38 = arith.muli %add3A_36, %mul3A_37 : i32
    %dma_start3A_39 = tpu.memref_slice %arg2[%mul3A_38] : memref<6400000xf32, #tpu.memory_space<hbm>> -> memref<2048xf32, #tpu.memory_space<hbm>>
    %dma_start3A_40 = tpu.memref_slice %arg2[%mul3A_38] : memref<6400000xf32, #tpu.memory_space<hbm>> -> memref<2048xf32, #tpu.memory_space<hbm>>
    tpu.enqueue_dma source(%dma_start3A_40 : memref<2048xf32, #tpu.memory_space<hbm>>) target(%arg11 : memref<2048xf32, #tpu.memory_space<vmem>>) target_semaphore(%arg27 : memref<!tpu.dma_semaphore, #tpu.memory_space<semaphore_mem>>)
    %dma_start3A_41 = arith.constant 0 : i32
    %dma_start3A_42 = tpu.memref_slice %arg3[%dma_start3A_41, %mul3A_38] : memref<2x6400000xi32, #tpu.memory_space<hbm>> -> memref<2x2048xi32, #tpu.memory_space<hbm>>
    %dma_start3A_43 = arith.constant 0 : i32
    %dma_start3A_44 = tpu.memref_slice %arg3[%dma_start3A_43, %mul3A_38] : memref<2x6400000xi32, #tpu.memory_space<hbm>> -> memref<2x2048xi32, #tpu.memory_space<hbm>>
    tpu.enqueue_dma source(%dma_start3A_44 : memref<2x2048xi32, #tpu.memory_space<hbm>>) target(%arg15 : memref<2x2048xi32, #tpu.memory_space<vmem>>) target_semaphore(%arg27 : memref<!tpu.dma_semaphore, #tpu.memory_space<semaphore_mem>>)
    %parallel_loop3A = arith.constant 0 : i32
    %parallel_loop3A_45 = arith.constant 2048 : i32
    %parallel_loop3A_46 = arith.constant 16 : i32
    scf.for %parallel_loop3A_265 = %parallel_loop3A to %parallel_loop3A_45 step %parallel_loop3A_46  : i32 {
      %parallel_loop3A_266 = arith.constant 0 : i32
      %parallel_loop3A_267 = arith.index_cast %parallel_loop3A_266 : i32 to index
      %parallel_loop3A_268 = arith.index_cast %parallel_loop3A_265 : i32 to index
      %parallel_loop3A_269 = tpu.vector_load %arg13[%parallel_loop3A_267, %parallel_loop3A_268] {strides = array<i32>} : memref<2x2048xi32, #tpu.memory_space<vmem>>, vector<16xi32>,
      %parallel_loop3A_270 = arith.constant 1 : i32
      %parallel_loop3A_271 = arith.index_cast %parallel_loop3A_270 : i32 to index
      %parallel_loop3A_272 = arith.index_cast %parallel_loop3A_265 : i32 to index
      %parallel_loop3A_273 = tpu.vector_load %arg13[%parallel_loop3A_271, %parallel_loop3A_272] {strides = array<i32>} : memref<2x2048xi32, #tpu.memory_space<vmem>>, vector<16xi32>,
      %parallel_loop3A_274 = arith.index_cast %parallel_loop3A_265 : i32 to index
      %parallel_loop3A_275 = tpu.vector_load %arg21[%parallel_loop3A_274] {strides = array<i32>} : memref<2048xi32, #tpu.memory_space<vmem>>, vector<16xi32>,
      tpu.vector_store %arg21[%parallel_loop3A_274], %parallel_loop3A_269 {strides = array<i32>} : memref<2048xi32, #tpu.memory_space<vmem>>, vector<16xi32>,
      %parallel_loop3A_276 = arith.constant 2 : i32
      %parallel_loop3A_277 = vector.broadcast %parallel_loop3A_276 : i32 to vector<16xi32>
      %parallel_loop3A_278 = arith.shrsi %parallel_loop3A_269, %parallel_loop3A_277 : vector<16xi32>
      %parallel_loop3A_279 = tpu.vector_load_idx %arg7[%parallel_loop3A_278] : memref<25000xi32, #tpu.memory_space<vmem>>[vector<16xi32>], vector<16xi32>,
      %parallel_loop3A_280 = arith.constant 2 : i32
      %parallel_loop3A_281 = vector.broadcast %parallel_loop3A_280 : i32 to vector<16xi32>
      %parallel_loop3A_282 = arith.shrsi %parallel_loop3A_273, %parallel_loop3A_281 : vector<16xi32>
      %parallel_loop3A_283 = tpu.vector_load_idx %arg7[%parallel_loop3A_282] : memref<25000xi32, #tpu.memory_space<vmem>>[vector<16xi32>], vector<16xi32>,
      %parallel_loop3A_284 = arith.constant 3 : i32
      %parallel_loop3A_285 = vector.broadcast %parallel_loop3A_284 : i32 to vector<16xi32>
      %parallel_loop3A_286 = arith.andi %parallel_loop3A_269, %parallel_loop3A_285 : vector<16xi32>
      %parallel_loop3A_287 = arith.constant 3 : i32
      %parallel_loop3A_288 = vector.broadcast %parallel_loop3A_287 : i32 to vector<16xi32>
      %parallel_loop3A_289 = arith.shli %parallel_loop3A_286, %parallel_loop3A_288 : vector<16xi32>
      %parallel_loop3A_290 = arith.shrsi %parallel_loop3A_279, %parallel_loop3A_289 : vector<16xi32>
      %parallel_loop3A_291 = arith.constant 255 : i32
      %parallel_loop3A_292 = vector.broadcast %parallel_loop3A_291 : i32 to vector<16xi32>
      %parallel_loop3A_293 = arith.andi %parallel_loop3A_290, %parallel_loop3A_292 : vector<16xi32>
      %parallel_loop3A_294 = arith.constant 3 : i32
      %parallel_loop3A_295 = vector.broadcast %parallel_loop3A_294 : i32 to vector<16xi32>
      %parallel_loop3A_296 = arith.andi %parallel_loop3A_273, %parallel_loop3A_295 : vector<16xi32>
      %parallel_loop3A_297 = arith.constant 3 : i32
      %parallel_loop3A_298 = vector.broadcast %parallel_loop3A_297 : i32 to vector<16xi32>
      %parallel_loop3A_299 = arith.shli %parallel_loop3A_296, %parallel_loop3A_298 : vector<16xi32>
      %parallel_loop3A_300 = arith.shrsi %parallel_loop3A_283, %parallel_loop3A_299 : vector<16xi32>
      %parallel_loop3A_301 = arith.constant 255 : i32
      %parallel_loop3A_302 = vector.broadcast %parallel_loop3A_301 : i32 to vector<16xi32>
      %parallel_loop3A_303 = arith.andi %parallel_loop3A_300, %parallel_loop3A_302 : vector<16xi32>
      %parallel_loop3A_304 = arith.constant 4 : i32
      %parallel_loop3A_305 = vector.broadcast %parallel_loop3A_304 : i32 to vector<16xi32>
      %parallel_loop3A_306 = arith.shli %parallel_loop3A_293, %parallel_loop3A_305 : vector<16xi32>
      %parallel_loop3A_307 = arith.addi %parallel_loop3A_306, %parallel_loop3A_303 : vector<16xi32>
      %parallel_loop3A_308 = arith.index_cast %parallel_loop3A_265 : i32 to index
      %parallel_loop3A_309 = tpu.vector_load %arg9[%parallel_loop3A_308] {strides = array<i32>} : memref<2048xf32, #tpu.memory_space<vmem>>, vector<16xf32>,
      %parallel_loop3A_310 = tpu.vector_load_idx %arg8[%parallel_loop3A_307] : memref<256xf32, #tpu.memory_space<vmem>>[vector<16xi32>], vector<16xf32>,
      %parallel_loop3A_311 = arith.mulf %parallel_loop3A_309, %parallel_loop3A_310 : vector<16xf32>
      %parallel_loop3A_312 = arith.index_cast %parallel_loop3A_265 : i32 to index
      %parallel_loop3A_313 = tpu.vector_load %arg17[%parallel_loop3A_312] {strides = array<i32>} : memref<2048xf32, #tpu.memory_space<vmem>>, vector<16xf32>,
      tpu.vector_store %arg17[%parallel_loop3A_312], %parallel_loop3A_311 {strides = array<i32>} : memref<2048xf32, #tpu.memory_space<vmem>>, vector<16xf32>,
    } {sc.loop_unroll_factor = 4 : i64, sc.parallel_access}
    %dma_start3A_47 = arith.constant 0 : i32
    %dma_start3A_48 = tpu.memref_slice %arg32[%dma_start3A_47] : memref<100096xf32, #tpu.memory_space<vmem_shared>> -> memref<100096xf32, #tpu.memory_space<vmem_shared>>
    tpu.enqueue_indirect_dma source(%arg17 : memref<2048xf32, #tpu.memory_space<vmem>>) target(%dma_start3A_48 : memref<100096xf32, #tpu.memory_space<vmem_shared>>) offsets(%arg21 : memref<2048xi32, #tpu.memory_space<vmem>>) semaphore(%arg29 : memref<!tpu.dma_semaphore, #tpu.memory_space<semaphore_mem>>) {add = true}
    %add3A_49 = arith.constant 32 : i32
    %add3A_50 = arith.addi %add3A_49, %add3A : i32
    %mul3A_51 = arith.constant 2048 : i32
    %mul3A_52 = arith.muli %add3A_50, %mul3A_51 : i32
    %dma_wait3A_53 = tpu.memref_slice %arg2[%mul3A_52] : memref<6400000xf32, #tpu.memory_space<hbm>> -> memref<2048xf32, #tpu.memory_space<hbm>>
    %dma_wait3A_54 = tpu.memref_slice %arg2[%mul3A_52] : memref<6400000xf32, #tpu.memory_space<hbm>> -> memref<2048xf32, #tpu.memory_space<hbm>>
    tpu.wait_dma2 semaphore(%arg26 : memref<!tpu.dma_semaphore, #tpu.memory_space<semaphore_mem>>) src(%dma_wait3A_54 : memref<2048xf32, #tpu.memory_space<hbm>>) dst(%arg10 : memref<2048xf32, #tpu.memory_space<vmem>>)
    %dma_wait3A_55 = arith.constant 0 : i32
    %dma_wait3A_56 = tpu.memref_slice %arg3[%dma_wait3A_55, %mul3A_52] : memref<2x6400000xi32, #tpu.memory_space<hbm>> -> memref<2x2048xi32, #tpu.memory_space<hbm>>
    %dma_wait3A_57 = arith.constant 0 : i32
    %dma_wait3A_58 = tpu.memref_slice %arg3[%dma_wait3A_57, %mul3A_52] : memref<2x6400000xi32, #tpu.memory_space<hbm>> -> memref<2x2048xi32, #tpu.memory_space<hbm>>
    tpu.wait_dma2 semaphore(%arg26 : memref<!tpu.dma_semaphore, #tpu.memory_space<semaphore_mem>>) src(%dma_wait3A_58 : memref<2x2048xi32, #tpu.memory_space<hbm>>) dst(%arg14 : memref<2x2048xi32, #tpu.memory_space<vmem>>)
    %add3A_59 = arith.constant 96 : i32
    %add3A_60 = arith.addi %add3A_59, %add3A : i32
    %mul3A_61 = arith.constant 2048 : i32
    %mul3A_62 = arith.muli %add3A_60, %mul3A_61 : i32
    %dma_start3A_63 = tpu.memref_slice %arg2[%mul3A_62] : memref<6400000xf32, #tpu.memory_space<hbm>> -> memref<2048xf32, #tpu.memory_space<hbm>>
    %dma_start3A_64 = tpu.memref_slice %arg2[%mul3A_62] : memref<6400000xf32, #tpu.memory_space<hbm>> -> memref<2048xf32, #tpu.memory_space<hbm>>
    tpu.enqueue_dma source(%dma_start3A_64 : memref<2048xf32, #tpu.memory_space<hbm>>) target(%arg12 : memref<2048xf32, #tpu.memory_space<vmem>>) target_semaphore(%arg28 : memref<!tpu.dma_semaphore, #tpu.memory_space<semaphore_mem>>)
    %dma_start3A_65 = arith.constant 0 : i32
    %dma_start3A_66 = tpu.memref_slice %arg3[%dma_start3A_65, %mul3A_62] : memref<2x6400000xi32, #tpu.memory_space<hbm>> -> memref<2x2048xi32, #tpu.memory_space<hbm>>
    %dma_start3A_67 = arith.constant 0 : i32
    %dma_start3A_68 = tpu.memref_slice %arg3[%dma_start3A_67, %mul3A_62] : memref<2x6400000xi32, #tpu.memory_space<hbm>> -> memref<2x2048xi32, #tpu.memory_space<hbm>>
    tpu.enqueue_dma source(%dma_start3A_68 : memref<2x2048xi32, #tpu.memory_space<hbm>>) target(%arg16 : memref<2x2048xi32, #tpu.memory_space<vmem>>) target_semaphore(%arg28 : memref<!tpu.dma_semaphore, #tpu.memory_space<semaphore_mem>>)
    %parallel_loop3A_69 = arith.constant 0 : i32
    %parallel_loop3A_70 = arith.constant 2048 : i32
    %parallel_loop3A_71 = arith.constant 16 : i32
    scf.for %parallel_loop3A_265 = %parallel_loop3A_69 to %parallel_loop3A_70 step %parallel_loop3A_71  : i32 {
      %parallel_loop3A_266 = arith.constant 0 : i32
      %parallel_loop3A_267 = arith.index_cast %parallel_loop3A_266 : i32 to index
      %parallel_loop3A_268 = arith.index_cast %parallel_loop3A_265 : i32 to index
      %parallel_loop3A_269 = tpu.vector_load %arg14[%parallel_loop3A_267, %parallel_loop3A_268] {strides = array<i32>} : memref<2x2048xi32, #tpu.memory_space<vmem>>, vector<16xi32>,
      %parallel_loop3A_270 = arith.constant 1 : i32
      %parallel_loop3A_271 = arith.index_cast %parallel_loop3A_270 : i32 to index
      %parallel_loop3A_272 = arith.index_cast %parallel_loop3A_265 : i32 to index
      %parallel_loop3A_273 = tpu.vector_load %arg14[%parallel_loop3A_271, %parallel_loop3A_272] {strides = array<i32>} : memref<2x2048xi32, #tpu.memory_space<vmem>>, vector<16xi32>,
      %parallel_loop3A_274 = arith.index_cast %parallel_loop3A_265 : i32 to index
      %parallel_loop3A_275 = tpu.vector_load %arg22[%parallel_loop3A_274] {strides = array<i32>} : memref<2048xi32, #tpu.memory_space<vmem>>, vector<16xi32>,
      tpu.vector_store %arg22[%parallel_loop3A_274], %parallel_loop3A_269 {strides = array<i32>} : memref<2048xi32, #tpu.memory_space<vmem>>, vector<16xi32>,
      %parallel_loop3A_276 = arith.constant 2 : i32
      %parallel_loop3A_277 = vector.broadcast %parallel_loop3A_276 : i32 to vector<16xi32>
      %parallel_loop3A_278 = arith.shrsi %parallel_loop3A_269, %parallel_loop3A_277 : vector<16xi32>
      %parallel_loop3A_279 = tpu.vector_load_idx %arg7[%parallel_loop3A_278] : memref<25000xi32, #tpu.memory_space<vmem>>[vector<16xi32>], vector<16xi32>,
      %parallel_loop3A_280 = arith.constant 2 : i32
      %parallel_loop3A_281 = vector.broadcast %parallel_loop3A_280 : i32 to vector<16xi32>
      %parallel_loop3A_282 = arith.shrsi %parallel_loop3A_273, %parallel_loop3A_281 : vector<16xi32>
      %parallel_loop3A_283 = tpu.vector_load_idx %arg7[%parallel_loop3A_282] : memref<25000xi32, #tpu.memory_space<vmem>>[vector<16xi32>], vector<16xi32>,
      %parallel_loop3A_284 = arith.constant 3 : i32
      %parallel_loop3A_285 = vector.broadcast %parallel_loop3A_284 : i32 to vector<16xi32>
      %parallel_loop3A_286 = arith.andi %parallel_loop3A_269, %parallel_loop3A_285 : vector<16xi32>
      %parallel_loop3A_287 = arith.constant 3 : i32
      %parallel_loop3A_288 = vector.broadcast %parallel_loop3A_287 : i32 to vector<16xi32>
      %parallel_loop3A_289 = arith.shli %parallel_loop3A_286, %parallel_loop3A_288 : vector<16xi32>
      %parallel_loop3A_290 = arith.shrsi %parallel_loop3A_279, %parallel_loop3A_289 : vector<16xi32>
      %parallel_loop3A_291 = arith.constant 255 : i32
      %parallel_loop3A_292 = vector.broadcast %parallel_loop3A_291 : i32 to vector<16xi32>
      %parallel_loop3A_293 = arith.andi %parallel_loop3A_290, %parallel_loop3A_292 : vector<16xi32>
      %parallel_loop3A_294 = arith.constant 3 : i32
      %parallel_loop3A_295 = vector.broadcast %parallel_loop3A_294 : i32 to vector<16xi32>
      %parallel_loop3A_296 = arith.andi %parallel_loop3A_273, %parallel_loop3A_295 : vector<16xi32>
      %parallel_loop3A_297 = arith.constant 3 : i32
      %parallel_loop3A_298 = vector.broadcast %parallel_loop3A_297 : i32 to vector<16xi32>
      %parallel_loop3A_299 = arith.shli %parallel_loop3A_296, %parallel_loop3A_298 : vector<16xi32>
      %parallel_loop3A_300 = arith.shrsi %parallel_loop3A_283, %parallel_loop3A_299 : vector<16xi32>
      %parallel_loop3A_301 = arith.constant 255 : i32
      %parallel_loop3A_302 = vector.broadcast %parallel_loop3A_301 : i32 to vector<16xi32>
      %parallel_loop3A_303 = arith.andi %parallel_loop3A_300, %parallel_loop3A_302 : vector<16xi32>
      %parallel_loop3A_304 = arith.constant 4 : i32
      %parallel_loop3A_305 = vector.broadcast %parallel_loop3A_304 : i32 to vector<16xi32>
      %parallel_loop3A_306 = arith.shli %parallel_loop3A_293, %parallel_loop3A_305 : vector<16xi32>
      %parallel_loop3A_307 = arith.addi %parallel_loop3A_306, %parallel_loop3A_303 : vector<16xi32>
      %parallel_loop3A_308 = arith.index_cast %parallel_loop3A_265 : i32 to index
      %parallel_loop3A_309 = tpu.vector_load %arg10[%parallel_loop3A_308] {strides = array<i32>} : memref<2048xf32, #tpu.memory_space<vmem>>, vector<16xf32>,
      %parallel_loop3A_310 = tpu.vector_load_idx %arg8[%parallel_loop3A_307] : memref<256xf32, #tpu.memory_space<vmem>>[vector<16xi32>], vector<16xf32>,
      %parallel_loop3A_311 = arith.mulf %parallel_loop3A_309, %parallel_loop3A_310 : vector<16xf32>
      %parallel_loop3A_312 = arith.index_cast %parallel_loop3A_265 : i32 to index
      %parallel_loop3A_313 = tpu.vector_load %arg18[%parallel_loop3A_312] {strides = array<i32>} : memref<2048xf32, #tpu.memory_space<vmem>>, vector<16xf32>,
      tpu.vector_store %arg18[%parallel_loop3A_312], %parallel_loop3A_311 {strides = array<i32>} : memref<2048xf32, #tpu.memory_space<vmem>>, vector<16xf32>,
    } {sc.loop_unroll_factor = 4 : i64, sc.parallel_access}
    %dma_start3A_72 = arith.constant 0 : i32
    %dma_start3A_73 = tpu.memref_slice %arg32[%dma_start3A_72] : memref<100096xf32, #tpu.memory_space<vmem_shared>> -> memref<100096xf32, #tpu.memory_space<vmem_shared>>
    tpu.enqueue_indirect_dma source(%arg18 : memref<2048xf32, #tpu.memory_space<vmem>>) target(%dma_start3A_73 : memref<100096xf32, #tpu.memory_space<vmem_shared>>) offsets(%arg22 : memref<2048xi32, #tpu.memory_space<vmem>>) semaphore(%arg30 : memref<!tpu.dma_semaphore, #tpu.memory_space<semaphore_mem>>) {add = true}
    %add3A_74 = arith.constant 64 : i32
    %add3A_75 = arith.addi %add3A_74, %add3A : i32
    %mul3A_76 = arith.constant 2048 : i32
    %mul3A_77 = arith.muli %add3A_75, %mul3A_76 : i32
    %dma_wait3A_78 = tpu.memref_slice %arg2[%mul3A_77] : memref<6400000xf32, #tpu.memory_space<hbm>> -> memref<2048xf32, #tpu.memory_space<hbm>>
    %dma_wait3A_79 = tpu.memref_slice %arg2[%mul3A_77] : memref<6400000xf32, #tpu.memory_space<hbm>> -> memref<2048xf32, #tpu.memory_space<hbm>>
    tpu.wait_dma2 semaphore(%arg27 : memref<!tpu.dma_semaphore, #tpu.memory_space<semaphore_mem>>) src(%dma_wait3A_79 : memref<2048xf32, #tpu.memory_space<hbm>>) dst(%arg11 : memref<2048xf32, #tpu.memory_space<vmem>>)
    %dma_wait3A_80 = arith.constant 0 : i32
    %dma_wait3A_81 = tpu.memref_slice %arg3[%dma_wait3A_80, %mul3A_77] : memref<2x6400000xi32, #tpu.memory_space<hbm>> -> memref<2x2048xi32, #tpu.memory_space<hbm>>
    %dma_wait3A_82 = arith.constant 0 : i32
    %dma_wait3A_83 = tpu.memref_slice %arg3[%dma_wait3A_82, %mul3A_77] : memref<2x6400000xi32, #tpu.memory_space<hbm>> -> memref<2x2048xi32, #tpu.memory_space<hbm>>
    tpu.wait_dma2 semaphore(%arg27 : memref<!tpu.dma_semaphore, #tpu.memory_space<semaphore_mem>>) src(%dma_wait3A_83 : memref<2x2048xi32, #tpu.memory_space<hbm>>) dst(%arg15 : memref<2x2048xi32, #tpu.memory_space<vmem>>)
    %dma_wait3A_84 = arith.constant 0 : i32
    %dma_wait3A_85 = tpu.memref_slice %arg32[%dma_wait3A_84] : memref<100096xf32, #tpu.memory_space<vmem_shared>> -> memref<100096xf32, #tpu.memory_space<vmem_shared>>
    tpu.wait_indirect_dma semaphore(%arg29 : memref<!tpu.dma_semaphore, #tpu.memory_space<semaphore_mem>>) src(%arg17 : memref<2048xf32, #tpu.memory_space<vmem>>) dst(%dma_wait3A_85 : memref<100096xf32, #tpu.memory_space<vmem_shared>>)
    %add3A_86 = arith.constant 128 : i32
    %add3A_87 = arith.addi %add3A_86, %add3A : i32
    %mul3A_88 = arith.constant 2048 : i32
    %mul3A_89 = arith.muli %add3A_87, %mul3A_88 : i32
    %dma_start3A_90 = tpu.memref_slice %arg2[%mul3A_89] : memref<6400000xf32, #tpu.memory_space<hbm>> -> memref<2048xf32, #tpu.memory_space<hbm>>
    %dma_start3A_91 = tpu.memref_slice %arg2[%mul3A_89] : memref<6400000xf32, #tpu.memory_space<hbm>> -> memref<2048xf32, #tpu.memory_space<hbm>>
    tpu.enqueue_dma source(%dma_start3A_91 : memref<2048xf32, #tpu.memory_space<hbm>>) target(%arg9 : memref<2048xf32, #tpu.memory_space<vmem>>) target_semaphore(%arg25 : memref<!tpu.dma_semaphore, #tpu.memory_space<semaphore_mem>>)
    %dma_start3A_92 = arith.constant 0 : i32
    %dma_start3A_93 = tpu.memref_slice %arg3[%dma_start3A_92, %mul3A_89] : memref<2x6400000xi32, #tpu.memory_space<hbm>> -> memref<2x2048xi32, #tpu.memory_space<hbm>>
    %dma_start3A_94 = arith.constant 0 : i32
    %dma_start3A_95 = tpu.memref_slice %arg3[%dma_start3A_94, %mul3A_89] : memref<2x6400000xi32, #tpu.memory_space<hbm>> -> memref<2x2048xi32, #tpu.memory_space<hbm>>
    tpu.enqueue_dma source(%dma_start3A_95 : memref<2x2048xi32, #tpu.memory_space<hbm>>) target(%arg13 : memref<2x2048xi32, #tpu.memory_space<vmem>>) target_semaphore(%arg25 : memref<!tpu.dma_semaphore, #tpu.memory_space<semaphore_mem>>)
    %parallel_loop3A_96 = arith.constant 0 : i32
    %parallel_loop3A_97 = arith.constant 2048 : i32
    %parallel_loop3A_98 = arith.constant 16 : i32
    scf.for %parallel_loop3A_265 = %parallel_loop3A_96 to %parallel_loop3A_97 step %parallel_loop3A_98  : i32 {
      %parallel_loop3A_266 = arith.constant 0 : i32
      %parallel_loop3A_267 = arith.index_cast %parallel_loop3A_266 : i32 to index
      %parallel_loop3A_268 = arith.index_cast %parallel_loop3A_265 : i32 to index
      %parallel_loop3A_269 = tpu.vector_load %arg15[%parallel_loop3A_267, %parallel_loop3A_268] {strides = array<i32>} : memref<2x2048xi32, #tpu.memory_space<vmem>>, vector<16xi32>,
      %parallel_loop3A_270 = arith.constant 1 : i32
      %parallel_loop3A_271 = arith.index_cast %parallel_loop3A_270 : i32 to index
      %parallel_loop3A_272 = arith.index_cast %parallel_loop3A_265 : i32 to index
      %parallel_loop3A_273 = tpu.vector_load %arg15[%parallel_loop3A_271, %parallel_loop3A_272] {strides = array<i32>} : memref<2x2048xi32, #tpu.memory_space<vmem>>, vector<16xi32>,
      %parallel_loop3A_274 = arith.index_cast %parallel_loop3A_265 : i32 to index
      %parallel_loop3A_275 = tpu.vector_load %arg23[%parallel_loop3A_274] {strides = array<i32>} : memref<2048xi32, #tpu.memory_space<vmem>>, vector<16xi32>,
      tpu.vector_store %arg23[%parallel_loop3A_274], %parallel_loop3A_269 {strides = array<i32>} : memref<2048xi32, #tpu.memory_space<vmem>>, vector<16xi32>,
      %parallel_loop3A_276 = arith.constant 2 : i32
      %parallel_loop3A_277 = vector.broadcast %parallel_loop3A_276 : i32 to vector<16xi32>
      %parallel_loop3A_278 = arith.shrsi %parallel_loop3A_269, %parallel_loop3A_277 : vector<16xi32>
      %parallel_loop3A_279 = tpu.vector_load_idx %arg7[%parallel_loop3A_278] : memref<25000xi32, #tpu.memory_space<vmem>>[vector<16xi32>], vector<16xi32>,
      %parallel_loop3A_280 = arith.constant 2 : i32
      %parallel_loop3A_281 = vector.broadcast %parallel_loop3A_280 : i32 to vector<16xi32>
      %parallel_loop3A_282 = arith.shrsi %parallel_loop3A_273, %parallel_loop3A_281 : vector<16xi32>
      %parallel_loop3A_283 = tpu.vector_load_idx %arg7[%parallel_loop3A_282] : memref<25000xi32, #tpu.memory_space<vmem>>[vector<16xi32>], vector<16xi32>,
      %parallel_loop3A_284 = arith.constant 3 : i32
      %parallel_loop3A_285 = vector.broadcast %parallel_loop3A_284 : i32 to vector<16xi32>
      %parallel_loop3A_286 = arith.andi %parallel_loop3A_269, %parallel_loop3A_285 : vector<16xi32>
      %parallel_loop3A_287 = arith.constant 3 : i32
      %parallel_loop3A_288 = vector.broadcast %parallel_loop3A_287 : i32 to vector<16xi32>
      %parallel_loop3A_289 = arith.shli %parallel_loop3A_286, %parallel_loop3A_288 : vector<16xi32>
      %parallel_loop3A_290 = arith.shrsi %parallel_loop3A_279, %parallel_loop3A_289 : vector<16xi32>
      %parallel_loop3A_291 = arith.constant 255 : i32
      %parallel_loop3A_292 = vector.broadcast %parallel_loop3A_291 : i32 to vector<16xi32>
      %parallel_loop3A_293 = arith.andi %parallel_loop3A_290, %parallel_loop3A_292 : vector<16xi32>
      %parallel_loop3A_294 = arith.constant 3 : i32
      %parallel_loop3A_295 = vector.broadcast %parallel_loop3A_294 : i32 to vector<16xi32>
      %parallel_loop3A_296 = arith.andi %parallel_loop3A_273, %parallel_loop3A_295 : vector<16xi32>
      %parallel_loop3A_297 = arith.constant 3 : i32
      %parallel_loop3A_298 = vector.broadcast %parallel_loop3A_297 : i32 to vector<16xi32>
      %parallel_loop3A_299 = arith.shli %parallel_loop3A_296, %parallel_loop3A_298 : vector<16xi32>
      %parallel_loop3A_300 = arith.shrsi %parallel_loop3A_283, %parallel_loop3A_299 : vector<16xi32>
      %parallel_loop3A_301 = arith.constant 255 : i32
      %parallel_loop3A_302 = vector.broadcast %parallel_loop3A_301 : i32 to vector<16xi32>
      %parallel_loop3A_303 = arith.andi %parallel_loop3A_300, %parallel_loop3A_302 : vector<16xi32>
      %parallel_loop3A_304 = arith.constant 4 : i32
      %parallel_loop3A_305 = vector.broadcast %parallel_loop3A_304 : i32 to vector<16xi32>
      %parallel_loop3A_306 = arith.shli %parallel_loop3A_293, %parallel_loop3A_305 : vector<16xi32>
      %parallel_loop3A_307 = arith.addi %parallel_loop3A_306, %parallel_loop3A_303 : vector<16xi32>
      %parallel_loop3A_308 = arith.index_cast %parallel_loop3A_265 : i32 to index
      %parallel_loop3A_309 = tpu.vector_load %arg11[%parallel_loop3A_308] {strides = array<i32>} : memref<2048xf32, #tpu.memory_space<vmem>>, vector<16xf32>,
      %parallel_loop3A_310 = tpu.vector_load_idx %arg8[%parallel_loop3A_307] : memref<256xf32, #tpu.memory_space<vmem>>[vector<16xi32>], vector<16xf32>,
      %parallel_loop3A_311 = arith.mulf %parallel_loop3A_309, %parallel_loop3A_310 : vector<16xf32>
      %parallel_loop3A_312 = arith.index_cast %parallel_loop3A_265 : i32 to index
      %parallel_loop3A_313 = tpu.vector_load %arg19[%parallel_loop3A_312] {strides = array<i32>} : memref<2048xf32, #tpu.memory_space<vmem>>, vector<16xf32>,
      tpu.vector_store %arg19[%parallel_loop3A_312], %parallel_loop3A_311 {strides = array<i32>} : memref<2048xf32, #tpu.memory_space<vmem>>, vector<16xf32>,
    } {sc.loop_unroll_factor = 4 : i64, sc.parallel_access}
    %dma_start3A_99 = arith.constant 0 : i32
    %dma_start3A_100 = tpu.memref_slice %arg32[%dma_start3A_99] : memref<100096xf32, #tpu.memory_space<vmem_shared>> -> memref<100096xf32, #tpu.memory_space<vmem_shared>>
    tpu.enqueue_indirect_dma source(%arg19 : memref<2048xf32, #tpu.memory_space<vmem>>) target(%dma_start3A_100 : memref<100096xf32, #tpu.memory_space<vmem_shared>>) offsets(%arg23 : memref<2048xi32, #tpu.memory_space<vmem>>) semaphore(%arg29 : memref<!tpu.dma_semaphore, #tpu.memory_space<semaphore_mem>>) {add = true}
    %add3A_101 = arith.constant 96 : i32
    %add3A_102 = arith.addi %add3A_101, %add3A : i32
    %mul3A_103 = arith.constant 2048 : i32
    %mul3A_104 = arith.muli %add3A_102, %mul3A_103 : i32
    %dma_wait3A_105 = tpu.memref_slice %arg2[%mul3A_104] : memref<6400000xf32, #tpu.memory_space<hbm>> -> memref<2048xf32, #tpu.memory_space<hbm>>
    %dma_wait3A_106 = tpu.memref_slice %arg2[%mul3A_104] : memref<6400000xf32, #tpu.memory_space<hbm>> -> memref<2048xf32, #tpu.memory_space<hbm>>
    tpu.wait_dma2 semaphore(%arg28 : memref<!tpu.dma_semaphore, #tpu.memory_space<semaphore_mem>>) src(%dma_wait3A_106 : memref<2048xf32, #tpu.memory_space<hbm>>) dst(%arg12 : memref<2048xf32, #tpu.memory_space<vmem>>)
    %dma_wait3A_107 = arith.constant 0 : i32
    %dma_wait3A_108 = tpu.memref_slice %arg3[%dma_wait3A_107, %mul3A_104] : memref<2x6400000xi32, #tpu.memory_space<hbm>> -> memref<2x2048xi32, #tpu.memory_space<hbm>>
    %dma_wait3A_109 = arith.constant 0 : i32
    %dma_wait3A_110 = tpu.memref_slice %arg3[%dma_wait3A_109, %mul3A_104] : memref<2x6400000xi32, #tpu.memory_space<hbm>> -> memref<2x2048xi32, #tpu.memory_space<hbm>>
    tpu.wait_dma2 semaphore(%arg28 : memref<!tpu.dma_semaphore, #tpu.memory_space<semaphore_mem>>) src(%dma_wait3A_110 : memref<2x2048xi32, #tpu.memory_space<hbm>>) dst(%arg16 : memref<2x2048xi32, #tpu.memory_space<vmem>>)
    %dma_wait3A_111 = arith.constant 0 : i32
    %dma_wait3A_112 = tpu.memref_slice %arg32[%dma_wait3A_111] : memref<100096xf32, #tpu.memory_space<vmem_shared>> -> memref<100096xf32, #tpu.memory_space<vmem_shared>>
    tpu.wait_indirect_dma semaphore(%arg30 : memref<!tpu.dma_semaphore, #tpu.memory_space<semaphore_mem>>) src(%arg18 : memref<2048xf32, #tpu.memory_space<vmem>>) dst(%dma_wait3A_112 : memref<100096xf32, #tpu.memory_space<vmem_shared>>)
    %add3A_113 = arith.constant 160 : i32
    %add3A_114 = arith.addi %add3A_113, %add3A : i32
    %mul3A_115 = arith.constant 2048 : i32
    %mul3A_116 = arith.muli %add3A_114, %mul3A_115 : i32
    %dma_start3A_117 = tpu.memref_slice %arg2[%mul3A_116] : memref<6400000xf32, #tpu.memory_space<hbm>> -> memref<2048xf32, #tpu.memory_space<hbm>>
    %dma_start3A_118 = tpu.memref_slice %arg2[%mul3A_116] : memref<6400000xf32, #tpu.memory_space<hbm>> -> memref<2048xf32, #tpu.memory_space<hbm>>
    tpu.enqueue_dma source(%dma_start3A_118 : memref<2048xf32, #tpu.memory_space<hbm>>) target(%arg10 : memref<2048xf32, #tpu.memory_space<vmem>>) target_semaphore(%arg26 : memref<!tpu.dma_semaphore, #tpu.memory_space<semaphore_mem>>)
    %dma_start3A_119 = arith.constant 0 : i32
    %dma_start3A_120 = tpu.memref_slice %arg3[%dma_start3A_119, %mul3A_116] : memref<2x6400000xi32, #tpu.memory_space<hbm>> -> memref<2x2048xi32, #tpu.memory_space<hbm>>
    %dma_start3A_121 = arith.constant 0 : i32
    %dma_start3A_122 = tpu.memref_slice %arg3[%dma_start3A_121, %mul3A_116] : memref<2x6400000xi32, #tpu.memory_space<hbm>> -> memref<2x2048xi32, #tpu.memory_space<hbm>>
    tpu.enqueue_dma source(%dma_start3A_122 : memref<2x2048xi32, #tpu.memory_space<hbm>>) target(%arg14 : memref<2x2048xi32, #tpu.memory_space<vmem>>) target_semaphore(%arg26 : memref<!tpu.dma_semaphore, #tpu.memory_space<semaphore_mem>>)
    %parallel_loop3A_123 = arith.constant 0 : i32
    %parallel_loop3A_124 = arith.constant 2048 : i32
    %parallel_loop3A_125 = arith.constant 16 : i32
    scf.for %parallel_loop3A_265 = %parallel_loop3A_123 to %parallel_loop3A_124 step %parallel_loop3A_125  : i32 {
      %parallel_loop3A_266 = arith.constant 0 : i32
      %parallel_loop3A_267 = arith.index_cast %parallel_loop3A_266 : i32 to index
      %parallel_loop3A_268 = arith.index_cast %parallel_loop3A_265 : i32 to index
      %parallel_loop3A_269 = tpu.vector_load %arg16[%parallel_loop3A_267, %parallel_loop3A_268] {strides = array<i32>} : memref<2x2048xi32, #tpu.memory_space<vmem>>, vector<16xi32>,
      %parallel_loop3A_270 = arith.constant 1 : i32
      %parallel_loop3A_271 = arith.index_cast %parallel_loop3A_270 : i32 to index
      %parallel_loop3A_272 = arith.index_cast %parallel_loop3A_265 : i32 to index
      %parallel_loop3A_273 = tpu.vector_load %arg16[%parallel_loop3A_271, %parallel_loop3A_272] {strides = array<i32>} : memref<2x2048xi32, #tpu.memory_space<vmem>>, vector<16xi32>,
      %parallel_loop3A_274 = arith.index_cast %parallel_loop3A_265 : i32 to index
      %parallel_loop3A_275 = tpu.vector_load %arg24[%parallel_loop3A_274] {strides = array<i32>} : memref<2048xi32, #tpu.memory_space<vmem>>, vector<16xi32>,
      tpu.vector_store %arg24[%parallel_loop3A_274], %parallel_loop3A_269 {strides = array<i32>} : memref<2048xi32, #tpu.memory_space<vmem>>, vector<16xi32>,
      %parallel_loop3A_276 = arith.constant 2 : i32
      %parallel_loop3A_277 = vector.broadcast %parallel_loop3A_276 : i32 to vector<16xi32>
      %parallel_loop3A_278 = arith.shrsi %parallel_loop3A_269, %parallel_loop3A_277 : vector<16xi32>
      %parallel_loop3A_279 = tpu.vector_load_idx %arg7[%parallel_loop3A_278] : memref<25000xi32, #tpu.memory_space<vmem>>[vector<16xi32>], vector<16xi32>,
      %parallel_loop3A_280 = arith.constant 2 : i32
      %parallel_loop3A_281 = vector.broadcast %parallel_loop3A_280 : i32 to vector<16xi32>
      %parallel_loop3A_282 = arith.shrsi %parallel_loop3A_273, %parallel_loop3A_281 : vector<16xi32>
      %parallel_loop3A_283 = tpu.vector_load_idx %arg7[%parallel_loop3A_282] : memref<25000xi32, #tpu.memory_space<vmem>>[vector<16xi32>], vector<16xi32>,
      %parallel_loop3A_284 = arith.constant 3 : i32
      %parallel_loop3A_285 = vector.broadcast %parallel_loop3A_284 : i32 to vector<16xi32>
      %parallel_loop3A_286 = arith.andi %parallel_loop3A_269, %parallel_loop3A_285 : vector<16xi32>
      %parallel_loop3A_287 = arith.constant 3 : i32
      %parallel_loop3A_288 = vector.broadcast %parallel_loop3A_287 : i32 to vector<16xi32>
      %parallel_loop3A_289 = arith.shli %parallel_loop3A_286, %parallel_loop3A_288 : vector<16xi32>
      %parallel_loop3A_290 = arith.shrsi %parallel_loop3A_279, %parallel_loop3A_289 : vector<16xi32>
      %parallel_loop3A_291 = arith.constant 255 : i32
      %parallel_loop3A_292 = vector.broadcast %parallel_loop3A_291 : i32 to vector<16xi32>
      %parallel_loop3A_293 = arith.andi %parallel_loop3A_290, %parallel_loop3A_292 : vector<16xi32>
      %parallel_loop3A_294 = arith.constant 3 : i32
      %parallel_loop3A_295 = vector.broadcast %parallel_loop3A_294 : i32 to vector<16xi32>
      %parallel_loop3A_296 = arith.andi %parallel_loop3A_273, %parallel_loop3A_295 : vector<16xi32>
      %parallel_loop3A_297 = arith.constant 3 : i32
      %parallel_loop3A_298 = vector.broadcast %parallel_loop3A_297 : i32 to vector<16xi32>
      %parallel_loop3A_299 = arith.shli %parallel_loop3A_296, %parallel_loop3A_298 : vector<16xi32>
      %parallel_loop3A_300 = arith.shrsi %parallel_loop3A_283, %parallel_loop3A_299 : vector<16xi32>
      %parallel_loop3A_301 = arith.constant 255 : i32
      %parallel_loop3A_302 = vector.broadcast %parallel_loop3A_301 : i32 to vector<16xi32>
      %parallel_loop3A_303 = arith.andi %parallel_loop3A_300, %parallel_loop3A_302 : vector<16xi32>
      %parallel_loop3A_304 = arith.constant 4 : i32
      %parallel_loop3A_305 = vector.broadcast %parallel_loop3A_304 : i32 to vector<16xi32>
      %parallel_loop3A_306 = arith.shli %parallel_loop3A_293, %parallel_loop3A_305 : vector<16xi32>
      %parallel_loop3A_307 = arith.addi %parallel_loop3A_306, %parallel_loop3A_303 : vector<16xi32>
      %parallel_loop3A_308 = arith.index_cast %parallel_loop3A_265 : i32 to index
      %parallel_loop3A_309 = tpu.vector_load %arg12[%parallel_loop3A_308] {strides = array<i32>} : memref<2048xf32, #tpu.memory_space<vmem>>, vector<16xf32>,
      %parallel_loop3A_310 = tpu.vector_load_idx %arg8[%parallel_loop3A_307] : memref<256xf32, #tpu.memory_space<vmem>>[vector<16xi32>], vector<16xf32>,
      %parallel_loop3A_311 = arith.mulf %parallel_loop3A_309, %parallel_loop3A_310 : vector<16xf32>
      %parallel_loop3A_312 = arith.index_cast %parallel_loop3A_265 : i32 to index
      %parallel_loop3A_313 = tpu.vector_load %arg20[%parallel_loop3A_312] {strides = array<i32>} : memref<2048xf32, #tpu.memory_space<vmem>>, vector<16xf32>,
      tpu.vector_store %arg20[%parallel_loop3A_312], %parallel_loop3A_311 {strides = array<i32>} : memref<2048xf32, #tpu.memory_space<vmem>>, vector<16xf32>,
    } {sc.loop_unroll_factor = 4 : i64, sc.parallel_access}
    %dma_start3A_126 = arith.constant 0 : i32
    %dma_start3A_127 = tpu.memref_slice %arg32[%dma_start3A_126] : memref<100096xf32, #tpu.memory_space<vmem_shared>> -> memref<100096xf32, #tpu.memory_space<vmem_shared>>
    tpu.enqueue_indirect_dma source(%arg20 : memref<2048xf32, #tpu.memory_space<vmem>>) target(%dma_start3A_127 : memref<100096xf32, #tpu.memory_space<vmem_shared>>) offsets(%arg24 : memref<2048xi32, #tpu.memory_space<vmem>>) semaphore(%arg30 : memref<!tpu.dma_semaphore, #tpu.memory_space<semaphore_mem>>) {add = true}
    %scan3A_128 = arith.constant 1 : i32
    %scan3A_129 = arith.constant 22 : i32
    %scan3A_130 = arith.addi %scan3A_128, %scan3A_129 : i32
    %scan3A_131 = arith.constant 1 : i32
    scf.for %scan3A_265 = %scan3A_128 to %scan3A_130 step %scan3A_131  : i32 {
      %mul3A_266 = arith.constant 4 : i32
      %mul3A_267 = arith.muli %scan3A_265, %mul3A_266 : i32
      %add3A_268 = arith.constant 0 : i32
      %add3A_269 = arith.addi %mul3A_267, %add3A_268 : i32
      %mul3A_270 = arith.constant 32 : i32
      %mul3A_271 = arith.muli %add3A_269, %mul3A_270 : i32
      %add3A_272 = arith.addi %mul3A_271, %add3A : i32
      %mul3A_273 = arith.constant 2048 : i32
      %mul3A_274 = arith.muli %add3A_272, %mul3A_273 : i32
      %dma_wait3A_275 = tpu.memref_slice %arg2[%mul3A_274] : memref<6400000xf32, #tpu.memory_space<hbm>> -> memref<2048xf32, #tpu.memory_space<hbm>>
      %dma_wait3A_276 = tpu.memref_slice %arg2[%mul3A_274] : memref<6400000xf32, #tpu.memory_space<hbm>> -> memref<2048xf32, #tpu.memory_space<hbm>>
      tpu.wait_dma2 semaphore(%arg25 : memref<!tpu.dma_semaphore, #tpu.memory_space<semaphore_mem>>) src(%dma_wait3A_276 : memref<2048xf32, #tpu.memory_space<hbm>>) dst(%arg9 : memref<2048xf32, #tpu.memory_space<vmem>>)
      %dma_wait3A_277 = arith.constant 0 : i32
      %dma_wait3A_278 = tpu.memref_slice %arg3[%dma_wait3A_277, %mul3A_274] : memref<2x6400000xi32, #tpu.memory_space<hbm>> -> memref<2x2048xi32, #tpu.memory_space<hbm>>
      %dma_wait3A_279 = arith.constant 0 : i32
      %dma_wait3A_280 = tpu.memref_slice %arg3[%dma_wait3A_279, %mul3A_274] : memref<2x6400000xi32, #tpu.memory_space<hbm>> -> memref<2x2048xi32, #tpu.memory_space<hbm>>
      tpu.wait_dma2 semaphore(%arg25 : memref<!tpu.dma_semaphore, #tpu.memory_space<semaphore_mem>>) src(%dma_wait3A_280 : memref<2x2048xi32, #tpu.memory_space<hbm>>) dst(%arg13 : memref<2x2048xi32, #tpu.memory_space<vmem>>)
      %dma_wait3A_281 = arith.constant 0 : i32
      %dma_wait3A_282 = tpu.memref_slice %arg32[%dma_wait3A_281] : memref<100096xf32, #tpu.memory_space<vmem_shared>> -> memref<100096xf32, #tpu.memory_space<vmem_shared>>
      tpu.wait_indirect_dma semaphore(%arg29 : memref<!tpu.dma_semaphore, #tpu.memory_space<semaphore_mem>>) src(%arg19 : memref<2048xf32, #tpu.memory_space<vmem>>) dst(%dma_wait3A_282 : memref<100096xf32, #tpu.memory_space<vmem_shared>>)
      %add3A_283 = arith.constant 2 : i32
      %add3A_284 = arith.addi %add3A_269, %add3A_283 : i32
      %mul3A_285 = arith.constant 32 : i32
      %mul3A_286 = arith.muli %add3A_284, %mul3A_285 : i32
      %add3A_287 = arith.addi %mul3A_286, %add3A : i32
      %mul3A_288 = arith.constant 2048 : i32
      %mul3A_289 = arith.muli %add3A_287, %mul3A_288 : i32
      %dma_start3A_290 = tpu.memref_slice %arg2[%mul3A_289] : memref<6400000xf32, #tpu.memory_space<hbm>> -> memref<2048xf32, #tpu.memory_space<hbm>>
      %dma_start3A_291 = tpu.memref_slice %arg2[%mul3A_289] : memref<6400000xf32, #tpu.memory_space<hbm>> -> memref<2048xf32, #tpu.memory_space<hbm>>
      tpu.enqueue_dma source(%dma_start3A_291 : memref<2048xf32, #tpu.memory_space<hbm>>) target(%arg11 : memref<2048xf32, #tpu.memory_space<vmem>>) target_semaphore(%arg27 : memref<!tpu.dma_semaphore, #tpu.memory_space<semaphore_mem>>)
      %dma_start3A_292 = arith.constant 0 : i32
      %dma_start3A_293 = tpu.memref_slice %arg3[%dma_start3A_292, %mul3A_289] : memref<2x6400000xi32, #tpu.memory_space<hbm>> -> memref<2x2048xi32, #tpu.memory_space<hbm>>
      %dma_start3A_294 = arith.constant 0 : i32
      %dma_start3A_295 = tpu.memref_slice %arg3[%dma_start3A_294, %mul3A_289] : memref<2x6400000xi32, #tpu.memory_space<hbm>> -> memref<2x2048xi32, #tpu.memory_space<hbm>>
      tpu.enqueue_dma source(%dma_start3A_295 : memref<2x2048xi32, #tpu.memory_space<hbm>>) target(%arg15 : memref<2x2048xi32, #tpu.memory_space<vmem>>) target_semaphore(%arg27 : memref<!tpu.dma_semaphore, #tpu.memory_space<semaphore_mem>>)
      %parallel_loop3A_296 = arith.constant 0 : i32
      %parallel_loop3A_297 = arith.constant 2048 : i32
      %parallel_loop3A_298 = arith.constant 16 : i32
      scf.for %parallel_loop3A_406 = %parallel_loop3A_296 to %parallel_loop3A_297 step %parallel_loop3A_298  : i32 {
        %parallel_loop3A_407 = arith.constant 0 : i32
        %parallel_loop3A_408 = arith.index_cast %parallel_loop3A_407 : i32 to index
        %parallel_loop3A_409 = arith.index_cast %parallel_loop3A_406 : i32 to index
        %parallel_loop3A_410 = tpu.vector_load %arg13[%parallel_loop3A_408, %parallel_loop3A_409] {strides = array<i32>} : memref<2x2048xi32, #tpu.memory_space<vmem>>, vector<16xi32>,
        %parallel_loop3A_411 = arith.constant 1 : i32
        %parallel_loop3A_412 = arith.index_cast %parallel_loop3A_411 : i32 to index
        %parallel_loop3A_413 = arith.index_cast %parallel_loop3A_406 : i32 to index
        %parallel_loop3A_414 = tpu.vector_load %arg13[%parallel_loop3A_412, %parallel_loop3A_413] {strides = array<i32>} : memref<2x2048xi32, #tpu.memory_space<vmem>>, vector<16xi32>,
        %parallel_loop3A_415 = arith.index_cast %parallel_loop3A_406 : i32 to index
        %parallel_loop3A_416 = tpu.vector_load %arg21[%parallel_loop3A_415] {strides = array<i32>} : memref<2048xi32, #tpu.memory_space<vmem>>, vector<16xi32>,
        tpu.vector_store %arg21[%parallel_loop3A_415], %parallel_loop3A_410 {strides = array<i32>} : memref<2048xi32, #tpu.memory_space<vmem>>, vector<16xi32>,
        %parallel_loop3A_417 = arith.constant 2 : i32
        %parallel_loop3A_418 = vector.broadcast %parallel_loop3A_417 : i32 to vector<16xi32>
        %parallel_loop3A_419 = arith.shrsi %parallel_loop3A_410, %parallel_loop3A_418 : vector<16xi32>
        %parallel_loop3A_420 = tpu.vector_load_idx %arg7[%parallel_loop3A_419] : memref<25000xi32, #tpu.memory_space<vmem>>[vector<16xi32>], vector<16xi32>,
        %parallel_loop3A_421 = arith.constant 2 : i32
        %parallel_loop3A_422 = vector.broadcast %parallel_loop3A_421 : i32 to vector<16xi32>
        %parallel_loop3A_423 = arith.shrsi %parallel_loop3A_414, %parallel_loop3A_422 : vector<16xi32>
        %parallel_loop3A_424 = tpu.vector_load_idx %arg7[%parallel_loop3A_423] : memref<25000xi32, #tpu.memory_space<vmem>>[vector<16xi32>], vector<16xi32>,
        %parallel_loop3A_425 = arith.constant 3 : i32
        %parallel_loop3A_426 = vector.broadcast %parallel_loop3A_425 : i32 to vector<16xi32>
        %parallel_loop3A_427 = arith.andi %parallel_loop3A_410, %parallel_loop3A_426 : vector<16xi32>
        %parallel_loop3A_428 = arith.constant 3 : i32
        %parallel_loop3A_429 = vector.broadcast %parallel_loop3A_428 : i32 to vector<16xi32>
        %parallel_loop3A_430 = arith.shli %parallel_loop3A_427, %parallel_loop3A_429 : vector<16xi32>
        %parallel_loop3A_431 = arith.shrsi %parallel_loop3A_420, %parallel_loop3A_430 : vector<16xi32>
        %parallel_loop3A_432 = arith.constant 255 : i32
        %parallel_loop3A_433 = vector.broadcast %parallel_loop3A_432 : i32 to vector<16xi32>
        %parallel_loop3A_434 = arith.andi %parallel_loop3A_431, %parallel_loop3A_433 : vector<16xi32>
        %parallel_loop3A_435 = arith.constant 3 : i32
        %parallel_loop3A_436 = vector.broadcast %parallel_loop3A_435 : i32 to vector<16xi32>
        %parallel_loop3A_437 = arith.andi %parallel_loop3A_414, %parallel_loop3A_436 : vector<16xi32>
        %parallel_loop3A_438 = arith.constant 3 : i32
        %parallel_loop3A_439 = vector.broadcast %parallel_loop3A_438 : i32 to vector<16xi32>
        %parallel_loop3A_440 = arith.shli %parallel_loop3A_437, %parallel_loop3A_439 : vector<16xi32>
        %parallel_loop3A_441 = arith.shrsi %parallel_loop3A_424, %parallel_loop3A_440 : vector<16xi32>
        %parallel_loop3A_442 = arith.constant 255 : i32
        %parallel_loop3A_443 = vector.broadcast %parallel_loop3A_442 : i32 to vector<16xi32>
        %parallel_loop3A_444 = arith.andi %parallel_loop3A_441, %parallel_loop3A_443 : vector<16xi32>
        %parallel_loop3A_445 = arith.constant 4 : i32
        %parallel_loop3A_446 = vector.broadcast %parallel_loop3A_445 : i32 to vector<16xi32>
        %parallel_loop3A_447 = arith.shli %parallel_loop3A_434, %parallel_loop3A_446 : vector<16xi32>
        %parallel_loop3A_448 = arith.addi %parallel_loop3A_447, %parallel_loop3A_444 : vector<16xi32>
        %parallel_loop3A_449 = arith.index_cast %parallel_loop3A_406 : i32 to index
        %parallel_loop3A_450 = tpu.vector_load %arg9[%parallel_loop3A_449] {strides = array<i32>} : memref<2048xf32, #tpu.memory_space<vmem>>, vector<16xf32>,
        %parallel_loop3A_451 = tpu.vector_load_idx %arg8[%parallel_loop3A_448] : memref<256xf32, #tpu.memory_space<vmem>>[vector<16xi32>], vector<16xf32>,
        %parallel_loop3A_452 = arith.mulf %parallel_loop3A_450, %parallel_loop3A_451 : vector<16xf32>
        %parallel_loop3A_453 = arith.index_cast %parallel_loop3A_406 : i32 to index
        %parallel_loop3A_454 = tpu.vector_load %arg17[%parallel_loop3A_453] {strides = array<i32>} : memref<2048xf32, #tpu.memory_space<vmem>>, vector<16xf32>,
        tpu.vector_store %arg17[%parallel_loop3A_453], %parallel_loop3A_452 {strides = array<i32>} : memref<2048xf32, #tpu.memory_space<vmem>>, vector<16xf32>,
      } {sc.loop_unroll_factor = 4 : i64, sc.parallel_access}
      %dma_start3A_299 = arith.constant 0 : i32
      %dma_start3A_300 = tpu.memref_slice %arg32[%dma_start3A_299] : memref<100096xf32, #tpu.memory_space<vmem_shared>> -> memref<100096xf32, #tpu.memory_space<vmem_shared>>
      tpu.enqueue_indirect_dma source(%arg17 : memref<2048xf32, #tpu.memory_space<vmem>>) target(%dma_start3A_300 : memref<100096xf32, #tpu.memory_space<vmem_shared>>) offsets(%arg21 : memref<2048xi32, #tpu.memory_space<vmem>>) semaphore(%arg29 : memref<!tpu.dma_semaphore, #tpu.memory_space<semaphore_mem>>) {add = true}
      %mul3A_301 = arith.constant 4 : i32
      %mul3A_302 = arith.muli %scan3A_265, %mul3A_301 : i32
      %add3A_303 = arith.constant 1 : i32
      %add3A_304 = arith.addi %mul3A_302, %add3A_303 : i32
      %mul3A_305 = arith.constant 32 : i32
      %mul3A_306 = arith.muli %add3A_304, %mul3A_305 : i32
      %add3A_307 = arith.addi %mul3A_306, %add3A : i32
      %mul3A_308 = arith.constant 2048 : i32
      %mul3A_309 = arith.muli %add3A_307, %mul3A_308 : i32
      %dma_wait3A_310 = tpu.memref_slice %arg2[%mul3A_309] : memref<6400000xf32, #tpu.memory_space<hbm>> -> memref<2048xf32, #tpu.memory_space<hbm>>
      %dma_wait3A_311 = tpu.memref_slice %arg2[%mul3A_309] : memref<6400000xf32, #tpu.memory_space<hbm>> -> memref<2048xf32, #tpu.memory_space<hbm>>
      tpu.wait_dma2 semaphore(%arg26 : memref<!tpu.dma_semaphore, #tpu.memory_space<semaphore_mem>>) src(%dma_wait3A_311 : memref<2048xf32, #tpu.memory_space<hbm>>) dst(%arg10 : memref<2048xf32, #tpu.memory_space<vmem>>)
      %dma_wait3A_312 = arith.constant 0 : i32
      %dma_wait3A_313 = tpu.memref_slice %arg3[%dma_wait3A_312, %mul3A_309] : memref<2x6400000xi32, #tpu.memory_space<hbm>> -> memref<2x2048xi32, #tpu.memory_space<hbm>>
      %dma_wait3A_314 = arith.constant 0 : i32
      %dma_wait3A_315 = tpu.memref_slice %arg3[%dma_wait3A_314, %mul3A_309] : memref<2x6400000xi32, #tpu.memory_space<hbm>> -> memref<2x2048xi32, #tpu.memory_space<hbm>>
      tpu.wait_dma2 semaphore(%arg26 : memref<!tpu.dma_semaphore, #tpu.memory_space<semaphore_mem>>) src(%dma_wait3A_315 : memref<2x2048xi32, #tpu.memory_space<hbm>>) dst(%arg14 : memref<2x2048xi32, #tpu.memory_space<vmem>>)
      %dma_wait3A_316 = arith.constant 0 : i32
      %dma_wait3A_317 = tpu.memref_slice %arg32[%dma_wait3A_316] : memref<100096xf32, #tpu.memory_space<vmem_shared>> -> memref<100096xf32, #tpu.memory_space<vmem_shared>>
      tpu.wait_indirect_dma semaphore(%arg30 : memref<!tpu.dma_semaphore, #tpu.memory_space<semaphore_mem>>) src(%arg20 : memref<2048xf32, #tpu.memory_space<vmem>>) dst(%dma_wait3A_317 : memref<100096xf32, #tpu.memory_space<vmem_shared>>)
      %add3A_318 = arith.constant 2 : i32
      %add3A_319 = arith.addi %add3A_304, %add3A_318 : i32
      %mul3A_320 = arith.constant 32 : i32
      %mul3A_321 = arith.muli %add3A_319, %mul3A_320 : i32
      %add3A_322 = arith.addi %mul3A_321, %add3A : i32
      %mul3A_323 = arith.constant 2048 : i32
      %mul3A_324 = arith.muli %add3A_322, %mul3A_323 : i32
      %dma_start3A_325 = tpu.memref_slice %arg2[%mul3A_324] : memref<6400000xf32, #tpu.memory_space<hbm>> -> memref<2048xf32, #tpu.memory_space<hbm>>
      %dma_start3A_326 = tpu.memref_slice %arg2[%mul3A_324] : memref<6400000xf32, #tpu.memory_space<hbm>> -> memref<2048xf32, #tpu.memory_space<hbm>>
      tpu.enqueue_dma source(%dma_start3A_326 : memref<2048xf32, #tpu.memory_space<hbm>>) target(%arg12 : memref<2048xf32, #tpu.memory_space<vmem>>) target_semaphore(%arg28 : memref<!tpu.dma_semaphore, #tpu.memory_space<semaphore_mem>>)
      %dma_start3A_327 = arith.constant 0 : i32
      %dma_start3A_328 = tpu.memref_slice %arg3[%dma_start3A_327, %mul3A_324] : memref<2x6400000xi32, #tpu.memory_space<hbm>> -> memref<2x2048xi32, #tpu.memory_space<hbm>>
      %dma_start3A_329 = arith.constant 0 : i32
      %dma_start3A_330 = tpu.memref_slice %arg3[%dma_start3A_329, %mul3A_324] : memref<2x6400000xi32, #tpu.memory_space<hbm>> -> memref<2x2048xi32, #tpu.memory_space<hbm>>
      tpu.enqueue_dma source(%dma_start3A_330 : memref<2x2048xi32, #tpu.memory_space<hbm>>) target(%arg16 : memref<2x2048xi32, #tpu.memory_space<vmem>>) target_semaphore(%arg28 : memref<!tpu.dma_semaphore, #tpu.memory_space<semaphore_mem>>)
      %parallel_loop3A_331 = arith.constant 0 : i32
      %parallel_loop3A_332 = arith.constant 2048 : i32
      %parallel_loop3A_333 = arith.constant 16 : i32
      scf.for %parallel_loop3A_406 = %parallel_loop3A_331 to %parallel_loop3A_332 step %parallel_loop3A_333  : i32 {
        %parallel_loop3A_407 = arith.constant 0 : i32
        %parallel_loop3A_408 = arith.index_cast %parallel_loop3A_407 : i32 to index
        %parallel_loop3A_409 = arith.index_cast %parallel_loop3A_406 : i32 to index
        %parallel_loop3A_410 = tpu.vector_load %arg14[%parallel_loop3A_408, %parallel_loop3A_409] {strides = array<i32>} : memref<2x2048xi32, #tpu.memory_space<vmem>>, vector<16xi32>,
        %parallel_loop3A_411 = arith.constant 1 : i32
        %parallel_loop3A_412 = arith.index_cast %parallel_loop3A_411 : i32 to index
        %parallel_loop3A_413 = arith.index_cast %parallel_loop3A_406 : i32 to index
        %parallel_loop3A_414 = tpu.vector_load %arg14[%parallel_loop3A_412, %parallel_loop3A_413] {strides = array<i32>} : memref<2x2048xi32, #tpu.memory_space<vmem>>, vector<16xi32>,
        %parallel_loop3A_415 = arith.index_cast %parallel_loop3A_406 : i32 to index
        %parallel_loop3A_416 = tpu.vector_load %arg22[%parallel_loop3A_415] {strides = array<i32>} : memref<2048xi32, #tpu.memory_space<vmem>>, vector<16xi32>,
        tpu.vector_store %arg22[%parallel_loop3A_415], %parallel_loop3A_410 {strides = array<i32>} : memref<2048xi32, #tpu.memory_space<vmem>>, vector<16xi32>,
        %parallel_loop3A_417 = arith.constant 2 : i32
        %parallel_loop3A_418 = vector.broadcast %parallel_loop3A_417 : i32 to vector<16xi32>
        %parallel_loop3A_419 = arith.shrsi %parallel_loop3A_410, %parallel_loop3A_418 : vector<16xi32>
        %parallel_loop3A_420 = tpu.vector_load_idx %arg7[%parallel_loop3A_419] : memref<25000xi32, #tpu.memory_space<vmem>>[vector<16xi32>], vector<16xi32>,
        %parallel_loop3A_421 = arith.constant 2 : i32
        %parallel_loop3A_422 = vector.broadcast %parallel_loop3A_421 : i32 to vector<16xi32>
        %parallel_loop3A_423 = arith.shrsi %parallel_loop3A_414, %parallel_loop3A_422 : vector<16xi32>
        %parallel_loop3A_424 = tpu.vector_load_idx %arg7[%parallel_loop3A_423] : memref<25000xi32, #tpu.memory_space<vmem>>[vector<16xi32>], vector<16xi32>,
        %parallel_loop3A_425 = arith.constant 3 : i32
        %parallel_loop3A_426 = vector.broadcast %parallel_loop3A_425 : i32 to vector<16xi32>
        %parallel_loop3A_427 = arith.andi %parallel_loop3A_410, %parallel_loop3A_426 : vector<16xi32>
        %parallel_loop3A_428 = arith.constant 3 : i32
        %parallel_loop3A_429 = vector.broadcast %parallel_loop3A_428 : i32 to vector<16xi32>
        %parallel_loop3A_430 = arith.shli %parallel_loop3A_427, %parallel_loop3A_429 : vector<16xi32>
        %parallel_loop3A_431 = arith.shrsi %parallel_loop3A_420, %parallel_loop3A_430 : vector<16xi32>
        %parallel_loop3A_432 = arith.constant 255 : i32
        %parallel_loop3A_433 = vector.broadcast %parallel_loop3A_432 : i32 to vector<16xi32>
        %parallel_loop3A_434 = arith.andi %parallel_loop3A_431, %parallel_loop3A_433 : vector<16xi32>
        %parallel_loop3A_435 = arith.constant 3 : i32
        %parallel_loop3A_436 = vector.broadcast %parallel_loop3A_435 : i32 to vector<16xi32>
        %parallel_loop3A_437 = arith.andi %parallel_loop3A_414, %parallel_loop3A_436 : vector<16xi32>
        %parallel_loop3A_438 = arith.constant 3 : i32
        %parallel_loop3A_439 = vector.broadcast %parallel_loop3A_438 : i32 to vector<16xi32>
        %parallel_loop3A_440 = arith.shli %parallel_loop3A_437, %parallel_loop3A_439 : vector<16xi32>
        %parallel_loop3A_441 = arith.shrsi %parallel_loop3A_424, %parallel_loop3A_440 : vector<16xi32>
        %parallel_loop3A_442 = arith.constant 255 : i32
        %parallel_loop3A_443 = vector.broadcast %parallel_loop3A_442 : i32 to vector<16xi32>
        %parallel_loop3A_444 = arith.andi %parallel_loop3A_441, %parallel_loop3A_443 : vector<16xi32>
        %parallel_loop3A_445 = arith.constant 4 : i32
        %parallel_loop3A_446 = vector.broadcast %parallel_loop3A_445 : i32 to vector<16xi32>
        %parallel_loop3A_447 = arith.shli %parallel_loop3A_434, %parallel_loop3A_446 : vector<16xi32>
        %parallel_loop3A_448 = arith.addi %parallel_loop3A_447, %parallel_loop3A_444 : vector<16xi32>
        %parallel_loop3A_449 = arith.index_cast %parallel_loop3A_406 : i32 to index
        %parallel_loop3A_450 = tpu.vector_load %arg10[%parallel_loop3A_449] {strides = array<i32>} : memref<2048xf32, #tpu.memory_space<vmem>>, vector<16xf32>,
        %parallel_loop3A_451 = tpu.vector_load_idx %arg8[%parallel_loop3A_448] : memref<256xf32, #tpu.memory_space<vmem>>[vector<16xi32>], vector<16xf32>,
        %parallel_loop3A_452 = arith.mulf %parallel_loop3A_450, %parallel_loop3A_451 : vector<16xf32>
        %parallel_loop3A_453 = arith.index_cast %parallel_loop3A_406 : i32 to index
        %parallel_loop3A_454 = tpu.vector_load %arg18[%parallel_loop3A_453] {strides = array<i32>} : memref<2048xf32, #tpu.memory_space<vmem>>, vector<16xf32>,
        tpu.vector_store %arg18[%parallel_loop3A_453], %parallel_loop3A_452 {strides = array<i32>} : memref<2048xf32, #tpu.memory_space<vmem>>, vector<16xf32>,
      } {sc.loop_unroll_factor = 4 : i64, sc.parallel_access}
      %dma_start3A_334 = arith.constant 0 : i32
      %dma_start3A_335 = tpu.memref_slice %arg32[%dma_start3A_334] : memref<100096xf32, #tpu.memory_space<vmem_shared>> -> memref<100096xf32, #tpu.memory_space<vmem_shared>>
      tpu.enqueue_indirect_dma source(%arg18 : memref<2048xf32, #tpu.memory_space<vmem>>) target(%dma_start3A_335 : memref<100096xf32, #tpu.memory_space<vmem_shared>>) offsets(%arg22 : memref<2048xi32, #tpu.memory_space<vmem>>) semaphore(%arg30 : memref<!tpu.dma_semaphore, #tpu.memory_space<semaphore_mem>>) {add = true}
      %mul3A_336 = arith.constant 4 : i32
      %mul3A_337 = arith.muli %scan3A_265, %mul3A_336 : i32
      %add3A_338 = arith.constant 2 : i32
      %add3A_339 = arith.addi %mul3A_337, %add3A_338 : i32
      %mul3A_340 = arith.constant 32 : i32
      %mul3A_341 = arith.muli %add3A_339, %mul3A_340 : i32
      %add3A_342 = arith.addi %mul3A_341, %add3A : i32
      %mul3A_343 = arith.constant 2048 : i32
      %mul3A_344 = arith.muli %add3A_342, %mul3A_343 : i32
      %dma_wait3A_345 = tpu.memref_slice %arg2[%mul3A_344] : memref<6400000xf32, #tpu.memory_space<hbm>> -> memref<2048xf32, #tpu.memory_space<hbm>>
      %dma_wait3A_346 = tpu.memref_slice %arg2[%mul3A_344] : memref<6400000xf32, #tpu.memory_space<hbm>> -> memref<2048xf32, #tpu.memory_space<hbm>>
      tpu.wait_dma2 semaphore(%arg27 : memref<!tpu.dma_semaphore, #tpu.memory_space<semaphore_mem>>) src(%dma_wait3A_346 : memref<2048xf32, #tpu.memory_space<hbm>>) dst(%arg11 : memref<2048xf32, #tpu.memory_space<vmem>>)
      %dma_wait3A_347 = arith.constant 0 : i32
      %dma_wait3A_348 = tpu.memref_slice %arg3[%dma_wait3A_347, %mul3A_344] : memref<2x6400000xi32, #tpu.memory_space<hbm>> -> memref<2x2048xi32, #tpu.memory_space<hbm>>
      %dma_wait3A_349 = arith.constant 0 : i32
      %dma_wait3A_350 = tpu.memref_slice %arg3[%dma_wait3A_349, %mul3A_344] : memref<2x6400000xi32, #tpu.memory_space<hbm>> -> memref<2x2048xi32, #tpu.memory_space<hbm>>
      tpu.wait_dma2 semaphore(%arg27 : memref<!tpu.dma_semaphore, #tpu.memory_space<semaphore_mem>>) src(%dma_wait3A_350 : memref<2x2048xi32, #tpu.memory_space<hbm>>) dst(%arg15 : memref<2x2048xi32, #tpu.memory_space<vmem>>)
      %dma_wait3A_351 = arith.constant 0 : i32
      %dma_wait3A_352 = tpu.memref_slice %arg32[%dma_wait3A_351] : memref<100096xf32, #tpu.memory_space<vmem_shared>> -> memref<100096xf32, #tpu.memory_space<vmem_shared>>
      tpu.wait_indirect_dma semaphore(%arg29 : memref<!tpu.dma_semaphore, #tpu.memory_space<semaphore_mem>>) src(%arg17 : memref<2048xf32, #tpu.memory_space<vmem>>) dst(%dma_wait3A_352 : memref<100096xf32, #tpu.memory_space<vmem_shared>>)
      %add3A_353 = arith.constant 2 : i32
      %add3A_354 = arith.addi %add3A_339, %add3A_353 : i32
      %mul3A_355 = arith.constant 32 : i32
      %mul3A_356 = arith.muli %add3A_354, %mul3A_355 : i32
      %add3A_357 = arith.addi %mul3A_356, %add3A : i32
      %mul3A_358 = arith.constant 2048 : i32
      %mul3A_359 = arith.muli %add3A_357, %mul3A_358 : i32
      %dma_start3A_360 = tpu.memref_slice %arg2[%mul3A_359] : memref<6400000xf32, #tpu.memory_space<hbm>> -> memref<2048xf32, #tpu.memory_space<hbm>>
      %dma_start3A_361 = tpu.memref_slice %arg2[%mul3A_359] : memref<6400000xf32, #tpu.memory_space<hbm>> -> memref<2048xf32, #tpu.memory_space<hbm>>
      tpu.enqueue_dma source(%dma_start3A_361 : memref<2048xf32, #tpu.memory_space<hbm>>) target(%arg9 : memref<2048xf32, #tpu.memory_space<vmem>>) target_semaphore(%arg25 : memref<!tpu.dma_semaphore, #tpu.memory_space<semaphore_mem>>)
      %dma_start3A_362 = arith.constant 0 : i32
      %dma_start3A_363 = tpu.memref_slice %arg3[%dma_start3A_362, %mul3A_359] : memref<2x6400000xi32, #tpu.memory_space<hbm>> -> memref<2x2048xi32, #tpu.memory_space<hbm>>
      %dma_start3A_364 = arith.constant 0 : i32
      %dma_start3A_365 = tpu.memref_slice %arg3[%dma_start3A_364, %mul3A_359] : memref<2x6400000xi32, #tpu.memory_space<hbm>> -> memref<2x2048xi32, #tpu.memory_space<hbm>>
      tpu.enqueue_dma source(%dma_start3A_365 : memref<2x2048xi32, #tpu.memory_space<hbm>>) target(%arg13 : memref<2x2048xi32, #tpu.memory_space<vmem>>) target_semaphore(%arg25 : memref<!tpu.dma_semaphore, #tpu.memory_space<semaphore_mem>>)
      %parallel_loop3A_366 = arith.constant 0 : i32
      %parallel_loop3A_367 = arith.constant 2048 : i32
      %parallel_loop3A_368 = arith.constant 16 : i32
      scf.for %parallel_loop3A_406 = %parallel_loop3A_366 to %parallel_loop3A_367 step %parallel_loop3A_368  : i32 {
        %parallel_loop3A_407 = arith.constant 0 : i32
        %parallel_loop3A_408 = arith.index_cast %parallel_loop3A_407 : i32 to index
        %parallel_loop3A_409 = arith.index_cast %parallel_loop3A_406 : i32 to index
        %parallel_loop3A_410 = tpu.vector_load %arg15[%parallel_loop3A_408, %parallel_loop3A_409] {strides = array<i32>} : memref<2x2048xi32, #tpu.memory_space<vmem>>, vector<16xi32>,
        %parallel_loop3A_411 = arith.constant 1 : i32
        %parallel_loop3A_412 = arith.index_cast %parallel_loop3A_411 : i32 to index
        %parallel_loop3A_413 = arith.index_cast %parallel_loop3A_406 : i32 to index
        %parallel_loop3A_414 = tpu.vector_load %arg15[%parallel_loop3A_412, %parallel_loop3A_413] {strides = array<i32>} : memref<2x2048xi32, #tpu.memory_space<vmem>>, vector<16xi32>,
        %parallel_loop3A_415 = arith.index_cast %parallel_loop3A_406 : i32 to index
        %parallel_loop3A_416 = tpu.vector_load %arg23[%parallel_loop3A_415] {strides = array<i32>} : memref<2048xi32, #tpu.memory_space<vmem>>, vector<16xi32>,
        tpu.vector_store %arg23[%parallel_loop3A_415], %parallel_loop3A_410 {strides = array<i32>} : memref<2048xi32, #tpu.memory_space<vmem>>, vector<16xi32>,
        %parallel_loop3A_417 = arith.constant 2 : i32
        %parallel_loop3A_418 = vector.broadcast %parallel_loop3A_417 : i32 to vector<16xi32>
        %parallel_loop3A_419 = arith.shrsi %parallel_loop3A_410, %parallel_loop3A_418 : vector<16xi32>
        %parallel_loop3A_420 = tpu.vector_load_idx %arg7[%parallel_loop3A_419] : memref<25000xi32, #tpu.memory_space<vmem>>[vector<16xi32>], vector<16xi32>,
        %parallel_loop3A_421 = arith.constant 2 : i32
        %parallel_loop3A_422 = vector.broadcast %parallel_loop3A_421 : i32 to vector<16xi32>
        %parallel_loop3A_423 = arith.shrsi %parallel_loop3A_414, %parallel_loop3A_422 : vector<16xi32>
        %parallel_loop3A_424 = tpu.vector_load_idx %arg7[%parallel_loop3A_423] : memref<25000xi32, #tpu.memory_space<vmem>>[vector<16xi32>], vector<16xi32>,
        %parallel_loop3A_425 = arith.constant 3 : i32
        %parallel_loop3A_426 = vector.broadcast %parallel_loop3A_425 : i32 to vector<16xi32>
        %parallel_loop3A_427 = arith.andi %parallel_loop3A_410, %parallel_loop3A_426 : vector<16xi32>
        %parallel_loop3A_428 = arith.constant 3 : i32
        %parallel_loop3A_429 = vector.broadcast %parallel_loop3A_428 : i32 to vector<16xi32>
        %parallel_loop3A_430 = arith.shli %parallel_loop3A_427, %parallel_loop3A_429 : vector<16xi32>
        %parallel_loop3A_431 = arith.shrsi %parallel_loop3A_420, %parallel_loop3A_430 : vector<16xi32>
        %parallel_loop3A_432 = arith.constant 255 : i32
        %parallel_loop3A_433 = vector.broadcast %parallel_loop3A_432 : i32 to vector<16xi32>
        %parallel_loop3A_434 = arith.andi %parallel_loop3A_431, %parallel_loop3A_433 : vector<16xi32>
        %parallel_loop3A_435 = arith.constant 3 : i32
        %parallel_loop3A_436 = vector.broadcast %parallel_loop3A_435 : i32 to vector<16xi32>
        %parallel_loop3A_437 = arith.andi %parallel_loop3A_414, %parallel_loop3A_436 : vector<16xi32>
        %parallel_loop3A_438 = arith.constant 3 : i32
        %parallel_loop3A_439 = vector.broadcast %parallel_loop3A_438 : i32 to vector<16xi32>
        %parallel_loop3A_440 = arith.shli %parallel_loop3A_437, %parallel_loop3A_439 : vector<16xi32>
        %parallel_loop3A_441 = arith.shrsi %parallel_loop3A_424, %parallel_loop3A_440 : vector<16xi32>
        %parallel_loop3A_442 = arith.constant 255 : i32
        %parallel_loop3A_443 = vector.broadcast %parallel_loop3A_442 : i32 to vector<16xi32>
        %parallel_loop3A_444 = arith.andi %parallel_loop3A_441, %parallel_loop3A_443 : vector<16xi32>
        %parallel_loop3A_445 = arith.constant 4 : i32
        %parallel_loop3A_446 = vector.broadcast %parallel_loop3A_445 : i32 to vector<16xi32>
        %parallel_loop3A_447 = arith.shli %parallel_loop3A_434, %parallel_loop3A_446 : vector<16xi32>
        %parallel_loop3A_448 = arith.addi %parallel_loop3A_447, %parallel_loop3A_444 : vector<16xi32>
        %parallel_loop3A_449 = arith.index_cast %parallel_loop3A_406 : i32 to index
        %parallel_loop3A_450 = tpu.vector_load %arg11[%parallel_loop3A_449] {strides = array<i32>} : memref<2048xf32, #tpu.memory_space<vmem>>, vector<16xf32>,
        %parallel_loop3A_451 = tpu.vector_load_idx %arg8[%parallel_loop3A_448] : memref<256xf32, #tpu.memory_space<vmem>>[vector<16xi32>], vector<16xf32>,
        %parallel_loop3A_452 = arith.mulf %parallel_loop3A_450, %parallel_loop3A_451 : vector<16xf32>
        %parallel_loop3A_453 = arith.index_cast %parallel_loop3A_406 : i32 to index
        %parallel_loop3A_454 = tpu.vector_load %arg19[%parallel_loop3A_453] {strides = array<i32>} : memref<2048xf32, #tpu.memory_space<vmem>>, vector<16xf32>,
        tpu.vector_store %arg19[%parallel_loop3A_453], %parallel_loop3A_452 {strides = array<i32>} : memref<2048xf32, #tpu.memory_space<vmem>>, vector<16xf32>,
      } {sc.loop_unroll_factor = 4 : i64, sc.parallel_access}
      %dma_start3A_369 = arith.constant 0 : i32
      %dma_start3A_370 = tpu.memref_slice %arg32[%dma_start3A_369] : memref<100096xf32, #tpu.memory_space<vmem_shared>> -> memref<100096xf32, #tpu.memory_space<vmem_shared>>
      tpu.enqueue_indirect_dma source(%arg19 : memref<2048xf32, #tpu.memory_space<vmem>>) target(%dma_start3A_370 : memref<100096xf32, #tpu.memory_space<vmem_shared>>) offsets(%arg23 : memref<2048xi32, #tpu.memory_space<vmem>>) semaphore(%arg29 : memref<!tpu.dma_semaphore, #tpu.memory_space<semaphore_mem>>) {add = true}
      %mul3A_371 = arith.constant 4 : i32
      %mul3A_372 = arith.muli %scan3A_265, %mul3A_371 : i32
      %add3A_373 = arith.constant 3 : i32
      %add3A_374 = arith.addi %mul3A_372, %add3A_373 : i32
      %mul3A_375 = arith.constant 32 : i32
      %mul3A_376 = arith.muli %add3A_374, %mul3A_375 : i32
      %add3A_377 = arith.addi %mul3A_376, %add3A : i32
      %mul3A_378 = arith.constant 2048 : i32
      %mul3A_379 = arith.muli %add3A_377, %mul3A_378 : i32
      %dma_wait3A_380 = tpu.memref_slice %arg2[%mul3A_379] : memref<6400000xf32, #tpu.memory_space<hbm>> -> memref<2048xf32, #tpu.memory_space<hbm>>
      %dma_wait3A_381 = tpu.memref_slice %arg2[%mul3A_379] : memref<6400000xf32, #tpu.memory_space<hbm>> -> memref<2048xf32, #tpu.memory_space<hbm>>
      tpu.wait_dma2 semaphore(%arg28 : memref<!tpu.dma_semaphore, #tpu.memory_space<semaphore_mem>>) src(%dma_wait3A_381 : memref<2048xf32, #tpu.memory_space<hbm>>) dst(%arg12 : memref<2048xf32, #tpu.memory_space<vmem>>)
      %dma_wait3A_382 = arith.constant 0 : i32
      %dma_wait3A_383 = tpu.memref_slice %arg3[%dma_wait3A_382, %mul3A_379] : memref<2x6400000xi32, #tpu.memory_space<hbm>> -> memref<2x2048xi32, #tpu.memory_space<hbm>>
      %dma_wait3A_384 = arith.constant 0 : i32
      %dma_wait3A_385 = tpu.memref_slice %arg3[%dma_wait3A_384, %mul3A_379] : memref<2x6400000xi32, #tpu.memory_space<hbm>> -> memref<2x2048xi32, #tpu.memory_space<hbm>>
      tpu.wait_dma2 semaphore(%arg28 : memref<!tpu.dma_semaphore, #tpu.memory_space<semaphore_mem>>) src(%dma_wait3A_385 : memref<2x2048xi32, #tpu.memory_space<hbm>>) dst(%arg16 : memref<2x2048xi32, #tpu.memory_space<vmem>>)
      %dma_wait3A_386 = arith.constant 0 : i32
      %dma_wait3A_387 = tpu.memref_slice %arg32[%dma_wait3A_386] : memref<100096xf32, #tpu.memory_space<vmem_shared>> -> memref<100096xf32, #tpu.memory_space<vmem_shared>>
      tpu.wait_indirect_dma semaphore(%arg30 : memref<!tpu.dma_semaphore, #tpu.memory_space<semaphore_mem>>) src(%arg18 : memref<2048xf32, #tpu.memory_space<vmem>>) dst(%dma_wait3A_387 : memref<100096xf32, #tpu.memory_space<vmem_shared>>)
      %add3A_388 = arith.constant 2 : i32
      %add3A_389 = arith.addi %add3A_374, %add3A_388 : i32
      %mul3A_390 = arith.constant 32 : i32
      %mul3A_391 = arith.muli %add3A_389, %mul3A_390 : i32
      %add3A_392 = arith.addi %mul3A_391, %add3A : i32
      %mul3A_393 = arith.constant 2048 : i32
      %mul3A_394 = arith.muli %add3A_392, %mul3A_393 : i32
      %dma_start3A_395 = tpu.memref_slice %arg2[%mul3A_394] : memref<6400000xf32, #tpu.memory_space<hbm>> -> memref<2048xf32, #tpu.memory_space<hbm>>
      %dma_start3A_396 = tpu.memref_slice %arg2[%mul3A_394] : memref<6400000xf32, #tpu.memory_space<hbm>> -> memref<2048xf32, #tpu.memory_space<hbm>>
      tpu.enqueue_dma source(%dma_start3A_396 : memref<2048xf32, #tpu.memory_space<hbm>>) target(%arg10 : memref<2048xf32, #tpu.memory_space<vmem>>) target_semaphore(%arg26 : memref<!tpu.dma_semaphore, #tpu.memory_space<semaphore_mem>>)
      %dma_start3A_397 = arith.constant 0 : i32
      %dma_start3A_398 = tpu.memref_slice %arg3[%dma_start3A_397, %mul3A_394] : memref<2x6400000xi32, #tpu.memory_space<hbm>> -> memref<2x2048xi32, #tpu.memory_space<hbm>>
      %dma_start3A_399 = arith.constant 0 : i32
      %dma_start3A_400 = tpu.memref_slice %arg3[%dma_start3A_399, %mul3A_394] : memref<2x6400000xi32, #tpu.memory_space<hbm>> -> memref<2x2048xi32, #tpu.memory_space<hbm>>
      tpu.enqueue_dma source(%dma_start3A_400 : memref<2x2048xi32, #tpu.memory_space<hbm>>) target(%arg14 : memref<2x2048xi32, #tpu.memory_space<vmem>>) target_semaphore(%arg26 : memref<!tpu.dma_semaphore, #tpu.memory_space<semaphore_mem>>)
      %parallel_loop3A_401 = arith.constant 0 : i32
      %parallel_loop3A_402 = arith.constant 2048 : i32
      %parallel_loop3A_403 = arith.constant 16 : i32
      scf.for %parallel_loop3A_406 = %parallel_loop3A_401 to %parallel_loop3A_402 step %parallel_loop3A_403  : i32 {
        %parallel_loop3A_407 = arith.constant 0 : i32
        %parallel_loop3A_408 = arith.index_cast %parallel_loop3A_407 : i32 to index
        %parallel_loop3A_409 = arith.index_cast %parallel_loop3A_406 : i32 to index
        %parallel_loop3A_410 = tpu.vector_load %arg16[%parallel_loop3A_408, %parallel_loop3A_409] {strides = array<i32>} : memref<2x2048xi32, #tpu.memory_space<vmem>>, vector<16xi32>,
        %parallel_loop3A_411 = arith.constant 1 : i32
        %parallel_loop3A_412 = arith.index_cast %parallel_loop3A_411 : i32 to index
        %parallel_loop3A_413 = arith.index_cast %parallel_loop3A_406 : i32 to index
        %parallel_loop3A_414 = tpu.vector_load %arg16[%parallel_loop3A_412, %parallel_loop3A_413] {strides = array<i32>} : memref<2x2048xi32, #tpu.memory_space<vmem>>, vector<16xi32>,
        %parallel_loop3A_415 = arith.index_cast %parallel_loop3A_406 : i32 to index
        %parallel_loop3A_416 = tpu.vector_load %arg24[%parallel_loop3A_415] {strides = array<i32>} : memref<2048xi32, #tpu.memory_space<vmem>>, vector<16xi32>,
        tpu.vector_store %arg24[%parallel_loop3A_415], %parallel_loop3A_410 {strides = array<i32>} : memref<2048xi32, #tpu.memory_space<vmem>>, vector<16xi32>,
        %parallel_loop3A_417 = arith.constant 2 : i32
        %parallel_loop3A_418 = vector.broadcast %parallel_loop3A_417 : i32 to vector<16xi32>
        %parallel_loop3A_419 = arith.shrsi %parallel_loop3A_410, %parallel_loop3A_418 : vector<16xi32>
        %parallel_loop3A_420 = tpu.vector_load_idx %arg7[%parallel_loop3A_419] : memref<25000xi32, #tpu.memory_space<vmem>>[vector<16xi32>], vector<16xi32>,
        %parallel_loop3A_421 = arith.constant 2 : i32
        %parallel_loop3A_422 = vector.broadcast %parallel_loop3A_421 : i32 to vector<16xi32>
        %parallel_loop3A_423 = arith.shrsi %parallel_loop3A_414, %parallel_loop3A_422 : vector<16xi32>
        %parallel_loop3A_424 = tpu.vector_load_idx %arg7[%parallel_loop3A_423] : memref<25000xi32, #tpu.memory_space<vmem>>[vector<16xi32>], vector<16xi32>,
        %parallel_loop3A_425 = arith.constant 3 : i32
        %parallel_loop3A_426 = vector.broadcast %parallel_loop3A_425 : i32 to vector<16xi32>
        %parallel_loop3A_427 = arith.andi %parallel_loop3A_410, %parallel_loop3A_426 : vector<16xi32>
        %parallel_loop3A_428 = arith.constant 3 : i32
        %parallel_loop3A_429 = vector.broadcast %parallel_loop3A_428 : i32 to vector<16xi32>
        %parallel_loop3A_430 = arith.shli %parallel_loop3A_427, %parallel_loop3A_429 : vector<16xi32>
        %parallel_loop3A_431 = arith.shrsi %parallel_loop3A_420, %parallel_loop3A_430 : vector<16xi32>
        %parallel_loop3A_432 = arith.constant 255 : i32
        %parallel_loop3A_433 = vector.broadcast %parallel_loop3A_432 : i32 to vector<16xi32>
        %parallel_loop3A_434 = arith.andi %parallel_loop3A_431, %parallel_loop3A_433 : vector<16xi32>
        %parallel_loop3A_435 = arith.constant 3 : i32
        %parallel_loop3A_436 = vector.broadcast %parallel_loop3A_435 : i32 to vector<16xi32>
        %parallel_loop3A_437 = arith.andi %parallel_loop3A_414, %parallel_loop3A_436 : vector<16xi32>
        %parallel_loop3A_438 = arith.constant 3 : i32
        %parallel_loop3A_439 = vector.broadcast %parallel_loop3A_438 : i32 to vector<16xi32>
        %parallel_loop3A_440 = arith.shli %parallel_loop3A_437, %parallel_loop3A_439 : vector<16xi32>
        %parallel_loop3A_441 = arith.shrsi %parallel_loop3A_424, %parallel_loop3A_440 : vector<16xi32>
        %parallel_loop3A_442 = arith.constant 255 : i32
        %parallel_loop3A_443 = vector.broadcast %parallel_loop3A_442 : i32 to vector<16xi32>
        %parallel_loop3A_444 = arith.andi %parallel_loop3A_441, %parallel_loop3A_443 : vector<16xi32>
        %parallel_loop3A_445 = arith.constant 4 : i32
        %parallel_loop3A_446 = vector.broadcast %parallel_loop3A_445 : i32 to vector<16xi32>
        %parallel_loop3A_447 = arith.shli %parallel_loop3A_434, %parallel_loop3A_446 : vector<16xi32>
        %parallel_loop3A_448 = arith.addi %parallel_loop3A_447, %parallel_loop3A_444 : vector<16xi32>
        %parallel_loop3A_449 = arith.index_cast %parallel_loop3A_406 : i32 to index
        %parallel_loop3A_450 = tpu.vector_load %arg12[%parallel_loop3A_449] {strides = array<i32>} : memref<2048xf32, #tpu.memory_space<vmem>>, vector<16xf32>,
        %parallel_loop3A_451 = tpu.vector_load_idx %arg8[%parallel_loop3A_448] : memref<256xf32, #tpu.memory_space<vmem>>[vector<16xi32>], vector<16xf32>,
        %parallel_loop3A_452 = arith.mulf %parallel_loop3A_450, %parallel_loop3A_451 : vector<16xf32>
        %parallel_loop3A_453 = arith.index_cast %parallel_loop3A_406 : i32 to index
        %parallel_loop3A_454 = tpu.vector_load %arg20[%parallel_loop3A_453] {strides = array<i32>} : memref<2048xf32, #tpu.memory_space<vmem>>, vector<16xf32>,
        tpu.vector_store %arg20[%parallel_loop3A_453], %parallel_loop3A_452 {strides = array<i32>} : memref<2048xf32, #tpu.memory_space<vmem>>, vector<16xf32>,
      } {sc.loop_unroll_factor = 4 : i64, sc.parallel_access}
      %dma_start3A_404 = arith.constant 0 : i32
      %dma_start3A_405 = tpu.memref_slice %arg32[%dma_start3A_404] : memref<100096xf32, #tpu.memory_space<vmem_shared>> -> memref<100096xf32, #tpu.memory_space<vmem_shared>>
      tpu.enqueue_indirect_dma source(%arg20 : memref<2048xf32, #tpu.memory_space<vmem>>) target(%dma_start3A_405 : memref<100096xf32, #tpu.memory_space<vmem_shared>>) offsets(%arg24 : memref<2048xi32, #tpu.memory_space<vmem>>) semaphore(%arg30 : memref<!tpu.dma_semaphore, #tpu.memory_space<semaphore_mem>>) {add = true}
    }
    %scan3A_132 = arith.constant 22 : i32
    %lt3A = arith.constant 21 : i32
    %lt3A_133 = arith.cmpi slt, %add3A, %lt3A : i32
    %add3A_134 = arith.constant 2944 : i32
    %add3A_135 = arith.addi %add3A_134, %add3A : i32
    %mul3A_136 = arith.constant 2048 : i32
    %mul3A_137 = arith.muli %add3A_135, %mul3A_136 : i32
    %dma_wait3A_138 = tpu.memref_slice %arg2[%mul3A_137] : memref<6400000xf32, #tpu.memory_space<hbm>> -> memref<2048xf32, #tpu.memory_space<hbm>>
    %dma_wait3A_139 = tpu.memref_slice %arg2[%mul3A_137] : memref<6400000xf32, #tpu.memory_space<hbm>> -> memref<2048xf32, #tpu.memory_space<hbm>>
    tpu.wait_dma2 semaphore(%arg25 : memref<!tpu.dma_semaphore, #tpu.memory_space<semaphore_mem>>) src(%dma_wait3A_139 : memref<2048xf32, #tpu.memory_space<hbm>>) dst(%arg9 : memref<2048xf32, #tpu.memory_space<vmem>>)
    %dma_wait3A_140 = arith.constant 0 : i32
    %dma_wait3A_141 = tpu.memref_slice %arg3[%dma_wait3A_140, %mul3A_137] : memref<2x6400000xi32, #tpu.memory_space<hbm>> -> memref<2x2048xi32, #tpu.memory_space<hbm>>
    %dma_wait3A_142 = arith.constant 0 : i32
    %dma_wait3A_143 = tpu.memref_slice %arg3[%dma_wait3A_142, %mul3A_137] : memref<2x6400000xi32, #tpu.memory_space<hbm>> -> memref<2x2048xi32, #tpu.memory_space<hbm>>
    tpu.wait_dma2 semaphore(%arg25 : memref<!tpu.dma_semaphore, #tpu.memory_space<semaphore_mem>>) src(%dma_wait3A_143 : memref<2x2048xi32, #tpu.memory_space<hbm>>) dst(%arg13 : memref<2x2048xi32, #tpu.memory_space<vmem>>)
    %dma_wait3A_144 = arith.constant 0 : i32
    %dma_wait3A_145 = tpu.memref_slice %arg32[%dma_wait3A_144] : memref<100096xf32, #tpu.memory_space<vmem_shared>> -> memref<100096xf32, #tpu.memory_space<vmem_shared>>
    tpu.wait_indirect_dma semaphore(%arg29 : memref<!tpu.dma_semaphore, #tpu.memory_space<semaphore_mem>>) src(%arg19 : memref<2048xf32, #tpu.memory_space<vmem>>) dst(%dma_wait3A_145 : memref<100096xf32, #tpu.memory_space<vmem_shared>>)
    %add3A_146 = arith.constant 3008 : i32
    %add3A_147 = arith.addi %add3A_146, %add3A : i32
    %mul3A_148 = arith.constant 2048 : i32
    %mul3A_149 = arith.muli %add3A_147, %mul3A_148 : i32
    %dma_start3A_150 = tpu.memref_slice %arg2[%mul3A_149] : memref<6400000xf32, #tpu.memory_space<hbm>> -> memref<2048xf32, #tpu.memory_space<hbm>>
    %dma_start3A_151 = tpu.memref_slice %arg2[%mul3A_149] : memref<6400000xf32, #tpu.memory_space<hbm>> -> memref<2048xf32, #tpu.memory_space<hbm>>
    tpu.enqueue_dma source(%dma_start3A_151 : memref<2048xf32, #tpu.memory_space<hbm>>) target(%arg11 : memref<2048xf32, #tpu.memory_space<vmem>>) target_semaphore(%arg27 : memref<!tpu.dma_semaphore, #tpu.memory_space<semaphore_mem>>)
    %dma_start3A_152 = arith.constant 0 : i32
    %dma_start3A_153 = tpu.memref_slice %arg3[%dma_start3A_152, %mul3A_149] : memref<2x6400000xi32, #tpu.memory_space<hbm>> -> memref<2x2048xi32, #tpu.memory_space<hbm>>
    %dma_start3A_154 = arith.constant 0 : i32
    %dma_start3A_155 = tpu.memref_slice %arg3[%dma_start3A_154, %mul3A_149] : memref<2x6400000xi32, #tpu.memory_space<hbm>> -> memref<2x2048xi32, #tpu.memory_space<hbm>>
    tpu.enqueue_dma source(%dma_start3A_155 : memref<2x2048xi32, #tpu.memory_space<hbm>>) target(%arg15 : memref<2x2048xi32, #tpu.memory_space<vmem>>) target_semaphore(%arg27 : memref<!tpu.dma_semaphore, #tpu.memory_space<semaphore_mem>>)
    %parallel_loop3A_156 = arith.constant 0 : i32
    %parallel_loop3A_157 = arith.constant 2048 : i32
    %parallel_loop3A_158 = arith.constant 16 : i32
    scf.for %parallel_loop3A_265 = %parallel_loop3A_156 to %parallel_loop3A_157 step %parallel_loop3A_158  : i32 {
      %parallel_loop3A_266 = arith.constant 0 : i32
      %parallel_loop3A_267 = arith.index_cast %parallel_loop3A_266 : i32 to index
      %parallel_loop3A_268 = arith.index_cast %parallel_loop3A_265 : i32 to index
      %parallel_loop3A_269 = tpu.vector_load %arg13[%parallel_loop3A_267, %parallel_loop3A_268] {strides = array<i32>} : memref<2x2048xi32, #tpu.memory_space<vmem>>, vector<16xi32>,
      %parallel_loop3A_270 = arith.constant 1 : i32
      %parallel_loop3A_271 = arith.index_cast %parallel_loop3A_270 : i32 to index
      %parallel_loop3A_272 = arith.index_cast %parallel_loop3A_265 : i32 to index
      %parallel_loop3A_273 = tpu.vector_load %arg13[%parallel_loop3A_271, %parallel_loop3A_272] {strides = array<i32>} : memref<2x2048xi32, #tpu.memory_space<vmem>>, vector<16xi32>,
      %parallel_loop3A_274 = arith.index_cast %parallel_loop3A_265 : i32 to index
      %parallel_loop3A_275 = tpu.vector_load %arg21[%parallel_loop3A_274] {strides = array<i32>} : memref<2048xi32, #tpu.memory_space<vmem>>, vector<16xi32>,
      tpu.vector_store %arg21[%parallel_loop3A_274], %parallel_loop3A_269 {strides = array<i32>} : memref<2048xi32, #tpu.memory_space<vmem>>, vector<16xi32>,
      %parallel_loop3A_276 = arith.constant 2 : i32
      %parallel_loop3A_277 = vector.broadcast %parallel_loop3A_276 : i32 to vector<16xi32>
      %parallel_loop3A_278 = arith.shrsi %parallel_loop3A_269, %parallel_loop3A_277 : vector<16xi32>
      %parallel_loop3A_279 = tpu.vector_load_idx %arg7[%parallel_loop3A_278] : memref<25000xi32, #tpu.memory_space<vmem>>[vector<16xi32>], vector<16xi32>,
      %parallel_loop3A_280 = arith.constant 2 : i32
      %parallel_loop3A_281 = vector.broadcast %parallel_loop3A_280 : i32 to vector<16xi32>
      %parallel_loop3A_282 = arith.shrsi %parallel_loop3A_273, %parallel_loop3A_281 : vector<16xi32>
      %parallel_loop3A_283 = tpu.vector_load_idx %arg7[%parallel_loop3A_282] : memref<25000xi32, #tpu.memory_space<vmem>>[vector<16xi32>], vector<16xi32>,
      %parallel_loop3A_284 = arith.constant 3 : i32
      %parallel_loop3A_285 = vector.broadcast %parallel_loop3A_284 : i32 to vector<16xi32>
      %parallel_loop3A_286 = arith.andi %parallel_loop3A_269, %parallel_loop3A_285 : vector<16xi32>
      %parallel_loop3A_287 = arith.constant 3 : i32
      %parallel_loop3A_288 = vector.broadcast %parallel_loop3A_287 : i32 to vector<16xi32>
      %parallel_loop3A_289 = arith.shli %parallel_loop3A_286, %parallel_loop3A_288 : vector<16xi32>
      %parallel_loop3A_290 = arith.shrsi %parallel_loop3A_279, %parallel_loop3A_289 : vector<16xi32>
      %parallel_loop3A_291 = arith.constant 255 : i32
      %parallel_loop3A_292 = vector.broadcast %parallel_loop3A_291 : i32 to vector<16xi32>
      %parallel_loop3A_293 = arith.andi %parallel_loop3A_290, %parallel_loop3A_292 : vector<16xi32>
      %parallel_loop3A_294 = arith.constant 3 : i32
      %parallel_loop3A_295 = vector.broadcast %parallel_loop3A_294 : i32 to vector<16xi32>
      %parallel_loop3A_296 = arith.andi %parallel_loop3A_273, %parallel_loop3A_295 : vector<16xi32>
      %parallel_loop3A_297 = arith.constant 3 : i32
      %parallel_loop3A_298 = vector.broadcast %parallel_loop3A_297 : i32 to vector<16xi32>
      %parallel_loop3A_299 = arith.shli %parallel_loop3A_296, %parallel_loop3A_298 : vector<16xi32>
      %parallel_loop3A_300 = arith.shrsi %parallel_loop3A_283, %parallel_loop3A_299 : vector<16xi32>
      %parallel_loop3A_301 = arith.constant 255 : i32
      %parallel_loop3A_302 = vector.broadcast %parallel_loop3A_301 : i32 to vector<16xi32>
      %parallel_loop3A_303 = arith.andi %parallel_loop3A_300, %parallel_loop3A_302 : vector<16xi32>
      %parallel_loop3A_304 = arith.constant 4 : i32
      %parallel_loop3A_305 = vector.broadcast %parallel_loop3A_304 : i32 to vector<16xi32>
      %parallel_loop3A_306 = arith.shli %parallel_loop3A_293, %parallel_loop3A_305 : vector<16xi32>
      %parallel_loop3A_307 = arith.addi %parallel_loop3A_306, %parallel_loop3A_303 : vector<16xi32>
      %parallel_loop3A_308 = arith.index_cast %parallel_loop3A_265 : i32 to index
      %parallel_loop3A_309 = tpu.vector_load %arg9[%parallel_loop3A_308] {strides = array<i32>} : memref<2048xf32, #tpu.memory_space<vmem>>, vector<16xf32>,
      %parallel_loop3A_310 = tpu.vector_load_idx %arg8[%parallel_loop3A_307] : memref<256xf32, #tpu.memory_space<vmem>>[vector<16xi32>], vector<16xf32>,
      %parallel_loop3A_311 = arith.mulf %parallel_loop3A_309, %parallel_loop3A_310 : vector<16xf32>
      %parallel_loop3A_312 = arith.index_cast %parallel_loop3A_265 : i32 to index
      %parallel_loop3A_313 = tpu.vector_load %arg17[%parallel_loop3A_312] {strides = array<i32>} : memref<2048xf32, #tpu.memory_space<vmem>>, vector<16xf32>,
      tpu.vector_store %arg17[%parallel_loop3A_312], %parallel_loop3A_311 {strides = array<i32>} : memref<2048xf32, #tpu.memory_space<vmem>>, vector<16xf32>,
    } {sc.loop_unroll_factor = 4 : i64, sc.parallel_access}
    %dma_start3A_159 = arith.constant 0 : i32
    %dma_start3A_160 = tpu.memref_slice %arg32[%dma_start3A_159] : memref<100096xf32, #tpu.memory_space<vmem_shared>> -> memref<100096xf32, #tpu.memory_space<vmem_shared>>
    tpu.enqueue_indirect_dma source(%arg17 : memref<2048xf32, #tpu.memory_space<vmem>>) target(%dma_start3A_160 : memref<100096xf32, #tpu.memory_space<vmem_shared>>) offsets(%arg21 : memref<2048xi32, #tpu.memory_space<vmem>>) semaphore(%arg29 : memref<!tpu.dma_semaphore, #tpu.memory_space<semaphore_mem>>) {add = true}
    %add3A_161 = arith.constant 2976 : i32
    %add3A_162 = arith.addi %add3A_161, %add3A : i32
    %mul3A_163 = arith.constant 2048 : i32
    %mul3A_164 = arith.muli %add3A_162, %mul3A_163 : i32
    %dma_wait3A_165 = tpu.memref_slice %arg2[%mul3A_164] : memref<6400000xf32, #tpu.memory_space<hbm>> -> memref<2048xf32, #tpu.memory_space<hbm>>
    %dma_wait3A_166 = tpu.memref_slice %arg2[%mul3A_164] : memref<6400000xf32, #tpu.memory_space<hbm>> -> memref<2048xf32, #tpu.memory_space<hbm>>
    tpu.wait_dma2 semaphore(%arg26 : memref<!tpu.dma_semaphore, #tpu.memory_space<semaphore_mem>>) src(%dma_wait3A_166 : memref<2048xf32, #tpu.memory_space<hbm>>) dst(%arg10 : memref<2048xf32, #tpu.memory_space<vmem>>)
    %dma_wait3A_167 = arith.constant 0 : i32
    %dma_wait3A_168 = tpu.memref_slice %arg3[%dma_wait3A_167, %mul3A_164] : memref<2x6400000xi32, #tpu.memory_space<hbm>> -> memref<2x2048xi32, #tpu.memory_space<hbm>>
    %dma_wait3A_169 = arith.constant 0 : i32
    %dma_wait3A_170 = tpu.memref_slice %arg3[%dma_wait3A_169, %mul3A_164] : memref<2x6400000xi32, #tpu.memory_space<hbm>> -> memref<2x2048xi32, #tpu.memory_space<hbm>>
    tpu.wait_dma2 semaphore(%arg26 : memref<!tpu.dma_semaphore, #tpu.memory_space<semaphore_mem>>) src(%dma_wait3A_170 : memref<2x2048xi32, #tpu.memory_space<hbm>>) dst(%arg14 : memref<2x2048xi32, #tpu.memory_space<vmem>>)
    %dma_wait3A_171 = arith.constant 0 : i32
    %dma_wait3A_172 = tpu.memref_slice %arg32[%dma_wait3A_171] : memref<100096xf32, #tpu.memory_space<vmem_shared>> -> memref<100096xf32, #tpu.memory_space<vmem_shared>>
    tpu.wait_indirect_dma semaphore(%arg30 : memref<!tpu.dma_semaphore, #tpu.memory_space<semaphore_mem>>) src(%arg20 : memref<2048xf32, #tpu.memory_space<vmem>>) dst(%dma_wait3A_172 : memref<100096xf32, #tpu.memory_space<vmem_shared>>)
    %add3A_173 = arith.constant 3040 : i32
    %add3A_174 = arith.addi %add3A_173, %add3A : i32
    %mul3A_175 = arith.constant 2048 : i32
    %mul3A_176 = arith.muli %add3A_174, %mul3A_175 : i32
    %dma_start3A_177 = tpu.memref_slice %arg2[%mul3A_176] : memref<6400000xf32, #tpu.memory_space<hbm>> -> memref<2048xf32, #tpu.memory_space<hbm>>
    %dma_start3A_178 = tpu.memref_slice %arg2[%mul3A_176] : memref<6400000xf32, #tpu.memory_space<hbm>> -> memref<2048xf32, #tpu.memory_space<hbm>>
    tpu.enqueue_dma source(%dma_start3A_178 : memref<2048xf32, #tpu.memory_space<hbm>>) target(%arg12 : memref<2048xf32, #tpu.memory_space<vmem>>) target_semaphore(%arg28 : memref<!tpu.dma_semaphore, #tpu.memory_space<semaphore_mem>>)
    %dma_start3A_179 = arith.constant 0 : i32
    %dma_start3A_180 = tpu.memref_slice %arg3[%dma_start3A_179, %mul3A_176] : memref<2x6400000xi32, #tpu.memory_space<hbm>> -> memref<2x2048xi32, #tpu.memory_space<hbm>>
    %dma_start3A_181 = arith.constant 0 : i32
    %dma_start3A_182 = tpu.memref_slice %arg3[%dma_start3A_181, %mul3A_176] : memref<2x6400000xi32, #tpu.memory_space<hbm>> -> memref<2x2048xi32, #tpu.memory_space<hbm>>
    tpu.enqueue_dma source(%dma_start3A_182 : memref<2x2048xi32, #tpu.memory_space<hbm>>) target(%arg16 : memref<2x2048xi32, #tpu.memory_space<vmem>>) target_semaphore(%arg28 : memref<!tpu.dma_semaphore, #tpu.memory_space<semaphore_mem>>)
    %parallel_loop3A_183 = arith.constant 0 : i32
    %parallel_loop3A_184 = arith.constant 2048 : i32
    %parallel_loop3A_185 = arith.constant 16 : i32
    scf.for %parallel_loop3A_265 = %parallel_loop3A_183 to %parallel_loop3A_184 step %parallel_loop3A_185  : i32 {
      %parallel_loop3A_266 = arith.constant 0 : i32
      %parallel_loop3A_267 = arith.index_cast %parallel_loop3A_266 : i32 to index
      %parallel_loop3A_268 = arith.index_cast %parallel_loop3A_265 : i32 to index
      %parallel_loop3A_269 = tpu.vector_load %arg14[%parallel_loop3A_267, %parallel_loop3A_268] {strides = array<i32>} : memref<2x2048xi32, #tpu.memory_space<vmem>>, vector<16xi32>,
      %parallel_loop3A_270 = arith.constant 1 : i32
      %parallel_loop3A_271 = arith.index_cast %parallel_loop3A_270 : i32 to index
      %parallel_loop3A_272 = arith.index_cast %parallel_loop3A_265 : i32 to index
      %parallel_loop3A_273 = tpu.vector_load %arg14[%parallel_loop3A_271, %parallel_loop3A_272] {strides = array<i32>} : memref<2x2048xi32, #tpu.memory_space<vmem>>, vector<16xi32>,
      %parallel_loop3A_274 = arith.index_cast %parallel_loop3A_265 : i32 to index
      %parallel_loop3A_275 = tpu.vector_load %arg22[%parallel_loop3A_274] {strides = array<i32>} : memref<2048xi32, #tpu.memory_space<vmem>>, vector<16xi32>,
      tpu.vector_store %arg22[%parallel_loop3A_274], %parallel_loop3A_269 {strides = array<i32>} : memref<2048xi32, #tpu.memory_space<vmem>>, vector<16xi32>,
      %parallel_loop3A_276 = arith.constant 2 : i32
      %parallel_loop3A_277 = vector.broadcast %parallel_loop3A_276 : i32 to vector<16xi32>
      %parallel_loop3A_278 = arith.shrsi %parallel_loop3A_269, %parallel_loop3A_277 : vector<16xi32>
      %parallel_loop3A_279 = tpu.vector_load_idx %arg7[%parallel_loop3A_278] : memref<25000xi32, #tpu.memory_space<vmem>>[vector<16xi32>], vector<16xi32>,
      %parallel_loop3A_280 = arith.constant 2 : i32
      %parallel_loop3A_281 = vector.broadcast %parallel_loop3A_280 : i32 to vector<16xi32>
      %parallel_loop3A_282 = arith.shrsi %parallel_loop3A_273, %parallel_loop3A_281 : vector<16xi32>
      %parallel_loop3A_283 = tpu.vector_load_idx %arg7[%parallel_loop3A_282] : memref<25000xi32, #tpu.memory_space<vmem>>[vector<16xi32>], vector<16xi32>,
      %parallel_loop3A_284 = arith.constant 3 : i32
      %parallel_loop3A_285 = vector.broadcast %parallel_loop3A_284 : i32 to vector<16xi32>
      %parallel_loop3A_286 = arith.andi %parallel_loop3A_269, %parallel_loop3A_285 : vector<16xi32>
      %parallel_loop3A_287 = arith.constant 3 : i32
      %parallel_loop3A_288 = vector.broadcast %parallel_loop3A_287 : i32 to vector<16xi32>
      %parallel_loop3A_289 = arith.shli %parallel_loop3A_286, %parallel_loop3A_288 : vector<16xi32>
      %parallel_loop3A_290 = arith.shrsi %parallel_loop3A_279, %parallel_loop3A_289 : vector<16xi32>
      %parallel_loop3A_291 = arith.constant 255 : i32
      %parallel_loop3A_292 = vector.broadcast %parallel_loop3A_291 : i32 to vector<16xi32>
      %parallel_loop3A_293 = arith.andi %parallel_loop3A_290, %parallel_loop3A_292 : vector<16xi32>
      %parallel_loop3A_294 = arith.constant 3 : i32
      %parallel_loop3A_295 = vector.broadcast %parallel_loop3A_294 : i32 to vector<16xi32>
      %parallel_loop3A_296 = arith.andi %parallel_loop3A_273, %parallel_loop3A_295 : vector<16xi32>
      %parallel_loop3A_297 = arith.constant 3 : i32
      %parallel_loop3A_298 = vector.broadcast %parallel_loop3A_297 : i32 to vector<16xi32>
      %parallel_loop3A_299 = arith.shli %parallel_loop3A_296, %parallel_loop3A_298 : vector<16xi32>
      %parallel_loop3A_300 = arith.shrsi %parallel_loop3A_283, %parallel_loop3A_299 : vector<16xi32>
      %parallel_loop3A_301 = arith.constant 255 : i32
      %parallel_loop3A_302 = vector.broadcast %parallel_loop3A_301 : i32 to vector<16xi32>
      %parallel_loop3A_303 = arith.andi %parallel_loop3A_300, %parallel_loop3A_302 : vector<16xi32>
      %parallel_loop3A_304 = arith.constant 4 : i32
      %parallel_loop3A_305 = vector.broadcast %parallel_loop3A_304 : i32 to vector<16xi32>
      %parallel_loop3A_306 = arith.shli %parallel_loop3A_293, %parallel_loop3A_305 : vector<16xi32>
      %parallel_loop3A_307 = arith.addi %parallel_loop3A_306, %parallel_loop3A_303 : vector<16xi32>
      %parallel_loop3A_308 = arith.index_cast %parallel_loop3A_265 : i32 to index
      %parallel_loop3A_309 = tpu.vector_load %arg10[%parallel_loop3A_308] {strides = array<i32>} : memref<2048xf32, #tpu.memory_space<vmem>>, vector<16xf32>,
      %parallel_loop3A_310 = tpu.vector_load_idx %arg8[%parallel_loop3A_307] : memref<256xf32, #tpu.memory_space<vmem>>[vector<16xi32>], vector<16xf32>,
      %parallel_loop3A_311 = arith.mulf %parallel_loop3A_309, %parallel_loop3A_310 : vector<16xf32>
      %parallel_loop3A_312 = arith.index_cast %parallel_loop3A_265 : i32 to index
      %parallel_loop3A_313 = tpu.vector_load %arg18[%parallel_loop3A_312] {strides = array<i32>} : memref<2048xf32, #tpu.memory_space<vmem>>, vector<16xf32>,
      tpu.vector_store %arg18[%parallel_loop3A_312], %parallel_loop3A_311 {strides = array<i32>} : memref<2048xf32, #tpu.memory_space<vmem>>, vector<16xf32>,
    } {sc.loop_unroll_factor = 4 : i64, sc.parallel_access}
    %dma_start3A_186 = arith.constant 0 : i32
    %dma_start3A_187 = tpu.memref_slice %arg32[%dma_start3A_186] : memref<100096xf32, #tpu.memory_space<vmem_shared>> -> memref<100096xf32, #tpu.memory_space<vmem_shared>>
    tpu.enqueue_indirect_dma source(%arg18 : memref<2048xf32, #tpu.memory_space<vmem>>) target(%dma_start3A_187 : memref<100096xf32, #tpu.memory_space<vmem_shared>>) offsets(%arg22 : memref<2048xi32, #tpu.memory_space<vmem>>) semaphore(%arg30 : memref<!tpu.dma_semaphore, #tpu.memory_space<semaphore_mem>>) {add = true}
    %add3A_188 = arith.constant 3008 : i32
    %add3A_189 = arith.addi %add3A_188, %add3A : i32
    %mul3A_190 = arith.constant 2048 : i32
    %mul3A_191 = arith.muli %add3A_189, %mul3A_190 : i32
    %dma_wait3A_192 = tpu.memref_slice %arg2[%mul3A_191] : memref<6400000xf32, #tpu.memory_space<hbm>> -> memref<2048xf32, #tpu.memory_space<hbm>>
    %dma_wait3A_193 = tpu.memref_slice %arg2[%mul3A_191] : memref<6400000xf32, #tpu.memory_space<hbm>> -> memref<2048xf32, #tpu.memory_space<hbm>>
    tpu.wait_dma2 semaphore(%arg27 : memref<!tpu.dma_semaphore, #tpu.memory_space<semaphore_mem>>) src(%dma_wait3A_193 : memref<2048xf32, #tpu.memory_space<hbm>>) dst(%arg11 : memref<2048xf32, #tpu.memory_space<vmem>>)
    %dma_wait3A_194 = arith.constant 0 : i32
    %dma_wait3A_195 = tpu.memref_slice %arg3[%dma_wait3A_194, %mul3A_191] : memref<2x6400000xi32, #tpu.memory_space<hbm>> -> memref<2x2048xi32, #tpu.memory_space<hbm>>
    %dma_wait3A_196 = arith.constant 0 : i32
    %dma_wait3A_197 = tpu.memref_slice %arg3[%dma_wait3A_196, %mul3A_191] : memref<2x6400000xi32, #tpu.memory_space<hbm>> -> memref<2x2048xi32, #tpu.memory_space<hbm>>
    tpu.wait_dma2 semaphore(%arg27 : memref<!tpu.dma_semaphore, #tpu.memory_space<semaphore_mem>>) src(%dma_wait3A_197 : memref<2x2048xi32, #tpu.memory_space<hbm>>) dst(%arg15 : memref<2x2048xi32, #tpu.memory_space<vmem>>)
    %dma_wait3A_198 = arith.constant 0 : i32
    %dma_wait3A_199 = tpu.memref_slice %arg32[%dma_wait3A_198] : memref<100096xf32, #tpu.memory_space<vmem_shared>> -> memref<100096xf32, #tpu.memory_space<vmem_shared>>
    tpu.wait_indirect_dma semaphore(%arg29 : memref<!tpu.dma_semaphore, #tpu.memory_space<semaphore_mem>>) src(%arg17 : memref<2048xf32, #tpu.memory_space<vmem>>) dst(%dma_wait3A_199 : memref<100096xf32, #tpu.memory_space<vmem_shared>>)
    %add3A_200 = arith.constant 3072 : i32
    %add3A_201 = arith.addi %add3A_200, %add3A : i32
    %mul3A_202 = arith.constant 2048 : i32
    %mul3A_203 = arith.muli %add3A_201, %mul3A_202 : i32
    %dma_start3A_204 = tpu.memref_slice %arg2[%mul3A_203] : memref<6400000xf32, #tpu.memory_space<hbm>> -> memref<2048xf32, #tpu.memory_space<hbm>>
    %dma_start3A_205 = tpu.memref_slice %arg2[%mul3A_203] : memref<6400000xf32, #tpu.memory_space<hbm>> -> memref<2048xf32, #tpu.memory_space<hbm>>
    tpu.enqueue_dma source(%dma_start3A_205 : memref<2048xf32, #tpu.memory_space<hbm>>) target(%arg9 : memref<2048xf32, #tpu.memory_space<vmem>>) target_semaphore(%arg25 : memref<!tpu.dma_semaphore, #tpu.memory_space<semaphore_mem>>)
    %dma_start3A_206 = arith.constant 0 : i32
    %dma_start3A_207 = tpu.memref_slice %arg3[%dma_start3A_206, %mul3A_203] : memref<2x6400000xi32, #tpu.memory_space<hbm>> -> memref<2x2048xi32, #tpu.memory_space<hbm>>
    %dma_start3A_208 = arith.constant 0 : i32
    %dma_start3A_209 = tpu.memref_slice %arg3[%dma_start3A_208, %mul3A_203] : memref<2x6400000xi32, #tpu.memory_space<hbm>> -> memref<2x2048xi32, #tpu.memory_space<hbm>>
    tpu.enqueue_dma source(%dma_start3A_209 : memref<2x2048xi32, #tpu.memory_space<hbm>>) target(%arg13 : memref<2x2048xi32, #tpu.memory_space<vmem>>) target_semaphore(%arg25 : memref<!tpu.dma_semaphore, #tpu.memory_space<semaphore_mem>>)
    %parallel_loop3A_210 = arith.constant 0 : i32
    %parallel_loop3A_211 = arith.constant 2048 : i32
    %parallel_loop3A_212 = arith.constant 16 : i32
    scf.for %parallel_loop3A_265 = %parallel_loop3A_210 to %parallel_loop3A_211 step %parallel_loop3A_212  : i32 {
      %parallel_loop3A_266 = arith.constant 0 : i32
      %parallel_loop3A_267 = arith.index_cast %parallel_loop3A_266 : i32 to index
      %parallel_loop3A_268 = arith.index_cast %parallel_loop3A_265 : i32 to index
      %parallel_loop3A_269 = tpu.vector_load %arg15[%parallel_loop3A_267, %parallel_loop3A_268] {strides = array<i32>} : memref<2x2048xi32, #tpu.memory_space<vmem>>, vector<16xi32>,
      %parallel_loop3A_270 = arith.constant 1 : i32
      %parallel_loop3A_271 = arith.index_cast %parallel_loop3A_270 : i32 to index
      %parallel_loop3A_272 = arith.index_cast %parallel_loop3A_265 : i32 to index
      %parallel_loop3A_273 = tpu.vector_load %arg15[%parallel_loop3A_271, %parallel_loop3A_272] {strides = array<i32>} : memref<2x2048xi32, #tpu.memory_space<vmem>>, vector<16xi32>,
      %parallel_loop3A_274 = arith.index_cast %parallel_loop3A_265 : i32 to index
      %parallel_loop3A_275 = tpu.vector_load %arg23[%parallel_loop3A_274] {strides = array<i32>} : memref<2048xi32, #tpu.memory_space<vmem>>, vector<16xi32>,
      tpu.vector_store %arg23[%parallel_loop3A_274], %parallel_loop3A_269 {strides = array<i32>} : memref<2048xi32, #tpu.memory_space<vmem>>, vector<16xi32>,
      %parallel_loop3A_276 = arith.constant 2 : i32
      %parallel_loop3A_277 = vector.broadcast %parallel_loop3A_276 : i32 to vector<16xi32>
      %parallel_loop3A_278 = arith.shrsi %parallel_loop3A_269, %parallel_loop3A_277 : vector<16xi32>
      %parallel_loop3A_279 = tpu.vector_load_idx %arg7[%parallel_loop3A_278] : memref<25000xi32, #tpu.memory_space<vmem>>[vector<16xi32>], vector<16xi32>,
      %parallel_loop3A_280 = arith.constant 2 : i32
      %parallel_loop3A_281 = vector.broadcast %parallel_loop3A_280 : i32 to vector<16xi32>
      %parallel_loop3A_282 = arith.shrsi %parallel_loop3A_273, %parallel_loop3A_281 : vector<16xi32>
      %parallel_loop3A_283 = tpu.vector_load_idx %arg7[%parallel_loop3A_282] : memref<25000xi32, #tpu.memory_space<vmem>>[vector<16xi32>], vector<16xi32>,
      %parallel_loop3A_284 = arith.constant 3 : i32
      %parallel_loop3A_285 = vector.broadcast %parallel_loop3A_284 : i32 to vector<16xi32>
      %parallel_loop3A_286 = arith.andi %parallel_loop3A_269, %parallel_loop3A_285 : vector<16xi32>
      %parallel_loop3A_287 = arith.constant 3 : i32
      %parallel_loop3A_288 = vector.broadcast %parallel_loop3A_287 : i32 to vector<16xi32>
      %parallel_loop3A_289 = arith.shli %parallel_loop3A_286, %parallel_loop3A_288 : vector<16xi32>
      %parallel_loop3A_290 = arith.shrsi %parallel_loop3A_279, %parallel_loop3A_289 : vector<16xi32>
      %parallel_loop3A_291 = arith.constant 255 : i32
      %parallel_loop3A_292 = vector.broadcast %parallel_loop3A_291 : i32 to vector<16xi32>
      %parallel_loop3A_293 = arith.andi %parallel_loop3A_290, %parallel_loop3A_292 : vector<16xi32>
      %parallel_loop3A_294 = arith.constant 3 : i32
      %parallel_loop3A_295 = vector.broadcast %parallel_loop3A_294 : i32 to vector<16xi32>
      %parallel_loop3A_296 = arith.andi %parallel_loop3A_273, %parallel_loop3A_295 : vector<16xi32>
      %parallel_loop3A_297 = arith.constant 3 : i32
      %parallel_loop3A_298 = vector.broadcast %parallel_loop3A_297 : i32 to vector<16xi32>
      %parallel_loop3A_299 = arith.shli %parallel_loop3A_296, %parallel_loop3A_298 : vector<16xi32>
      %parallel_loop3A_300 = arith.shrsi %parallel_loop3A_283, %parallel_loop3A_299 : vector<16xi32>
      %parallel_loop3A_301 = arith.constant 255 : i32
      %parallel_loop3A_302 = vector.broadcast %parallel_loop3A_301 : i32 to vector<16xi32>
      %parallel_loop3A_303 = arith.andi %parallel_loop3A_300, %parallel_loop3A_302 : vector<16xi32>
      %parallel_loop3A_304 = arith.constant 4 : i32
      %parallel_loop3A_305 = vector.broadcast %parallel_loop3A_304 : i32 to vector<16xi32>
      %parallel_loop3A_306 = arith.shli %parallel_loop3A_293, %parallel_loop3A_305 : vector<16xi32>
      %parallel_loop3A_307 = arith.addi %parallel_loop3A_306, %parallel_loop3A_303 : vector<16xi32>
      %parallel_loop3A_308 = arith.index_cast %parallel_loop3A_265 : i32 to index
      %parallel_loop3A_309 = tpu.vector_load %arg11[%parallel_loop3A_308] {strides = array<i32>} : memref<2048xf32, #tpu.memory_space<vmem>>, vector<16xf32>,
      %parallel_loop3A_310 = tpu.vector_load_idx %arg8[%parallel_loop3A_307] : memref<256xf32, #tpu.memory_space<vmem>>[vector<16xi32>], vector<16xf32>,
      %parallel_loop3A_311 = arith.mulf %parallel_loop3A_309, %parallel_loop3A_310 : vector<16xf32>
      %parallel_loop3A_312 = arith.index_cast %parallel_loop3A_265 : i32 to index
      %parallel_loop3A_313 = tpu.vector_load %arg19[%parallel_loop3A_312] {strides = array<i32>} : memref<2048xf32, #tpu.memory_space<vmem>>, vector<16xf32>,
      tpu.vector_store %arg19[%parallel_loop3A_312], %parallel_loop3A_311 {strides = array<i32>} : memref<2048xf32, #tpu.memory_space<vmem>>, vector<16xf32>,
    } {sc.loop_unroll_factor = 4 : i64, sc.parallel_access}
    %dma_start3A_213 = arith.constant 0 : i32
    %dma_start3A_214 = tpu.memref_slice %arg32[%dma_start3A_213] : memref<100096xf32, #tpu.memory_space<vmem_shared>> -> memref<100096xf32, #tpu.memory_space<vmem_shared>>
    tpu.enqueue_indirect_dma source(%arg19 : memref<2048xf32, #tpu.memory_space<vmem>>) target(%dma_start3A_214 : memref<100096xf32, #tpu.memory_space<vmem_shared>>) offsets(%arg23 : memref<2048xi32, #tpu.memory_space<vmem>>) semaphore(%arg29 : memref<!tpu.dma_semaphore, #tpu.memory_space<semaphore_mem>>) {add = true}
    %add3A_215 = arith.constant 3040 : i32
    %add3A_216 = arith.addi %add3A_215, %add3A : i32
    %mul3A_217 = arith.constant 2048 : i32
    %mul3A_218 = arith.muli %add3A_216, %mul3A_217 : i32
    %dma_wait3A_219 = tpu.memref_slice %arg2[%mul3A_218] : memref<6400000xf32, #tpu.memory_space<hbm>> -> memref<2048xf32, #tpu.memory_space<hbm>>
    %dma_wait3A_220 = tpu.memref_slice %arg2[%mul3A_218] : memref<6400000xf32, #tpu.memory_space<hbm>> -> memref<2048xf32, #tpu.memory_space<hbm>>
    tpu.wait_dma2 semaphore(%arg28 : memref<!tpu.dma_semaphore, #tpu.memory_space<semaphore_mem>>) src(%dma_wait3A_220 : memref<2048xf32, #tpu.memory_space<hbm>>) dst(%arg12 : memref<2048xf32, #tpu.memory_space<vmem>>)
    %dma_wait3A_221 = arith.constant 0 : i32
    %dma_wait3A_222 = tpu.memref_slice %arg3[%dma_wait3A_221, %mul3A_218] : memref<2x6400000xi32, #tpu.memory_space<hbm>> -> memref<2x2048xi32, #tpu.memory_space<hbm>>
    %dma_wait3A_223 = arith.constant 0 : i32
    %dma_wait3A_224 = tpu.memref_slice %arg3[%dma_wait3A_223, %mul3A_218] : memref<2x6400000xi32, #tpu.memory_space<hbm>> -> memref<2x2048xi32, #tpu.memory_space<hbm>>
    tpu.wait_dma2 semaphore(%arg28 : memref<!tpu.dma_semaphore, #tpu.memory_space<semaphore_mem>>) src(%dma_wait3A_224 : memref<2x2048xi32, #tpu.memory_space<hbm>>) dst(%arg16 : memref<2x2048xi32, #tpu.memory_space<vmem>>)
    %dma_wait3A_225 = arith.constant 0 : i32
    %dma_wait3A_226 = tpu.memref_slice %arg32[%dma_wait3A_225] : memref<100096xf32, #tpu.memory_space<vmem_shared>> -> memref<100096xf32, #tpu.memory_space<vmem_shared>>
    tpu.wait_indirect_dma semaphore(%arg30 : memref<!tpu.dma_semaphore, #tpu.memory_space<semaphore_mem>>) src(%arg18 : memref<2048xf32, #tpu.memory_space<vmem>>) dst(%dma_wait3A_226 : memref<100096xf32, #tpu.memory_space<vmem_shared>>)
    %convert_element_type3A = arith.extui %lt3A_133 : i1 to i32
    %cond3A = arith.constant 0 : i32
    %cond3A_227 = arith.cmpi ne, %convert_element_type3A, %cond3A : i32
    scf.if %cond3A_227 {
      %add3A_265 = arith.constant 3104 : i32
      %add3A_266 = arith.addi %add3A_265, %add3A : i32
      %mul3A_267 = arith.constant 2048 : i32
      %mul3A_268 = arith.muli %add3A_266, %mul3A_267 : i32
      %dma_start3A_269 = tpu.memref_slice %arg2[%mul3A_268] : memref<6400000xf32, #tpu.memory_space<hbm>> -> memref<2048xf32, #tpu.memory_space<hbm>>
      %dma_start3A_270 = tpu.memref_slice %arg2[%mul3A_268] : memref<6400000xf32, #tpu.memory_space<hbm>> -> memref<2048xf32, #tpu.memory_space<hbm>>
      tpu.enqueue_dma source(%dma_start3A_270 : memref<2048xf32, #tpu.memory_space<hbm>>) target(%arg10 : memref<2048xf32, #tpu.memory_space<vmem>>) target_semaphore(%arg26 : memref<!tpu.dma_semaphore, #tpu.memory_space<semaphore_mem>>)
      %dma_start3A_271 = arith.constant 0 : i32
      %dma_start3A_272 = tpu.memref_slice %arg3[%dma_start3A_271, %mul3A_268] : memref<2x6400000xi32, #tpu.memory_space<hbm>> -> memref<2x2048xi32, #tpu.memory_space<hbm>>
      %dma_start3A_273 = arith.constant 0 : i32
      %dma_start3A_274 = tpu.memref_slice %arg3[%dma_start3A_273, %mul3A_268] : memref<2x6400000xi32, #tpu.memory_space<hbm>> -> memref<2x2048xi32, #tpu.memory_space<hbm>>
      tpu.enqueue_dma source(%dma_start3A_274 : memref<2x2048xi32, #tpu.memory_space<hbm>>) target(%arg14 : memref<2x2048xi32, #tpu.memory_space<vmem>>) target_semaphore(%arg26 : memref<!tpu.dma_semaphore, #tpu.memory_space<semaphore_mem>>)
    } else {
    }
    %parallel_loop3A_228 = arith.constant 0 : i32
    %parallel_loop3A_229 = arith.constant 2048 : i32
    %parallel_loop3A_230 = arith.constant 16 : i32
    scf.for %parallel_loop3A_265 = %parallel_loop3A_228 to %parallel_loop3A_229 step %parallel_loop3A_230  : i32 {
      %parallel_loop3A_266 = arith.constant 0 : i32
      %parallel_loop3A_267 = arith.index_cast %parallel_loop3A_266 : i32 to index
      %parallel_loop3A_268 = arith.index_cast %parallel_loop3A_265 : i32 to index
      %parallel_loop3A_269 = tpu.vector_load %arg16[%parallel_loop3A_267, %parallel_loop3A_268] {strides = array<i32>} : memref<2x2048xi32, #tpu.memory_space<vmem>>, vector<16xi32>,
      %parallel_loop3A_270 = arith.constant 1 : i32
      %parallel_loop3A_271 = arith.index_cast %parallel_loop3A_270 : i32 to index
      %parallel_loop3A_272 = arith.index_cast %parallel_loop3A_265 : i32 to index
      %parallel_loop3A_273 = tpu.vector_load %arg16[%parallel_loop3A_271, %parallel_loop3A_272] {strides = array<i32>} : memref<2x2048xi32, #tpu.memory_space<vmem>>, vector<16xi32>,
      %parallel_loop3A_274 = arith.index_cast %parallel_loop3A_265 : i32 to index
      %parallel_loop3A_275 = tpu.vector_load %arg24[%parallel_loop3A_274] {strides = array<i32>} : memref<2048xi32, #tpu.memory_space<vmem>>, vector<16xi32>,
      tpu.vector_store %arg24[%parallel_loop3A_274], %parallel_loop3A_269 {strides = array<i32>} : memref<2048xi32, #tpu.memory_space<vmem>>, vector<16xi32>,
      %parallel_loop3A_276 = arith.constant 2 : i32
      %parallel_loop3A_277 = vector.broadcast %parallel_loop3A_276 : i32 to vector<16xi32>
      %parallel_loop3A_278 = arith.shrsi %parallel_loop3A_269, %parallel_loop3A_277 : vector<16xi32>
      %parallel_loop3A_279 = tpu.vector_load_idx %arg7[%parallel_loop3A_278] : memref<25000xi32, #tpu.memory_space<vmem>>[vector<16xi32>], vector<16xi32>,
      %parallel_loop3A_280 = arith.constant 2 : i32
      %parallel_loop3A_281 = vector.broadcast %parallel_loop3A_280 : i32 to vector<16xi32>
      %parallel_loop3A_282 = arith.shrsi %parallel_loop3A_273, %parallel_loop3A_281 : vector<16xi32>
      %parallel_loop3A_283 = tpu.vector_load_idx %arg7[%parallel_loop3A_282] : memref<25000xi32, #tpu.memory_space<vmem>>[vector<16xi32>], vector<16xi32>,
      %parallel_loop3A_284 = arith.constant 3 : i32
      %parallel_loop3A_285 = vector.broadcast %parallel_loop3A_284 : i32 to vector<16xi32>
      %parallel_loop3A_286 = arith.andi %parallel_loop3A_269, %parallel_loop3A_285 : vector<16xi32>
      %parallel_loop3A_287 = arith.constant 3 : i32
      %parallel_loop3A_288 = vector.broadcast %parallel_loop3A_287 : i32 to vector<16xi32>
      %parallel_loop3A_289 = arith.shli %parallel_loop3A_286, %parallel_loop3A_288 : vector<16xi32>
      %parallel_loop3A_290 = arith.shrsi %parallel_loop3A_279, %parallel_loop3A_289 : vector<16xi32>
      %parallel_loop3A_291 = arith.constant 255 : i32
      %parallel_loop3A_292 = vector.broadcast %parallel_loop3A_291 : i32 to vector<16xi32>
      %parallel_loop3A_293 = arith.andi %parallel_loop3A_290, %parallel_loop3A_292 : vector<16xi32>
      %parallel_loop3A_294 = arith.constant 3 : i32
      %parallel_loop3A_295 = vector.broadcast %parallel_loop3A_294 : i32 to vector<16xi32>
      %parallel_loop3A_296 = arith.andi %parallel_loop3A_273, %parallel_loop3A_295 : vector<16xi32>
      %parallel_loop3A_297 = arith.constant 3 : i32
      %parallel_loop3A_298 = vector.broadcast %parallel_loop3A_297 : i32 to vector<16xi32>
      %parallel_loop3A_299 = arith.shli %parallel_loop3A_296, %parallel_loop3A_298 : vector<16xi32>
      %parallel_loop3A_300 = arith.shrsi %parallel_loop3A_283, %parallel_loop3A_299 : vector<16xi32>
      %parallel_loop3A_301 = arith.constant 255 : i32
      %parallel_loop3A_302 = vector.broadcast %parallel_loop3A_301 : i32 to vector<16xi32>
      %parallel_loop3A_303 = arith.andi %parallel_loop3A_300, %parallel_loop3A_302 : vector<16xi32>
      %parallel_loop3A_304 = arith.constant 4 : i32
      %parallel_loop3A_305 = vector.broadcast %parallel_loop3A_304 : i32 to vector<16xi32>
      %parallel_loop3A_306 = arith.shli %parallel_loop3A_293, %parallel_loop3A_305 : vector<16xi32>
      %parallel_loop3A_307 = arith.addi %parallel_loop3A_306, %parallel_loop3A_303 : vector<16xi32>
      %parallel_loop3A_308 = arith.index_cast %parallel_loop3A_265 : i32 to index
      %parallel_loop3A_309 = tpu.vector_load %arg12[%parallel_loop3A_308] {strides = array<i32>} : memref<2048xf32, #tpu.memory_space<vmem>>, vector<16xf32>,
      %parallel_loop3A_310 = tpu.vector_load_idx %arg8[%parallel_loop3A_307] : memref<256xf32, #tpu.memory_space<vmem>>[vector<16xi32>], vector<16xf32>,
      %parallel_loop3A_311 = arith.mulf %parallel_loop3A_309, %parallel_loop3A_310 : vector<16xf32>
      %parallel_loop3A_312 = arith.index_cast %parallel_loop3A_265 : i32 to index
      %parallel_loop3A_313 = tpu.vector_load %arg20[%parallel_loop3A_312] {strides = array<i32>} : memref<2048xf32, #tpu.memory_space<vmem>>, vector<16xf32>,
      tpu.vector_store %arg20[%parallel_loop3A_312], %parallel_loop3A_311 {strides = array<i32>} : memref<2048xf32, #tpu.memory_space<vmem>>, vector<16xf32>,
    } {sc.loop_unroll_factor = 4 : i64, sc.parallel_access}
    %dma_start3A_231 = arith.constant 0 : i32
    %dma_start3A_232 = tpu.memref_slice %arg32[%dma_start3A_231] : memref<100096xf32, #tpu.memory_space<vmem_shared>> -> memref<100096xf32, #tpu.memory_space<vmem_shared>>
    tpu.enqueue_indirect_dma source(%arg20 : memref<2048xf32, #tpu.memory_space<vmem>>) target(%dma_start3A_232 : memref<100096xf32, #tpu.memory_space<vmem_shared>>) offsets(%arg24 : memref<2048xi32, #tpu.memory_space<vmem>>) semaphore(%arg30 : memref<!tpu.dma_semaphore, #tpu.memory_space<semaphore_mem>>) {add = true}
    %add3A_233 = arith.constant 3072 : i32
    %add3A_234 = arith.addi %add3A_233, %add3A : i32
    %mul3A_235 = arith.constant 2048 : i32
    %mul3A_236 = arith.muli %add3A_234, %mul3A_235 : i32
    %dma_wait3A_237 = tpu.memref_slice %arg2[%mul3A_236] : memref<6400000xf32, #tpu.memory_space<hbm>> -> memref<2048xf32, #tpu.memory_space<hbm>>
    %dma_wait3A_238 = tpu.memref_slice %arg2[%mul3A_236] : memref<6400000xf32, #tpu.memory_space<hbm>> -> memref<2048xf32, #tpu.memory_space<hbm>>
    tpu.wait_dma2 semaphore(%arg25 : memref<!tpu.dma_semaphore, #tpu.memory_space<semaphore_mem>>) src(%dma_wait3A_238 : memref<2048xf32, #tpu.memory_space<hbm>>) dst(%arg9 : memref<2048xf32, #tpu.memory_space<vmem>>)
    %dma_wait3A_239 = arith.constant 0 : i32
    %dma_wait3A_240 = tpu.memref_slice %arg3[%dma_wait3A_239, %mul3A_236] : memref<2x6400000xi32, #tpu.memory_space<hbm>> -> memref<2x2048xi32, #tpu.memory_space<hbm>>
    %dma_wait3A_241 = arith.constant 0 : i32
    %dma_wait3A_242 = tpu.memref_slice %arg3[%dma_wait3A_241, %mul3A_236] : memref<2x6400000xi32, #tpu.memory_space<hbm>> -> memref<2x2048xi32, #tpu.memory_space<hbm>>
    tpu.wait_dma2 semaphore(%arg25 : memref<!tpu.dma_semaphore, #tpu.memory_space<semaphore_mem>>) src(%dma_wait3A_242 : memref<2x2048xi32, #tpu.memory_space<hbm>>) dst(%arg13 : memref<2x2048xi32, #tpu.memory_space<vmem>>)
    %dma_wait3A_243 = arith.constant 0 : i32
    %dma_wait3A_244 = tpu.memref_slice %arg32[%dma_wait3A_243] : memref<100096xf32, #tpu.memory_space<vmem_shared>> -> memref<100096xf32, #tpu.memory_space<vmem_shared>>
    tpu.wait_indirect_dma semaphore(%arg29 : memref<!tpu.dma_semaphore, #tpu.memory_space<semaphore_mem>>) src(%arg19 : memref<2048xf32, #tpu.memory_space<vmem>>) dst(%dma_wait3A_244 : memref<100096xf32, #tpu.memory_space<vmem_shared>>)
    %parallel_loop3A_245 = arith.constant 0 : i32
    %parallel_loop3A_246 = arith.constant 2048 : i32
    %parallel_loop3A_247 = arith.constant 16 : i32
    scf.for %parallel_loop3A_265 = %parallel_loop3A_245 to %parallel_loop3A_246 step %parallel_loop3A_247  : i32 {
      %parallel_loop3A_266 = arith.constant 0 : i32
      %parallel_loop3A_267 = arith.index_cast %parallel_loop3A_266 : i32 to index
      %parallel_loop3A_268 = arith.index_cast %parallel_loop3A_265 : i32 to index
      %parallel_loop3A_269 = tpu.vector_load %arg13[%parallel_loop3A_267, %parallel_loop3A_268] {strides = array<i32>} : memref<2x2048xi32, #tpu.memory_space<vmem>>, vector<16xi32>,
      %parallel_loop3A_270 = arith.constant 1 : i32
      %parallel_loop3A_271 = arith.index_cast %parallel_loop3A_270 : i32 to index
      %parallel_loop3A_272 = arith.index_cast %parallel_loop3A_265 : i32 to index
      %parallel_loop3A_273 = tpu.vector_load %arg13[%parallel_loop3A_271, %parallel_loop3A_272] {strides = array<i32>} : memref<2x2048xi32, #tpu.memory_space<vmem>>, vector<16xi32>,
      %parallel_loop3A_274 = arith.index_cast %parallel_loop3A_265 : i32 to index
      %parallel_loop3A_275 = tpu.vector_load %arg21[%parallel_loop3A_274] {strides = array<i32>} : memref<2048xi32, #tpu.memory_space<vmem>>, vector<16xi32>,
      tpu.vector_store %arg21[%parallel_loop3A_274], %parallel_loop3A_269 {strides = array<i32>} : memref<2048xi32, #tpu.memory_space<vmem>>, vector<16xi32>,
      %parallel_loop3A_276 = arith.constant 2 : i32
      %parallel_loop3A_277 = vector.broadcast %parallel_loop3A_276 : i32 to vector<16xi32>
      %parallel_loop3A_278 = arith.shrsi %parallel_loop3A_269, %parallel_loop3A_277 : vector<16xi32>
      %parallel_loop3A_279 = tpu.vector_load_idx %arg7[%parallel_loop3A_278] : memref<25000xi32, #tpu.memory_space<vmem>>[vector<16xi32>], vector<16xi32>,
      %parallel_loop3A_280 = arith.constant 2 : i32
      %parallel_loop3A_281 = vector.broadcast %parallel_loop3A_280 : i32 to vector<16xi32>
      %parallel_loop3A_282 = arith.shrsi %parallel_loop3A_273, %parallel_loop3A_281 : vector<16xi32>
      %parallel_loop3A_283 = tpu.vector_load_idx %arg7[%parallel_loop3A_282] : memref<25000xi32, #tpu.memory_space<vmem>>[vector<16xi32>], vector<16xi32>,
      %parallel_loop3A_284 = arith.constant 3 : i32
      %parallel_loop3A_285 = vector.broadcast %parallel_loop3A_284 : i32 to vector<16xi32>
      %parallel_loop3A_286 = arith.andi %parallel_loop3A_269, %parallel_loop3A_285 : vector<16xi32>
      %parallel_loop3A_287 = arith.constant 3 : i32
      %parallel_loop3A_288 = vector.broadcast %parallel_loop3A_287 : i32 to vector<16xi32>
      %parallel_loop3A_289 = arith.shli %parallel_loop3A_286, %parallel_loop3A_288 : vector<16xi32>
      %parallel_loop3A_290 = arith.shrsi %parallel_loop3A_279, %parallel_loop3A_289 : vector<16xi32>
      %parallel_loop3A_291 = arith.constant 255 : i32
      %parallel_loop3A_292 = vector.broadcast %parallel_loop3A_291 : i32 to vector<16xi32>
      %parallel_loop3A_293 = arith.andi %parallel_loop3A_290, %parallel_loop3A_292 : vector<16xi32>
      %parallel_loop3A_294 = arith.constant 3 : i32
      %parallel_loop3A_295 = vector.broadcast %parallel_loop3A_294 : i32 to vector<16xi32>
      %parallel_loop3A_296 = arith.andi %parallel_loop3A_273, %parallel_loop3A_295 : vector<16xi32>
      %parallel_loop3A_297 = arith.constant 3 : i32
      %parallel_loop3A_298 = vector.broadcast %parallel_loop3A_297 : i32 to vector<16xi32>
      %parallel_loop3A_299 = arith.shli %parallel_loop3A_296, %parallel_loop3A_298 : vector<16xi32>
      %parallel_loop3A_300 = arith.shrsi %parallel_loop3A_283, %parallel_loop3A_299 : vector<16xi32>
      %parallel_loop3A_301 = arith.constant 255 : i32
      %parallel_loop3A_302 = vector.broadcast %parallel_loop3A_301 : i32 to vector<16xi32>
      %parallel_loop3A_303 = arith.andi %parallel_loop3A_300, %parallel_loop3A_302 : vector<16xi32>
      %parallel_loop3A_304 = arith.constant 4 : i32
      %parallel_loop3A_305 = vector.broadcast %parallel_loop3A_304 : i32 to vector<16xi32>
      %parallel_loop3A_306 = arith.shli %parallel_loop3A_293, %parallel_loop3A_305 : vector<16xi32>
      %parallel_loop3A_307 = arith.addi %parallel_loop3A_306, %parallel_loop3A_303 : vector<16xi32>
      %parallel_loop3A_308 = arith.index_cast %parallel_loop3A_265 : i32 to index
      %parallel_loop3A_309 = tpu.vector_load %arg9[%parallel_loop3A_308] {strides = array<i32>} : memref<2048xf32, #tpu.memory_space<vmem>>, vector<16xf32>,
      %parallel_loop3A_310 = tpu.vector_load_idx %arg8[%parallel_loop3A_307] : memref<256xf32, #tpu.memory_space<vmem>>[vector<16xi32>], vector<16xf32>,
      %parallel_loop3A_311 = arith.mulf %parallel_loop3A_309, %parallel_loop3A_310 : vector<16xf32>
      %parallel_loop3A_312 = arith.index_cast %parallel_loop3A_265 : i32 to index
      %parallel_loop3A_313 = tpu.vector_load %arg17[%parallel_loop3A_312] {strides = array<i32>} : memref<2048xf32, #tpu.memory_space<vmem>>, vector<16xf32>,
      tpu.vector_store %arg17[%parallel_loop3A_312], %parallel_loop3A_311 {strides = array<i32>} : memref<2048xf32, #tpu.memory_space<vmem>>, vector<16xf32>,
    } {sc.loop_unroll_factor = 4 : i64, sc.parallel_access}
    %dma_start3A_248 = arith.constant 0 : i32
    %dma_start3A_249 = tpu.memref_slice %arg32[%dma_start3A_248] : memref<100096xf32, #tpu.memory_space<vmem_shared>> -> memref<100096xf32, #tpu.memory_space<vmem_shared>>
    tpu.enqueue_indirect_dma source(%arg17 : memref<2048xf32, #tpu.memory_space<vmem>>) target(%dma_start3A_249 : memref<100096xf32, #tpu.memory_space<vmem_shared>>) offsets(%arg21 : memref<2048xi32, #tpu.memory_space<vmem>>) semaphore(%arg29 : memref<!tpu.dma_semaphore, #tpu.memory_space<semaphore_mem>>) {add = true}
    %dma_wait3A_250 = arith.constant 0 : i32
    %dma_wait3A_251 = tpu.memref_slice %arg32[%dma_wait3A_250] : memref<100096xf32, #tpu.memory_space<vmem_shared>> -> memref<100096xf32, #tpu.memory_space<vmem_shared>>
    tpu.wait_indirect_dma semaphore(%arg30 : memref<!tpu.dma_semaphore, #tpu.memory_space<semaphore_mem>>) src(%arg20 : memref<2048xf32, #tpu.memory_space<vmem>>) dst(%dma_wait3A_251 : memref<100096xf32, #tpu.memory_space<vmem_shared>>)
    %dma_wait3A_252 = arith.constant 0 : i32
    %dma_wait3A_253 = tpu.memref_slice %arg32[%dma_wait3A_252] : memref<100096xf32, #tpu.memory_space<vmem_shared>> -> memref<100096xf32, #tpu.memory_space<vmem_shared>>
    tpu.wait_indirect_dma semaphore(%arg29 : memref<!tpu.dma_semaphore, #tpu.memory_space<semaphore_mem>>) src(%arg17 : memref<2048xf32, #tpu.memory_space<vmem>>) dst(%dma_wait3A_253 : memref<100096xf32, #tpu.memory_space<vmem_shared>>)
    %convert_element_type3A_254 = arith.extui %lt3A_133 : i1 to i32
    %cond3A_255 = arith.constant 0 : i32
    %cond3A_256 = arith.cmpi ne, %convert_element_type3A_254, %cond3A_255 : i32
    scf.if %cond3A_256 {
      %add3A_265 = arith.constant 3104 : i32
      %add3A_266 = arith.addi %add3A_265, %add3A : i32
      %mul3A_267 = arith.constant 2048 : i32
      %mul3A_268 = arith.muli %add3A_266, %mul3A_267 : i32
      %dma_wait3A_269 = tpu.memref_slice %arg2[%mul3A_268] : memref<6400000xf32, #tpu.memory_space<hbm>> -> memref<2048xf32, #tpu.memory_space<hbm>>
      %dma_wait3A_270 = tpu.memref_slice %arg2[%mul3A_268] : memref<6400000xf32, #tpu.memory_space<hbm>> -> memref<2048xf32, #tpu.memory_space<hbm>>
      tpu.wait_dma2 semaphore(%arg26 : memref<!tpu.dma_semaphore, #tpu.memory_space<semaphore_mem>>) src(%dma_wait3A_270 : memref<2048xf32, #tpu.memory_space<hbm>>) dst(%arg10 : memref<2048xf32, #tpu.memory_space<vmem>>)
      %dma_wait3A_271 = arith.constant 0 : i32
      %dma_wait3A_272 = tpu.memref_slice %arg3[%dma_wait3A_271, %mul3A_268] : memref<2x6400000xi32, #tpu.memory_space<hbm>> -> memref<2x2048xi32, #tpu.memory_space<hbm>>
      %dma_wait3A_273 = arith.constant 0 : i32
      %dma_wait3A_274 = tpu.memref_slice %arg3[%dma_wait3A_273, %mul3A_268] : memref<2x6400000xi32, #tpu.memory_space<hbm>> -> memref<2x2048xi32, #tpu.memory_space<hbm>>
      tpu.wait_dma2 semaphore(%arg26 : memref<!tpu.dma_semaphore, #tpu.memory_space<semaphore_mem>>) src(%dma_wait3A_274 : memref<2x2048xi32, #tpu.memory_space<hbm>>) dst(%arg14 : memref<2x2048xi32, #tpu.memory_space<vmem>>)
      %parallel_loop3A_275 = arith.constant 0 : i32
      %parallel_loop3A_276 = arith.constant 2048 : i32
      %parallel_loop3A_277 = arith.constant 16 : i32
      scf.for %parallel_loop3A_278 = %parallel_loop3A_275 to %parallel_loop3A_276 step %parallel_loop3A_277  : i32 {
        %parallel_loop3A_279 = arith.constant 0 : i32
        %parallel_loop3A_280 = arith.index_cast %parallel_loop3A_279 : i32 to index
        %parallel_loop3A_281 = arith.index_cast %parallel_loop3A_278 : i32 to index
        %parallel_loop3A_282 = tpu.vector_load %arg14[%parallel_loop3A_280, %parallel_loop3A_281] {strides = array<i32>} : memref<2x2048xi32, #tpu.memory_space<vmem>>, vector<16xi32>,
        %parallel_loop3A_283 = arith.constant 1 : i32
        %parallel_loop3A_284 = arith.index_cast %parallel_loop3A_283 : i32 to index
        %parallel_loop3A_285 = arith.index_cast %parallel_loop3A_278 : i32 to index
        %parallel_loop3A_286 = tpu.vector_load %arg14[%parallel_loop3A_284, %parallel_loop3A_285] {strides = array<i32>} : memref<2x2048xi32, #tpu.memory_space<vmem>>, vector<16xi32>,
        %parallel_loop3A_287 = arith.index_cast %parallel_loop3A_278 : i32 to index
        %parallel_loop3A_288 = tpu.vector_load %arg22[%parallel_loop3A_287] {strides = array<i32>} : memref<2048xi32, #tpu.memory_space<vmem>>, vector<16xi32>,
        tpu.vector_store %arg22[%parallel_loop3A_287], %parallel_loop3A_282 {strides = array<i32>} : memref<2048xi32, #tpu.memory_space<vmem>>, vector<16xi32>,
        %parallel_loop3A_289 = arith.constant 2 : i32
        %parallel_loop3A_290 = vector.broadcast %parallel_loop3A_289 : i32 to vector<16xi32>
        %parallel_loop3A_291 = arith.shrsi %parallel_loop3A_282, %parallel_loop3A_290 : vector<16xi32>
        %parallel_loop3A_292 = tpu.vector_load_idx %arg7[%parallel_loop3A_291] : memref<25000xi32, #tpu.memory_space<vmem>>[vector<16xi32>], vector<16xi32>,
        %parallel_loop3A_293 = arith.constant 2 : i32
        %parallel_loop3A_294 = vector.broadcast %parallel_loop3A_293 : i32 to vector<16xi32>
        %parallel_loop3A_295 = arith.shrsi %parallel_loop3A_286, %parallel_loop3A_294 : vector<16xi32>
        %parallel_loop3A_296 = tpu.vector_load_idx %arg7[%parallel_loop3A_295] : memref<25000xi32, #tpu.memory_space<vmem>>[vector<16xi32>], vector<16xi32>,
        %parallel_loop3A_297 = arith.constant 3 : i32
        %parallel_loop3A_298 = vector.broadcast %parallel_loop3A_297 : i32 to vector<16xi32>
        %parallel_loop3A_299 = arith.andi %parallel_loop3A_282, %parallel_loop3A_298 : vector<16xi32>
        %parallel_loop3A_300 = arith.constant 3 : i32
        %parallel_loop3A_301 = vector.broadcast %parallel_loop3A_300 : i32 to vector<16xi32>
        %parallel_loop3A_302 = arith.shli %parallel_loop3A_299, %parallel_loop3A_301 : vector<16xi32>
        %parallel_loop3A_303 = arith.shrsi %parallel_loop3A_292, %parallel_loop3A_302 : vector<16xi32>
        %parallel_loop3A_304 = arith.constant 255 : i32
        %parallel_loop3A_305 = vector.broadcast %parallel_loop3A_304 : i32 to vector<16xi32>
        %parallel_loop3A_306 = arith.andi %parallel_loop3A_303, %parallel_loop3A_305 : vector<16xi32>
        %parallel_loop3A_307 = arith.constant 3 : i32
        %parallel_loop3A_308 = vector.broadcast %parallel_loop3A_307 : i32 to vector<16xi32>
        %parallel_loop3A_309 = arith.andi %parallel_loop3A_286, %parallel_loop3A_308 : vector<16xi32>
        %parallel_loop3A_310 = arith.constant 3 : i32
        %parallel_loop3A_311 = vector.broadcast %parallel_loop3A_310 : i32 to vector<16xi32>
        %parallel_loop3A_312 = arith.shli %parallel_loop3A_309, %parallel_loop3A_311 : vector<16xi32>
        %parallel_loop3A_313 = arith.shrsi %parallel_loop3A_296, %parallel_loop3A_312 : vector<16xi32>
        %parallel_loop3A_314 = arith.constant 255 : i32
        %parallel_loop3A_315 = vector.broadcast %parallel_loop3A_314 : i32 to vector<16xi32>
        %parallel_loop3A_316 = arith.andi %parallel_loop3A_313, %parallel_loop3A_315 : vector<16xi32>
        %parallel_loop3A_317 = arith.constant 4 : i32
        %parallel_loop3A_318 = vector.broadcast %parallel_loop3A_317 : i32 to vector<16xi32>
        %parallel_loop3A_319 = arith.shli %parallel_loop3A_306, %parallel_loop3A_318 : vector<16xi32>
        %parallel_loop3A_320 = arith.addi %parallel_loop3A_319, %parallel_loop3A_316 : vector<16xi32>
        %parallel_loop3A_321 = arith.index_cast %parallel_loop3A_278 : i32 to index
        %parallel_loop3A_322 = tpu.vector_load %arg10[%parallel_loop3A_321] {strides = array<i32>} : memref<2048xf32, #tpu.memory_space<vmem>>, vector<16xf32>,
        %parallel_loop3A_323 = tpu.vector_load_idx %arg8[%parallel_loop3A_320] : memref<256xf32, #tpu.memory_space<vmem>>[vector<16xi32>], vector<16xf32>,
        %parallel_loop3A_324 = arith.mulf %parallel_loop3A_322, %parallel_loop3A_323 : vector<16xf32>
        %parallel_loop3A_325 = arith.index_cast %parallel_loop3A_278 : i32 to index
        %parallel_loop3A_326 = tpu.vector_load %arg18[%parallel_loop3A_325] {strides = array<i32>} : memref<2048xf32, #tpu.memory_space<vmem>>, vector<16xf32>,
        tpu.vector_store %arg18[%parallel_loop3A_325], %parallel_loop3A_324 {strides = array<i32>} : memref<2048xf32, #tpu.memory_space<vmem>>, vector<16xf32>,
      } {sc.loop_unroll_factor = 4 : i64, sc.parallel_access}
      "tpu.region"() ({
        %run_scoped3A = tpu.sem_alloc : memref<!tpu.dma_semaphore, #tpu.memory_space<semaphore_mem>>
        %dma_start3A_278 = arith.constant 0 : i32
        %dma_start3A_279 = tpu.memref_slice %arg32[%dma_start3A_278] : memref<100096xf32, #tpu.memory_space<vmem_shared>> -> memref<100096xf32, #tpu.memory_space<vmem_shared>>
        tpu.enqueue_indirect_dma source(%arg18 : memref<2048xf32, #tpu.memory_space<vmem>>) target(%dma_start3A_279 : memref<100096xf32, #tpu.memory_space<vmem_shared>>) offsets(%arg22 : memref<2048xi32, #tpu.memory_space<vmem>>) semaphore(%run_scoped3A : memref<!tpu.dma_semaphore, #tpu.memory_space<semaphore_mem>>) {add = true}
        %dma_wait3A_280 = arith.constant 0 : i32
        %dma_wait3A_281 = tpu.memref_slice %arg32[%dma_wait3A_280] : memref<100096xf32, #tpu.memory_space<vmem_shared>> -> memref<100096xf32, #tpu.memory_space<vmem_shared>>
        tpu.wait_indirect_dma semaphore(%run_scoped3A : memref<!tpu.dma_semaphore, #tpu.memory_space<semaphore_mem>>) src(%arg18 : memref<2048xf32, #tpu.memory_space<vmem>>) dst(%dma_wait3A_281 : memref<100096xf32, #tpu.memory_space<vmem_shared>>)
        tpu.yield
      }) : () -> ()
    } else {
    }
    %barrier3A_257 = arith.constant 0 : index
    tpu.barrier barrier_id(%barrier3A_257)
    %mul3A_258 = arith.constant 6256 : i32
    %mul3A_259 = arith.muli %arg1, %mul3A_258 : i32
    "tpu.region"() ({
      %run_scoped3A = tpu.sem_alloc : memref<!tpu.dma_semaphore, #tpu.memory_space<semaphore_mem>>
      %dma_start3A_265 = tpu.memref_slice %arg32[%mul3A_259] : memref<100096xf32, #tpu.memory_space<vmem_shared>> -> memref<6256xf32, #tpu.memory_space<vmem_shared>>
      %dma_start3A_266 = tpu.memref_slice %arg32[%mul3A_259] : memref<100096xf32, #tpu.memory_space<vmem_shared>> -> memref<6256xf32, #tpu.memory_space<vmem_shared>>
      tpu.enqueue_dma source(%dma_start3A_266 : memref<6256xf32, #tpu.memory_space<vmem_shared>>) target(%arg31 : memref<6256xf32, #tpu.memory_space<vmem>>) target_semaphore(%run_scoped3A : memref<!tpu.dma_semaphore, #tpu.memory_space<semaphore_mem>>)
      %dma_wait3A_267 = tpu.memref_slice %arg32[%mul3A_259] : memref<100096xf32, #tpu.memory_space<vmem_shared>> -> memref<6256xf32, #tpu.memory_space<vmem_shared>>
      %dma_wait3A_268 = tpu.memref_slice %arg32[%mul3A_259] : memref<100096xf32, #tpu.memory_space<vmem_shared>> -> memref<6256xf32, #tpu.memory_space<vmem_shared>>
      tpu.wait_dma2 semaphore(%run_scoped3A : memref<!tpu.dma_semaphore, #tpu.memory_space<semaphore_mem>>) src(%dma_wait3A_268 : memref<6256xf32, #tpu.memory_space<vmem_shared>>) dst(%arg31 : memref<6256xf32, #tpu.memory_space<vmem>>)
      tpu.yield
    }) : () -> ()
    %mul3A_260 = arith.constant 100096 : i32
    %mul3A_261 = arith.muli %arg0, %mul3A_260 : i32
    %mul3A_262 = arith.constant 6256 : i32
    %mul3A_263 = arith.muli %arg1, %mul3A_262 : i32
    %add3A_264 = arith.addi %mul3A_261, %mul3A_263 : i32
    "tpu.region"() ({
      %run_scoped3A = tpu.sem_alloc : memref<!tpu.dma_semaphore, #tpu.memory_space<semaphore_mem>>
      %dma_start3A_265 = tpu.memref_slice %arg6[%add3A_264] : memref<200192xf32, #tpu.memory_space<hbm>> -> memref<6256xf32, #tpu.memory_space<hbm>>
      %dma_start3A_266 = tpu.memref_slice %arg6[%add3A_264] : memref<200192xf32, #tpu.memory_space<hbm>> -> memref<6256xf32, #tpu.memory_space<hbm>>
      tpu.enqueue_dma source(%arg31 : memref<6256xf32, #tpu.memory_space<vmem>>) target(%dma_start3A_266 : memref<6256xf32, #tpu.memory_space<hbm>>) target_semaphore(%run_scoped3A : memref<!tpu.dma_semaphore, #tpu.memory_space<semaphore_mem>>)
      %dma_wait3A_267 = tpu.memref_slice %arg6[%add3A_264] : memref<200192xf32, #tpu.memory_space<hbm>> -> memref<6256xf32, #tpu.memory_space<hbm>>
      %dma_wait3A_268 = tpu.memref_slice %arg6[%add3A_264] : memref<200192xf32, #tpu.memory_space<hbm>> -> memref<6256xf32, #tpu.memory_space<hbm>>
      tpu.wait_dma2 semaphore(%run_scoped3A : memref<!tpu.dma_semaphore, #tpu.memory_space<semaphore_mem>>) src(%arg31 : memref<6256xf32, #tpu.memory_space<vmem>>) dst(%dma_wait3A_268 : memref<6256xf32, #tpu.memory_space<hbm>>)
      tpu.yield
    }) : () -> ()
    return
  }
}

</mosaic_0001>

<sc_bundles>
// kernel: _sc_call.3.cloned.1.call-start
scs
__scs_entry_jumppad:
0x0: {  	(pc) =	sbr.rel $0x88, $3  }
0x1: {  	(tag) =	ssettag $0x0;
	lr =	simm.s32 $0x1  }
0x2: {  	[smem:$0x3F9D] =	sst lr;
	_ =	strace $0xD0000000  }
0x3: {  	_ = 	snop  }
0x4: {  	_ = 	snop  }
0x5: {  	_ = 	snop  }
0x6: {  	_ = 	snop  }
0x7: {  	_ = 	snop  }
__scs_overlays_trampoline_lowered:
0x8: {  	[smem:$0x3FAC] =	sst s0  }
0x9: {  	[smem:$0x3FAD] =	sst s1  }
0xa: {  	[smem:$0x3FAE] =	sst s2  }
0xb: {  	[smem:$0x3FAF] =	sst s3  }
0xc: {  	[smem:$0x3FB0] =	sst s4  }
0xd: {  	[smem:$0x3FB1] =	sst s5  }
0xe: {  	[smem:$0x3FB2] =	sst s6  }
0xf: {  	[smem:$0x3FB3] =	sst s7  }
0x10: {  	[smem:$0x3FB4] =	sst s8  }
0x11: {  	[smem:$0x3FB5] =	sst s9;
	s0 =	simm.s32 @!p0 $0x0  }
0x12: {  	s1 =	sld [smem:$0x3F9B];
	s0 =	simm.s32 @p0 $0x1  }
0x13: {  	[smem:$0x3FB6] =	sst s0;
	s0 =	simm.s32 @!p1 $0x0  }
0x14: {  	s2 =	sld [smem:$0x3F9A];
	s0 =	simm.s32 @p1 $0x1  }
0x15: {  	[smem:$0x3FB7] =	sst s0;
	s0 =	simm.s32 @!p2 $0x0  }
0x16: {  	s3 =	sld [smem:$0x3FDB];
	s0 =	simm.s32 @p2 $0x1  }
0x17: {  	s4 =	simm.s32 $0x1BF5;
	[smem:$0x3FB9] =	sst s0  }
0x18: {  	s0 =	sld [smem:$0x3F9C];
	_ =	swait.ge [sflag:s4], $0x0  }
0x19: {  	s7 =	sld [smem:$0x3F9D]  }
0x1a: {  	s8 =	sadd.s32 $0xFFFFE003, lr  }
0x1b: {  	s9 =	sadd.s32 $0xFFFFFEF7, lr;
	s5 =	simm.s32 $0xFFFFFFFF;
	p2 =	slt.u32 s8, $0xFFFFF086  }
0x1c: {  	p1 =	slt.u32 s9, $0xF7A;
	s5 =	simm.s32 @!p2 $0x0  }
0x1d: {  	s5 =	simm.s32 @p1 $0x1;
	p0 =	seq.s32 s7, s2  }
0x1e: {  	s7 =	smul.u32 @!p0 $0xF7A, s2;
	p2 =	seq.s32 @!p0 s5, $0x0  }
0x1f: {  	s9 =	smul.u32 $0xF7A, s1;
	s8 =	simm.s32 @!p0 $0x1BF5;
	p2 =	por !p2, p0  }
0x20: {  	[sflag:s8] =	ssyncset.s32 @!p0 $0xFFFFF086;
	s6 =	sadd.s32 @!p0 s3, s7;
	s7 =	simm.s32 @!p0 $0x108  }
0x21: {  	s3 =	sadd.s32 s3, s9;
	s6 =	sadd.s32 @!p0 $0x88, s6;
	s7 =	simm.s32 @p2 $0x1082  }
0x22: {  	[simem:s7], [sflag:s8] =	dma.local @!p0 [hbm:s6], $0xF7A  }
0x23: {  	s9 =	sor.u32 $0xD0000000, s2;
	s6 =	simm.s32 $0x108;
	_ =	swait.ge @!p0 [sflag:s8], $0x0  }
0x24: {  	s3 =	sadd.s32 $0x88, s3;
	s6 =	simm.s32 @!p1 $0x1082;
	[sflag:s4] =	ssyncset.s32 $0xFFFFF086  }
0x25: {  	[simem:s6], [sflag:s4] =	dma.local [hbm:s3], $0xF7A  }
0x26: {  	[smem:$0x3F9D] =	sst s1;
	(tag) =	ssettag s2;
	_ =	strace s9  }
0x27: {  	s1 =	sld [smem:$0x3FAD]  }
0x28: {  	s2 =	sld [smem:$0x3FAE]  }
0x29: {  	s4 =	sld [smem:$0x3FB0]  }
0x2a: {  	p0 =	seq.s32 s5, $0x0;
	s5 =	sld [smem:$0x3FB1]  }
0x2b: {  	s6 =	sld [smem:$0x3FB2]  }
0x2c: {  	s7 =	sld [smem:$0x3FB3]  }
0x2d: {  	s3 =	simm.s32 $0x108;
	s8 =	sld [smem:$0x3FB4]  }
0x2e: {  	s3 =	simm.s32 @!p0 $0x1082;
	s9 =	sld [smem:$0x3FB5]  }
0x2f: {  	lr =	sadd.s32 s0, s3;
	s0 =	sld [smem:$0x3FAC]  }
0x30: {  	s3 =	sld [smem:$0x3FAF]  }
0x31: {  	[smem:$0x3FB8] =	sst s10  }
0x32: {  	s10 =	sld [smem:$0x3FB6];
	_ =	sdelay $0x3  }
0x33: {  	p0 =	seq.s32 s10, $0x1;
	s10 =	sld [smem:$0x3FB8];
	_ =	sdelay $0x3  }
0x34: {  	[smem:$0x3FB8] =	sst s10  }
0x35: {  	s10 =	sld [smem:$0x3FB7];
	_ =	sdelay $0x3  }
0x36: {  	p1 =	seq.s32 s10, $0x1;
	s10 =	sld [smem:$0x3FB8];
	_ =	sdelay $0x3  }
0x37: {  	[smem:$0x3FB8] =	sst s10  }
0x38: {  	s10 =	sld [smem:$0x3FB9]  }
0x39: {  	_ = 	snop;
	(pc) =	sbr.ind lr, $3  }
0x3a: {  	_ = 	snop  }
0x3b: {  	_ = 	snop  }
0x3c: {  	p2 =	seq.s32 s10, $0x1;
	s10 =	sld [smem:$0x3FB8]  }
0x3d: {  	_ =	shalt  }
0x3e: {  	_ =	shalt  }
0x3f: {  	_ =	shalt  }
0x40: {  	_ =	shalt  }
0x41: {  	_ =	shalt  }
0x42: {  	_ =	shalt  }
0x43: {  	_ =	shalt  }
0x44: {  	_ =	shalt  }
0x45: {  	_ =	shalt  }
0x46: {  	_ =	shalt  }
0x47: {  	_ =	shalt  }
0x48: {  	_ =	shalt  }
0x49: {  	_ =	shalt  }
0x4a: {  	_ =	shalt  }
0x4b: {  	_ =	shalt  }
0x4c: {  	_ =	shalt  }
0x4d: {  	_ =	shalt  }
0x4e: {  	_ =	shalt  }
0x4f: {  	_ =	shalt  }
0x50: {  	_ =	shalt  }
0x51: {  	_ =	shalt  }
0x52: {  	_ =	shalt  }
0x53: {  	_ =	shalt  }
0x54: {  	_ =	shalt  }
0x55: {  	_ =	shalt  }
0x56: {  	_ =	shalt  }
0x57: {  	_ =	shalt  }
0x58: {  	_ =	shalt  }
0x59: {  	_ =	shalt  }
0x5a: {  	_ =	shalt  }
0x5b: {  	_ =	shalt  }
0x5c: {  	_ =	shalt  }
0x5d: {  	_ =	shalt  }
0x5e: {  	_ =	shalt  }
0x5f: {  	_ =	shalt  }
0x60: {  	_ =	shalt  }
0x61: {  	_ =	shalt  }
0x62: {  	_ =	shalt  }
0x63: {  	_ =	shalt  }
0x64: {  	_ =	shalt  }
0x65: {  	_ =	shalt  }
0x66: {  	_ =	shalt  }
0x67: {  	_ =	shalt  }
0x68: {  	_ =	shalt  }
0x69: {  	_ =	shalt  }
0x6a: {  	_ =	shalt  }
0x6b: {  	_ =	shalt  }
0x6c: {  	_ =	shalt  }
0x6d: {  	_ =	shalt  }
0x6e: {  	_ =	shalt  }
0x6f: {  	_ =	shalt  }
0x70: {  	_ =	shalt  }
0x71: {  	_ =	shalt  }
0x72: {  	_ =	shalt  }
0x73: {  	_ =	shalt  }
0x74: {  	_ =	shalt  }
0x75: {  	_ =	shalt  }
0x76: {  	_ =	shalt  }
0x77: {  	_ =	shalt  }
0x78: {  	_ =	shalt  }
0x79: {  	_ =	shalt  }
0x7a: {  	_ =	shalt  }
0x7b: {  	_ =	shalt  }
0x7c: {  	_ =	shalt  }
0x7d: {  	_ =	shalt  }
0x7e: {  	_ =	shalt  }
0x7f: {  	_ =	shalt  }
0x80: {  	_ =	shalt  }
0x81: {  	_ =	shalt  }
0x82: {  	_ =	shalt  }
0x83: {  	_ =	shalt  }
0x84: {  	_ =	shalt  }
0x85: {  	_ =	shalt  }
0x86: {  	_ =	shalt  }
0x87: {  	_ =	shalt  }
.Lfunc_end0:
.L_simem_size_0:
called_computation_lowered:
.L_overlay_start_0:
0x88: {  	s2 =	sld [smem:$0x3FD9]  }
0x89: {  	s3 =	sld [smem:$0x3FFE];
	_ =	sdelay $0x1  }
0x8a: {  	s1 =	srdreg.scid  }
0x8b: {  	s0 =	sand.u32 $0x1, s1  }
0x8c: {  	s18 =	sshll.u32 s0, $0xA;
	s2 =	sadd.s32 s3, s2  }
0x8d: {  	s2 =	sadd.s32 s2, s18  }
0x8e: {  	[smem:$0x3FC4] =	sst s2  }
0x8f: {  	_ = 	snop  }
0x90: {  	s2 =	sld [smem:$0x3FC9]  }
0x91: {  	s19 =	sld [smem:$0x3FC8]  }
0x92: {  	s4 =	sld [smem:$0x3FC7]  }
0x93: {  	s5 =	sld [smem:$0x3FC6]  }
0x94: {  	s6 =	sld [smem:$0x3FD0];
	(tm) =	ssettm $0x1  }
0x95: {  	s7 =	sld [smem:$0x3FFB];
	_ =	sdelay $0x3  }
0x96: {  	_ =	strace s7  }
0x97: {  	s7 =	sld [smem:$0x3FFC];
	_ =	sdelay $0x3  }
0x98: {  	_ =	strace s7  }
0x99: {  	s7 =	sld [smem:$0x3FFD];
	_ =	sdelay $0x3  }
0x9a: {  	_ =	strace s7  }
0x9b: {  	_ =	strace $0x8FFFFFFF  }
0x9c: {  	s20 =	sld [smem:$0x3FDB];
	_ =	sdelay $0x1  }
0x9d: {  	s8 =	simm.s32 $_scs_section_size  }
0x9e: {  	s9 =	simm.s32 $_size__tile_overlayer_lowered;
	s10 =	simm.s32 $_tile_overlayer_lowered  }
0x9f: {  	s23 =	simm.s32 $0x1BFF;
	s22 =	sshll.u32 s10, $0x1;
	s7 =	sadd.s32 s8, s20  }
0xa0: {  	s11 =	simm.s32 $0x0;
	s21 =	sshll.u32 s9, $0x1;
	s9 =	sadd.s32 s22, s7  }
0xa1: {  	[timem:s11], [sflag:s23] =	dma.local [hbm:s9], s21  }
0xa2: {  	_ =	swait.ge [sflag:s23], s21  }
0xa3: {  	s8 =	ssub.s32 $0x0, s21;
	[sflag:s23] =	ssyncset.done $0x0  }
0xa4: {  	[sflag:s23] =	ssyncadd.s32 s8;
	_ =	sdelay $0x1  }
0xa5: {  	s24 =	simm.s32 $0x1B8B  }
0xa6: {  	_ =	swait.ge [sflag:s24], $0x1  }
0xa7: {  	[sflag:s24] =	ssyncset.done $0x0  }
0xa8: {  	s25 =	simm.s32 $0x1B8E;
	[sflag:s24] =	ssyncadd.s32 $0xFFFFFFFF  }
0xa9: {  	s26 =	simm.s32 $execute0_lowered;
	[smem:$0x3FD2] =	sst s25  }
0xaa: {  	s8 =	sshll.u32 s26, $0x1;
	_ =	strace $0x80000046;
	[dreg:$0x1] =	wrdreg $0xFFFFFFFF  }
0xab: {  	s28 =	simm.s32 $_size_execute0_lowered;
	s7 =	sadd.s32 s7, s8;
	[dreg:$0x0] =	wrdreg $0x0  }
0xac: {  	s8 =	sshll.u32 s28, $0x1;
	[dreg:$0x2] =	wrdreg s7  }
0xad: {  	[dreg:$0x3] =	wrdreg s8  }
0xae: {  	[dreg:$0x4] =	wrdreg $0xC0  }
0xaf: {  	_ =	task [dreg:s11], $0x5FFFF  }
0xb0: {  	[dreg:$0x1] =	wrdreg $0xFFFFFFFF  }
0xb1: {  	[dreg:$0x0] =	wrdreg $0x60  }
0xb2: {  	[dreg:$0x2] =	wrdreg s2  }
0xb3: {  	[dreg:$0x3] =	wrdreg s19  }
0xb4: {  	[dreg:$0x4] =	wrdreg s4  }
0xb5: {  	[dreg:$0x5] =	wrdreg s5  }
0xb6: {  	[dreg:$0x6] =	wrdreg s6  }
0xb7: {  	[dreg:$0x7] =	wrdreg $0x11B800  }
0xb8: {  	[dreg:$0x8] =	wrdreg $0x9  }
0xb9: {  	_ =	task.clear_ibuf [dreg:s11], $0x9FFFF;
	_ =	strace $0x90000046  }
0xba: {  	s29 =	simm.s32 $0x9;
	_ =	strace $0x80000048  }
0xbb: {  	_ =	swait.ge [sflag:s29], $0x1  }
0xbc: {  	[sflag:s29] =	ssyncadd.s32 $0xFFFFFFFF  }
0xbd: {  	_ =	strace $0x90000048  }
0xbe: {  	_ =	sfence  }
0xbf: {  	s30 =	sld [smem:$0x0];
	_ =	sdelay $0x2  }
0xc0: {  	s31 =	sshll.u32 s1, $0xD;
	s1 =	sshrl.u32 s1, $0x2  }
0xc1: {  	s3 =	sand.u32 $0x4000, s31;
	s1 =	sadd.s32 s1, s30  }
0xc2: {  	s0 =	sor.u32 s3, s0;
	s1 =	sshll.u32 s1, $0x11  }
0xc3: {  	s0 =	sor.u32 s1, s0  }
0xc4: {  	s0 =	sadd.s32 $0x8F2B, s0  }
0xc5: {  	[sflag:s0] =	ssyncadd.remote.s32 $0x1  }
0xc6: {  	_ =	sfence.sel $0xFFFF  }
0xc7: {  	[dreg:$0x0] =	wrdreg $0xFFFFFFFF;
	(pc) =	sbr.abs _section_cstart, $3  }
0xc8: {  	[dreg:$0x1] =	wrdreg $0xFFFFFFFF  }
0xc9: {  	_ =	task.clear_ibuf [dreg:s11], $0x2FFFF;
	_ =	strace $0x9FFFFFFF  }
0xca: {  	(tm) =	ssettm $0x7FFFFFFF  }
0xcb: {  	_ =	shalt  }
tec
execute0_lowered:
.L_overlay_start_1:
0x0: {  	(tag) =	ssettag $0x1  }
0x1: {  	s0 =	rddreg [dreg:$0x0]  }
0x2: {  	s2 =	rddreg [dreg:$0x1]  }
0x3: {  	s1 =	rddreg [dreg:$0x4]  }
0x4: {  	s5 =	rddreg [dreg:$0x5];
	s3 =	srdreg.scid  }
0x5: {  	s7 =	simm.s32 $0x0;
	s9 =	stileid.u32;
	s29 =	simm.s32 $0x3  }
0x6: {  	s30 =	simm.s32 $0x5;
	s3 =	sand.u32 $0x1, s3;
	[smem:$0x7FF] =	sst s7  }
0x7: {  	s10 =	smul.u32 $0x1870, s9;
	s4 =	ssub.s32 $0x2, s3;
	s8 =	sshll.u32 s3, $0x4  }
0x8: {  	_ =	strace $0x80000047;
	s3 =	smul.u32 $0x18700, s3;
	s6 =	sshrl.u32 s4, $0x1  }
0x9: {  	s4 =	ssub.s32 s4, s6;
	s6 =	sor.u32 s9, s8;
	s9 =	sadd.s32 s10, s5  }
0xa: {  	s3 =	sadd.s32 s10, s3;
	s8 =	sshll.u32 s6, $0x4;
	s11 =	sshll.u32 s6, $0x8  }
0xb: {  	s12 =	sshll.u32 s6, $0x9;
	s3 =	sshrl.u32 s3, $0x3;
	[dreg:$0x7] =	wrdreg s9  }
0xc: {  	p0 =	sgt.u32 s6, $0x14;
	s16 =	sor.u32 $0x80, s6;
	[dreg:$0x8] =	wrdreg s8  }
0xd: {  	s8 =	sshll.u32 s6, $0xB;
	s11 =	sadd.s32 s0, s11;
	[dreg:$0x16] =	wrdreg s16  }
0xe: {  	s17 =	sadd.s32 s2, s12;
	s1 =	sadd.s32 s1, s3;
	[dreg:$0x9] =	wrdreg s11  }
0xf: {  	s13 =	sor.u32 $0x10000, s8;
	[dreg:$0xa] =	wrdreg s17;
	s20 =	sor.u32 $0x20000, s8  }
0x10: {  	s23 =	sor.u32 $0x30000, s8;
	s25 =	sor.u32 $0x40000, s8;
	[dreg:$0x12] =	wrdreg s1  }
0x11: {  	s17 =	sor.u32 $0x5E0000, s8;
	s18 =	sshrl.u32 s13, $0x3;
	s19 =	sshrl.u32 s13, $0x2  }
0x12: {  	s21 =	sshrl.u32 s20, $0x3;
	s12 =	sshrl.u32 s20, $0x2;
	s24 =	sshrl.u32 s23, $0x3  }
0x13: {  	s26 =	sshrl.u32 s25, $0x3;
	s31 =	sshrl.u32 s25, $0x2;
	s25 =	sor.u32 $0x610000, s8  }
0x14: {  	s11 =	sadd.s32 s0, s18;
	s22 =	sadd.s32 s2, s12;
	s12 =	sadd.s32 s0, s24  }
0x15: {  	s28 =	sadd.s32 s0, s26;
	s10 =	sadd.s32 s2, s31;
	[dreg:$0xb] =	wrdreg s11  }
0x16: {  	s24 =	sor.u32 $0xA0, s6;
	s18 =	sshrl.u32 s17, $0x3;
	[dreg:$0xe] =	wrdreg s22  }
0x17: {  	s26 =	sshrl.u32 s25, $0x3;
	s31 =	smax.u32 s4, $0x1;
	[dreg:$0xf] =	wrdreg s12  }
0x18: {  	s6 =	simm.s32 $0x10300;
	s4 =	simm.s32 $0x0;
	[dreg:$0x11] =	wrdreg s28  }
0x19: {  	s11 =	sadd.s32 s2, s19;
	s12 =	sor.u32 $0x50000, s8;
	[dreg:$0x13] =	wrdreg s10  }
0x1a: {  	s3 =	sadd.s32 s0, s18;
	s19 =	sor.u32 $0x5F0000, s8;
	[dreg:$0x1f] =	wrdreg s31  }
0x1b: {  	s10 =	simm.s32 $0x6200;
	s18 =	simm.s32 $0x800;
	[dreg:$0xc] =	wrdreg s11  }
0x1c: {  	s11 =	sadd.s32 s0, s21;
	s13 =	sshrl.u32 s12, $0x3;
	s14 =	sshrl.u32 s12, $0x2  }
0x1d: {  	[dreg:$0x17] =	wrdreg s3;
	s20 =	sshrl.u32 s19, $0x3;
	s21 =	sor.u32 $0x600000, s8  }
0x1e: {  	[dreg:$0xd] =	wrdreg s11;
	s11 =	sshrl.u32 s23, $0x2;
	s1 =	sadd.s32 s0, s13  }
0x1f: {  	s15 =	sadd.s32 s2, s14;
	s3 =	sadd.s32 s0, s20;
	[dreg:$0x14] =	wrdreg s1  }
0x20: {  	s22 =	sshrl.u32 s21, $0x3;
	s23 =	sshrl.u32 s21, $0x2;
	[dreg:$0x15] =	wrdreg s15  }
0x21: {  	s11 =	sadd.s32 s2, s11;
	s1 =	sshrl.u32 s17, $0x2;
	[dreg:$0x19] =	wrdreg s3  }
0x22: {  	s3 =	sshrl.u32 s25, $0x2;
	[dreg:$0x10] =	wrdreg s11;
	s1 =	sadd.s32 s2, s1  }
0x23: {  	s28 =	sadd.s32 s2, s3;
	[dreg:$0x18] =	wrdreg s1;
	s1 =	sshrl.u32 s19, $0x2  }
.Ltmp0:
0x24: {  	[dreg:$0x1e] =	wrdreg s28;
	s1 =	sadd.s32 s2, s1;
	(pc) =	sbr.rel .LBB2_1-.Ltmp0, $4  }
0x25: {  	s21 =	simm.s32 $0x2;
	[dreg:$0x1a] =	wrdreg s1;
	s1 =	sadd.s32 s0, s22  }
0x26: {  	s15 =	simm.s32 $0x1;
	[dreg:$0x1b] =	wrdreg s1;
	s1 =	sadd.s32 s2, s23  }
0x27: {  	s3 =	simm.s32 $0x4;
	[dreg:$0x1c] =	wrdreg s1;
	s1 =	sadd.s32 s0, s26  }
0x28: {  	v0 =	vimm.f32 $0.0e+00;
	s11 =	simm.s32 $0x6;
	s26 =	simm.s32 $0x7;
	[dreg:$0x1d] =	wrdreg s1  }
.LBB2_35:
0x29: {  	[bflag:$0x0] =	sbarrier.arrive $0xFFFF  }
0x2a: {  	s6 =	simm.s32 $0x10300;
	s9 =	rddreg [dreg:$0x7]  }
0x2b: {  	[tilespmem:s6], [sflag:$0x7] =	stream.linear.gather [spmem:s9], $0x1870, $0x38;
	[tilespmem:$0x133F0] =	vst v63  }
0x2c: {  	_ =	swait.ge [sflag:s26], $0x1870  }
0x2d: {  	[sflag:s26] =	ssyncset.done $0x0  }
0x2e: {  	s1 =	rddreg [dreg:$0x12];
	[sflag:s26] =	ssyncadd.s32 $0xFFFFE790  }
0x2f: {  	[hbm4b:s1+s7] =	stream.linear.scatter [tilespmem:s6], [sflag:$0x7], $0x1870, $0x38;
	[tilespmem:$0x133F0] =	vst v63  }
0x30: {  	_ =	swait.ge [sflag:s26], $0x1870  }
0x31: {  	s4 =	sadd.s32 $0x1, s4;
	s31 =	rddreg [dreg:$0x1f]  }
0x32: {  	p1 =	sne.s32 s4, s31  }
.Ltmp1:
0x33: {  	_ = 	snop;
	(pc) =	sbr.rel @!p1 .LBB2_36-.Ltmp1, $3  }
0x34: {  	_ =	sdelay $0x1  }
0x35: {  	[sflag:s26] =	ssyncset.done $0x0  }
0x36: {  	[sflag:s26] =	ssyncadd.s32 $0xFFFFE790  }
.LBB2_1:
0x37: {  	[smem:$0x7FD] =	sst s4  }
0x38: {  	s1 =	rddreg [dreg:$0x2]  }
0x39: {  	[tilespmem:s7], [sflag:$0x7] =	stream.linear.gather [hbm4b:s1+s7], $0x6200, $0x38;
	[tilespmem:$0x133F0] =	vst v63  }
0x3a: {  	_ =	swait.ge [sflag:s26], $0x6200  }
0x3b: {  	[sflag:s26] =	ssyncset.done $0x0  }
0x3c: {  	[sflag:s26] =	ssyncadd.s32 $0xFFFF9E00  }
0x3d: {  	s31 =	rddreg [dreg:$0x3]  }
0x3e: {  	[tilespmem:s10], [sflag:$0x7] =	stream.linear.gather [hbm4b:s31+s7], $0x100, $0x38;
	[tilespmem:$0x133F0] =	vst v63  }
0x3f: {  	_ =	swait.ge [sflag:s26], $0x100  }
0x40: {  	[sflag:s26] =	ssyncset.done $0x0  }
0x41: {  	s4 =	simm.s32 $0x0;
	s1 =	simm.s32 $0x40;
	[sflag:s26] =	ssyncadd.s32 $0xFFFFFF00  }
.LBB2_2:
0x42: {  	p1 =	sne.s32 s1, $0x6180;
	[tilespmem:s4+$0x10300] =	vst v0;
	s4 =	smov.u32 s1;
	s1 =	sadd.s32 $0x40, s1  }
.Ltmp2:
0x43: {  	(pc) =	sbr.rel @p1 .LBB2_2-.Ltmp2, $2  }
0x44: {  	_ =	sdelay $0x2  }
0x45: {  	s4 =	sshra.s32 s4, $0x2  }
0x46: {  	[tilespmem:s4+$0x10300] =	vst v0  }
0x47: {  	[spmem:s9] =	stream.linear.scatter [tilespmem:s6], [sflag:$0x7], $0x1870, $0x38;
	[tilespmem:$0x133F0] =	vst v63  }
0x48: {  	_ =	swait.ge [sflag:s26], $0x1870  }
0x49: {  	[sflag:s26] =	ssyncset.done $0x0  }
0x4a: {  	[sflag:s26] =	ssyncadd.s32 $0xFFFFE790  }
0x4b: {  	[bflag:$0x0] =	sbarrier.arrive $0xFFFF  }
0x4c: {  	s1 =	simm.s32 $0x0;
	s4 =	simm.s32 $0x6300;
	s28 =	rddreg [dreg:$0x9]  }
0x4d: {  	[tilespmem:s4], [sflag:$0x1] =	stream.linear.gather [hbm4b:s28+s1], $0x800, $0x38;
	[tilespmem:$0x133F0] =	vst v63  }
0x4e: {  	s8 =	simm.s32 $0x8300;
	s31 =	rddreg [dreg:$0xa]  }
0x4f: {  	[tilespmem:s8], [sflag:$0x1] =	stream.linear.gather [hbm4b:s31+s1], $0x1000, $0x38;
	[tilespmem:$0x133F0] =	vst v63  }
0x50: {  	s12 =	simm.s32 $0x6B00;
	s9 =	rddreg [dreg:$0xb]  }
0x51: {  	[tilespmem:s12], [sflag:$0x2] =	stream.linear.gather [hbm4b:s9+s1], $0x800, $0x38;
	[tilespmem:$0x133F0] =	vst v63  }
0x52: {  	s14 =	simm.s32 $0x9300;
	s13 =	rddreg [dreg:$0xc]  }
0x53: {  	[tilespmem:s14], [sflag:$0x2] =	stream.linear.gather [hbm4b:s13+s1], $0x1000, $0x38;
	[tilespmem:$0x133F0] =	vst v63  }
0x54: {  	_ =	swait.ge [sflag:s15], $0x800  }
0x55: {  	s17 =	simm.s32 $0x7300;
	[sflag:s15] =	ssyncset.done $0x0  }
0x56: {  	s20 =	simm.s32 $0xA300;
	s22 =	simm.s32 $0x0;
	[sflag:s15] =	ssyncadd.s32 $0xFFFFF800  }
0x57: {  	s23 =	sand.u32 $0x40, s22;
	s26 =	sand.u32 $0x780, s22;
	_ =	swait.ge [sflag:s15], $0x1000  }
0x58: {  	s8 =	simm.s32 $0x40;
	s31 =	simm.s32 $0x80;
	[sflag:s15] =	ssyncset.done $0x0  }
0x59: {  	s6 =	sand.u32 $0xF00, s31;
	s16 =	rddreg [dreg:$0xd];
	[sflag:s15] =	ssyncadd.s32 $0xFFFFF000  }
0x5a: {  	[tilespmem:s17], [sflag:$0x3] =	stream.linear.gather [hbm4b:s16+s1], $0x800, $0x38;
	[tilespmem:$0x133F0] =	vst v63  }
0x5b: {  	s9 =	sand.u32 $0x40, s8;
	s6 =	sadd.s32 $0x8300, s6;
	s19 =	rddreg [dreg:$0xe]  }
0x5c: {  	[tilespmem:s20], [sflag:$0x3] =	stream.linear.gather [hbm4b:s19+s1], $0x1000, $0x38;
	[tilespmem:$0x133F0] =	vst v63  }
0x5d: {  	s14 =	sor.u32 $0x10, s23;
	s1 =	sand.u32 $0xF00, s1;
	s20 =	sor.u32 s9, s6  }
0x5e: {  	s12 =	sor.u32 $0x30, s23;
	s17 =	sor.u32 s26, s14;
	s1 =	sadd.s32 $0x8300, s1;
	v20 =	vld [tilespmem:s20+$0x0]  }
0x5f: {  	v47 =	vld [tilespmem:s17+$0x6300];
	s13 =	sor.u32 s12, s1  }
0x60: {  	v1 =	vld [tilespmem:s13+$0x0]  }
0x61: {  	s19 =	sor.u32 $0x20, s23;
	s16 =	sor.u32 s14, s1;
	v3 =	vld [tilespmem:s13+$0x80]  }
0x62: {  	s25 =	sor.u32 s19, s1;
	v4 =	vld [tilespmem:s16+$0x0]  }
0x63: {  	s1 =	sor.u32 s23, s1;
	v5 =	vld [tilespmem:s25+$0x0]  }
0x64: {  	v6 =	vld [tilespmem:s1+$0x0]  }
0x65: {  	v7 =	vld [tilespmem:s16+$0x80]  }
0x66: {  	v8 =	vld [tilespmem:s25+$0x80]  }
0x67: {  	v10 =	vld [tilespmem:s1+$0x80];
	s16 =	sor.u32 s26, s12  }
0x68: {  	s1 =	sor.u32 s26, s19;
	s26 =	sor.u32 $0x10, s9;
	v48 =	vld [tilespmem:s16+$0x6300]  }
0x69: {  	s14 =	sor.u32 s26, s6;
	v49 =	vld [tilespmem:s1+$0x6300]  }
0x6a: {  	s28 =	simm.s32 $0xE300;
	v21 =	vld [tilespmem:s14+$0x0];
	v11 =	vshra.s32 v4, $0x2;
	v12 =	vshra.s32 v5, $0x2;
	[tilespmem:s17+$0xE300] =	vst v4;
	v4 =	vshll.u32 v4, $0x3  }
0x6b: {  	v24 =	vld [tilespmem:s14+$0x80];
	v13 =	vshra.s32 v6, $0x2;
	v14 =	vshra.s32 v7, $0x2;
	[tilespmem:s28+$0x0] =	vst v6;
	s28 =	sor.u32 $0x30, s9;
	v23 =	vand.u32 $0x18, v4  }
0x6c: {  	[tilespmem:s1+$0xE300] =	vst v5;
	s13 =	sor.u32 s28, s6;
	v4 =	vshll.u32 v5, $0x3;
	v5 =	vshll.u32 v6, $0x3;
	v6 =	vshll.u32 v7, $0x3;
	v7 =	vld [tilespmem:s20+$0x80]  }
0x6d: {  	s19 =	sor.u32 $0x20, s9;
	v2 =	vshra.s32 v1, $0x2;
	v18 =	vld [tilespmem:s13+$0x0]  }
0x6e: {  	v9 =	vshra.s32 v3, $0x2;
	s6 =	sor.u32 s19, s6;
	v19 =	vld [tilespmem:s13+$0x80]  }
0x6f: {  	s20 =	simm.s32 $0xE340;
	v22 =	vld [tilespmem:s6+$0x0]  }
0x70: {  	s23 =	simm.s32 $0x6340;
	v27 =	vld [tilespmem:s6+$0x80];
	[tilespmem:s20+$0x0] =	vst v20  }
0x71: {  	[tilespmem:s16+$0xE300] =	vst v1;
	v26 =	vand.u32 $0x18, v5;
	v5 =	vshll.u32 v1, $0x3;
	v1 =	vld [tilespmem:s23+$0x0]  }
0x72: {  	v15 =	vld.idx.msk [tilespmem:v2+s7+$0x0], $0xffff  }
0x73: {  	v16 =	vshra.s32 v10, $0x2;
	v9 =	vld.idx.msk [tilespmem:v9+s7+$0x0], $0xffff  }
0x74: {  	v11 =	vld.idx.msk [tilespmem:v11+s7+$0x0], $0xffff  }
0x75: {  	s14 =	simm.s32 $0x100;
	s13 =	simm.s32 $0x80;
	v2 =	vshra.s32 v8, $0x2;
	v12 =	vld.idx.msk [tilespmem:v12+s7+$0x0], $0xffff  }
0x76: {  	s22 =	sand.u32 $0xF00, s14;
	v50 =	vshra.s32 v20, $0x2;
	s12 =	sand.u32 $0x40, s13;
	v13 =	vld.idx.msk [tilespmem:v13+s7+$0x0], $0xffff  }
0x77: {  	s25 =	sadd.s32 $0x8300, s22;
	v3 =	vshll.u32 v3, $0x3;
	v25 =	vand.u32 $0x18, v4;
	v6 =	vand.u32 $0x18, v6;
	s6 =	sor.u32 $0x10, s12;
	v14 =	vld.idx.msk [tilespmem:v14+s7+$0x0], $0xffff  }
0x78: {  	v4 =	vshll.u32 v8, $0x3;
	v20 =	vshll.u32 v20, $0x3;
	v52 =	vshll.u32 v24, $0x3;
	v16 =	vld.idx.msk [tilespmem:v16+s7+$0x0], $0xffff;
	s31 =	sor.u32 s6, s25  }
0x79: {  	v5 =	vand.u32 $0x18, v5;
	v28 =	vand.u32 $0x18, v4;
	v8 =	vshll.u32 v10, $0x3;
	v45 =	vld [tilespmem:s31+$0x80]  }
0x7a: {  	v10 =	vand.u32 $0x18, v3;
	v8 =	vand.u32 $0x18, v8;
	v46 =	vshra.s32 v19, $0x2;
	v17 =	vld.idx.msk [tilespmem:v2+s7+$0x0], $0xffff  }
0x7b: {  	s22 =	sor.u32 $0x20, s12;
	v2 =	vld [tilespmem:s4+$0x0];
	v5 =	vshra.s32 v15, v5;
	v9 =	vshra.s32 v9, v10;
	v10 =	vshra.s32 v11, v23  }
0x7c: {  	v11 =	vld [tilespmem:s31+$0x0];
	v15 =	vshra.s32 v18, $0x2;
	s31 =	sor.u32 s22, s25;
	v12 =	vshra.s32 v12, v25;
	v13 =	vshra.s32 v13, v26  }
0x7d: {  	s4 =	sor.u32 $0x30, s12;
	v6 =	vshra.s32 v14, v6;
	v14 =	vshra.s32 v21, $0x2;
	v8 =	vshra.s32 v16, v8;
	s12 =	sor.u32 s12, s25;
	v29 =	vld [tilespmem:s31+$0x0]  }
0x7e: {  	v16 =	vshra.s32 v24, $0x2;
	s20 =	sor.u32 s4, s25;
	v5 =	vshll.u32 v5, $0x4;
	v9 =	vand.u32 $0xFF, v9;
	v57 =	vld [tilespmem:s12+$0x80]  }
0x7f: {  	s9 =	sand.u32 $0x780, s8;
	v10 =	vshll.u32 v10, $0x4;
	v12 =	vshll.u32 v12, $0x4;
	v13 =	vshll.u32 v13, $0x4;
	v3 =	vld [tilespmem:s20+$0x0]  }
0x80: {  	s8 =	sor.u32 s9, s28;
	v6 =	vand.u32 $0xFF, v6;
	v8 =	vand.u32 $0xFF, v8;
	v4 =	vld [tilespmem:s20+$0x80];
	v5 =	vand.u32 $0xFF0, v5  }
0x81: {  	s26 =	sor.u32 s9, s26;
	[tilespmem:s8+$0xE300] =	vst v18;
	v10 =	vand.u32 $0xFF0, v10;
	v9 =	vadd.s32 v9, v5;
	v5 =	vld [tilespmem:s31+$0x80];
	v17 =	vshra.s32 v17, v28  }
0x82: {  	[tilespmem:s26+$0xE300] =	vst v21;
	v12 =	vand.u32 $0xFF0, v12;
	v6 =	vadd.s32 v6, v10;
	v10 =	vld.idx.msk [tilespmem:v15+s7+$0x0], $0xffff;
	v15 =	vand.u32 $0xFF, v17  }
0x83: {  	v13 =	vand.u32 $0xFF0, v13;
	v14 =	vld.idx.msk [tilespmem:v14+s7+$0x0], $0xffff;
	v12 =	vadd.s32 v15, v12;
	v15 =	vshra.s32 v22, $0x2  }
0x84: {  	v20 =	vand.u32 $0x18, v20;
	v8 =	vadd.s32 v8, v13;
	v13 =	vshra.s32 v27, $0x2;
	v17 =	vld.idx.msk [tilespmem:v46+s7+$0x0], $0xffff  }
0x85: {  	v51 =	vshra.s32 v7, $0x2;
	v19 =	vshll.u32 v19, $0x3;
	v53 =	vshll.u32 v27, $0x3;
	v16 =	vld.idx.msk [tilespmem:v16+s7+$0x0], $0xffff  }
0x86: {  	s23 =	sor.u32 s9, s19;
	v19 =	vand.u32 $0x18, v19;
	v18 =	vshll.u32 v18, $0x3;
	v21 =	vshll.u32 v21, $0x3;
	v9 =	vld.idx.msk [tilespmem:v9+s10+$0x0], $0xffff  }
0x87: {  	[tilespmem:s23+$0xE300] =	vst v22;
	v18 =	vand.u32 $0x18, v18;
	v21 =	vand.u32 $0x18, v21;
	v54 =	vshra.s32 v3, $0x2;
	v6 =	vld.idx.msk [tilespmem:v6+s10+$0x0], $0xffff  }
0x88: {  	v10 =	vshra.s32 v10, v18;
	v14 =	vshra.s32 v14, v21;
	v21 =	vand.u32 $0x18, v52;
	v15 =	vld.idx.msk [tilespmem:v15+s7+$0x0], $0xffff  }
0x89: {  	v13 =	vld.idx.msk [tilespmem:v13+s7+$0x0], $0xffff;
	v17 =	vshra.s32 v17, v19;
	v10 =	vshll.u32 v10, $0x4;
	v14 =	vshll.u32 v14, $0x4  }
0x8a: {  	v8 =	vld.idx.msk [tilespmem:v8+s10+$0x0], $0xffff;
	v16 =	vshra.s32 v16, v21;
	v17 =	vand.u32 $0xFF, v17;
	v10 =	vand.u32 $0xFF0, v10  }
0x8b: {  	v18 =	vld.idx.msk [tilespmem:v50+s7+$0x0], $0xffff;
	v14 =	vand.u32 $0xFF0, v14;
	v10 =	vadd.s32 v17, v10;
	v17 =	vshll.u32 v22, $0x3  }
0x8c: {  	v19 =	vld.idx.msk [tilespmem:v51+s7+$0x0], $0xffff;
	v16 =	vand.u32 $0xFF, v16;
	v9 =	vmul.f32 v9, v48;
	v17 =	vand.u32 $0x18, v17  }
0x8d: {  	v12 =	vld.idx.msk [tilespmem:v12+s10+$0x0], $0xffff;
	v22 =	vand.u32 $0x18, v53;
	v14 =	vadd.s32 v16, v14;
	v15 =	vshra.s32 v15, v17  }
0x8e: {  	v7 =	vshll.u32 v7, $0x3;
	s31 =	sand.u32 $0x780, s13;
	v16 =	vld [tilespmem:s8+$0x6300];
	v13 =	vshra.s32 v13, v22;
	v15 =	vshll.u32 v15, $0x4  }
0x8f: {  	v7 =	vand.u32 $0x18, v7;
	v13 =	vand.u32 $0xFF, v13;
	[tilespmem:s16+$0xC300] =	vst v9;
	s16 =	sor.u32 s31, s4;
	v17 =	vld [tilespmem:s26+$0x6300];
	v15 =	vand.u32 $0xFF0, v15  }
0x90: {  	v60 =	vmul.f32 v8, v2;
	v8 =	vshra.s32 v29, $0x2;
	[tilespmem:s16+$0xE300] =	vst v3;
	v13 =	vadd.s32 v13, v15;
	v15 =	vld [tilespmem:s12+$0x0]  }
0x91: {  	v62 =	vshra.s32 v45, $0x2;
	v58 =	vshra.s32 v11, $0x2;
	v18 =	vshra.s32 v18, v20;
	v20 =	vld.idx.msk [tilespmem:v54+s7+$0x0], $0xffff  }
0x92: {  	v56 =	vshra.s32 v4, $0x2;
	v4 =	vshll.u32 v4, $0x3;
	v63 =	vshra.s32 v5, $0x2;
	v14 =	vld.idx.msk [tilespmem:v14+s10+$0x0], $0xffff  }
0x93: {  	s22 =	sor.u32 s31, s22;
	v7 =	vshra.s32 v19, v7;
	v55 =	vmul.f32 v12, v49;
	v12 =	vshll.u32 v18, $0x4;
	v10 =	vld.idx.msk [tilespmem:v10+s10+$0x0], $0xffff  }
0x94: {  	v59 =	vld [tilespmem:s23+$0x6300];
	[tilespmem:s22+$0xE300] =	vst v29;
	v6 =	vmul.f32 v6, v47;
	v7 =	vand.u32 $0xFF, v7;
	v12 =	vand.u32 $0xFF0, v12  }
0x95: {  	v5 =	vshll.u32 v5, $0x3;
	v61 =	vadd.s32 v7, v12;
	v12 =	vld.idx.msk [tilespmem:v8+s7+$0x0], $0xffff;
	v9 =	vshra.s32 v15, $0x2  }
0x96: {  	v2 =	vshll.u32 v11, $0x3;
	[tilespmem:s17+$0xC300] =	vst v6;
	s17 =	sor.u32 s31, s6;
	v8 =	vshll.u32 v3, $0x3;
	v3 =	vand.u32 $0x18, v5;
	v13 =	vld.idx.msk [tilespmem:v13+s10+$0x0], $0xffff  }
0x97: {  	[tilespmem:s17+$0xE300] =	vst v11;
	v18 =	vld.idx.msk [tilespmem:v56+s7+$0x0], $0xffff;
	v5 =	vand.u32 $0x18, v8;
	v14 =	vmul.f32 v14, v17;
	v17 =	vshra.s32 v57, $0x2  }
0x98: {  	s25 =	simm.s32 $0xE380;
	v11 =	vshll.u32 v45, $0x3;
	v19 =	vld.idx.msk [tilespmem:v58+s7+$0x0], $0xffff;
	[tilespmem:s1+$0xC300] =	vst v55;
	v5 =	vshra.s32 v20, v5;
	v10 =	vmul.f32 v10, v16  }
0x99: {  	s1 =	simm.s32 $0xC300;
	v8 =	vld.idx.msk [tilespmem:v63+s7+$0x0], $0xffff;
	v16 =	vand.u32 $0x18, v2;
	v2 =	vshll.u32 v29, $0x3;
	v5 =	vshll.u32 v5, $0x4;
	[tilespmem:s25+$0x0] =	vst v15  }
0x9a: {  	[tilespmem:s1+$0x0] =	vst v60;
	v7 =	vand.u32 $0x18, v2;
	v2 =	vand.u32 $0x18, v11;
	v6 =	vshll.u32 v15, $0x3;
	v11 =	vld.idx.msk [tilespmem:v9+s7+$0x0], $0xffff  }
0x9b: {  	v15 =	vshll.u32 v57, $0x3;
	[tilespmem:s26+$0xC300] =	vst v14;
	v14 =	vand.u32 $0x18, v4;
	v9 =	vld.idx.msk [tilespmem:v62+s7+$0x0], $0xffff;
	v13 =	vmul.f32 v13, v59  }
0x9c: {  	[tilespmem:s8+$0xC300] =	vst v10;
	v6 =	vand.u32 $0x18, v6;
	v4 =	vand.u32 $0x18, v15;
	v15 =	vshra.s32 v18, v14;
	v10 =	vld.idx.msk [tilespmem:v17+s7+$0x0], $0xffff  }
0x9d: {  	s6 =	simm.s32 $0x6380;
	v14 =	vshra.s32 v19, v16;
	[tilespmem:s23+$0xC300] =	vst v13;
	v13 =	vand.u32 $0xFF, v15;
	v15 =	vand.u32 $0xFF0, v5;
	v5 =	vld.idx.msk [tilespmem:v61+s10+$0x0], $0xffff  }
.LBB2_4:
0x9e: {  	s13 =	sadd.s32 $0x40, s13;
	v16 =	vld [tilespmem:s6+$0x0];
	v14 =	vshll.u32 v14, $0x4;
	v7 =	vshra.s32 v12, v7;
	v12 =	vadd.s32 v13, v15;
	s14 =	sadd.s32 $0x80, s14  }
0x9f: {  	v6 =	vshra.s32 v11, v6;
	s4 =	sand.u32 $0x40, s13;
	s8 =	sand.u32 $0xF00, s14;
	p1 =	slt.u32 s13, $0x7C0;
	v11 =	vand.u32 $0xFF0, v14;
	v13 =	vld [tilespmem:s17+$0x6300];
	v7 =	vshll.u32 v7, $0x4  }
0xa0: {  	v6 =	vshll.u32 v6, $0x4;
	v2 =	vshra.s32 v9, v2;
	s8 =	sadd.s32 $0x8300, s8;
	s12 =	sor.u32 $0x10, s4;
	s19 =	sor.u32 $0x30, s4;
	v7 =	vand.u32 $0xFF0, v7;
	v14 =	vld [tilespmem:s22+$0x6300]  }
0xa1: {  	s26 =	sor.u32 $0x20, s4;
	v6 =	vand.u32 $0xFF0, v6;
	v2 =	vand.u32 $0xFF, v2;
	v3 =	vshra.s32 v8, v3;
	s20 =	sor.u32 s12, s8;
	s28 =	sor.u32 s19, s8;
	v8 =	vld [tilespmem:s16+$0x6300]  }
0xa2: {  	s4 =	sor.u32 s4, s8;
	s8 =	sor.u32 s26, s8;
	v4 =	vshra.s32 v10, v4;
	v2 =	vadd.s32 v2, v11;
	v3 =	vand.u32 $0xFF, v3;
	v9 =	vld [tilespmem:s28+$0x0]  }
0xa3: {  	v4 =	vand.u32 $0xFF, v4;
	v3 =	vadd.s32 v3, v7;
	v5 =	vmul.f32 v5, v1;
	v7 =	vld.idx.msk [tilespmem:v12+s10+$0x0], $0xffff;
	v1 =	vmovc v16  }
0xa4: {  	s1 =	sadd.s32 $0x40, s1;
	v16 =	vadd.s32 v4, v6;
	v10 =	vld [tilespmem:s28+$0x80]  }
0xa5: {  	v4 =	vld [tilespmem:s20+$0x0];
	[tilespmem:s1+$0x0] =	vst v5  }
0xa6: {  	v5 =	vld [tilespmem:s8+$0x0]  }
0xa7: {  	v11 =	vld [tilespmem:s4+$0x0]  }
0xa8: {  	v15 =	vshra.s32 v9, $0x2;
	v12 =	vld [tilespmem:s20+$0x80]  }
0xa9: {  	v6 =	vmul.f32 v7, v8;
	v17 =	vld [tilespmem:s8+$0x80];
	v18 =	vshra.s32 v10, $0x2  }
0xaa: {  	v8 =	vld [tilespmem:s4+$0x80];
	s4 =	sand.u32 $0x780, s13;
	v19 =	vshra.s32 v4, $0x2;
	v7 =	vshll.u32 v4, $0x3  }
0xab: {  	s8 =	sor.u32 s4, s12;
	v20 =	vand.u32 $0x18, v7;
	s12 =	sor.u32 s4, s26;
	v21 =	vshra.s32 v5, $0x2;
	v7 =	vshll.u32 v5, $0x3;
	v22 =	vld.idx.msk [tilespmem:v2+s10+$0x0], $0xffff;
	[tilespmem:s16+$0xC300] =	vst v6;
	s16 =	sor.u32 s4, s19  }
0xac: {  	v23 =	vshra.s32 v11, $0x2;
	v2 =	vshll.u32 v11, $0x3;
	v7 =	vand.u32 $0x18, v7;
	[tilespmem:s16+$0xE300] =	vst v9;
	v24 =	vld.idx.msk [tilespmem:v3+s10+$0x0], $0xffff  }
0xad: {  	v6 =	vand.u32 $0x18, v2;
	[tilespmem:s8+$0xE300] =	vst v4;
	v25 =	vshra.s32 v12, $0x2;
	v2 =	vshll.u32 v12, $0x3;
	v15 =	vld.idx.msk [tilespmem:v15+s7+$0x0], $0xffff  }
0xae: {  	s25 =	sadd.s32 $0x40, s25;
	v2 =	vand.u32 $0x18, v2;
	[tilespmem:s12+$0xE300] =	vst v5;
	v5 =	vshra.s32 v17, $0x2;
	v3 =	vshll.u32 v17, $0x3;
	v17 =	vld.idx.msk [tilespmem:v18+s7+$0x0], $0xffff  }
0xaf: {  	[tilespmem:s25+$0x0] =	vst v11;
	v18 =	vshra.s32 v8, $0x2;
	v4 =	vshll.u32 v8, $0x3;
	v19 =	vld.idx.msk [tilespmem:v19+s7+$0x0], $0xffff;
	v3 =	vand.u32 $0x18, v3  }
0xb0: {  	v4 =	vand.u32 $0x18, v4;
	v12 =	vld.idx.msk [tilespmem:v21+s7+$0x0], $0xffff  }
.Ltmp3:
0xb1: {  	v8 =	vshll.u32 v9, $0x3;
	v13 =	vmul.f32 v22, v13;
	v11 =	vld.idx.msk [tilespmem:v23+s7+$0x0], $0xffff;
	(pc) =	sbr.rel @p1 .LBB2_4-.Ltmp3, $4  }
0xb2: {  	v10 =	vshll.u32 v10, $0x3;
	v21 =	vand.u32 $0x18, v8;
	v14 =	vmul.f32 v24, v14;
	v9 =	vld.idx.msk [tilespmem:v25+s7+$0x0], $0xffff  }
0xb3: {  	v8 =	vld.idx.msk [tilespmem:v5+s7+$0x0], $0xffff;
	v5 =	vshra.s32 v15, v21;
	v15 =	vand.u32 $0x18, v10;
	[tilespmem:s17+$0xC300] =	vst v13;
	s17 =	smov.u32 s8  }
0xb4: {  	v10 =	vld.idx.msk [tilespmem:v18+s7+$0x0], $0xffff;
	v13 =	vshra.s32 v17, v15;
	v5 =	vshll.u32 v5, $0x4;
	[tilespmem:s22+$0xC300] =	vst v14;
	s22 =	smov.u32 s12  }
0xb5: {  	s6 =	sadd.s32 $0x40, s6;
	v14 =	vshra.s32 v19, v20;
	v13 =	vand.u32 $0xFF, v13;
	v15 =	vand.u32 $0xFF0, v5;
	v5 =	vld.idx.msk [tilespmem:v16+s10+$0x0], $0xffff  }
0xb6: {  	v14 =	vshll.u32 v14, $0x4;
	v7 =	vshra.s32 v12, v7  }
0xb7: {  	v12 =	vadd.s32 v13, v15;
	v6 =	vshra.s32 v11, v6;
	v11 =	vand.u32 $0xFF0, v14  }
0xb8: {  	v7 =	vshll.u32 v7, $0x4;
	v6 =	vshll.u32 v6, $0x4;
	v2 =	vshra.s32 v9, v2  }
0xb9: {  	v7 =	vand.u32 $0xFF0, v7;
	v2 =	vand.u32 $0xFF, v2;
	v3 =	vshra.s32 v8, v3  }
0xba: {  	v9 =	vld [tilespmem:s17+$0x6300];
	v4 =	vshra.s32 v10, v4;
	v2 =	vadd.s32 v2, v11;
	v3 =	vand.u32 $0xFF, v3  }
0xbb: {  	v8 =	vld [tilespmem:s6+$0x0];
	v6 =	vand.u32 $0xFF0, v6;
	v4 =	vand.u32 $0xFF, v4;
	v3 =	vadd.s32 v3, v7  }
0xbc: {  	v7 =	vld [tilespmem:s22+$0x6300];
	v4 =	vadd.s32 v4, v6  }
0xbd: {  	v6 =	vld [tilespmem:s16+$0x6300]  }
0xbe: {  	v10 =	vld.idx.msk [tilespmem:v12+s10+$0x0], $0xffff  }
0xbf: {  	v2 =	vld.idx.msk [tilespmem:v2+s10+$0x0], $0xffff  }
0xc0: {  	v3 =	vld.idx.msk [tilespmem:v3+s10+$0x0], $0xffff  }
0xc1: {  	v4 =	vld.idx.msk [tilespmem:v4+s10+$0x0], $0xffff  }
0xc2: {  	v1 =	vmul.f32 v5, v1  }
0xc3: {  	s1 =	sadd.s32 $0x40, s1;
	v5 =	vmul.f32 v10, v6  }
0xc4: {  	[tilespmem:s1+$0x0] =	vst v1;
	v1 =	vmul.f32 v2, v9  }
0xc5: {  	[tilespmem:s16+$0xC300] =	vst v5;
	v2 =	vmul.f32 v3, v7  }
0xc6: {  	[tilespmem:s17+$0xC300] =	vst v1;
	v1 =	vmul.f32 v4, v8  }
0xc7: {  	s1 =	sadd.s32 $0x40, s1;
	[tilespmem:s22+$0xC300] =	vst v2  }
0xc8: {  	s4 =	simm.s32 $0xC300;
	s16 =	simm.s32 $0xE300;
	[tilespmem:s1+$0x0] =	vst v1  }
0xc9: {  	[spmem:s5] =	stream.indirect.scatter.add.f32 [tilespmem:s4], [sflag:$0x5], $0x1, s16, s18, $0xb8;
	[tilespmem:$0x133F0] =	vst v63  }
0xca: {  	_ =	swait.ge [sflag:s21], $0x800  }
0xcb: {  	[sflag:s21] =	ssyncset.done $0x0  }
0xcc: {  	s20 =	simm.s32 $0x7B00;
	s25 =	simm.s32 $0x0;
	[sflag:s21] =	ssyncadd.s32 $0xFFFFF800  }
0xcd: {  	s26 =	sand.u32 $0x40, s25;
	s17 =	simm.s32 $0x0;
	_ =	swait.ge [sflag:s21], $0x1000  }
0xce: {  	s8 =	sor.u32 $0x30, s26;
	s1 =	sand.u32 $0xF00, s17;
	[sflag:s21] =	ssyncset.done $0x0  }
0xcf: {  	s1 =	sadd.s32 $0x9300, s1;
	s19 =	rddreg [dreg:$0xf];
	[sflag:s21] =	ssyncadd.s32 $0xFFFFF000  }
0xd0: {  	[tilespmem:s20], [sflag:$0x4] =	stream.linear.gather [hbm4b:s19+s17], $0x800, $0x38;
	[tilespmem:$0x133F0] =	vst v63  }
0xd1: {  	s23 =	simm.s32 $0xB300;
	s12 =	sor.u32 s8, s1;
	s22 =	rddreg [dreg:$0x10]  }
0xd2: {  	[tilespmem:s23], [sflag:$0x4] =	stream.linear.gather [hbm4b:s22+s17], $0x1000, $0x38;
	[tilespmem:$0x133F0] =	vst v63  }
0xd3: {  	s13 =	sor.u32 $0x10, s26;
	v1 =	vld [tilespmem:s12+$0x0]  }
0xd4: {  	s28 =	sor.u32 $0x20, s26;
	s14 =	sor.u32 s13, s1;
	v2 =	vld [tilespmem:s12+$0x80]  }
0xd5: {  	s9 =	sor.u32 s28, s1;
	v4 =	vld [tilespmem:s14+$0x0]  }
0xd6: {  	s4 =	sand.u32 $0x780, s25;
	s1 =	sor.u32 s26, s1;
	v5 =	vld [tilespmem:s9+$0x0]  }
0xd7: {  	s16 =	sor.u32 s4, s8;
	v6 =	vld [tilespmem:s1+$0x0]  }
0xd8: {  	s25 =	sor.u32 s4, s28;
	s20 =	simm.s32 $0x80;
	v7 =	vld [tilespmem:s14+$0x80];
	s14 =	simm.s32 $0x40  }
0xd9: {  	v10 =	vld [tilespmem:s1+$0x80];
	s1 =	sor.u32 s4, s13;
	s4 =	sand.u32 $0xF00, s20;
	s22 =	sand.u32 $0x40, s14  }
0xda: {  	v8 =	vld [tilespmem:s9+$0x80];
	s4 =	sadd.s32 $0x9300, s4;
	s23 =	sor.u32 $0x30, s22;
	s19 =	sor.u32 $0x20, s22;
	v3 =	vshra.s32 v1, $0x2  }
0xdb: {  	v17 =	vld [tilespmem:s16+$0x6B00];
	s28 =	sor.u32 $0x10, s22;
	s26 =	sor.u32 s23, s4;
	s20 =	sor.u32 s19, s4;
	v9 =	vshra.s32 v2, $0x2  }
0xdc: {  	s9 =	sor.u32 s28, s4;
	s4 =	sor.u32 s22, s4;
	s22 =	sand.u32 $0x780, s14;
	v19 =	vld [tilespmem:s20+$0x80];
	v11 =	vshra.s32 v4, $0x2  }
0xdd: {  	v21 =	vld [tilespmem:s4+$0x80];
	s8 =	sor.u32 s22, s28;
	v12 =	vshra.s32 v5, $0x2  }
0xde: {  	v13 =	vshra.s32 v6, $0x2;
	[tilespmem:s16+$0xEB00] =	vst v1;
	v55 =	vld [tilespmem:s8+$0x6B00]  }
0xdf: {  	v14 =	vshra.s32 v7, $0x2;
	v3 =	vld.idx.msk [tilespmem:v3+s7+$0x0], $0xffff  }
0xe0: {  	[tilespmem:s1+$0xEB00] =	vst v4;
	v15 =	vshra.s32 v8, $0x2;
	v9 =	vld.idx.msk [tilespmem:v9+s7+$0x0], $0xffff  }
0xe1: {  	s12 =	simm.s32 $0xEB00;
	[tilespmem:s25+$0xEB00] =	vst v5;
	v16 =	vshra.s32 v10, $0x2;
	v11 =	vld.idx.msk [tilespmem:v11+s7+$0x0], $0xffff  }
0xe2: {  	[tilespmem:s12+$0x0] =	vst v6;
	v12 =	vld.idx.msk [tilespmem:v12+s7+$0x0], $0xffff  }
0xe3: {  	v13 =	vld.idx.msk [tilespmem:v13+s7+$0x0], $0xffff  }
0xe4: {  	v2 =	vshll.u32 v2, $0x3;
	v14 =	vld.idx.msk [tilespmem:v14+s7+$0x0], $0xffff  }
0xe5: {  	v1 =	vshll.u32 v1, $0x3;
	v2 =	vand.u32 $0x18, v2;
	v15 =	vld.idx.msk [tilespmem:v15+s7+$0x0], $0xffff  }
0xe6: {  	v5 =	vshll.u32 v5, $0x3;
	v7 =	vshll.u32 v7, $0x3;
	v2 =	vshra.s32 v9, v2;
	v9 =	vld.idx.msk [tilespmem:v16+s7+$0x0], $0xffff  }
0xe7: {  	v8 =	vshll.u32 v8, $0x3;
	v5 =	vand.u32 $0x18, v5;
	v16 =	vshll.u32 v4, $0x3;
	v4 =	vld [tilespmem:s25+$0x6B00]  }
0xe8: {  	v1 =	vand.u32 $0x18, v1;
	v7 =	vand.u32 $0x18, v7;
	v5 =	vshra.s32 v12, v5;
	v12 =	vld [tilespmem:s26+$0x80]  }
0xe9: {  	v8 =	vand.u32 $0x18, v8;
	v1 =	vshra.s32 v3, v1;
	v7 =	vshra.s32 v14, v7;
	v14 =	vld [tilespmem:s9+$0x0]  }
0xea: {  	s13 =	simm.s32 $0x6B00;
	v8 =	vshra.s32 v15, v8;
	v15 =	vld [tilespmem:s9+$0x80];
	v1 =	vshll.u32 v1, $0x4  }
0xeb: {  	s14 =	simm.s32 $0x100;
	v3 =	vand.u32 $0xFF, v2;
	v2 =	vld [tilespmem:s13+$0x0];
	v16 =	vand.u32 $0x18, v16;
	v5 =	vshll.u32 v5, $0x4;
	s13 =	simm.s32 $0x80  }
0xec: {  	s6 =	sor.u32 s22, s23;
	s28 =	sand.u32 $0xF00, s14;
	v8 =	vand.u32 $0xFF, v8;
	v11 =	vshra.s32 v11, v16;
	v16 =	vld [tilespmem:s26+$0x0];
	v5 =	vand.u32 $0xFF0, v5;
	s12 =	sand.u32 $0x40, s13  }
0xed: {  	s17 =	sadd.s32 $0x9300, s28;
	v1 =	vand.u32 $0xFF0, v1;
	v5 =	vadd.s32 v8, v5;
	v8 =	vld [tilespmem:s4+$0x0];
	s4 =	sor.u32 s22, s19;
	s19 =	sor.u32 $0x30, s12  }
0xee: {  	v1 =	vadd.s32 v3, v1;
	v3 =	vld [tilespmem:s1+$0x6B00];
	v11 =	vshll.u32 v11, $0x4;
	s22 =	sor.u32 $0x10, s12;
	s9 =	sor.u32 $0x20, s12;
	s12 =	sor.u32 s12, s17  }
0xef: {  	v7 =	vand.u32 $0xFF, v7;
	v11 =	vand.u32 $0xFF0, v11;
	v60 =	vld [tilespmem:s12+$0x80]  }
0xf0: {  	v25 =	vshra.s32 v21, $0x2;
	v7 =	vadd.s32 v7, v11;
	v11 =	vld [tilespmem:s20+$0x0];
	s20 =	sor.u32 s19, s17  }
0xf1: {  	v56 =	vld [tilespmem:s20+$0x0]  }
0xf2: {  	v6 =	vshll.u32 v6, $0x3;
	v20 =	vshra.s32 v12, $0x2;
	v57 =	vld [tilespmem:s20+$0x80]  }
0xf3: {  	s23 =	simm.s32 $0xEB40;
	v6 =	vand.u32 $0x18, v6;
	v22 =	vshra.s32 v14, $0x2;
	v1 =	vld.idx.msk [tilespmem:v1+s10+$0x0], $0xffff  }
0xf4: {  	v10 =	vshll.u32 v10, $0x3;
	v6 =	vshra.s32 v13, v6;
	v13 =	vshra.s32 v15, $0x2;
	v5 =	vld.idx.msk [tilespmem:v5+s10+$0x0], $0xffff;
	[tilespmem:s23+$0x0] =	vst v8  }
0xf5: {  	v10 =	vand.u32 $0x18, v10;
	v18 =	vshra.s32 v16, $0x2;
	v54 =	vld.idx.msk [tilespmem:v25+s7+$0x0], $0xffff  }
0xf6: {  	v6 =	vshll.u32 v6, $0x4;
	v9 =	vshra.s32 v9, v10;
	v10 =	vshra.s32 v19, $0x2;
	[tilespmem:s6+$0xEB00] =	vst v16;
	v7 =	vld.idx.msk [tilespmem:v7+s10+$0x0], $0xffff  }
0xf7: {  	v6 =	vand.u32 $0xFF0, v6;
	[tilespmem:s8+$0xEB00] =	vst v14;
	v12 =	vshll.u32 v12, $0x3;
	v23 =	vshra.s32 v11, $0x2;
	v20 =	vld.idx.msk [tilespmem:v20+s7+$0x0], $0xffff  }
0xf8: {  	v14 =	vshll.u32 v14, $0x3;
	v15 =	vshll.u32 v15, $0x3;
	v24 =	vshra.s32 v8, $0x2;
	v22 =	vld.idx.msk [tilespmem:v22+s7+$0x0], $0xffff  }
0xf9: {  	v19 =	vshll.u32 v19, $0x3;
	v9 =	vand.u32 $0xFF, v9;
	v12 =	vand.u32 $0x18, v12;
	v13 =	vld.idx.msk [tilespmem:v13+s7+$0x0], $0xffff  }
0xfa: {  	v14 =	vand.u32 $0x18, v14;
	v15 =	vand.u32 $0x18, v15;
	v19 =	vand.u32 $0x18, v19;
	[tilespmem:s4+$0xEB00] =	vst v11;
	v18 =	vld.idx.msk [tilespmem:v18+s7+$0x0], $0xffff  }
0xfb: {  	v6 =	vadd.s32 v9, v6;
	v16 =	vshll.u32 v16, $0x3;
	v8 =	vshll.u32 v8, $0x3;
	v10 =	vld.idx.msk [tilespmem:v10+s7+$0x0], $0xffff  }
0xfc: {  	v16 =	vand.u32 $0x18, v16;
	v8 =	vand.u32 $0x18, v8;
	v11 =	vshll.u32 v11, $0x3;
	v9 =	vld.idx.msk [tilespmem:v23+s7+$0x0], $0xffff  }
0xfd: {  	s23 =	sor.u32 s9, s17;
	v11 =	vand.u32 $0x18, v11;
	v53 =	vld.idx.msk [tilespmem:v24+s7+$0x0], $0xffff;
	v17 =	vmul.f32 v1, v17;
	v12 =	vshra.s32 v20, v12  }
0xfe: {  	v58 =	vld [tilespmem:s23+$0x0];
	v14 =	vshra.s32 v22, v14;
	v13 =	vshra.s32 v13, v15;
	v3 =	vmul.f32 v7, v3  }
0xff: {  	v59 =	vld [tilespmem:s23+$0x80];
	v12 =	vand.u32 $0xFF, v12;
	v14 =	vshll.u32 v14, $0x4;
	v16 =	vshra.s32 v18, v16  }
0x100: {  	s26 =	simm.s32 $0x6B40;
	v6 =	vld.idx.msk [tilespmem:v6+s10+$0x0], $0xffff;
	v13 =	vand.u32 $0xFF, v13;
	v10 =	vshra.s32 v10, v19;
	v16 =	vshll.u32 v16, $0x4  }
0x101: {  	v1 =	vld [tilespmem:s26+$0x0];
	s26 =	sor.u32 s22, s17;
	v10 =	vand.u32 $0xFF, v10;
	v16 =	vand.u32 $0xFF0, v16;
	v9 =	vshra.s32 v9, v11  }
0x102: {  	v15 =	vld [tilespmem:s26+$0x0];
	v7 =	vshra.s32 v53, v8;
	v12 =	vadd.s32 v12, v16;
	v9 =	vshll.u32 v9, $0x4  }
0x103: {  	[tilespmem:s16+$0xCB00] =	vst v17;
	v17 =	vld [tilespmem:s4+$0x6B00];
	v8 =	vshra.s32 v56, $0x2;
	v11 =	vand.u32 $0xFF0, v14;
	v9 =	vand.u32 $0xFF0, v9  }
0x104: {  	v4 =	vmul.f32 v5, v4;
	v11 =	vadd.s32 v13, v11;
	v9 =	vadd.s32 v10, v9;
	v10 =	vld [tilespmem:s12+$0x0]  }
0x105: {  	s28 =	sand.u32 $0x780, s13;
	v5 =	vshll.u32 v7, $0x4;
	v7 =	vshra.s32 v57, $0x2;
	v16 =	vld [tilespmem:s6+$0x6B00];
	v13 =	vshll.u32 v21, $0x3  }
0x106: {  	s16 =	sor.u32 s28, s19;
	v14 =	vld [tilespmem:s26+$0x80];
	v13 =	vand.u32 $0x18, v13  }
0x107: {  	v62 =	vshra.s32 v58, $0x2;
	[tilespmem:s16+$0xEB00] =	vst v56;
	v61 =	vshra.s32 v15, $0x2;
	v13 =	vshra.s32 v54, v13;
	v12 =	vld.idx.msk [tilespmem:v12+s10+$0x0], $0xffff  }
0x108: {  	[tilespmem:s25+$0xCB00] =	vst v4;
	v4 =	vshll.u32 v59, $0x3;
	v5 =	vand.u32 $0xFF0, v5;
	v29 =	vld.idx.msk [tilespmem:v8+s7+$0x0], $0xffff;
	v13 =	vand.u32 $0xFF, v13  }
0x109: {  	s17 =	sor.u32 s28, s22;
	s22 =	sor.u32 s28, s9;
	v4 =	vand.u32 $0x18, v4;
	v26 =	vadd.s32 v13, v5;
	v11 =	vld.idx.msk [tilespmem:v11+s10+$0x0], $0xffff;
	v13 =	vshra.s32 v10, $0x2  }
0x10a: {  	[tilespmem:s22+$0xEB00] =	vst v58;
	v6 =	vmul.f32 v6, v2;
	v2 =	vshll.u32 v15, $0x3;
	v8 =	vshra.s32 v59, $0x2;
	v7 =	vld.idx.msk [tilespmem:v7+s7+$0x0], $0xffff  }
0x10b: {  	[tilespmem:s17+$0xEB00] =	vst v15;
	v15 =	vshra.s32 v60, $0x2;
	v28 =	vand.u32 $0x18, v2;
	v27 =	vld.idx.msk [tilespmem:v9+s10+$0x0], $0xffff;
	v9 =	vshra.s32 v14, $0x2  }
0x10c: {  	s31 =	simm.s32 $0xEB80;
	[tilespmem:s1+$0xCB00] =	vst v3;
	v2 =	vshll.u32 v58, $0x3;
	v63 =	vld.idx.msk [tilespmem:v61+s7+$0x0], $0xffff;
	v16 =	vmul.f32 v12, v16;
	v12 =	vshll.u32 v14, $0x3  }
0x10d: {  	v5 =	vand.u32 $0x18, v2;
	v3 =	vshll.u32 v10, $0x3;
	[tilespmem:s31+$0x0] =	vst v10;
	v2 =	vand.u32 $0x18, v12;
	v12 =	vld.idx.msk [tilespmem:v62+s7+$0x0], $0xffff  }
0x10e: {  	s1 =	simm.s32 $0xCB00;
	v10 =	vshll.u32 v60, $0x3;
	v14 =	vmul.f32 v11, v55;
	v11 =	vld.idx.msk [tilespmem:v13+s7+$0x0], $0xffff;
	v13 =	vshll.u32 v56, $0x3  }
0x10f: {  	[tilespmem:s1+$0x0] =	vst v6;
	v8 =	vld.idx.msk [tilespmem:v8+s7+$0x0], $0xffff;
	v3 =	vand.u32 $0x18, v3;
	v6 =	vand.u32 $0x18, v13;
	v13 =	vshll.u32 v57, $0x3  }
0x110: {  	[tilespmem:s6+$0xCB00] =	vst v16;
	v9 =	vld.idx.msk [tilespmem:v9+s7+$0x0], $0xffff;
	v16 =	vmul.f32 v27, v17;
	v17 =	vshra.s32 v29, v6;
	v13 =	vand.u32 $0x18, v13  }
0x111: {  	[tilespmem:s8+$0xCB00] =	vst v14;
	v6 =	vand.u32 $0x18, v10;
	v10 =	vld.idx.msk [tilespmem:v15+s7+$0x0], $0xffff;
	v7 =	vshra.s32 v7, v13;
	v15 =	vshll.u32 v17, $0x4  }
0x112: {  	s6 =	simm.s32 $0x6B80;
	v14 =	vshra.s32 v63, v28;
	[tilespmem:s4+$0xCB00] =	vst v16;
	v13 =	vand.u32 $0xFF, v7;
	v15 =	vand.u32 $0xFF0, v15;
	v7 =	vld.idx.msk [tilespmem:v26+s10+$0x0], $0xffff  }
.LBB2_6:
0x113: {  	s13 =	sadd.s32 $0x40, s13;
	v16 =	vld [tilespmem:s6+$0x0];
	v14 =	vshll.u32 v14, $0x4;
	v5 =	vshra.s32 v12, v5;
	v12 =	vadd.s32 v13, v15;
	s14 =	sadd.s32 $0x80, s14  }
0x114: {  	v3 =	vshra.s32 v11, v3;
	s4 =	sand.u32 $0x40, s13;
	s8 =	sand.u32 $0xF00, s14;
	p1 =	slt.u32 s13, $0x7C0;
	v11 =	vand.u32 $0xFF0, v14;
	v13 =	vld [tilespmem:s17+$0x6B00];
	v5 =	vshll.u32 v5, $0x4  }
0x115: {  	v3 =	vshll.u32 v3, $0x4;
	v2 =	vshra.s32 v9, v2;
	s8 =	sadd.s32 $0x9300, s8;
	s12 =	sor.u32 $0x10, s4;
	s19 =	sor.u32 $0x30, s4;
	v5 =	vand.u32 $0xFF0, v5;
	v14 =	vld [tilespmem:s22+$0x6B00]  }
0x116: {  	s25 =	sor.u32 $0x20, s4;
	v3 =	vand.u32 $0xFF0, v3;
	v2 =	vand.u32 $0xFF, v2;
	v4 =	vshra.s32 v8, v4;
	s20 =	sor.u32 s12, s8;
	s26 =	sor.u32 s19, s8;
	v8 =	vld [tilespmem:s16+$0x6B00]  }
0x117: {  	s4 =	sor.u32 s4, s8;
	s8 =	sor.u32 s25, s8;
	v6 =	vshra.s32 v10, v6;
	v2 =	vadd.s32 v2, v11;
	v4 =	vand.u32 $0xFF, v4;
	v9 =	vld [tilespmem:s26+$0x0]  }
0x118: {  	v6 =	vand.u32 $0xFF, v6;
	v4 =	vadd.s32 v4, v5;
	v7 =	vmul.f32 v7, v1;
	v5 =	vld.idx.msk [tilespmem:v12+s10+$0x0], $0xffff;
	v1 =	vmovc v16  }
0x119: {  	s1 =	sadd.s32 $0x40, s1;
	v16 =	vadd.s32 v6, v3;
	v10 =	vld [tilespmem:s26+$0x80]  }
0x11a: {  	v6 =	vld [tilespmem:s20+$0x0];
	[tilespmem:s1+$0x0] =	vst v7  }
0x11b: {  	v7 =	vld [tilespmem:s8+$0x0]  }
0x11c: {  	v11 =	vld [tilespmem:s4+$0x0]  }
0x11d: {  	v15 =	vshra.s32 v9, $0x2;
	v12 =	vld [tilespmem:s20+$0x80]  }
0x11e: {  	v3 =	vmul.f32 v5, v8;
	v17 =	vld [tilespmem:s8+$0x80];
	v18 =	vshra.s32 v10, $0x2  }
0x11f: {  	v8 =	vld [tilespmem:s4+$0x80];
	s4 =	sand.u32 $0x780, s13;
	v19 =	vshra.s32 v6, $0x2;
	v5 =	vshll.u32 v6, $0x3  }
0x120: {  	s8 =	sor.u32 s4, s12;
	v20 =	vand.u32 $0x18, v5;
	s12 =	sor.u32 s4, s25;
	v21 =	vshra.s32 v7, $0x2;
	v5 =	vshll.u32 v7, $0x3;
	v22 =	vld.idx.msk [tilespmem:v2+s10+$0x0], $0xffff;
	[tilespmem:s16+$0xCB00] =	vst v3;
	s16 =	sor.u32 s4, s19  }
0x121: {  	v23 =	vshra.s32 v11, $0x2;
	v2 =	vshll.u32 v11, $0x3;
	v5 =	vand.u32 $0x18, v5;
	[tilespmem:s16+$0xEB00] =	vst v9;
	v24 =	vld.idx.msk [tilespmem:v4+s10+$0x0], $0xffff  }
0x122: {  	v3 =	vand.u32 $0x18, v2;
	[tilespmem:s8+$0xEB00] =	vst v6;
	v25 =	vshra.s32 v12, $0x2;
	v2 =	vshll.u32 v12, $0x3;
	v15 =	vld.idx.msk [tilespmem:v15+s7+$0x0], $0xffff  }
0x123: {  	s31 =	sadd.s32 $0x40, s31;
	v2 =	vand.u32 $0x18, v2;
	[tilespmem:s12+$0xEB00] =	vst v7;
	v7 =	vshra.s32 v17, $0x2;
	v4 =	vshll.u32 v17, $0x3;
	v17 =	vld.idx.msk [tilespmem:v18+s7+$0x0], $0xffff  }
0x124: {  	[tilespmem:s31+$0x0] =	vst v11;
	v18 =	vshra.s32 v8, $0x2;
	v6 =	vshll.u32 v8, $0x3;
	v19 =	vld.idx.msk [tilespmem:v19+s7+$0x0], $0xffff;
	v4 =	vand.u32 $0x18, v4  }
0x125: {  	v6 =	vand.u32 $0x18, v6;
	v12 =	vld.idx.msk [tilespmem:v21+s7+$0x0], $0xffff  }
.Ltmp4:
0x126: {  	v8 =	vshll.u32 v9, $0x3;
	v13 =	vmul.f32 v22, v13;
	v11 =	vld.idx.msk [tilespmem:v23+s7+$0x0], $0xffff;
	(pc) =	sbr.rel @p1 .LBB2_6-.Ltmp4, $4  }
0x127: {  	v10 =	vshll.u32 v10, $0x3;
	v21 =	vand.u32 $0x18, v8;
	v14 =	vmul.f32 v24, v14;
	v9 =	vld.idx.msk [tilespmem:v25+s7+$0x0], $0xffff  }
0x128: {  	v8 =	vld.idx.msk [tilespmem:v7+s7+$0x0], $0xffff;
	v7 =	vshra.s32 v15, v21;
	v15 =	vand.u32 $0x18, v10;
	[tilespmem:s17+$0xCB00] =	vst v13;
	s17 =	smov.u32 s8  }
0x129: {  	v10 =	vld.idx.msk [tilespmem:v18+s7+$0x0], $0xffff;
	v13 =	vshra.s32 v17, v15;
	v7 =	vshll.u32 v7, $0x4;
	[tilespmem:s22+$0xCB00] =	vst v14;
	s22 =	smov.u32 s12  }
0x12a: {  	s6 =	sadd.s32 $0x40, s6;
	v14 =	vshra.s32 v19, v20;
	v13 =	vand.u32 $0xFF, v13;
	v15 =	vand.u32 $0xFF0, v7;
	v7 =	vld.idx.msk [tilespmem:v16+s10+$0x0], $0xffff  }
0x12b: {  	v14 =	vshll.u32 v14, $0x4;
	v5 =	vshra.s32 v12, v5  }
0x12c: {  	v12 =	vadd.s32 v13, v15;
	v3 =	vshra.s32 v11, v3;
	v11 =	vand.u32 $0xFF0, v14  }
0x12d: {  	v5 =	vshll.u32 v5, $0x4;
	v3 =	vshll.u32 v3, $0x4;
	v2 =	vshra.s32 v9, v2  }
0x12e: {  	v5 =	vand.u32 $0xFF0, v5;
	v2 =	vand.u32 $0xFF, v2;
	v4 =	vshra.s32 v8, v4  }
0x12f: {  	v9 =	vld [tilespmem:s17+$0x6B00];
	v6 =	vshra.s32 v10, v6;
	v2 =	vadd.s32 v2, v11;
	v4 =	vand.u32 $0xFF, v4  }
0x130: {  	v8 =	vld [tilespmem:s6+$0x0];
	v3 =	vand.u32 $0xFF0, v3;
	v6 =	vand.u32 $0xFF, v6;
	v4 =	vadd.s32 v4, v5  }
0x131: {  	v5 =	vld [tilespmem:s22+$0x6B00];
	v3 =	vadd.s32 v6, v3  }
0x132: {  	v6 =	vld [tilespmem:s16+$0x6B00]  }
0x133: {  	v10 =	vld.idx.msk [tilespmem:v12+s10+$0x0], $0xffff  }
0x134: {  	v2 =	vld.idx.msk [tilespmem:v2+s10+$0x0], $0xffff  }
0x135: {  	v4 =	vld.idx.msk [tilespmem:v4+s10+$0x0], $0xffff  }
0x136: {  	v3 =	vld.idx.msk [tilespmem:v3+s10+$0x0], $0xffff  }
0x137: {  	v1 =	vmul.f32 v7, v1  }
0x138: {  	s1 =	sadd.s32 $0x40, s1;
	v6 =	vmul.f32 v10, v6  }
0x139: {  	[tilespmem:s1+$0x0] =	vst v1;
	v1 =	vmul.f32 v2, v9  }
0x13a: {  	[tilespmem:s16+$0xCB00] =	vst v6;
	v2 =	vmul.f32 v4, v5  }
0x13b: {  	[tilespmem:s17+$0xCB00] =	vst v1;
	v1 =	vmul.f32 v3, v8  }
0x13c: {  	s1 =	sadd.s32 $0x40, s1;
	[tilespmem:s22+$0xCB00] =	vst v2  }
0x13d: {  	s4 =	simm.s32 $0xCB00;
	s16 =	simm.s32 $0xEB00;
	[tilespmem:s1+$0x0] =	vst v1  }
0x13e: {  	[spmem:s5] =	stream.indirect.scatter.add.f32 [tilespmem:s4], [sflag:$0x6], $0x1, s16, s18, $0xb8;
	[tilespmem:$0x133F0] =	vst v63  }
0x13f: {  	_ =	swait.ge [sflag:s29], $0x800  }
0x140: {  	[sflag:s29] =	ssyncset.done $0x0  }
0x141: {  	[sflag:s29] =	ssyncadd.s32 $0xFFFFF800  }
0x142: {  	_ =	swait.ge [sflag:s29], $0x1000  }
0x143: {  	[sflag:s29] =	ssyncset.done $0x0  }
0x144: {  	s20 =	simm.s32 $0x6300;
	s25 =	simm.s32 $0x0;
	[sflag:s29] =	ssyncadd.s32 $0xFFFFF000  }
0x145: {  	s26 =	sand.u32 $0x40, s25;
	s17 =	simm.s32 $0x0;
	_ =	swait.ge [sflag:s30], $0x800  }
0x146: {  	s8 =	sor.u32 $0x30, s26;
	s1 =	sand.u32 $0xF00, s17;
	[sflag:s30] =	ssyncset.done $0x0  }
0x147: {  	s1 =	sadd.s32 $0xA300, s1;
	s19 =	rddreg [dreg:$0x11];
	[sflag:s30] =	ssyncadd.s32 $0xFFFFF800  }
0x148: {  	[tilespmem:s20], [sflag:$0x1] =	stream.linear.gather [hbm4b:s19+s17], $0x800, $0x38;
	[tilespmem:$0x133F0] =	vst v63  }
0x149: {  	s23 =	simm.s32 $0x8300;
	s12 =	sor.u32 s8, s1;
	s22 =	rddreg [dreg:$0x13]  }
0x14a: {  	[tilespmem:s23], [sflag:$0x1] =	stream.linear.gather [hbm4b:s22+s17], $0x1000, $0x38;
	[tilespmem:$0x133F0] =	vst v63  }
0x14b: {  	s13 =	sor.u32 $0x10, s26;
	v1 =	vld [tilespmem:s12+$0x0]  }
0x14c: {  	s28 =	sor.u32 $0x20, s26;
	s14 =	sor.u32 s13, s1;
	v2 =	vld [tilespmem:s12+$0x80]  }
0x14d: {  	s9 =	sor.u32 s28, s1;
	v4 =	vld [tilespmem:s14+$0x0]  }
0x14e: {  	s4 =	sand.u32 $0x780, s25;
	s1 =	sor.u32 s26, s1;
	v5 =	vld [tilespmem:s9+$0x0]  }
0x14f: {  	s16 =	sor.u32 s4, s8;
	v6 =	vld [tilespmem:s1+$0x0]  }
0x150: {  	s25 =	sor.u32 s4, s28;
	s20 =	simm.s32 $0x80;
	v7 =	vld [tilespmem:s14+$0x80];
	s14 =	simm.s32 $0x40  }
0x151: {  	v10 =	vld [tilespmem:s1+$0x80];
	s1 =	sor.u32 s4, s13;
	s4 =	sand.u32 $0xF00, s20;
	s22 =	sand.u32 $0x40, s14  }
0x152: {  	v8 =	vld [tilespmem:s9+$0x80];
	s4 =	sadd.s32 $0xA300, s4;
	s23 =	sor.u32 $0x30, s22;
	s19 =	sor.u32 $0x20, s22;
	v3 =	vshra.s32 v1, $0x2  }
0x153: {  	v17 =	vld [tilespmem:s16+$0x7300];
	s28 =	sor.u32 $0x10, s22;
	s26 =	sor.u32 s23, s4;
	s20 =	sor.u32 s19, s4;
	v9 =	vshra.s32 v2, $0x2  }
0x154: {  	s9 =	sor.u32 s28, s4;
	s4 =	sor.u32 s22, s4;
	s22 =	sand.u32 $0x780, s14;
	v19 =	vld [tilespmem:s20+$0x80];
	v11 =	vshra.s32 v4, $0x2  }
0x155: {  	v21 =	vld [tilespmem:s4+$0x80];
	s8 =	sor.u32 s22, s28;
	v12 =	vshra.s32 v5, $0x2  }
0x156: {  	v13 =	vshra.s32 v6, $0x2;
	[tilespmem:s16+$0xF300] =	vst v1;
	v55 =	vld [tilespmem:s8+$0x7300]  }
0x157: {  	v14 =	vshra.s32 v7, $0x2;
	v3 =	vld.idx.msk [tilespmem:v3+s7+$0x0], $0xffff  }
0x158: {  	[tilespmem:s1+$0xF300] =	vst v4;
	v15 =	vshra.s32 v8, $0x2;
	v9 =	vld.idx.msk [tilespmem:v9+s7+$0x0], $0xffff  }
0x159: {  	s12 =	simm.s32 $0xF300;
	[tilespmem:s25+$0xF300] =	vst v5;
	v16 =	vshra.s32 v10, $0x2;
	v11 =	vld.idx.msk [tilespmem:v11+s7+$0x0], $0xffff  }
0x15a: {  	[tilespmem:s12+$0x0] =	vst v6;
	v12 =	vld.idx.msk [tilespmem:v12+s7+$0x0], $0xffff  }
0x15b: {  	v13 =	vld.idx.msk [tilespmem:v13+s7+$0x0], $0xffff  }
0x15c: {  	v2 =	vshll.u32 v2, $0x3;
	v14 =	vld.idx.msk [tilespmem:v14+s7+$0x0], $0xffff  }
0x15d: {  	v1 =	vshll.u32 v1, $0x3;
	v2 =	vand.u32 $0x18, v2;
	v15 =	vld.idx.msk [tilespmem:v15+s7+$0x0], $0xffff  }
0x15e: {  	v5 =	vshll.u32 v5, $0x3;
	v7 =	vshll.u32 v7, $0x3;
	v2 =	vshra.s32 v9, v2;
	v9 =	vld.idx.msk [tilespmem:v16+s7+$0x0], $0xffff  }
0x15f: {  	v8 =	vshll.u32 v8, $0x3;
	v5 =	vand.u32 $0x18, v5;
	v16 =	vshll.u32 v4, $0x3;
	v4 =	vld [tilespmem:s25+$0x7300]  }
0x160: {  	v1 =	vand.u32 $0x18, v1;
	v7 =	vand.u32 $0x18, v7;
	v5 =	vshra.s32 v12, v5;
	v12 =	vld [tilespmem:s26+$0x80]  }
0x161: {  	v8 =	vand.u32 $0x18, v8;
	v1 =	vshra.s32 v3, v1;
	v7 =	vshra.s32 v14, v7;
	v14 =	vld [tilespmem:s9+$0x0]  }
0x162: {  	s13 =	simm.s32 $0x7300;
	v8 =	vshra.s32 v15, v8;
	v15 =	vld [tilespmem:s9+$0x80];
	v1 =	vshll.u32 v1, $0x4  }
0x163: {  	s14 =	simm.s32 $0x100;
	v3 =	vand.u32 $0xFF, v2;
	v2 =	vld [tilespmem:s13+$0x0];
	v16 =	vand.u32 $0x18, v16;
	v5 =	vshll.u32 v5, $0x4;
	s13 =	simm.s32 $0x80  }
0x164: {  	s6 =	sor.u32 s22, s23;
	s28 =	sand.u32 $0xF00, s14;
	v8 =	vand.u32 $0xFF, v8;
	v11 =	vshra.s32 v11, v16;
	v16 =	vld [tilespmem:s26+$0x0];
	v5 =	vand.u32 $0xFF0, v5;
	s12 =	sand.u32 $0x40, s13  }
0x165: {  	s17 =	sadd.s32 $0xA300, s28;
	v1 =	vand.u32 $0xFF0, v1;
	v5 =	vadd.s32 v8, v5;
	v8 =	vld [tilespmem:s4+$0x0];
	s4 =	sor.u32 s22, s19;
	s19 =	sor.u32 $0x30, s12  }
0x166: {  	v1 =	vadd.s32 v3, v1;
	v3 =	vld [tilespmem:s1+$0x7300];
	v11 =	vshll.u32 v11, $0x4;
	s22 =	sor.u32 $0x10, s12;
	s9 =	sor.u32 $0x20, s12;
	s12 =	sor.u32 s12, s17  }
0x167: {  	v7 =	vand.u32 $0xFF, v7;
	v11 =	vand.u32 $0xFF0, v11;
	v60 =	vld [tilespmem:s12+$0x80]  }
0x168: {  	v25 =	vshra.s32 v21, $0x2;
	v7 =	vadd.s32 v7, v11;
	v11 =	vld [tilespmem:s20+$0x0];
	s20 =	sor.u32 s19, s17  }
0x169: {  	v56 =	vld [tilespmem:s20+$0x0]  }
0x16a: {  	v6 =	vshll.u32 v6, $0x3;
	v20 =	vshra.s32 v12, $0x2;
	v57 =	vld [tilespmem:s20+$0x80]  }
0x16b: {  	s23 =	simm.s32 $0xF340;
	v6 =	vand.u32 $0x18, v6;
	v22 =	vshra.s32 v14, $0x2;
	v1 =	vld.idx.msk [tilespmem:v1+s10+$0x0], $0xffff  }
0x16c: {  	v10 =	vshll.u32 v10, $0x3;
	v6 =	vshra.s32 v13, v6;
	v13 =	vshra.s32 v15, $0x2;
	v5 =	vld.idx.msk [tilespmem:v5+s10+$0x0], $0xffff;
	[tilespmem:s23+$0x0] =	vst v8  }
0x16d: {  	v10 =	vand.u32 $0x18, v10;
	v18 =	vshra.s32 v16, $0x2;
	v54 =	vld.idx.msk [tilespmem:v25+s7+$0x0], $0xffff  }
0x16e: {  	v6 =	vshll.u32 v6, $0x4;
	v9 =	vshra.s32 v9, v10;
	v10 =	vshra.s32 v19, $0x2;
	[tilespmem:s6+$0xF300] =	vst v16;
	v7 =	vld.idx.msk [tilespmem:v7+s10+$0x0], $0xffff  }
0x16f: {  	v6 =	vand.u32 $0xFF0, v6;
	[tilespmem:s8+$0xF300] =	vst v14;
	v12 =	vshll.u32 v12, $0x3;
	v23 =	vshra.s32 v11, $0x2;
	v20 =	vld.idx.msk [tilespmem:v20+s7+$0x0], $0xffff  }
0x170: {  	v14 =	vshll.u32 v14, $0x3;
	v15 =	vshll.u32 v15, $0x3;
	v24 =	vshra.s32 v8, $0x2;
	v22 =	vld.idx.msk [tilespmem:v22+s7+$0x0], $0xffff  }
0x171: {  	v19 =	vshll.u32 v19, $0x3;
	v9 =	vand.u32 $0xFF, v9;
	v12 =	vand.u32 $0x18, v12;
	v13 =	vld.idx.msk [tilespmem:v13+s7+$0x0], $0xffff  }
0x172: {  	v14 =	vand.u32 $0x18, v14;
	v15 =	vand.u32 $0x18, v15;
	v19 =	vand.u32 $0x18, v19;
	[tilespmem:s4+$0xF300] =	vst v11;
	v18 =	vld.idx.msk [tilespmem:v18+s7+$0x0], $0xffff  }
0x173: {  	v6 =	vadd.s32 v9, v6;
	v16 =	vshll.u32 v16, $0x3;
	v8 =	vshll.u32 v8, $0x3;
	v10 =	vld.idx.msk [tilespmem:v10+s7+$0x0], $0xffff  }
0x174: {  	v16 =	vand.u32 $0x18, v16;
	v8 =	vand.u32 $0x18, v8;
	v11 =	vshll.u32 v11, $0x3;
	v9 =	vld.idx.msk [tilespmem:v23+s7+$0x0], $0xffff  }
0x175: {  	s23 =	sor.u32 s9, s17;
	v11 =	vand.u32 $0x18, v11;
	v53 =	vld.idx.msk [tilespmem:v24+s7+$0x0], $0xffff;
	v17 =	vmul.f32 v1, v17;
	v12 =	vshra.s32 v20, v12  }
0x176: {  	v58 =	vld [tilespmem:s23+$0x0];
	v14 =	vshra.s32 v22, v14;
	v13 =	vshra.s32 v13, v15;
	v3 =	vmul.f32 v7, v3  }
0x177: {  	v59 =	vld [tilespmem:s23+$0x80];
	v12 =	vand.u32 $0xFF, v12;
	v14 =	vshll.u32 v14, $0x4;
	v16 =	vshra.s32 v18, v16  }
0x178: {  	s26 =	simm.s32 $0x7340;
	v6 =	vld.idx.msk [tilespmem:v6+s10+$0x0], $0xffff;
	v13 =	vand.u32 $0xFF, v13;
	v10 =	vshra.s32 v10, v19;
	v16 =	vshll.u32 v16, $0x4  }
0x179: {  	v1 =	vld [tilespmem:s26+$0x0];
	s26 =	sor.u32 s22, s17;
	v10 =	vand.u32 $0xFF, v10;
	v16 =	vand.u32 $0xFF0, v16;
	v9 =	vshra.s32 v9, v11  }
0x17a: {  	v15 =	vld [tilespmem:s26+$0x0];
	v7 =	vshra.s32 v53, v8;
	v12 =	vadd.s32 v12, v16;
	v9 =	vshll.u32 v9, $0x4  }
0x17b: {  	[tilespmem:s16+$0xD300] =	vst v17;
	v17 =	vld [tilespmem:s4+$0x7300];
	v8 =	vshra.s32 v56, $0x2;
	v11 =	vand.u32 $0xFF0, v14;
	v9 =	vand.u32 $0xFF0, v9  }
0x17c: {  	v4 =	vmul.f32 v5, v4;
	v11 =	vadd.s32 v13, v11;
	v9 =	vadd.s32 v10, v9;
	v10 =	vld [tilespmem:s12+$0x0]  }
0x17d: {  	s28 =	sand.u32 $0x780, s13;
	v5 =	vshll.u32 v7, $0x4;
	v7 =	vshra.s32 v57, $0x2;
	v16 =	vld [tilespmem:s6+$0x7300];
	v13 =	vshll.u32 v21, $0x3  }
0x17e: {  	s16 =	sor.u32 s28, s19;
	v14 =	vld [tilespmem:s26+$0x80];
	v13 =	vand.u32 $0x18, v13  }
0x17f: {  	v62 =	vshra.s32 v58, $0x2;
	[tilespmem:s16+$0xF300] =	vst v56;
	v61 =	vshra.s32 v15, $0x2;
	v13 =	vshra.s32 v54, v13;
	v12 =	vld.idx.msk [tilespmem:v12+s10+$0x0], $0xffff  }
0x180: {  	[tilespmem:s25+$0xD300] =	vst v4;
	v4 =	vshll.u32 v59, $0x3;
	v5 =	vand.u32 $0xFF0, v5;
	v29 =	vld.idx.msk [tilespmem:v8+s7+$0x0], $0xffff;
	v13 =	vand.u32 $0xFF, v13  }
0x181: {  	s17 =	sor.u32 s28, s22;
	s22 =	sor.u32 s28, s9;
	v4 =	vand.u32 $0x18, v4;
	v26 =	vadd.s32 v13, v5;
	v11 =	vld.idx.msk [tilespmem:v11+s10+$0x0], $0xffff;
	v13 =	vshra.s32 v10, $0x2  }
0x182: {  	[tilespmem:s22+$0xF300] =	vst v58;
	v6 =	vmul.f32 v6, v2;
	v2 =	vshll.u32 v15, $0x3;
	v8 =	vshra.s32 v59, $0x2;
	v7 =	vld.idx.msk [tilespmem:v7+s7+$0x0], $0xffff  }
0x183: {  	[tilespmem:s17+$0xF300] =	vst v15;
	v15 =	vshra.s32 v60, $0x2;
	v28 =	vand.u32 $0x18, v2;
	v27 =	vld.idx.msk [tilespmem:v9+s10+$0x0], $0xffff;
	v9 =	vshra.s32 v14, $0x2  }
0x184: {  	s31 =	simm.s32 $0xF380;
	[tilespmem:s1+$0xD300] =	vst v3;
	v2 =	vshll.u32 v58, $0x3;
	v63 =	vld.idx.msk [tilespmem:v61+s7+$0x0], $0xffff;
	v16 =	vmul.f32 v12, v16;
	v12 =	vshll.u32 v14, $0x3  }
0x185: {  	v5 =	vand.u32 $0x18, v2;
	v3 =	vshll.u32 v10, $0x3;
	[tilespmem:s31+$0x0] =	vst v10;
	v2 =	vand.u32 $0x18, v12;
	v12 =	vld.idx.msk [tilespmem:v62+s7+$0x0], $0xffff  }
0x186: {  	s1 =	simm.s32 $0xD300;
	v10 =	vshll.u32 v60, $0x3;
	v14 =	vmul.f32 v11, v55;
	v11 =	vld.idx.msk [tilespmem:v13+s7+$0x0], $0xffff;
	v13 =	vshll.u32 v56, $0x3  }
0x187: {  	[tilespmem:s1+$0x0] =	vst v6;
	v8 =	vld.idx.msk [tilespmem:v8+s7+$0x0], $0xffff;
	v3 =	vand.u32 $0x18, v3;
	v6 =	vand.u32 $0x18, v13;
	v13 =	vshll.u32 v57, $0x3  }
0x188: {  	[tilespmem:s6+$0xD300] =	vst v16;
	v9 =	vld.idx.msk [tilespmem:v9+s7+$0x0], $0xffff;
	v16 =	vmul.f32 v27, v17;
	v17 =	vshra.s32 v29, v6;
	v13 =	vand.u32 $0x18, v13  }
0x189: {  	[tilespmem:s8+$0xD300] =	vst v14;
	v6 =	vand.u32 $0x18, v10;
	v10 =	vld.idx.msk [tilespmem:v15+s7+$0x0], $0xffff;
	v7 =	vshra.s32 v7, v13;
	v15 =	vshll.u32 v17, $0x4  }
0x18a: {  	s6 =	simm.s32 $0x7380;
	v14 =	vshra.s32 v63, v28;
	[tilespmem:s4+$0xD300] =	vst v16;
	v13 =	vand.u32 $0xFF, v7;
	v15 =	vand.u32 $0xFF0, v15;
	v7 =	vld.idx.msk [tilespmem:v26+s10+$0x0], $0xffff  }
.LBB2_8:
0x18b: {  	s13 =	sadd.s32 $0x40, s13;
	v16 =	vld [tilespmem:s6+$0x0];
	v14 =	vshll.u32 v14, $0x4;
	v5 =	vshra.s32 v12, v5;
	v12 =	vadd.s32 v13, v15;
	s14 =	sadd.s32 $0x80, s14  }
0x18c: {  	v3 =	vshra.s32 v11, v3;
	s4 =	sand.u32 $0x40, s13;
	s8 =	sand.u32 $0xF00, s14;
	p1 =	slt.u32 s13, $0x7C0;
	v11 =	vand.u32 $0xFF0, v14;
	v13 =	vld [tilespmem:s17+$0x7300];
	v5 =	vshll.u32 v5, $0x4  }
0x18d: {  	v3 =	vshll.u32 v3, $0x4;
	v2 =	vshra.s32 v9, v2;
	s8 =	sadd.s32 $0xA300, s8;
	s12 =	sor.u32 $0x10, s4;
	s19 =	sor.u32 $0x30, s4;
	v5 =	vand.u32 $0xFF0, v5;
	v14 =	vld [tilespmem:s22+$0x7300]  }
0x18e: {  	s25 =	sor.u32 $0x20, s4;
	v3 =	vand.u32 $0xFF0, v3;
	v2 =	vand.u32 $0xFF, v2;
	v4 =	vshra.s32 v8, v4;
	s20 =	sor.u32 s12, s8;
	s26 =	sor.u32 s19, s8;
	v8 =	vld [tilespmem:s16+$0x7300]  }
0x18f: {  	s4 =	sor.u32 s4, s8;
	s8 =	sor.u32 s25, s8;
	v6 =	vshra.s32 v10, v6;
	v2 =	vadd.s32 v2, v11;
	v4 =	vand.u32 $0xFF, v4;
	v9 =	vld [tilespmem:s26+$0x0]  }
0x190: {  	v6 =	vand.u32 $0xFF, v6;
	v4 =	vadd.s32 v4, v5;
	v7 =	vmul.f32 v7, v1;
	v5 =	vld.idx.msk [tilespmem:v12+s10+$0x0], $0xffff;
	v1 =	vmovc v16  }
0x191: {  	s1 =	sadd.s32 $0x40, s1;
	v16 =	vadd.s32 v6, v3;
	v10 =	vld [tilespmem:s26+$0x80]  }
0x192: {  	v6 =	vld [tilespmem:s20+$0x0];
	[tilespmem:s1+$0x0] =	vst v7  }
0x193: {  	v7 =	vld [tilespmem:s8+$0x0]  }
0x194: {  	v11 =	vld [tilespmem:s4+$0x0]  }
0x195: {  	v15 =	vshra.s32 v9, $0x2;
	v12 =	vld [tilespmem:s20+$0x80]  }
0x196: {  	v3 =	vmul.f32 v5, v8;
	v17 =	vld [tilespmem:s8+$0x80];
	v18 =	vshra.s32 v10, $0x2  }
0x197: {  	v8 =	vld [tilespmem:s4+$0x80];
	s4 =	sand.u32 $0x780, s13;
	v19 =	vshra.s32 v6, $0x2;
	v5 =	vshll.u32 v6, $0x3  }
0x198: {  	s8 =	sor.u32 s4, s12;
	v20 =	vand.u32 $0x18, v5;
	s12 =	sor.u32 s4, s25;
	v21 =	vshra.s32 v7, $0x2;
	v5 =	vshll.u32 v7, $0x3;
	v22 =	vld.idx.msk [tilespmem:v2+s10+$0x0], $0xffff;
	[tilespmem:s16+$0xD300] =	vst v3;
	s16 =	sor.u32 s4, s19  }
0x199: {  	v23 =	vshra.s32 v11, $0x2;
	v2 =	vshll.u32 v11, $0x3;
	v5 =	vand.u32 $0x18, v5;
	[tilespmem:s16+$0xF300] =	vst v9;
	v24 =	vld.idx.msk [tilespmem:v4+s10+$0x0], $0xffff  }
0x19a: {  	v3 =	vand.u32 $0x18, v2;
	[tilespmem:s8+$0xF300] =	vst v6;
	v25 =	vshra.s32 v12, $0x2;
	v2 =	vshll.u32 v12, $0x3;
	v15 =	vld.idx.msk [tilespmem:v15+s7+$0x0], $0xffff  }
0x19b: {  	s31 =	sadd.s32 $0x40, s31;
	v2 =	vand.u32 $0x18, v2;
	[tilespmem:s12+$0xF300] =	vst v7;
	v7 =	vshra.s32 v17, $0x2;
	v4 =	vshll.u32 v17, $0x3;
	v17 =	vld.idx.msk [tilespmem:v18+s7+$0x0], $0xffff  }
0x19c: {  	[tilespmem:s31+$0x0] =	vst v11;
	v18 =	vshra.s32 v8, $0x2;
	v6 =	vshll.u32 v8, $0x3;
	v19 =	vld.idx.msk [tilespmem:v19+s7+$0x0], $0xffff;
	v4 =	vand.u32 $0x18, v4  }
0x19d: {  	v6 =	vand.u32 $0x18, v6;
	v12 =	vld.idx.msk [tilespmem:v21+s7+$0x0], $0xffff  }
.Ltmp5:
0x19e: {  	v8 =	vshll.u32 v9, $0x3;
	v13 =	vmul.f32 v22, v13;
	v11 =	vld.idx.msk [tilespmem:v23+s7+$0x0], $0xffff;
	(pc) =	sbr.rel @p1 .LBB2_8-.Ltmp5, $4  }
0x19f: {  	v10 =	vshll.u32 v10, $0x3;
	v21 =	vand.u32 $0x18, v8;
	v14 =	vmul.f32 v24, v14;
	v9 =	vld.idx.msk [tilespmem:v25+s7+$0x0], $0xffff  }
0x1a0: {  	v8 =	vld.idx.msk [tilespmem:v7+s7+$0x0], $0xffff;
	v7 =	vshra.s32 v15, v21;
	v15 =	vand.u32 $0x18, v10;
	[tilespmem:s17+$0xD300] =	vst v13;
	s17 =	smov.u32 s8  }
0x1a1: {  	v10 =	vld.idx.msk [tilespmem:v18+s7+$0x0], $0xffff;
	v13 =	vshra.s32 v17, v15;
	v7 =	vshll.u32 v7, $0x4;
	[tilespmem:s22+$0xD300] =	vst v14;
	s22 =	smov.u32 s12  }
0x1a2: {  	s6 =	sadd.s32 $0x40, s6;
	v14 =	vshra.s32 v19, v20;
	v13 =	vand.u32 $0xFF, v13;
	v15 =	vand.u32 $0xFF0, v7;
	v7 =	vld.idx.msk [tilespmem:v16+s10+$0x0], $0xffff  }
0x1a3: {  	v14 =	vshll.u32 v14, $0x4;
	v5 =	vshra.s32 v12, v5  }
0x1a4: {  	v12 =	vadd.s32 v13, v15;
	v3 =	vshra.s32 v11, v3;
	v11 =	vand.u32 $0xFF0, v14  }
0x1a5: {  	v5 =	vshll.u32 v5, $0x4;
	v3 =	vshll.u32 v3, $0x4;
	v2 =	vshra.s32 v9, v2  }
0x1a6: {  	v5 =	vand.u32 $0xFF0, v5;
	v2 =	vand.u32 $0xFF, v2;
	v4 =	vshra.s32 v8, v4  }
0x1a7: {  	v9 =	vld [tilespmem:s17+$0x7300];
	v6 =	vshra.s32 v10, v6;
	v2 =	vadd.s32 v2, v11;
	v4 =	vand.u32 $0xFF, v4  }
0x1a8: {  	v8 =	vld [tilespmem:s6+$0x0];
	v3 =	vand.u32 $0xFF0, v3;
	v6 =	vand.u32 $0xFF, v6;
	v4 =	vadd.s32 v4, v5  }
0x1a9: {  	v5 =	vld [tilespmem:s22+$0x7300];
	v3 =	vadd.s32 v6, v3  }
0x1aa: {  	v6 =	vld [tilespmem:s16+$0x7300]  }
0x1ab: {  	v10 =	vld.idx.msk [tilespmem:v12+s10+$0x0], $0xffff  }
0x1ac: {  	v2 =	vld.idx.msk [tilespmem:v2+s10+$0x0], $0xffff  }
0x1ad: {  	v4 =	vld.idx.msk [tilespmem:v4+s10+$0x0], $0xffff  }
0x1ae: {  	v3 =	vld.idx.msk [tilespmem:v3+s10+$0x0], $0xffff  }
0x1af: {  	v1 =	vmul.f32 v7, v1  }
0x1b0: {  	s1 =	sadd.s32 $0x40, s1;
	v6 =	vmul.f32 v10, v6  }
0x1b1: {  	[tilespmem:s1+$0x0] =	vst v1;
	v1 =	vmul.f32 v2, v9  }
0x1b2: {  	[tilespmem:s16+$0xD300] =	vst v6;
	v2 =	vmul.f32 v4, v5  }
0x1b3: {  	[tilespmem:s17+$0xD300] =	vst v1;
	v1 =	vmul.f32 v3, v8  }
0x1b4: {  	s1 =	sadd.s32 $0x40, s1;
	[tilespmem:s22+$0xD300] =	vst v2  }
0x1b5: {  	s4 =	simm.s32 $0xD300;
	s16 =	simm.s32 $0xF300;
	[tilespmem:s1+$0x0] =	vst v1  }
0x1b6: {  	[spmem:s5] =	stream.indirect.scatter.add.f32 [tilespmem:s4], [sflag:$0x5], $0x1, s16, s18, $0xb8;
	[tilespmem:$0x133F0] =	vst v63  }
0x1b7: {  	_ =	swait.ge [sflag:s3], $0x800  }
0x1b8: {  	[sflag:s3] =	ssyncset.done $0x0  }
0x1b9: {  	[sflag:s3] =	ssyncadd.s32 $0xFFFFF800  }
0x1ba: {  	_ =	swait.ge [sflag:s3], $0x1000  }
0x1bb: {  	[sflag:s3] =	ssyncset.done $0x0  }
0x1bc: {  	s20 =	simm.s32 $0x6B00;
	s25 =	simm.s32 $0x0;
	[sflag:s3] =	ssyncadd.s32 $0xFFFFF000  }
0x1bd: {  	s26 =	sand.u32 $0x40, s25;
	s17 =	simm.s32 $0x0;
	_ =	swait.ge [sflag:s11], $0x800  }
0x1be: {  	s8 =	sor.u32 $0x30, s26;
	s1 =	sand.u32 $0xF00, s17;
	[sflag:s11] =	ssyncset.done $0x0  }
0x1bf: {  	s1 =	sadd.s32 $0xB300, s1;
	s19 =	rddreg [dreg:$0x14];
	[sflag:s11] =	ssyncadd.s32 $0xFFFFF800  }
0x1c0: {  	[tilespmem:s20], [sflag:$0x2] =	stream.linear.gather [hbm4b:s19+s17], $0x800, $0x38;
	[tilespmem:$0x133F0] =	vst v63  }
0x1c1: {  	s23 =	simm.s32 $0x9300;
	s12 =	sor.u32 s8, s1;
	s22 =	rddreg [dreg:$0x15]  }
0x1c2: {  	[tilespmem:s23], [sflag:$0x2] =	stream.linear.gather [hbm4b:s22+s17], $0x1000, $0x38;
	[tilespmem:$0x133F0] =	vst v63  }
0x1c3: {  	s13 =	sor.u32 $0x10, s26;
	v1 =	vld [tilespmem:s12+$0x0]  }
0x1c4: {  	s28 =	sor.u32 $0x20, s26;
	s14 =	sor.u32 s13, s1;
	v2 =	vld [tilespmem:s12+$0x80]  }
0x1c5: {  	s9 =	sor.u32 s28, s1;
	v4 =	vld [tilespmem:s14+$0x0]  }
0x1c6: {  	s4 =	sand.u32 $0x780, s25;
	s1 =	sor.u32 s26, s1;
	v5 =	vld [tilespmem:s9+$0x0]  }
0x1c7: {  	s16 =	sor.u32 s4, s8;
	v6 =	vld [tilespmem:s1+$0x0]  }
0x1c8: {  	s25 =	sor.u32 s4, s28;
	s20 =	simm.s32 $0x80;
	v7 =	vld [tilespmem:s14+$0x80];
	s14 =	simm.s32 $0x40  }
0x1c9: {  	v10 =	vld [tilespmem:s1+$0x80];
	s1 =	sor.u32 s4, s13;
	s4 =	sand.u32 $0xF00, s20;
	s22 =	sand.u32 $0x40, s14  }
0x1ca: {  	v8 =	vld [tilespmem:s9+$0x80];
	s4 =	sadd.s32 $0xB300, s4;
	s23 =	sor.u32 $0x30, s22;
	s19 =	sor.u32 $0x20, s22;
	v3 =	vshra.s32 v1, $0x2  }
0x1cb: {  	v17 =	vld [tilespmem:s16+$0x7B00];
	s28 =	sor.u32 $0x10, s22;
	s26 =	sor.u32 s23, s4;
	s20 =	sor.u32 s19, s4;
	v9 =	vshra.s32 v2, $0x2  }
0x1cc: {  	s9 =	sor.u32 s28, s4;
	s4 =	sor.u32 s22, s4;
	s22 =	sand.u32 $0x780, s14;
	v19 =	vld [tilespmem:s20+$0x80];
	v11 =	vshra.s32 v4, $0x2  }
0x1cd: {  	v21 =	vld [tilespmem:s4+$0x80];
	s8 =	sor.u32 s22, s28;
	v12 =	vshra.s32 v5, $0x2  }
0x1ce: {  	v13 =	vshra.s32 v6, $0x2;
	[tilespmem:s16+$0xFB00] =	vst v1;
	v55 =	vld [tilespmem:s8+$0x7B00]  }
0x1cf: {  	v14 =	vshra.s32 v7, $0x2;
	v3 =	vld.idx.msk [tilespmem:v3+s7+$0x0], $0xffff  }
0x1d0: {  	[tilespmem:s1+$0xFB00] =	vst v4;
	v15 =	vshra.s32 v8, $0x2;
	v9 =	vld.idx.msk [tilespmem:v9+s7+$0x0], $0xffff  }
0x1d1: {  	s12 =	simm.s32 $0xFB00;
	[tilespmem:s25+$0xFB00] =	vst v5;
	v16 =	vshra.s32 v10, $0x2;
	v11 =	vld.idx.msk [tilespmem:v11+s7+$0x0], $0xffff  }
0x1d2: {  	[tilespmem:s12+$0x0] =	vst v6;
	v12 =	vld.idx.msk [tilespmem:v12+s7+$0x0], $0xffff  }
0x1d3: {  	v13 =	vld.idx.msk [tilespmem:v13+s7+$0x0], $0xffff  }
0x1d4: {  	v2 =	vshll.u32 v2, $0x3;
	v14 =	vld.idx.msk [tilespmem:v14+s7+$0x0], $0xffff  }
0x1d5: {  	v1 =	vshll.u32 v1, $0x3;
	v2 =	vand.u32 $0x18, v2;
	v15 =	vld.idx.msk [tilespmem:v15+s7+$0x0], $0xffff  }
0x1d6: {  	v5 =	vshll.u32 v5, $0x3;
	v7 =	vshll.u32 v7, $0x3;
	v2 =	vshra.s32 v9, v2;
	v9 =	vld.idx.msk [tilespmem:v16+s7+$0x0], $0xffff  }
0x1d7: {  	v8 =	vshll.u32 v8, $0x3;
	v5 =	vand.u32 $0x18, v5;
	v16 =	vshll.u32 v4, $0x3;
	v4 =	vld [tilespmem:s25+$0x7B00]  }
0x1d8: {  	v1 =	vand.u32 $0x18, v1;
	v7 =	vand.u32 $0x18, v7;
	v5 =	vshra.s32 v12, v5;
	v12 =	vld [tilespmem:s26+$0x80]  }
0x1d9: {  	v8 =	vand.u32 $0x18, v8;
	v1 =	vshra.s32 v3, v1;
	v7 =	vshra.s32 v14, v7;
	v14 =	vld [tilespmem:s9+$0x0]  }
0x1da: {  	s13 =	simm.s32 $0x7B00;
	v8 =	vshra.s32 v15, v8;
	v15 =	vld [tilespmem:s9+$0x80];
	v1 =	vshll.u32 v1, $0x4  }
0x1db: {  	s14 =	simm.s32 $0x100;
	v3 =	vand.u32 $0xFF, v2;
	v2 =	vld [tilespmem:s13+$0x0];
	v16 =	vand.u32 $0x18, v16;
	v5 =	vshll.u32 v5, $0x4;
	s13 =	simm.s32 $0x80  }
0x1dc: {  	s6 =	sor.u32 s22, s23;
	s28 =	sand.u32 $0xF00, s14;
	v8 =	vand.u32 $0xFF, v8;
	v11 =	vshra.s32 v11, v16;
	v16 =	vld [tilespmem:s26+$0x0];
	v5 =	vand.u32 $0xFF0, v5;
	s12 =	sand.u32 $0x40, s13  }
0x1dd: {  	s17 =	sadd.s32 $0xB300, s28;
	v1 =	vand.u32 $0xFF0, v1;
	v5 =	vadd.s32 v8, v5;
	v8 =	vld [tilespmem:s4+$0x0];
	s4 =	sor.u32 s22, s19;
	s19 =	sor.u32 $0x30, s12  }
0x1de: {  	v1 =	vadd.s32 v3, v1;
	v3 =	vld [tilespmem:s1+$0x7B00];
	v11 =	vshll.u32 v11, $0x4;
	s22 =	sor.u32 $0x10, s12;
	s9 =	sor.u32 $0x20, s12;
	s12 =	sor.u32 s12, s17  }
0x1df: {  	v7 =	vand.u32 $0xFF, v7;
	v11 =	vand.u32 $0xFF0, v11;
	v60 =	vld [tilespmem:s12+$0x80]  }
0x1e0: {  	v25 =	vshra.s32 v21, $0x2;
	v7 =	vadd.s32 v7, v11;
	v11 =	vld [tilespmem:s20+$0x0];
	s20 =	sor.u32 s19, s17  }
0x1e1: {  	v56 =	vld [tilespmem:s20+$0x0]  }
0x1e2: {  	v6 =	vshll.u32 v6, $0x3;
	v20 =	vshra.s32 v12, $0x2;
	v57 =	vld [tilespmem:s20+$0x80]  }
0x1e3: {  	s23 =	simm.s32 $0xFB40;
	v6 =	vand.u32 $0x18, v6;
	v22 =	vshra.s32 v14, $0x2;
	v1 =	vld.idx.msk [tilespmem:v1+s10+$0x0], $0xffff  }
0x1e4: {  	v10 =	vshll.u32 v10, $0x3;
	v6 =	vshra.s32 v13, v6;
	v13 =	vshra.s32 v15, $0x2;
	v5 =	vld.idx.msk [tilespmem:v5+s10+$0x0], $0xffff;
	[tilespmem:s23+$0x0] =	vst v8  }
0x1e5: {  	v10 =	vand.u32 $0x18, v10;
	v18 =	vshra.s32 v16, $0x2;
	v54 =	vld.idx.msk [tilespmem:v25+s7+$0x0], $0xffff  }
0x1e6: {  	v6 =	vshll.u32 v6, $0x4;
	v9 =	vshra.s32 v9, v10;
	v10 =	vshra.s32 v19, $0x2;
	[tilespmem:s6+$0xFB00] =	vst v16;
	v7 =	vld.idx.msk [tilespmem:v7+s10+$0x0], $0xffff  }
0x1e7: {  	v6 =	vand.u32 $0xFF0, v6;
	[tilespmem:s8+$0xFB00] =	vst v14;
	v12 =	vshll.u32 v12, $0x3;
	v23 =	vshra.s32 v11, $0x2;
	v20 =	vld.idx.msk [tilespmem:v20+s7+$0x0], $0xffff  }
0x1e8: {  	v14 =	vshll.u32 v14, $0x3;
	v15 =	vshll.u32 v15, $0x3;
	v24 =	vshra.s32 v8, $0x2;
	v22 =	vld.idx.msk [tilespmem:v22+s7+$0x0], $0xffff  }
0x1e9: {  	v19 =	vshll.u32 v19, $0x3;
	v9 =	vand.u32 $0xFF, v9;
	v12 =	vand.u32 $0x18, v12;
	v13 =	vld.idx.msk [tilespmem:v13+s7+$0x0], $0xffff  }
0x1ea: {  	v14 =	vand.u32 $0x18, v14;
	v15 =	vand.u32 $0x18, v15;
	v19 =	vand.u32 $0x18, v19;
	[tilespmem:s4+$0xFB00] =	vst v11;
	v18 =	vld.idx.msk [tilespmem:v18+s7+$0x0], $0xffff  }
0x1eb: {  	v6 =	vadd.s32 v9, v6;
	v16 =	vshll.u32 v16, $0x3;
	v8 =	vshll.u32 v8, $0x3;
	v10 =	vld.idx.msk [tilespmem:v10+s7+$0x0], $0xffff  }
0x1ec: {  	v16 =	vand.u32 $0x18, v16;
	v8 =	vand.u32 $0x18, v8;
	v11 =	vshll.u32 v11, $0x3;
	v9 =	vld.idx.msk [tilespmem:v23+s7+$0x0], $0xffff  }
0x1ed: {  	s23 =	sor.u32 s9, s17;
	v11 =	vand.u32 $0x18, v11;
	v53 =	vld.idx.msk [tilespmem:v24+s7+$0x0], $0xffff;
	v17 =	vmul.f32 v1, v17;
	v12 =	vshra.s32 v20, v12  }
0x1ee: {  	v58 =	vld [tilespmem:s23+$0x0];
	v14 =	vshra.s32 v22, v14;
	v13 =	vshra.s32 v13, v15;
	v3 =	vmul.f32 v7, v3  }
0x1ef: {  	v59 =	vld [tilespmem:s23+$0x80];
	v12 =	vand.u32 $0xFF, v12;
	v14 =	vshll.u32 v14, $0x4;
	v16 =	vshra.s32 v18, v16  }
0x1f0: {  	s26 =	simm.s32 $0x7B40;
	v6 =	vld.idx.msk [tilespmem:v6+s10+$0x0], $0xffff;
	v13 =	vand.u32 $0xFF, v13;
	v10 =	vshra.s32 v10, v19;
	v16 =	vshll.u32 v16, $0x4  }
0x1f1: {  	v1 =	vld [tilespmem:s26+$0x0];
	s26 =	sor.u32 s22, s17;
	v10 =	vand.u32 $0xFF, v10;
	v16 =	vand.u32 $0xFF0, v16;
	v9 =	vshra.s32 v9, v11  }
0x1f2: {  	v15 =	vld [tilespmem:s26+$0x0];
	v7 =	vshra.s32 v53, v8;
	v12 =	vadd.s32 v12, v16;
	v9 =	vshll.u32 v9, $0x4  }
0x1f3: {  	[tilespmem:s16+$0xDB00] =	vst v17;
	v17 =	vld [tilespmem:s4+$0x7B00];
	v8 =	vshra.s32 v56, $0x2;
	v11 =	vand.u32 $0xFF0, v14;
	v9 =	vand.u32 $0xFF0, v9  }
0x1f4: {  	v4 =	vmul.f32 v5, v4;
	v11 =	vadd.s32 v13, v11;
	v9 =	vadd.s32 v10, v9;
	v10 =	vld [tilespmem:s12+$0x0]  }
0x1f5: {  	s28 =	sand.u32 $0x780, s13;
	v5 =	vshll.u32 v7, $0x4;
	v7 =	vshra.s32 v57, $0x2;
	v16 =	vld [tilespmem:s6+$0x7B00];
	v13 =	vshll.u32 v21, $0x3  }
0x1f6: {  	s16 =	sor.u32 s28, s19;
	v14 =	vld [tilespmem:s26+$0x80];
	v13 =	vand.u32 $0x18, v13  }
0x1f7: {  	v62 =	vshra.s32 v58, $0x2;
	[tilespmem:s16+$0xFB00] =	vst v56;
	v61 =	vshra.s32 v15, $0x2;
	v13 =	vshra.s32 v54, v13;
	v12 =	vld.idx.msk [tilespmem:v12+s10+$0x0], $0xffff  }
0x1f8: {  	[tilespmem:s25+$0xDB00] =	vst v4;
	v4 =	vshll.u32 v59, $0x3;
	v5 =	vand.u32 $0xFF0, v5;
	v29 =	vld.idx.msk [tilespmem:v8+s7+$0x0], $0xffff;
	v13 =	vand.u32 $0xFF, v13  }
0x1f9: {  	s17 =	sor.u32 s28, s22;
	s22 =	sor.u32 s28, s9;
	v4 =	vand.u32 $0x18, v4;
	v26 =	vadd.s32 v13, v5;
	v11 =	vld.idx.msk [tilespmem:v11+s10+$0x0], $0xffff;
	v13 =	vshra.s32 v10, $0x2  }
0x1fa: {  	[tilespmem:s22+$0xFB00] =	vst v58;
	v6 =	vmul.f32 v6, v2;
	v2 =	vshll.u32 v15, $0x3;
	v8 =	vshra.s32 v59, $0x2;
	v7 =	vld.idx.msk [tilespmem:v7+s7+$0x0], $0xffff  }
0x1fb: {  	[tilespmem:s17+$0xFB00] =	vst v15;
	v15 =	vshra.s32 v60, $0x2;
	v28 =	vand.u32 $0x18, v2;
	v27 =	vld.idx.msk [tilespmem:v9+s10+$0x0], $0xffff;
	v9 =	vshra.s32 v14, $0x2  }
0x1fc: {  	s31 =	simm.s32 $0xFB80;
	[tilespmem:s1+$0xDB00] =	vst v3;
	v2 =	vshll.u32 v58, $0x3;
	v63 =	vld.idx.msk [tilespmem:v61+s7+$0x0], $0xffff;
	v16 =	vmul.f32 v12, v16;
	v12 =	vshll.u32 v14, $0x3  }
0x1fd: {  	v5 =	vand.u32 $0x18, v2;
	v3 =	vshll.u32 v10, $0x3;
	[tilespmem:s31+$0x0] =	vst v10;
	v2 =	vand.u32 $0x18, v12;
	v12 =	vld.idx.msk [tilespmem:v62+s7+$0x0], $0xffff  }
0x1fe: {  	s1 =	simm.s32 $0xDB00;
	v10 =	vshll.u32 v60, $0x3;
	v14 =	vmul.f32 v11, v55;
	v11 =	vld.idx.msk [tilespmem:v13+s7+$0x0], $0xffff;
	v13 =	vshll.u32 v56, $0x3  }
0x1ff: {  	[tilespmem:s1+$0x0] =	vst v6;
	v8 =	vld.idx.msk [tilespmem:v8+s7+$0x0], $0xffff;
	v3 =	vand.u32 $0x18, v3;
	v6 =	vand.u32 $0x18, v13;
	v13 =	vshll.u32 v57, $0x3  }
0x200: {  	[tilespmem:s6+$0xDB00] =	vst v16;
	v9 =	vld.idx.msk [tilespmem:v9+s7+$0x0], $0xffff;
	v16 =	vmul.f32 v27, v17;
	v17 =	vshra.s32 v29, v6;
	v13 =	vand.u32 $0x18, v13  }
0x201: {  	[tilespmem:s8+$0xDB00] =	vst v14;
	v6 =	vand.u32 $0x18, v10;
	v10 =	vld.idx.msk [tilespmem:v15+s7+$0x0], $0xffff;
	v7 =	vshra.s32 v7, v13;
	v15 =	vshll.u32 v17, $0x4  }
0x202: {  	s6 =	simm.s32 $0x7B80;
	v14 =	vshra.s32 v63, v28;
	[tilespmem:s4+$0xDB00] =	vst v16;
	v13 =	vand.u32 $0xFF, v7;
	v15 =	vand.u32 $0xFF0, v15;
	v7 =	vld.idx.msk [tilespmem:v26+s10+$0x0], $0xffff  }
.LBB2_10:
0x203: {  	s13 =	sadd.s32 $0x40, s13;
	v16 =	vld [tilespmem:s6+$0x0];
	v14 =	vshll.u32 v14, $0x4;
	v5 =	vshra.s32 v12, v5;
	v12 =	vadd.s32 v13, v15;
	s14 =	sadd.s32 $0x80, s14  }
0x204: {  	v3 =	vshra.s32 v11, v3;
	s4 =	sand.u32 $0x40, s13;
	s8 =	sand.u32 $0xF00, s14;
	p1 =	slt.u32 s13, $0x7C0;
	v11 =	vand.u32 $0xFF0, v14;
	v13 =	vld [tilespmem:s17+$0x7B00];
	v5 =	vshll.u32 v5, $0x4  }
0x205: {  	v3 =	vshll.u32 v3, $0x4;
	v2 =	vshra.s32 v9, v2;
	s8 =	sadd.s32 $0xB300, s8;
	s12 =	sor.u32 $0x10, s4;
	s19 =	sor.u32 $0x30, s4;
	v5 =	vand.u32 $0xFF0, v5;
	v14 =	vld [tilespmem:s22+$0x7B00]  }
0x206: {  	s25 =	sor.u32 $0x20, s4;
	v3 =	vand.u32 $0xFF0, v3;
	v2 =	vand.u32 $0xFF, v2;
	v4 =	vshra.s32 v8, v4;
	s20 =	sor.u32 s12, s8;
	s26 =	sor.u32 s19, s8;
	v8 =	vld [tilespmem:s16+$0x7B00]  }
0x207: {  	s4 =	sor.u32 s4, s8;
	s8 =	sor.u32 s25, s8;
	v6 =	vshra.s32 v10, v6;
	v2 =	vadd.s32 v2, v11;
	v4 =	vand.u32 $0xFF, v4;
	v9 =	vld [tilespmem:s26+$0x0]  }
0x208: {  	v6 =	vand.u32 $0xFF, v6;
	v4 =	vadd.s32 v4, v5;
	v7 =	vmul.f32 v7, v1;
	v5 =	vld.idx.msk [tilespmem:v12+s10+$0x0], $0xffff;
	v1 =	vmovc v16  }
0x209: {  	s1 =	sadd.s32 $0x40, s1;
	v16 =	vadd.s32 v6, v3;
	v10 =	vld [tilespmem:s26+$0x80]  }
0x20a: {  	v6 =	vld [tilespmem:s20+$0x0];
	[tilespmem:s1+$0x0] =	vst v7  }
0x20b: {  	v7 =	vld [tilespmem:s8+$0x0]  }
0x20c: {  	v11 =	vld [tilespmem:s4+$0x0]  }
0x20d: {  	v15 =	vshra.s32 v9, $0x2;
	v12 =	vld [tilespmem:s20+$0x80]  }
0x20e: {  	v3 =	vmul.f32 v5, v8;
	v17 =	vld [tilespmem:s8+$0x80];
	v18 =	vshra.s32 v10, $0x2  }
0x20f: {  	v8 =	vld [tilespmem:s4+$0x80];
	s4 =	sand.u32 $0x780, s13;
	v19 =	vshra.s32 v6, $0x2;
	v5 =	vshll.u32 v6, $0x3  }
0x210: {  	s8 =	sor.u32 s4, s12;
	v20 =	vand.u32 $0x18, v5;
	s12 =	sor.u32 s4, s25;
	v21 =	vshra.s32 v7, $0x2;
	v5 =	vshll.u32 v7, $0x3;
	v22 =	vld.idx.msk [tilespmem:v2+s10+$0x0], $0xffff;
	[tilespmem:s16+$0xDB00] =	vst v3;
	s16 =	sor.u32 s4, s19  }
0x211: {  	v23 =	vshra.s32 v11, $0x2;
	v2 =	vshll.u32 v11, $0x3;
	v5 =	vand.u32 $0x18, v5;
	[tilespmem:s16+$0xFB00] =	vst v9;
	v24 =	vld.idx.msk [tilespmem:v4+s10+$0x0], $0xffff  }
0x212: {  	v3 =	vand.u32 $0x18, v2;
	[tilespmem:s8+$0xFB00] =	vst v6;
	v25 =	vshra.s32 v12, $0x2;
	v2 =	vshll.u32 v12, $0x3;
	v15 =	vld.idx.msk [tilespmem:v15+s7+$0x0], $0xffff  }
0x213: {  	s31 =	sadd.s32 $0x40, s31;
	v2 =	vand.u32 $0x18, v2;
	[tilespmem:s12+$0xFB00] =	vst v7;
	v7 =	vshra.s32 v17, $0x2;
	v4 =	vshll.u32 v17, $0x3;
	v17 =	vld.idx.msk [tilespmem:v18+s7+$0x0], $0xffff  }
0x214: {  	[tilespmem:s31+$0x0] =	vst v11;
	v18 =	vshra.s32 v8, $0x2;
	v6 =	vshll.u32 v8, $0x3;
	v19 =	vld.idx.msk [tilespmem:v19+s7+$0x0], $0xffff;
	v4 =	vand.u32 $0x18, v4  }
0x215: {  	v6 =	vand.u32 $0x18, v6;
	v12 =	vld.idx.msk [tilespmem:v21+s7+$0x0], $0xffff  }
.Ltmp6:
0x216: {  	v8 =	vshll.u32 v9, $0x3;
	v13 =	vmul.f32 v22, v13;
	v11 =	vld.idx.msk [tilespmem:v23+s7+$0x0], $0xffff;
	(pc) =	sbr.rel @p1 .LBB2_10-.Ltmp6, $4  }
0x217: {  	v10 =	vshll.u32 v10, $0x3;
	v21 =	vand.u32 $0x18, v8;
	v14 =	vmul.f32 v24, v14;
	v9 =	vld.idx.msk [tilespmem:v25+s7+$0x0], $0xffff  }
0x218: {  	v8 =	vld.idx.msk [tilespmem:v7+s7+$0x0], $0xffff;
	v7 =	vshra.s32 v15, v21;
	v15 =	vand.u32 $0x18, v10;
	[tilespmem:s17+$0xDB00] =	vst v13;
	s17 =	smov.u32 s8  }
0x219: {  	v10 =	vld.idx.msk [tilespmem:v18+s7+$0x0], $0xffff;
	v13 =	vshra.s32 v17, v15;
	v7 =	vshll.u32 v7, $0x4;
	[tilespmem:s22+$0xDB00] =	vst v14;
	s22 =	smov.u32 s12  }
0x21a: {  	s6 =	sadd.s32 $0x40, s6;
	v14 =	vshra.s32 v19, v20;
	v13 =	vand.u32 $0xFF, v13;
	v15 =	vand.u32 $0xFF0, v7;
	v7 =	vld.idx.msk [tilespmem:v16+s10+$0x0], $0xffff  }
0x21b: {  	v14 =	vshll.u32 v14, $0x4;
	v5 =	vshra.s32 v12, v5  }
0x21c: {  	v57 =	vadd.s32 v13, v15;
	v3 =	vshra.s32 v11, v3;
	v58 =	vand.u32 $0xFF0, v14  }
0x21d: {  	v5 =	vshll.u32 v5, $0x4;
	v3 =	vshll.u32 v3, $0x4;
	v2 =	vshra.s32 v9, v2  }
0x21e: {  	v5 =	vand.u32 $0xFF0, v5;
	v2 =	vand.u32 $0xFF, v2;
	v4 =	vshra.s32 v8, v4  }
0x21f: {  	v59 =	vld [tilespmem:s6+$0x0];
	v6 =	vshra.s32 v10, v6;
	v2 =	vadd.s32 v2, v58;
	v4 =	vand.u32 $0xFF, v4  }
0x220: {  	v60 =	vld [tilespmem:s17+$0x7B00];
	v3 =	vand.u32 $0xFF0, v3;
	v6 =	vand.u32 $0xFF, v6;
	v4 =	vadd.s32 v4, v5  }
0x221: {  	v61 =	vld [tilespmem:s22+$0x7B00];
	v3 =	vadd.s32 v6, v3  }
0x222: {  	v62 =	vld [tilespmem:s16+$0x7B00]  }
0x223: {  	v63 =	vld.idx.msk [tilespmem:v57+s10+$0x0], $0xffff  }
0x224: {  	v2 =	vld.idx.msk [tilespmem:v2+s10+$0x0], $0xffff  }
0x225: {  	v4 =	vld.idx.msk [tilespmem:v4+s10+$0x0], $0xffff  }
0x226: {  	v3 =	vld.idx.msk [tilespmem:v3+s10+$0x0], $0xffff  }
0x227: {  	v1 =	vmul.f32 v7, v1  }
0x228: {  	s1 =	sadd.s32 $0x40, s1;
	v6 =	vmul.f32 v63, v62  }
0x229: {  	[tilespmem:s1+$0x0] =	vst v1;
	v1 =	vmul.f32 v2, v60  }
0x22a: {  	[tilespmem:s16+$0xDB00] =	vst v6;
	v2 =	vmul.f32 v4, v61  }
0x22b: {  	[tilespmem:s17+$0xDB00] =	vst v1;
	v1 =	vmul.f32 v3, v59  }
0x22c: {  	s1 =	sadd.s32 $0x40, s1;
	[tilespmem:s22+$0xDB00] =	vst v2  }
0x22d: {  	s31 =	simm.s32 $0xFB00;
	s4 =	simm.s32 $0xDB00;
	s13 =	simm.s32 $0x1;
	[tilespmem:s1+$0x0] =	vst v1  }
0x22e: {  	[spmem:s5] =	stream.indirect.scatter.add.f32 [tilespmem:s4], [sflag:$0x6], $0x1, s31, s18, $0xb8;
	[tilespmem:$0x133F0] =	vst v63  }
.LBB2_12:
0x22f: {  	_ =	swait.ge [sflag:s15], $0x800  }
0x230: {  	[sflag:s15] =	ssyncset.done $0x0  }
0x231: {  	[sflag:s15] =	ssyncadd.s32 $0xFFFFF800  }
0x232: {  	_ =	swait.ge [sflag:s15], $0x1000  }
0x233: {  	s1 =	sshll.u32 s13, $0xB;
	[sflag:s15] =	ssyncset.done $0x0;
	s4 =	rddreg [dreg:$0x8]  }
0x234: {  	s6 =	simm.s32 $0x0;
	[sflag:s15] =	ssyncadd.s32 $0xFFFFF000;
	s14 =	sor.u32 s4, s1  }
0x235: {  	s8 =	simm.s32 $0x7300;
	_ =	swait.ge [sflag:s30], $0x800;
	s1 =	sor.u32 $0x400, s14  }
0x236: {  	[sflag:s30] =	ssyncset.done $0x0;
	s20 =	sshll.u32 s1, $0x4;
	s1 =	sshll.u32 s1, $0x5  }
0x237: {  	[sflag:s30] =	ssyncadd.s32 $0xFFFFF800;
	s4 =	sadd.s32 s0, s20;
	s1 =	sand.u32 $0x1FFFBE00, s1  }
0x238: {  	[tilespmem:s8], [sflag:$0x3] =	stream.linear.gather [hbm4b:s4+s6], $0x800, $0x38;
	[tilespmem:$0x133F0] =	vst v63  }
0x239: {  	s22 =	simm.s32 $0xA300;
	s23 =	simm.s32 $0x0;
	s1 =	sadd.s32 s2, s1  }
0x23a: {  	[tilespmem:s22], [sflag:$0x3] =	stream.linear.gather [hbm4b:s1+s6], $0x1000, $0x38;
	[tilespmem:$0x133F0] =	vst v63  }
0x23b: {  	s25 =	sand.u32 $0x40, s23;
	s6 =	sand.u32 $0xF00, s6  }
0x23c: {  	s26 =	sor.u32 $0x30, s25;
	s6 =	sadd.s32 $0x8300, s6  }
0x23d: {  	s12 =	sor.u32 s26, s6  }
0x23e: {  	s4 =	sor.u32 s25, s6;
	v1 =	vld [tilespmem:s12+$0x0]  }
0x23f: {  	s16 =	sor.u32 $0x10, s25;
	v6 =	vld [tilespmem:s4+$0x0]  }
0x240: {  	s19 =	sor.u32 $0x20, s25;
	s17 =	sor.u32 s16, s6;
	v2 =	vld [tilespmem:s12+$0x80]  }
0x241: {  	s28 =	sor.u32 s19, s6;
	v4 =	vld [tilespmem:s17+$0x0]  }
0x242: {  	v5 =	vld [tilespmem:s28+$0x0]  }
0x243: {  	s6 =	simm.s32 $0xE300;
	v7 =	vld [tilespmem:s17+$0x80]  }
0x244: {  	s9 =	simm.s32 $0x80;
	v10 =	vld [tilespmem:s4+$0x80];
	[tilespmem:s6+$0x0] =	vst v6;
	s6 =	simm.s32 $0x40  }
0x245: {  	s1 =	sand.u32 $0x780, s23;
	v8 =	vld [tilespmem:s28+$0x80];
	s4 =	sand.u32 $0xF00, s9;
	v3 =	vshra.s32 v1, $0x2;
	s12 =	sand.u32 $0x40, s6  }
0x246: {  	s22 =	sor.u32 s1, s26;
	s4 =	sadd.s32 $0x8300, s4;
	v9 =	vshra.s32 v2, $0x2;
	s20 =	sor.u32 $0x20, s12  }
0x247: {  	v17 =	vld [tilespmem:s22+$0x6300];
	v11 =	vshra.s32 v4, $0x2;
	s17 =	sor.u32 $0x30, s12;
	s26 =	sor.u32 $0x10, s12;
	s9 =	sor.u32 s20, s4  }
0x248: {  	v12 =	vshra.s32 v5, $0x2;
	s23 =	sor.u32 s17, s4;
	s28 =	sor.u32 s26, s4;
	s4 =	sor.u32 s12, s4;
	v19 =	vld [tilespmem:s9+$0x80]  }
0x249: {  	[tilespmem:s22+$0xE300] =	vst v1;
	v14 =	vshra.s32 v7, $0x2;
	v21 =	vld [tilespmem:s4+$0x80]  }
0x24a: {  	s25 =	sor.u32 s1, s16;
	v15 =	vshra.s32 v8, $0x2;
	v3 =	vld.idx.msk [tilespmem:v3+s7+$0x0], $0xffff  }
0x24b: {  	s1 =	sor.u32 s1, s19;
	v13 =	vshra.s32 v6, $0x2;
	[tilespmem:s25+$0xE300] =	vst v4;
	v9 =	vld.idx.msk [tilespmem:v9+s7+$0x0], $0xffff  }
0x24c: {  	[tilespmem:s1+$0xE300] =	vst v5;
	v16 =	vshra.s32 v10, $0x2;
	v11 =	vld.idx.msk [tilespmem:v11+s7+$0x0], $0xffff  }
0x24d: {  	v12 =	vld.idx.msk [tilespmem:v12+s7+$0x0], $0xffff  }
0x24e: {  	v14 =	vld.idx.msk [tilespmem:v14+s7+$0x0], $0xffff  }
0x24f: {  	v2 =	vshll.u32 v2, $0x3;
	v15 =	vld.idx.msk [tilespmem:v15+s7+$0x0], $0xffff  }
0x250: {  	v1 =	vshll.u32 v1, $0x3;
	v5 =	vshll.u32 v5, $0x3;
	v2 =	vand.u32 $0x18, v2;
	v13 =	vld.idx.msk [tilespmem:v13+s7+$0x0], $0xffff  }
0x251: {  	v7 =	vshll.u32 v7, $0x3;
	v8 =	vshll.u32 v8, $0x3;
	v2 =	vshra.s32 v9, v2;
	v9 =	vld.idx.msk [tilespmem:v16+s7+$0x0], $0xffff  }
0x252: {  	v1 =	vand.u32 $0x18, v1;
	v5 =	vand.u32 $0x18, v5;
	v16 =	vshll.u32 v4, $0x3;
	v4 =	vld [tilespmem:s1+$0x6300]  }
0x253: {  	v7 =	vand.u32 $0x18, v7;
	v8 =	vand.u32 $0x18, v8;
	v5 =	vshra.s32 v12, v5;
	v12 =	vld [tilespmem:s23+$0x80]  }
0x254: {  	v1 =	vshra.s32 v3, v1;
	v7 =	vshra.s32 v14, v7;
	v8 =	vshra.s32 v15, v8;
	v14 =	vld [tilespmem:s28+$0x0]  }
0x255: {  	s8 =	simm.s32 $0x6300;
	v15 =	vld [tilespmem:s28+$0x80];
	v1 =	vshll.u32 v1, $0x4;
	v3 =	vand.u32 $0xFF, v2;
	v16 =	vand.u32 $0x18, v16  }
0x256: {  	v2 =	vld [tilespmem:s8+$0x0];
	v5 =	vshll.u32 v5, $0x4;
	v8 =	vand.u32 $0xFF, v8;
	v1 =	vand.u32 $0xFF0, v1  }
0x257: {  	v11 =	vshra.s32 v11, v16;
	v16 =	vld [tilespmem:s23+$0x0];
	v5 =	vand.u32 $0xFF0, v5;
	v1 =	vadd.s32 v3, v1  }
0x258: {  	s6 =	sand.u32 $0x780, s6;
	v11 =	vshll.u32 v11, $0x4;
	v5 =	vadd.s32 v8, v5;
	v8 =	vld [tilespmem:s4+$0x0]  }
0x259: {  	v25 =	vshra.s32 v21, $0x2;
	v7 =	vand.u32 $0xFF, v7;
	v3 =	vld [tilespmem:s25+$0x6300];
	s4 =	sor.u32 s6, s26;
	v11 =	vand.u32 $0xFF0, v11  }
0x25a: {  	v55 =	vld [tilespmem:s4+$0x6300];
	v7 =	vadd.s32 v7, v11  }
0x25b: {  	v6 =	vshll.u32 v6, $0x3;
	v11 =	vld [tilespmem:s9+$0x0];
	v20 =	vshra.s32 v12, $0x2  }
0x25c: {  	v10 =	vshll.u32 v10, $0x3;
	v6 =	vand.u32 $0x18, v6;
	s8 =	sor.u32 s6, s17;
	s17 =	simm.s32 $0xE340;
	v22 =	vshra.s32 v14, $0x2;
	v1 =	vld.idx.msk [tilespmem:v1+s10+$0x0], $0xffff  }
0x25d: {  	v10 =	vand.u32 $0x18, v10;
	v6 =	vshra.s32 v13, v6;
	v13 =	vshra.s32 v15, $0x2;
	v5 =	vld.idx.msk [tilespmem:v5+s10+$0x0], $0xffff;
	[tilespmem:s17+$0x0] =	vst v8  }
0x25e: {  	v6 =	vshll.u32 v6, $0x4;
	v9 =	vshra.s32 v9, v10;
	v10 =	vshra.s32 v19, $0x2;
	v54 =	vld.idx.msk [tilespmem:v25+s7+$0x0], $0xffff  }
0x25f: {  	v6 =	vand.u32 $0xFF0, v6;
	v9 =	vand.u32 $0xFF, v9;
	v18 =	vshra.s32 v16, $0x2;
	[tilespmem:s8+$0xE300] =	vst v16;
	v7 =	vld.idx.msk [tilespmem:v7+s10+$0x0], $0xffff  }
0x260: {  	[tilespmem:s4+$0xE300] =	vst v14;
	v6 =	vadd.s32 v9, v6;
	v20 =	vld.idx.msk [tilespmem:v20+s7+$0x0], $0xffff  }
0x261: {  	s26 =	sor.u32 s6, s20;
	v24 =	vshra.s32 v8, $0x2;
	v22 =	vld.idx.msk [tilespmem:v22+s7+$0x0], $0xffff  }
0x262: {  	[tilespmem:s26+$0xE300] =	vst v11;
	v13 =	vld.idx.msk [tilespmem:v13+s7+$0x0], $0xffff  }
0x263: {  	v23 =	vshra.s32 v11, $0x2;
	v10 =	vld.idx.msk [tilespmem:v10+s7+$0x0], $0xffff  }
0x264: {  	v12 =	vshll.u32 v12, $0x3;
	v18 =	vld.idx.msk [tilespmem:v18+s7+$0x0], $0xffff  }
0x265: {  	s16 =	simm.s32 $0x80;
	v14 =	vshll.u32 v14, $0x3;
	v15 =	vshll.u32 v15, $0x3;
	v19 =	vshll.u32 v19, $0x3;
	s17 =	simm.s32 $0x100;
	v6 =	vld.idx.msk [tilespmem:v6+s10+$0x0], $0xffff  }
0x266: {  	s19 =	simm.s32 $0x6340;
	s6 =	sand.u32 $0x40, s16;
	v12 =	vand.u32 $0x18, v12;
	v14 =	vand.u32 $0x18, v14;
	v15 =	vand.u32 $0x18, v15;
	s20 =	sand.u32 $0xF00, s17;
	v53 =	vld.idx.msk [tilespmem:v24+s7+$0x0], $0xffff  }
0x267: {  	s28 =	sor.u32 $0x10, s6;
	v19 =	vand.u32 $0x18, v19;
	v16 =	vshll.u32 v16, $0x3;
	s12 =	sadd.s32 $0x8300, s20;
	v17 =	vmul.f32 v1, v17;
	v1 =	vld [tilespmem:s19+$0x0]  }
0x268: {  	s9 =	sor.u32 $0x20, s6;
	v16 =	vand.u32 $0x18, v16;
	v8 =	vshll.u32 v8, $0x3;
	v11 =	vshll.u32 v11, $0x3;
	s19 =	sor.u32 $0x30, s6;
	s6 =	sor.u32 s6, s12;
	v9 =	vld.idx.msk [tilespmem:v23+s7+$0x0], $0xffff  }
0x269: {  	v8 =	vand.u32 $0x18, v8;
	v11 =	vand.u32 $0x18, v11;
	s23 =	sor.u32 s19, s12;
	v60 =	vld [tilespmem:s6+$0x80];
	v12 =	vshra.s32 v20, v12  }
0x26a: {  	v56 =	vld [tilespmem:s23+$0x0];
	v14 =	vshra.s32 v22, v14;
	v13 =	vshra.s32 v13, v15;
	v3 =	vmul.f32 v7, v3  }
0x26b: {  	s31 =	sor.u32 s28, s12;
	v57 =	vld [tilespmem:s23+$0x80];
	v12 =	vand.u32 $0xFF, v12;
	v14 =	vshll.u32 v14, $0x4;
	v16 =	vshra.s32 v18, v16  }
0x26c: {  	v15 =	vld [tilespmem:s31+$0x0];
	v13 =	vand.u32 $0xFF, v13;
	v10 =	vshra.s32 v10, v19;
	v16 =	vshll.u32 v16, $0x4  }
0x26d: {  	[tilespmem:s22+$0xC300] =	vst v17;
	v17 =	vld [tilespmem:s26+$0x6300];
	v10 =	vand.u32 $0xFF, v10;
	v16 =	vand.u32 $0xFF0, v16;
	v9 =	vshra.s32 v9, v11  }
0x26e: {  	v12 =	vadd.s32 v12, v16;
	v11 =	vand.u32 $0xFF0, v14;
	v14 =	vld [tilespmem:s31+$0x80];
	s31 =	sor.u32 s9, s12;
	v9 =	vshll.u32 v9, $0x4  }
0x26f: {  	v7 =	vshra.s32 v53, v8;
	v8 =	vshra.s32 v56, $0x2;
	v58 =	vld [tilespmem:s31+$0x0];
	v9 =	vand.u32 $0xFF0, v9  }
0x270: {  	v4 =	vmul.f32 v5, v4;
	v11 =	vadd.s32 v13, v11;
	v9 =	vadd.s32 v10, v9;
	v10 =	vld [tilespmem:s6+$0x0]  }
0x271: {  	s23 =	sand.u32 $0x780, s16;
	v5 =	vshll.u32 v7, $0x4;
	v7 =	vshra.s32 v57, $0x2;
	v13 =	vshll.u32 v21, $0x3;
	v59 =	vld [tilespmem:s31+$0x80]  }
0x272: {  	s22 =	sor.u32 s23, s19;
	v16 =	vld [tilespmem:s8+$0x6300];
	v13 =	vand.u32 $0x18, v13  }
0x273: {  	v6 =	vmul.f32 v6, v2;
	v61 =	vshra.s32 v15, $0x2;
	[tilespmem:s22+$0xE300] =	vst v56;
	v13 =	vshra.s32 v54, v13;
	v12 =	vld.idx.msk [tilespmem:v12+s10+$0x0], $0xffff  }
0x274: {  	v5 =	vand.u32 $0xFF0, v5;
	v13 =	vand.u32 $0xFF, v13;
	v29 =	vld.idx.msk [tilespmem:v8+s7+$0x0], $0xffff;
	v62 =	vshra.s32 v58, $0x2  }
0x275: {  	[tilespmem:s25+$0xC300] =	vst v3;
	s25 =	sor.u32 s23, s28;
	v2 =	vshll.u32 v15, $0x3;
	v26 =	vadd.s32 v13, v5;
	v11 =	vld.idx.msk [tilespmem:v11+s10+$0x0], $0xffff;
	v13 =	vshra.s32 v10, $0x2  }
0x276: {  	[tilespmem:s25+$0xE300] =	vst v15;
	v15 =	vshra.s32 v60, $0x2;
	v28 =	vand.u32 $0x18, v2;
	v7 =	vld.idx.msk [tilespmem:v7+s7+$0x0], $0xffff;
	v8 =	vshra.s32 v59, $0x2  }
0x277: {  	[tilespmem:s1+$0xC300] =	vst v4;
	s31 =	sor.u32 s23, s9;
	v2 =	vshll.u32 v58, $0x3;
	v4 =	vshll.u32 v59, $0x3;
	v27 =	vld.idx.msk [tilespmem:v9+s10+$0x0], $0xffff;
	v9 =	vshra.s32 v14, $0x2  }
0x278: {  	s6 =	simm.s32 $0xE380;
	v63 =	vld.idx.msk [tilespmem:v61+s7+$0x0], $0xffff;
	[tilespmem:s31+$0xE300] =	vst v58;
	v5 =	vand.u32 $0x18, v2;
	v16 =	vmul.f32 v12, v16;
	v12 =	vshll.u32 v14, $0x3  }
0x279: {  	v4 =	vand.u32 $0x18, v4;
	v3 =	vshll.u32 v10, $0x3;
	[tilespmem:s6+$0x0] =	vst v10;
	v2 =	vand.u32 $0x18, v12;
	v12 =	vld.idx.msk [tilespmem:v62+s7+$0x0], $0xffff  }
0x27a: {  	s1 =	simm.s32 $0xC300;
	v10 =	vshll.u32 v60, $0x3;
	v14 =	vmul.f32 v11, v55;
	v11 =	vld.idx.msk [tilespmem:v13+s7+$0x0], $0xffff;
	v13 =	vshll.u32 v56, $0x3  }
0x27b: {  	[tilespmem:s1+$0x0] =	vst v6;
	v3 =	vand.u32 $0x18, v3;
	v8 =	vld.idx.msk [tilespmem:v8+s7+$0x0], $0xffff;
	v6 =	vand.u32 $0x18, v13;
	v13 =	vshll.u32 v57, $0x3  }
0x27c: {  	[tilespmem:s8+$0xC300] =	vst v16;
	v9 =	vld.idx.msk [tilespmem:v9+s7+$0x0], $0xffff;
	v16 =	vmul.f32 v27, v17;
	v17 =	vshra.s32 v29, v6;
	v13 =	vand.u32 $0x18, v13  }
0x27d: {  	[tilespmem:s4+$0xC300] =	vst v14;
	v6 =	vand.u32 $0x18, v10;
	v10 =	vld.idx.msk [tilespmem:v15+s7+$0x0], $0xffff;
	v7 =	vshra.s32 v7, v13;
	v15 =	vshll.u32 v17, $0x4  }
0x27e: {  	s8 =	simm.s32 $0x6380;
	v14 =	vshra.s32 v63, v28;
	[tilespmem:s26+$0xC300] =	vst v16;
	v13 =	vand.u32 $0xFF, v7;
	v15 =	vand.u32 $0xFF0, v15;
	v7 =	vld.idx.msk [tilespmem:v26+s10+$0x0], $0xffff  }
.LBB2_13:
0x27f: {  	s16 =	sadd.s32 $0x40, s16;
	v16 =	vld [tilespmem:s8+$0x0];
	v14 =	vshll.u32 v14, $0x4;
	v5 =	vshra.s32 v12, v5;
	v12 =	vadd.s32 v13, v15;
	s17 =	sadd.s32 $0x80, s17  }
0x280: {  	v3 =	vshra.s32 v11, v3;
	s4 =	sand.u32 $0x40, s16;
	s12 =	sand.u32 $0xF00, s17;
	p1 =	slt.u32 s16, $0x7C0;
	v11 =	vand.u32 $0xFF0, v14;
	v13 =	vld [tilespmem:s25+$0x6300];
	v5 =	vshll.u32 v5, $0x4  }
0x281: {  	v3 =	vshll.u32 v3, $0x4;
	v2 =	vshra.s32 v9, v2;
	s12 =	sadd.s32 $0x8300, s12;
	s19 =	sor.u32 $0x10, s4;
	s20 =	sor.u32 $0x30, s4;
	v5 =	vand.u32 $0xFF0, v5;
	v14 =	vld [tilespmem:s31+$0x6300]  }
0x282: {  	s28 =	sor.u32 $0x20, s4;
	v3 =	vand.u32 $0xFF0, v3;
	v2 =	vand.u32 $0xFF, v2;
	v4 =	vshra.s32 v8, v4;
	s26 =	sor.u32 s19, s12;
	s9 =	sor.u32 s20, s12;
	v8 =	vld [tilespmem:s22+$0x6300]  }
0x283: {  	s4 =	sor.u32 s4, s12;
	s12 =	sor.u32 s28, s12;
	v6 =	vshra.s32 v10, v6;
	v2 =	vadd.s32 v2, v11;
	v4 =	vand.u32 $0xFF, v4;
	v9 =	vld [tilespmem:s9+$0x0]  }
0x284: {  	v6 =	vand.u32 $0xFF, v6;
	v4 =	vadd.s32 v4, v5;
	v7 =	vmul.f32 v7, v1;
	v5 =	vld.idx.msk [tilespmem:v12+s10+$0x0], $0xffff;
	v1 =	vmovc v16  }
0x285: {  	s1 =	sadd.s32 $0x40, s1;
	v16 =	vadd.s32 v6, v3;
	v10 =	vld [tilespmem:s9+$0x80]  }
0x286: {  	v6 =	vld [tilespmem:s26+$0x0];
	[tilespmem:s1+$0x0] =	vst v7  }
0x287: {  	v7 =	vld [tilespmem:s12+$0x0]  }
0x288: {  	v11 =	vld [tilespmem:s4+$0x0]  }
0x289: {  	v15 =	vshra.s32 v9, $0x2;
	v12 =	vld [tilespmem:s26+$0x80]  }
0x28a: {  	v3 =	vmul.f32 v5, v8;
	v17 =	vld [tilespmem:s12+$0x80];
	v18 =	vshra.s32 v10, $0x2  }
0x28b: {  	v8 =	vld [tilespmem:s4+$0x80];
	s4 =	sand.u32 $0x780, s16;
	v19 =	vshra.s32 v6, $0x2;
	v5 =	vshll.u32 v6, $0x3  }
0x28c: {  	s9 =	sor.u32 s4, s19;
	v20 =	vand.u32 $0x18, v5;
	s12 =	sor.u32 s4, s28;
	v21 =	vshra.s32 v7, $0x2;
	v5 =	vshll.u32 v7, $0x3;
	v22 =	vld.idx.msk [tilespmem:v2+s10+$0x0], $0xffff;
	[tilespmem:s22+$0xC300] =	vst v3;
	s22 =	sor.u32 s4, s20  }
0x28d: {  	v23 =	vshra.s32 v11, $0x2;
	v2 =	vshll.u32 v11, $0x3;
	v5 =	vand.u32 $0x18, v5;
	[tilespmem:s22+$0xE300] =	vst v9;
	v24 =	vld.idx.msk [tilespmem:v4+s10+$0x0], $0xffff  }
0x28e: {  	v3 =	vand.u32 $0x18, v2;
	[tilespmem:s9+$0xE300] =	vst v6;
	v25 =	vshra.s32 v12, $0x2;
	v2 =	vshll.u32 v12, $0x3;
	v15 =	vld.idx.msk [tilespmem:v15+s7+$0x0], $0xffff  }
0x28f: {  	s6 =	sadd.s32 $0x40, s6;
	v2 =	vand.u32 $0x18, v2;
	[tilespmem:s12+$0xE300] =	vst v7;
	v7 =	vshra.s32 v17, $0x2;
	v4 =	vshll.u32 v17, $0x3;
	v17 =	vld.idx.msk [tilespmem:v18+s7+$0x0], $0xffff  }
0x290: {  	[tilespmem:s6+$0x0] =	vst v11;
	v18 =	vshra.s32 v8, $0x2;
	v6 =	vshll.u32 v8, $0x3;
	v19 =	vld.idx.msk [tilespmem:v19+s7+$0x0], $0xffff;
	v4 =	vand.u32 $0x18, v4  }
0x291: {  	v6 =	vand.u32 $0x18, v6;
	v12 =	vld.idx.msk [tilespmem:v21+s7+$0x0], $0xffff  }
.Ltmp7:
0x292: {  	v8 =	vshll.u32 v9, $0x3;
	v13 =	vmul.f32 v22, v13;
	v11 =	vld.idx.msk [tilespmem:v23+s7+$0x0], $0xffff;
	(pc) =	sbr.rel @p1 .LBB2_13-.Ltmp7, $4  }
0x293: {  	v10 =	vshll.u32 v10, $0x3;
	v21 =	vand.u32 $0x18, v8;
	v14 =	vmul.f32 v24, v14;
	v9 =	vld.idx.msk [tilespmem:v25+s7+$0x0], $0xffff  }
0x294: {  	v8 =	vld.idx.msk [tilespmem:v7+s7+$0x0], $0xffff;
	v7 =	vshra.s32 v15, v21;
	v15 =	vand.u32 $0x18, v10;
	[tilespmem:s25+$0xC300] =	vst v13;
	s25 =	smov.u32 s9  }
0x295: {  	v10 =	vld.idx.msk [tilespmem:v18+s7+$0x0], $0xffff;
	v13 =	vshra.s32 v17, v15;
	v7 =	vshll.u32 v7, $0x4;
	[tilespmem:s31+$0xC300] =	vst v14;
	s31 =	smov.u32 s12  }
0x296: {  	s8 =	sadd.s32 $0x40, s8;
	v14 =	vshra.s32 v19, v20;
	v13 =	vand.u32 $0xFF, v13;
	v15 =	vand.u32 $0xFF0, v7;
	v7 =	vld.idx.msk [tilespmem:v16+s10+$0x0], $0xffff  }
0x297: {  	v14 =	vshll.u32 v14, $0x4;
	v5 =	vshra.s32 v12, v5  }
0x298: {  	v12 =	vadd.s32 v13, v15;
	v3 =	vshra.s32 v11, v3;
	v11 =	vand.u32 $0xFF0, v14  }
0x299: {  	v5 =	vshll.u32 v5, $0x4;
	v3 =	vshll.u32 v3, $0x4;
	v2 =	vshra.s32 v9, v2  }
0x29a: {  	v5 =	vand.u32 $0xFF0, v5;
	v2 =	vand.u32 $0xFF, v2;
	v4 =	vshra.s32 v8, v4  }
0x29b: {  	v9 =	vld [tilespmem:s25+$0x6300];
	v6 =	vshra.s32 v10, v6;
	v2 =	vadd.s32 v2, v11;
	v4 =	vand.u32 $0xFF, v4  }
0x29c: {  	v8 =	vld [tilespmem:s8+$0x0];
	v3 =	vand.u32 $0xFF0, v3;
	v6 =	vand.u32 $0xFF, v6;
	v4 =	vadd.s32 v4, v5  }
0x29d: {  	v5 =	vld [tilespmem:s31+$0x6300];
	v3 =	vadd.s32 v6, v3  }
0x29e: {  	v6 =	vld [tilespmem:s22+$0x6300]  }
0x29f: {  	v10 =	vld.idx.msk [tilespmem:v12+s10+$0x0], $0xffff  }
0x2a0: {  	v2 =	vld.idx.msk [tilespmem:v2+s10+$0x0], $0xffff  }
0x2a1: {  	v4 =	vld.idx.msk [tilespmem:v4+s10+$0x0], $0xffff  }
0x2a2: {  	v3 =	vld.idx.msk [tilespmem:v3+s10+$0x0], $0xffff  }
0x2a3: {  	v1 =	vmul.f32 v7, v1  }
0x2a4: {  	s1 =	sadd.s32 $0x40, s1;
	v6 =	vmul.f32 v10, v6  }
0x2a5: {  	[tilespmem:s1+$0x0] =	vst v1;
	v1 =	vmul.f32 v2, v9  }
0x2a6: {  	[tilespmem:s22+$0xC300] =	vst v6;
	v2 =	vmul.f32 v4, v5  }
0x2a7: {  	[tilespmem:s25+$0xC300] =	vst v1;
	v1 =	vmul.f32 v3, v8  }
0x2a8: {  	s1 =	sadd.s32 $0x40, s1;
	[tilespmem:s31+$0xC300] =	vst v2  }
0x2a9: {  	s16 =	simm.s32 $0xE300;
	s4 =	simm.s32 $0xC300;
	[tilespmem:s1+$0x0] =	vst v1  }
0x2aa: {  	[spmem:s5] =	stream.indirect.scatter.add.f32 [tilespmem:s4], [sflag:$0x5], $0x1, s16, s18, $0xb8;
	[tilespmem:$0x133F0] =	vst v63  }
0x2ab: {  	_ =	swait.ge [sflag:s21], $0x800  }
0x2ac: {  	[sflag:s21] =	ssyncset.done $0x0  }
0x2ad: {  	[sflag:s21] =	ssyncadd.s32 $0xFFFFF800  }
0x2ae: {  	_ =	swait.ge [sflag:s21], $0x1000  }
0x2af: {  	[sflag:s21] =	ssyncset.done $0x0  }
0x2b0: {  	s17 =	sor.u32 $0x600, s14;
	[sflag:s21] =	ssyncadd.s32 $0xFFFFF000  }
0x2b1: {  	s6 =	simm.s32 $0x0;
	s20 =	simm.s32 $0x7B00;
	_ =	swait.ge [sflag:s11], $0x800  }
0x2b2: {  	s19 =	sshll.u32 s17, $0x4;
	s1 =	sshll.u32 s17, $0x5;
	[sflag:s11] =	ssyncset.done $0x0  }
0x2b3: {  	s4 =	sadd.s32 s0, s19;
	s1 =	sand.u32 $0x1FFFFE00, s1;
	[sflag:s11] =	ssyncadd.s32 $0xFFFFF800  }
0x2b4: {  	[tilespmem:s20], [sflag:$0x4] =	stream.linear.gather [hbm4b:s4+s6], $0x800, $0x38;
	[tilespmem:$0x133F0] =	vst v63  }
0x2b5: {  	s23 =	simm.s32 $0x0;
	s22 =	simm.s32 $0xB300;
	s1 =	sadd.s32 s2, s1  }
0x2b6: {  	[tilespmem:s22], [sflag:$0x4] =	stream.linear.gather [hbm4b:s1+s6], $0x1000, $0x38;
	[tilespmem:$0x133F0] =	vst v63  }
0x2b7: {  	s25 =	sand.u32 $0x40, s23;
	s6 =	sand.u32 $0xF00, s6  }
0x2b8: {  	s26 =	sor.u32 $0x30, s25;
	s6 =	sadd.s32 $0x9300, s6  }
0x2b9: {  	s9 =	sor.u32 s26, s6  }
0x2ba: {  	s12 =	sor.u32 $0x10, s25;
	v1 =	vld [tilespmem:s9+$0x0]  }
0x2bb: {  	s16 =	sor.u32 $0x20, s25;
	s28 =	sor.u32 s12, s6;
	v2 =	vld [tilespmem:s9+$0x80]  }
0x2bc: {  	s31 =	sor.u32 s16, s6;
	v4 =	vld [tilespmem:s28+$0x0]  }
0x2bd: {  	s4 =	sor.u32 s25, s6;
	v5 =	vld [tilespmem:s31+$0x0]  }
0x2be: {  	v6 =	vld [tilespmem:s4+$0x0]  }
0x2bf: {  	s14 =	simm.s32 $0x40;
	s19 =	simm.s32 $0x80;
	v7 =	vld [tilespmem:s28+$0x80]  }
0x2c0: {  	s20 =	sand.u32 $0x40, s14;
	s1 =	sand.u32 $0x780, s23;
	v10 =	vld [tilespmem:s4+$0x80];
	s4 =	sand.u32 $0xF00, s19;
	v3 =	vshra.s32 v1, $0x2  }
0x2c1: {  	s17 =	sor.u32 s1, s26;
	v8 =	vld [tilespmem:s31+$0x80];
	s19 =	sor.u32 $0x20, s20;
	s4 =	sadd.s32 $0x9300, s4;
	v9 =	vshra.s32 v2, $0x2  }
0x2c2: {  	s23 =	sor.u32 $0x30, s20;
	v17 =	vld [tilespmem:s17+$0x6B00];
	s26 =	sor.u32 $0x10, s20;
	s31 =	sor.u32 s19, s4;
	v11 =	vshra.s32 v4, $0x2  }
0x2c3: {  	s25 =	sor.u32 s23, s4;
	s28 =	sor.u32 s26, s4;
	s4 =	sor.u32 s20, s4;
	v19 =	vld [tilespmem:s31+$0x80];
	v12 =	vshra.s32 v5, $0x2  }
0x2c4: {  	v21 =	vld [tilespmem:s4+$0x80];
	v13 =	vshra.s32 v6, $0x2;
	[tilespmem:s17+$0xEB00] =	vst v1  }
0x2c5: {  	s22 =	sor.u32 s1, s12;
	v14 =	vshra.s32 v7, $0x2;
	v3 =	vld.idx.msk [tilespmem:v3+s7+$0x0], $0xffff  }
0x2c6: {  	s1 =	sor.u32 s1, s16;
	[tilespmem:s22+$0xEB00] =	vst v4;
	v15 =	vshra.s32 v8, $0x2;
	v9 =	vld.idx.msk [tilespmem:v9+s7+$0x0], $0xffff  }
0x2c7: {  	s9 =	simm.s32 $0xEB00;
	[tilespmem:s1+$0xEB00] =	vst v5;
	v16 =	vshra.s32 v10, $0x2;
	v11 =	vld.idx.msk [tilespmem:v11+s7+$0x0], $0xffff  }
0x2c8: {  	[tilespmem:s9+$0x0] =	vst v6;
	v12 =	vld.idx.msk [tilespmem:v12+s7+$0x0], $0xffff  }
0x2c9: {  	v13 =	vld.idx.msk [tilespmem:v13+s7+$0x0], $0xffff  }
0x2ca: {  	v2 =	vshll.u32 v2, $0x3;
	v14 =	vld.idx.msk [tilespmem:v14+s7+$0x0], $0xffff  }
0x2cb: {  	v2 =	vand.u32 $0x18, v2;
	v15 =	vld.idx.msk [tilespmem:v15+s7+$0x0], $0xffff  }
0x2cc: {  	v1 =	vshll.u32 v1, $0x3;
	v5 =	vshll.u32 v5, $0x3;
	v2 =	vshra.s32 v9, v2;
	v9 =	vld.idx.msk [tilespmem:v16+s7+$0x0], $0xffff  }
0x2cd: {  	v7 =	vshll.u32 v7, $0x3;
	v5 =	vand.u32 $0x18, v5;
	v16 =	vshll.u32 v4, $0x3;
	v4 =	vld [tilespmem:s1+$0x6B00]  }
0x2ce: {  	v8 =	vshll.u32 v8, $0x3;
	v7 =	vand.u32 $0x18, v7;
	v5 =	vshra.s32 v12, v5;
	v12 =	vld [tilespmem:s25+$0x80]  }
0x2cf: {  	v1 =	vand.u32 $0x18, v1;
	v8 =	vand.u32 $0x18, v8;
	v7 =	vshra.s32 v14, v7;
	v14 =	vld [tilespmem:s28+$0x0]  }
0x2d0: {  	s12 =	simm.s32 $0x6B00;
	v1 =	vshra.s32 v3, v1;
	v8 =	vshra.s32 v15, v8;
	v15 =	vld [tilespmem:s28+$0x80]  }
0x2d1: {  	v1 =	vshll.u32 v1, $0x4;
	v3 =	vand.u32 $0xFF, v2;
	v2 =	vld [tilespmem:s12+$0x0];
	v16 =	vand.u32 $0x18, v16  }
0x2d2: {  	s6 =	sand.u32 $0x780, s14;
	s16 =	simm.s32 $0x100;
	v5 =	vshll.u32 v5, $0x4;
	v1 =	vand.u32 $0xFF0, v1;
	v11 =	vshra.s32 v11, v16;
	v16 =	vld [tilespmem:s25+$0x0]  }
0x2d3: {  	s14 =	simm.s32 $0x80;
	s8 =	sor.u32 s6, s23;
	v8 =	vand.u32 $0xFF, v8;
	v5 =	vand.u32 $0xFF0, v5;
	s25 =	sand.u32 $0xF00, s16;
	v1 =	vadd.s32 v3, v1;
	v3 =	vld [tilespmem:s22+$0x6B00]  }
0x2d4: {  	v11 =	vshll.u32 v11, $0x4;
	v5 =	vadd.s32 v8, v5;
	v8 =	vld [tilespmem:s4+$0x0];
	s4 =	sor.u32 s6, s26;
	s26 =	sor.u32 s6, s19;
	s6 =	sand.u32 $0x40, s14  }
0x2d5: {  	v7 =	vand.u32 $0xFF, v7;
	s9 =	sadd.s32 $0x9300, s25;
	v11 =	vand.u32 $0xFF0, v11;
	v55 =	vld [tilespmem:s4+$0x6B00];
	s12 =	sor.u32 $0x30, s6  }
0x2d6: {  	v25 =	vshra.s32 v21, $0x2;
	v7 =	vadd.s32 v7, v11;
	v11 =	vld [tilespmem:s31+$0x0];
	s28 =	sor.u32 s12, s9  }
0x2d7: {  	v56 =	vld [tilespmem:s28+$0x0]  }
0x2d8: {  	v6 =	vshll.u32 v6, $0x3;
	v20 =	vshra.s32 v12, $0x2;
	v57 =	vld [tilespmem:s28+$0x80]  }
0x2d9: {  	s20 =	simm.s32 $0xEB40;
	v10 =	vshll.u32 v10, $0x3;
	v6 =	vand.u32 $0x18, v6;
	v22 =	vshra.s32 v14, $0x2;
	v1 =	vld.idx.msk [tilespmem:v1+s10+$0x0], $0xffff  }
0x2da: {  	v10 =	vand.u32 $0x18, v10;
	v6 =	vshra.s32 v13, v6;
	v13 =	vshra.s32 v15, $0x2;
	v5 =	vld.idx.msk [tilespmem:v5+s10+$0x0], $0xffff;
	[tilespmem:s20+$0x0] =	vst v8  }
0x2db: {  	v6 =	vshll.u32 v6, $0x4;
	v9 =	vshra.s32 v9, v10;
	v10 =	vshra.s32 v19, $0x2;
	v54 =	vld.idx.msk [tilespmem:v25+s7+$0x0], $0xffff  }
0x2dc: {  	v6 =	vand.u32 $0xFF0, v6;
	v9 =	vand.u32 $0xFF, v9;
	v18 =	vshra.s32 v16, $0x2;
	[tilespmem:s8+$0xEB00] =	vst v16;
	v7 =	vld.idx.msk [tilespmem:v7+s10+$0x0], $0xffff  }
0x2dd: {  	[tilespmem:s4+$0xEB00] =	vst v14;
	v6 =	vadd.s32 v9, v6;
	v20 =	vld.idx.msk [tilespmem:v20+s7+$0x0], $0xffff  }
0x2de: {  	v23 =	vshra.s32 v11, $0x2;
	v22 =	vld.idx.msk [tilespmem:v22+s7+$0x0], $0xffff  }
0x2df: {  	v12 =	vshll.u32 v12, $0x3;
	v24 =	vshra.s32 v8, $0x2;
	[tilespmem:s26+$0xEB00] =	vst v11;
	v13 =	vld.idx.msk [tilespmem:v13+s7+$0x0], $0xffff  }
0x2e0: {  	v14 =	vshll.u32 v14, $0x3;
	v15 =	vshll.u32 v15, $0x3;
	v19 =	vshll.u32 v19, $0x3;
	v10 =	vld.idx.msk [tilespmem:v10+s7+$0x0], $0xffff  }
0x2e1: {  	v12 =	vand.u32 $0x18, v12;
	v14 =	vand.u32 $0x18, v14;
	v15 =	vand.u32 $0x18, v15;
	v18 =	vld.idx.msk [tilespmem:v18+s7+$0x0], $0xffff  }
0x2e2: {  	v19 =	vand.u32 $0x18, v19;
	v16 =	vshll.u32 v16, $0x3;
	v8 =	vshll.u32 v8, $0x3;
	v6 =	vld.idx.msk [tilespmem:v6+s10+$0x0], $0xffff  }
0x2e3: {  	v16 =	vand.u32 $0x18, v16;
	v8 =	vand.u32 $0x18, v8;
	v11 =	vshll.u32 v11, $0x3;
	v9 =	vld.idx.msk [tilespmem:v23+s7+$0x0], $0xffff  }
0x2e4: {  	s23 =	simm.s32 $0x6B40;
	v11 =	vand.u32 $0x18, v11;
	v53 =	vld.idx.msk [tilespmem:v24+s7+$0x0], $0xffff;
	v17 =	vmul.f32 v1, v17;
	v12 =	vshra.s32 v20, v12  }
0x2e5: {  	s20 =	sor.u32 $0x10, s6;
	v1 =	vld [tilespmem:s23+$0x0];
	s23 =	sor.u32 $0x20, s6;
	s6 =	sor.u32 s6, s9;
	v14 =	vshra.s32 v22, v14;
	v13 =	vshra.s32 v13, v15;
	v3 =	vmul.f32 v7, v3  }
0x2e6: {  	s31 =	sor.u32 s20, s9;
	v60 =	vld [tilespmem:s6+$0x80];
	v12 =	vand.u32 $0xFF, v12;
	v14 =	vshll.u32 v14, $0x4;
	v16 =	vshra.s32 v18, v16  }
0x2e7: {  	s28 =	sor.u32 s23, s9;
	v15 =	vld [tilespmem:s31+$0x0];
	v13 =	vand.u32 $0xFF, v13;
	v10 =	vshra.s32 v10, v19;
	v16 =	vshll.u32 v16, $0x4  }
0x2e8: {  	v58 =	vld [tilespmem:s28+$0x0];
	v10 =	vand.u32 $0xFF, v10;
	v16 =	vand.u32 $0xFF0, v16;
	v9 =	vshra.s32 v9, v11  }
0x2e9: {  	v59 =	vld [tilespmem:s28+$0x80];
	v7 =	vshra.s32 v53, v8;
	v12 =	vadd.s32 v12, v16;
	v9 =	vshll.u32 v9, $0x4  }
0x2ea: {  	[tilespmem:s17+$0xCB00] =	vst v17;
	v17 =	vld [tilespmem:s26+$0x6B00];
	v8 =	vshra.s32 v56, $0x2;
	v11 =	vand.u32 $0xFF0, v14;
	v9 =	vand.u32 $0xFF0, v9  }
0x2eb: {  	v4 =	vmul.f32 v5, v4;
	v11 =	vadd.s32 v13, v11;
	v9 =	vadd.s32 v10, v9;
	v10 =	vld [tilespmem:s6+$0x0]  }
0x2ec: {  	v5 =	vshll.u32 v7, $0x4;
	v7 =	vshra.s32 v57, $0x2;
	v14 =	vld [tilespmem:s31+$0x80];
	s31 =	sand.u32 $0x780, s14;
	v13 =	vshll.u32 v21, $0x3  }
0x2ed: {  	v16 =	vld [tilespmem:s8+$0x6B00];
	s17 =	sor.u32 s31, s12;
	v13 =	vand.u32 $0x18, v13  }
0x2ee: {  	v6 =	vmul.f32 v6, v2;
	v61 =	vshra.s32 v15, $0x2;
	[tilespmem:s17+$0xEB00] =	vst v56;
	v13 =	vshra.s32 v54, v13;
	v12 =	vld.idx.msk [tilespmem:v12+s10+$0x0], $0xffff  }
0x2ef: {  	v5 =	vand.u32 $0xFF0, v5;
	v62 =	vshra.s32 v58, $0x2;
	v29 =	vld.idx.msk [tilespmem:v8+s7+$0x0], $0xffff;
	v13 =	vand.u32 $0xFF, v13  }
0x2f0: {  	[tilespmem:s1+$0xCB00] =	vst v4;
	v2 =	vshll.u32 v15, $0x3;
	v26 =	vadd.s32 v13, v5;
	v11 =	vld.idx.msk [tilespmem:v11+s10+$0x0], $0xffff;
	v13 =	vshra.s32 v10, $0x2  }
0x2f1: {  	[tilespmem:s22+$0xCB00] =	vst v3;
	v4 =	vshll.u32 v59, $0x3;
	s22 =	sor.u32 s31, s20;
	v28 =	vand.u32 $0x18, v2;
	v8 =	vshra.s32 v59, $0x2;
	v7 =	vld.idx.msk [tilespmem:v7+s7+$0x0], $0xffff  }
0x2f2: {  	s25 =	sor.u32 s31, s23;
	v2 =	vshll.u32 v58, $0x3;
	v4 =	vand.u32 $0x18, v4;
	[tilespmem:s22+$0xEB00] =	vst v15;
	v27 =	vld.idx.msk [tilespmem:v9+s10+$0x0], $0xffff;
	v9 =	vshra.s32 v14, $0x2  }
0x2f3: {  	[tilespmem:s25+$0xEB00] =	vst v58;
	v15 =	vshra.s32 v60, $0x2;
	s6 =	simm.s32 $0xEB80;
	v63 =	vld.idx.msk [tilespmem:v61+s7+$0x0], $0xffff;
	v16 =	vmul.f32 v12, v16;
	v12 =	vshll.u32 v14, $0x3  }
0x2f4: {  	v5 =	vand.u32 $0x18, v2;
	v3 =	vshll.u32 v10, $0x3;
	[tilespmem:s6+$0x0] =	vst v10;
	v2 =	vand.u32 $0x18, v12;
	v12 =	vld.idx.msk [tilespmem:v62+s7+$0x0], $0xffff  }
0x2f5: {  	s1 =	simm.s32 $0xCB00;
	v10 =	vshll.u32 v60, $0x3;
	v14 =	vmul.f32 v11, v55;
	v11 =	vld.idx.msk [tilespmem:v13+s7+$0x0], $0xffff;
	v13 =	vshll.u32 v56, $0x3  }
0x2f6: {  	[tilespmem:s1+$0x0] =	vst v6;
	v8 =	vld.idx.msk [tilespmem:v8+s7+$0x0], $0xffff;
	v3 =	vand.u32 $0x18, v3;
	v6 =	vand.u32 $0x18, v13;
	v13 =	vshll.u32 v57, $0x3  }
0x2f7: {  	[tilespmem:s8+$0xCB00] =	vst v16;
	v9 =	vld.idx.msk [tilespmem:v9+s7+$0x0], $0xffff;
	v16 =	vmul.f32 v27, v17;
	v17 =	vshra.s32 v29, v6;
	v13 =	vand.u32 $0x18, v13  }
0x2f8: {  	[tilespmem:s4+$0xCB00] =	vst v14;
	v6 =	vand.u32 $0x18, v10;
	v10 =	vld.idx.msk [tilespmem:v15+s7+$0x0], $0xffff;
	v7 =	vshra.s32 v7, v13;
	v15 =	vshll.u32 v17, $0x4  }
0x2f9: {  	s8 =	simm.s32 $0x6B80;
	v14 =	vshra.s32 v63, v28;
	[tilespmem:s26+$0xCB00] =	vst v16;
	v13 =	vand.u32 $0xFF, v7;
	v15 =	vand.u32 $0xFF0, v15;
	v7 =	vld.idx.msk [tilespmem:v26+s10+$0x0], $0xffff  }
.LBB2_15:
0x2fa: {  	s14 =	sadd.s32 $0x40, s14;
	v16 =	vld [tilespmem:s8+$0x0];
	v14 =	vshll.u32 v14, $0x4;
	v5 =	vshra.s32 v12, v5;
	v12 =	vadd.s32 v13, v15;
	s16 =	sadd.s32 $0x80, s16  }
0x2fb: {  	v3 =	vshra.s32 v11, v3;
	s4 =	sand.u32 $0x40, s14;
	s9 =	sand.u32 $0xF00, s16;
	p1 =	slt.u32 s14, $0x7C0;
	v11 =	vand.u32 $0xFF0, v14;
	v13 =	vld [tilespmem:s22+$0x6B00];
	v5 =	vshll.u32 v5, $0x4  }
0x2fc: {  	v3 =	vshll.u32 v3, $0x4;
	v2 =	vshra.s32 v9, v2;
	s9 =	sadd.s32 $0x9300, s9;
	s12 =	sor.u32 $0x10, s4;
	s19 =	sor.u32 $0x30, s4;
	v5 =	vand.u32 $0xFF0, v5;
	v14 =	vld [tilespmem:s25+$0x6B00]  }
0x2fd: {  	s26 =	sor.u32 $0x20, s4;
	v3 =	vand.u32 $0xFF0, v3;
	v2 =	vand.u32 $0xFF, v2;
	v4 =	vshra.s32 v8, v4;
	s20 =	sor.u32 s12, s9;
	s28 =	sor.u32 s19, s9;
	v8 =	vld [tilespmem:s17+$0x6B00]  }
0x2fe: {  	s4 =	sor.u32 s4, s9;
	s9 =	sor.u32 s26, s9;
	v6 =	vshra.s32 v10, v6;
	v2 =	vadd.s32 v2, v11;
	v4 =	vand.u32 $0xFF, v4;
	v9 =	vld [tilespmem:s28+$0x0]  }
0x2ff: {  	v6 =	vand.u32 $0xFF, v6;
	v4 =	vadd.s32 v4, v5;
	v7 =	vmul.f32 v7, v1;
	v5 =	vld.idx.msk [tilespmem:v12+s10+$0x0], $0xffff;
	v1 =	vmovc v16  }
0x300: {  	s1 =	sadd.s32 $0x40, s1;
	v16 =	vadd.s32 v6, v3;
	v10 =	vld [tilespmem:s28+$0x80]  }
0x301: {  	v6 =	vld [tilespmem:s20+$0x0];
	[tilespmem:s1+$0x0] =	vst v7  }
0x302: {  	v7 =	vld [tilespmem:s9+$0x0]  }
0x303: {  	v11 =	vld [tilespmem:s4+$0x0]  }
0x304: {  	v15 =	vshra.s32 v9, $0x2;
	v12 =	vld [tilespmem:s20+$0x80]  }
0x305: {  	v3 =	vmul.f32 v5, v8;
	v17 =	vld [tilespmem:s9+$0x80];
	v18 =	vshra.s32 v10, $0x2  }
0x306: {  	v8 =	vld [tilespmem:s4+$0x80];
	s4 =	sand.u32 $0x780, s14;
	v19 =	vshra.s32 v6, $0x2;
	v5 =	vshll.u32 v6, $0x3  }
0x307: {  	s9 =	sor.u32 s4, s12;
	v20 =	vand.u32 $0x18, v5;
	s12 =	sor.u32 s4, s26;
	v21 =	vshra.s32 v7, $0x2;
	v5 =	vshll.u32 v7, $0x3;
	v22 =	vld.idx.msk [tilespmem:v2+s10+$0x0], $0xffff;
	[tilespmem:s17+$0xCB00] =	vst v3;
	s17 =	sor.u32 s4, s19  }
0x308: {  	v23 =	vshra.s32 v11, $0x2;
	v2 =	vshll.u32 v11, $0x3;
	v5 =	vand.u32 $0x18, v5;
	[tilespmem:s17+$0xEB00] =	vst v9;
	v24 =	vld.idx.msk [tilespmem:v4+s10+$0x0], $0xffff  }
0x309: {  	v3 =	vand.u32 $0x18, v2;
	[tilespmem:s9+$0xEB00] =	vst v6;
	v25 =	vshra.s32 v12, $0x2;
	v2 =	vshll.u32 v12, $0x3;
	v15 =	vld.idx.msk [tilespmem:v15+s7+$0x0], $0xffff  }
0x30a: {  	s6 =	sadd.s32 $0x40, s6;
	v2 =	vand.u32 $0x18, v2;
	[tilespmem:s12+$0xEB00] =	vst v7;
	v7 =	vshra.s32 v17, $0x2;
	v4 =	vshll.u32 v17, $0x3;
	v17 =	vld.idx.msk [tilespmem:v18+s7+$0x0], $0xffff  }
0x30b: {  	[tilespmem:s6+$0x0] =	vst v11;
	v18 =	vshra.s32 v8, $0x2;
	v6 =	vshll.u32 v8, $0x3;
	v19 =	vld.idx.msk [tilespmem:v19+s7+$0x0], $0xffff;
	v4 =	vand.u32 $0x18, v4  }
0x30c: {  	v6 =	vand.u32 $0x18, v6;
	v12 =	vld.idx.msk [tilespmem:v21+s7+$0x0], $0xffff  }
.Ltmp8:
0x30d: {  	v8 =	vshll.u32 v9, $0x3;
	v13 =	vmul.f32 v22, v13;
	v11 =	vld.idx.msk [tilespmem:v23+s7+$0x0], $0xffff;
	(pc) =	sbr.rel @p1 .LBB2_15-.Ltmp8, $4  }
0x30e: {  	v10 =	vshll.u32 v10, $0x3;
	v21 =	vand.u32 $0x18, v8;
	v14 =	vmul.f32 v24, v14;
	v9 =	vld.idx.msk [tilespmem:v25+s7+$0x0], $0xffff  }
0x30f: {  	v8 =	vld.idx.msk [tilespmem:v7+s7+$0x0], $0xffff;
	v7 =	vshra.s32 v15, v21;
	v15 =	vand.u32 $0x18, v10;
	[tilespmem:s22+$0xCB00] =	vst v13;
	s22 =	smov.u32 s9  }
0x310: {  	v10 =	vld.idx.msk [tilespmem:v18+s7+$0x0], $0xffff;
	v13 =	vshra.s32 v17, v15;
	v7 =	vshll.u32 v7, $0x4;
	[tilespmem:s25+$0xCB00] =	vst v14;
	s25 =	smov.u32 s12  }
0x311: {  	s8 =	sadd.s32 $0x40, s8;
	v14 =	vshra.s32 v19, v20;
	v13 =	vand.u32 $0xFF, v13;
	v15 =	vand.u32 $0xFF0, v7;
	v7 =	vld.idx.msk [tilespmem:v16+s10+$0x0], $0xffff  }
0x312: {  	v14 =	vshll.u32 v14, $0x4;
	v5 =	vshra.s32 v12, v5  }
0x313: {  	v12 =	vadd.s32 v13, v15;
	v3 =	vshra.s32 v11, v3;
	v11 =	vand.u32 $0xFF0, v14  }
0x314: {  	v5 =	vshll.u32 v5, $0x4;
	v3 =	vshll.u32 v3, $0x4;
	v2 =	vshra.s32 v9, v2  }
0x315: {  	v5 =	vand.u32 $0xFF0, v5;
	v2 =	vand.u32 $0xFF, v2;
	v4 =	vshra.s32 v8, v4  }
0x316: {  	v9 =	vld [tilespmem:s22+$0x6B00];
	v6 =	vshra.s32 v10, v6;
	v2 =	vadd.s32 v2, v11;
	v4 =	vand.u32 $0xFF, v4  }
0x317: {  	v8 =	vld [tilespmem:s8+$0x0];
	v3 =	vand.u32 $0xFF0, v3;
	v6 =	vand.u32 $0xFF, v6;
	v4 =	vadd.s32 v4, v5  }
0x318: {  	v5 =	vld [tilespmem:s25+$0x6B00];
	v3 =	vadd.s32 v6, v3  }
0x319: {  	v6 =	vld [tilespmem:s17+$0x6B00]  }
0x31a: {  	v10 =	vld.idx.msk [tilespmem:v12+s10+$0x0], $0xffff  }
0x31b: {  	v2 =	vld.idx.msk [tilespmem:v2+s10+$0x0], $0xffff  }
0x31c: {  	v4 =	vld.idx.msk [tilespmem:v4+s10+$0x0], $0xffff  }
0x31d: {  	v3 =	vld.idx.msk [tilespmem:v3+s10+$0x0], $0xffff  }
0x31e: {  	v1 =	vmul.f32 v7, v1  }
0x31f: {  	s1 =	sadd.s32 $0x40, s1;
	v6 =	vmul.f32 v10, v6  }
0x320: {  	[tilespmem:s1+$0x0] =	vst v1;
	v1 =	vmul.f32 v2, v9  }
0x321: {  	[tilespmem:s17+$0xCB00] =	vst v6;
	v2 =	vmul.f32 v4, v5  }
0x322: {  	[tilespmem:s22+$0xCB00] =	vst v1;
	v1 =	vmul.f32 v3, v8  }
0x323: {  	s1 =	sadd.s32 $0x40, s1;
	[tilespmem:s25+$0xCB00] =	vst v2  }
0x324: {  	s16 =	simm.s32 $0xEB00;
	s4 =	simm.s32 $0xCB00;
	[tilespmem:s1+$0x0] =	vst v1  }
0x325: {  	[spmem:s5] =	stream.indirect.scatter.add.f32 [tilespmem:s4], [sflag:$0x6], $0x1, s16, s18, $0xb8;
	[tilespmem:$0x133F0] =	vst v63  }
0x326: {  	_ =	swait.ge [sflag:s29], $0x800  }
0x327: {  	[sflag:s29] =	ssyncset.done $0x0  }
0x328: {  	[sflag:s29] =	ssyncadd.s32 $0xFFFFF800  }
0x329: {  	_ =	swait.ge [sflag:s29], $0x1000  }
0x32a: {  	[sflag:s29] =	ssyncset.done $0x0  }
0x32b: {  	[sflag:s29] =	ssyncadd.s32 $0xFFFFF000  }
0x32c: {  	_ =	swait.ge [sflag:s30], $0x800  }
0x32d: {  	s14 =	sshll.u32 s13, $0x7;
	s17 =	rddreg [dreg:$0x16]  }
0x32e: {  	s6 =	simm.s32 $0x0;
	s20 =	simm.s32 $0x6300;
	s1 =	sadd.s32 s17, s14  }
0x32f: {  	s23 =	simm.s32 $0x0;
	[sflag:s30] =	ssyncset.done $0x0;
	s19 =	sshll.u32 s1, $0x8  }
0x330: {  	[sflag:s30] =	ssyncadd.s32 $0xFFFFF800;
	s1 =	sshll.u32 s1, $0x9;
	s4 =	sadd.s32 s0, s19  }
0x331: {  	[tilespmem:s20], [sflag:$0x1] =	stream.linear.gather [hbm4b:s4+s6], $0x800, $0x38;
	[tilespmem:$0x133F0] =	vst v63  }
0x332: {  	s22 =	simm.s32 $0x8300;
	s25 =	sand.u32 $0x40, s23;
	s1 =	sadd.s32 s2, s1  }
0x333: {  	[tilespmem:s22], [sflag:$0x1] =	stream.linear.gather [hbm4b:s1+s6], $0x1000, $0x38;
	[tilespmem:$0x133F0] =	vst v63  }
0x334: {  	s26 =	sor.u32 $0x30, s25;
	s6 =	sand.u32 $0xF00, s6;
	s1 =	sand.u32 $0x780, s23  }
0x335: {  	s6 =	sadd.s32 $0xA300, s6;
	s22 =	sor.u32 s1, s26  }
0x336: {  	s9 =	sor.u32 s26, s6;
	v48 =	vld [tilespmem:s22+$0x7300]  }
0x337: {  	s12 =	sor.u32 $0x10, s25;
	v1 =	vld [tilespmem:s9+$0x0]  }
0x338: {  	s28 =	sor.u32 $0x20, s25;
	s16 =	sor.u32 s12, s6;
	v3 =	vld [tilespmem:s9+$0x80]  }
0x339: {  	s19 =	sor.u32 s28, s6;
	v4 =	vld [tilespmem:s16+$0x0]  }
0x33a: {  	s4 =	sor.u32 s25, s6;
	v5 =	vld [tilespmem:s19+$0x0]  }
0x33b: {  	v6 =	vld [tilespmem:s4+$0x0]  }
0x33c: {  	v7 =	vld [tilespmem:s16+$0x80]  }
0x33d: {  	s23 =	simm.s32 $0x80;
	v8 =	vld [tilespmem:s19+$0x80]  }
0x33e: {  	s8 =	simm.s32 $0x40;
	s25 =	sor.u32 s1, s12;
	v10 =	vld [tilespmem:s4+$0x80];
	s4 =	sand.u32 $0xF00, s23  }
0x33f: {  	s1 =	sor.u32 s1, s28;
	s26 =	sand.u32 $0x40, s8;
	v47 =	vld [tilespmem:s25+$0x7300];
	s4 =	sadd.s32 $0xA300, s4  }
0x340: {  	s28 =	sor.u32 $0x10, s26;
	v49 =	vld [tilespmem:s1+$0x7300];
	s19 =	sor.u32 s26, s4  }
0x341: {  	s17 =	sor.u32 s28, s4;
	v20 =	vld [tilespmem:s19+$0x0];
	v2 =	vshra.s32 v1, $0x2;
	v9 =	vshra.s32 v3, $0x2  }
0x342: {  	s20 =	simm.s32 $0xF300;
	v21 =	vld [tilespmem:s17+$0x0];
	v11 =	vshra.s32 v4, $0x2;
	v12 =	vshra.s32 v5, $0x2;
	[tilespmem:s25+$0xF300] =	vst v4;
	v4 =	vshll.u32 v4, $0x3  }
0x343: {  	v24 =	vld [tilespmem:s17+$0x80];
	v13 =	vshra.s32 v6, $0x2;
	v14 =	vshra.s32 v7, $0x2;
	[tilespmem:s20+$0x0] =	vst v6;
	s20 =	sor.u32 $0x30, s26;
	v23 =	vand.u32 $0x18, v4  }
0x344: {  	[tilespmem:s1+$0xF300] =	vst v5;
	s16 =	sor.u32 s20, s4;
	v4 =	vshll.u32 v5, $0x3;
	v5 =	vshll.u32 v6, $0x3;
	v6 =	vshll.u32 v7, $0x3;
	v7 =	vld [tilespmem:s19+$0x80]  }
0x345: {  	v18 =	vld [tilespmem:s16+$0x0]  }
0x346: {  	[tilespmem:s22+$0xF300] =	vst v1;
	v19 =	vld [tilespmem:s16+$0x80]  }
0x347: {  	v15 =	vld.idx.msk [tilespmem:v2+s7+$0x0], $0xffff  }
0x348: {  	v16 =	vshra.s32 v10, $0x2;
	v9 =	vld.idx.msk [tilespmem:v9+s7+$0x0], $0xffff  }
0x349: {  	v11 =	vld.idx.msk [tilespmem:v11+s7+$0x0], $0xffff  }
0x34a: {  	s17 =	simm.s32 $0x100;
	s16 =	simm.s32 $0x80;
	v2 =	vshra.s32 v8, $0x2;
	v12 =	vld.idx.msk [tilespmem:v12+s7+$0x0], $0xffff  }
0x34b: {  	s23 =	sand.u32 $0xF00, s17;
	s19 =	simm.s32 $0xF340;
	s31 =	sand.u32 $0x40, s16;
	v13 =	vld.idx.msk [tilespmem:v13+s7+$0x0], $0xffff  }
0x34c: {  	[tilespmem:s19+$0x0] =	vst v20;
	s19 =	sadd.s32 $0xA300, s23;
	s6 =	sor.u32 $0x10, s31;
	v14 =	vld.idx.msk [tilespmem:v14+s7+$0x0], $0xffff  }
0x34d: {  	v16 =	vld.idx.msk [tilespmem:v16+s7+$0x0], $0xffff;
	s23 =	sor.u32 s6, s19  }
0x34e: {  	v3 =	vshll.u32 v3, $0x3;
	v25 =	vand.u32 $0x18, v4;
	v26 =	vand.u32 $0x18, v5;
	v45 =	vld [tilespmem:s23+$0x80]  }
0x34f: {  	s12 =	simm.s32 $0x7300;
	v6 =	vand.u32 $0x18, v6;
	v4 =	vshll.u32 v8, $0x3;
	v5 =	vshll.u32 v1, $0x3;
	v17 =	vld.idx.msk [tilespmem:v2+s7+$0x0], $0xffff  }
0x350: {  	v5 =	vand.u32 $0x18, v5;
	v8 =	vshll.u32 v10, $0x3;
	v10 =	vand.u32 $0x18, v3;
	v2 =	vld [tilespmem:s12+$0x0]  }
0x351: {  	v28 =	vand.u32 $0x18, v4;
	s12 =	sor.u32 $0x20, s26;
	s26 =	simm.s32 $0x7340;
	v9 =	vshra.s32 v9, v10;
	v10 =	vshra.s32 v11, v23;
	v11 =	vld [tilespmem:s23+$0x0]  }
0x352: {  	v50 =	vshra.s32 v20, $0x2;
	v20 =	vshll.u32 v20, $0x3;
	v52 =	vshll.u32 v24, $0x3;
	s4 =	sor.u32 s12, s4;
	v1 =	vld [tilespmem:s26+$0x0]  }
0x353: {  	v8 =	vand.u32 $0x18, v8;
	v46 =	vshra.s32 v19, $0x2;
	v5 =	vshra.s32 v15, v5;
	s26 =	sor.u32 $0x20, s31;
	v22 =	vld [tilespmem:s4+$0x0]  }
0x354: {  	v15 =	vshra.s32 v18, $0x2;
	v12 =	vshra.s32 v12, v25;
	v5 =	vshll.u32 v5, $0x4;
	v27 =	vld [tilespmem:s4+$0x80];
	s23 =	sor.u32 s26, s19  }
0x355: {  	v13 =	vshra.s32 v13, v26;
	v9 =	vand.u32 $0xFF, v9;
	s4 =	sor.u32 $0x30, s31;
	v5 =	vand.u32 $0xFF0, v5;
	v29 =	vld [tilespmem:s23+$0x0]  }
0x356: {  	v6 =	vshra.s32 v14, v6;
	v14 =	vshra.s32 v21, $0x2;
	s9 =	sor.u32 s4, s19;
	v9 =	vadd.s32 v9, v5;
	v5 =	vld [tilespmem:s23+$0x80];
	s23 =	sand.u32 $0x780, s8  }
0x357: {  	v8 =	vshra.s32 v16, v8;
	v16 =	vshra.s32 v24, $0x2;
	v10 =	vshll.u32 v10, $0x4;
	v3 =	vld [tilespmem:s9+$0x0];
	s8 =	sor.u32 s23, s20  }
0x358: {  	v12 =	vshll.u32 v12, $0x4;
	v6 =	vand.u32 $0xFF, v6;
	v10 =	vand.u32 $0xFF0, v10;
	v4 =	vld [tilespmem:s9+$0x80];
	[tilespmem:s8+$0xF300] =	vst v18  }
0x359: {  	v13 =	vshll.u32 v13, $0x4;
	v6 =	vadd.s32 v6, v10;
	s28 =	sor.u32 s23, s28;
	v17 =	vshra.s32 v17, v28;
	v10 =	vld.idx.msk [tilespmem:v15+s7+$0x0], $0xffff  }
0x35a: {  	v8 =	vand.u32 $0xFF, v8;
	v12 =	vand.u32 $0xFF0, v12;
	[tilespmem:s28+$0xF300] =	vst v21;
	v15 =	vand.u32 $0xFF, v17;
	v17 =	vld.idx.msk [tilespmem:v46+s7+$0x0], $0xffff  }
0x35b: {  	v13 =	vand.u32 $0xFF0, v13;
	s20 =	sor.u32 s31, s19;
	v14 =	vld.idx.msk [tilespmem:v14+s7+$0x0], $0xffff;
	v12 =	vadd.s32 v15, v12;
	v15 =	vshra.s32 v22, $0x2  }
0x35c: {  	v20 =	vand.u32 $0x18, v20;
	v8 =	vadd.s32 v8, v13;
	v57 =	vld [tilespmem:s20+$0x80];
	v13 =	vshra.s32 v27, $0x2  }
0x35d: {  	v51 =	vshra.s32 v7, $0x2;
	v19 =	vshll.u32 v19, $0x3;
	v18 =	vshll.u32 v18, $0x3;
	v16 =	vld.idx.msk [tilespmem:v16+s7+$0x0], $0xffff  }
0x35e: {  	v19 =	vand.u32 $0x18, v19;
	s12 =	sor.u32 s23, s12;
	v21 =	vshll.u32 v21, $0x3;
	v18 =	vand.u32 $0x18, v18;
	v9 =	vld.idx.msk [tilespmem:v9+s10+$0x0], $0xffff  }
0x35f: {  	v59 =	vld [tilespmem:s12+$0x7300];
	v21 =	vand.u32 $0x18, v21;
	[tilespmem:s12+$0xF300] =	vst v22;
	v53 =	vshll.u32 v27, $0x3;
	v54 =	vshra.s32 v3, $0x2  }
0x360: {  	v10 =	vshra.s32 v10, v18;
	v17 =	vshra.s32 v17, v19;
	v14 =	vshra.s32 v14, v21;
	v15 =	vld.idx.msk [tilespmem:v15+s7+$0x0], $0xffff  }
0x361: {  	v21 =	vand.u32 $0x18, v52;
	v10 =	vshll.u32 v10, $0x4;
	v17 =	vand.u32 $0xFF, v17;
	v13 =	vld.idx.msk [tilespmem:v13+s7+$0x0], $0xffff  }
0x362: {  	v6 =	vld.idx.msk [tilespmem:v6+s10+$0x0], $0xffff;
	v14 =	vshll.u32 v14, $0x4;
	v16 =	vshra.s32 v16, v21;
	v10 =	vand.u32 $0xFF0, v10  }
0x363: {  	v8 =	vld.idx.msk [tilespmem:v8+s10+$0x0], $0xffff;
	v9 =	vmul.f32 v9, v48;
	v10 =	vadd.s32 v17, v10;
	v17 =	vshll.u32 v22, $0x3  }
0x364: {  	v18 =	vld.idx.msk [tilespmem:v50+s7+$0x0], $0xffff;
	v14 =	vand.u32 $0xFF0, v14;
	v16 =	vand.u32 $0xFF, v16;
	v17 =	vand.u32 $0x18, v17  }
0x365: {  	v19 =	vld.idx.msk [tilespmem:v51+s7+$0x0], $0xffff;
	v22 =	vand.u32 $0x18, v53;
	v14 =	vadd.s32 v16, v14;
	v15 =	vshra.s32 v15, v17  }
0x366: {  	v7 =	vshll.u32 v7, $0x3;
	s23 =	sand.u32 $0x780, s16;
	v12 =	vld.idx.msk [tilespmem:v12+s10+$0x0], $0xffff;
	v13 =	vshra.s32 v13, v22;
	v15 =	vshll.u32 v15, $0x4  }
0x367: {  	v7 =	vand.u32 $0x18, v7;
	[tilespmem:s22+$0xD300] =	vst v9;
	s22 =	sor.u32 s23, s4;
	v17 =	vld [tilespmem:s28+$0x7300];
	v13 =	vand.u32 $0xFF, v13;
	v15 =	vand.u32 $0xFF0, v15  }
0x368: {  	v60 =	vmul.f32 v8, v2;
	v8 =	vshra.s32 v29, $0x2;
	[tilespmem:s22+$0xF300] =	vst v3;
	v13 =	vadd.s32 v13, v15;
	v15 =	vld [tilespmem:s20+$0x0]  }
0x369: {  	v62 =	vshra.s32 v45, $0x2;
	v58 =	vshra.s32 v11, $0x2;
	v18 =	vshra.s32 v18, v20;
	v20 =	vld.idx.msk [tilespmem:v54+s7+$0x0], $0xffff  }
0x36a: {  	v63 =	vshra.s32 v5, $0x2;
	v5 =	vshll.u32 v5, $0x3;
	v56 =	vshra.s32 v4, $0x2;
	v14 =	vld.idx.msk [tilespmem:v14+s10+$0x0], $0xffff  }
0x36b: {  	s31 =	sor.u32 s23, s26;
	v16 =	vld [tilespmem:s8+$0x7300];
	v7 =	vshra.s32 v19, v7;
	v55 =	vmul.f32 v12, v49;
	v12 =	vshll.u32 v18, $0x4  }
0x36c: {  	[tilespmem:s31+$0xF300] =	vst v29;
	v6 =	vmul.f32 v6, v47;
	v7 =	vand.u32 $0xFF, v7;
	v12 =	vand.u32 $0xFF0, v12;
	v10 =	vld.idx.msk [tilespmem:v10+s10+$0x0], $0xffff  }
0x36d: {  	v61 =	vadd.s32 v7, v12;
	v12 =	vld.idx.msk [tilespmem:v8+s7+$0x0], $0xffff;
	v8 =	vshll.u32 v3, $0x3;
	v9 =	vshra.s32 v15, $0x2  }
0x36e: {  	v4 =	vshll.u32 v4, $0x3;
	[tilespmem:s25+$0xD300] =	vst v6;
	s25 =	sor.u32 s23, s6;
	v3 =	vand.u32 $0x18, v5;
	v5 =	vand.u32 $0x18, v8;
	v13 =	vld.idx.msk [tilespmem:v13+s10+$0x0], $0xffff  }
0x36f: {  	[tilespmem:s25+$0xF300] =	vst v11;
	v18 =	vld.idx.msk [tilespmem:v56+s7+$0x0], $0xffff;
	v5 =	vshra.s32 v20, v5;
	v14 =	vmul.f32 v14, v17;
	v17 =	vshra.s32 v57, $0x2  }
0x370: {  	v2 =	vshll.u32 v11, $0x3;
	s6 =	simm.s32 $0xF380;
	v11 =	vshll.u32 v45, $0x3;
	v19 =	vld.idx.msk [tilespmem:v58+s7+$0x0], $0xffff;
	[tilespmem:s1+$0xD300] =	vst v55;
	v5 =	vshll.u32 v5, $0x4  }
0x371: {  	s1 =	simm.s32 $0xD300;
	v8 =	vld.idx.msk [tilespmem:v63+s7+$0x0], $0xffff;
	v10 =	vmul.f32 v10, v16;
	v16 =	vand.u32 $0x18, v2;
	v2 =	vshll.u32 v29, $0x3;
	[tilespmem:s6+$0x0] =	vst v15  }
0x372: {  	[tilespmem:s1+$0x0] =	vst v60;
	v6 =	vshll.u32 v15, $0x3;
	v7 =	vand.u32 $0x18, v2;
	v2 =	vand.u32 $0x18, v11;
	v11 =	vld.idx.msk [tilespmem:v9+s7+$0x0], $0xffff  }
0x373: {  	v15 =	vshll.u32 v57, $0x3;
	[tilespmem:s28+$0xD300] =	vst v14;
	v14 =	vand.u32 $0x18, v4;
	v9 =	vld.idx.msk [tilespmem:v62+s7+$0x0], $0xffff;
	v13 =	vmul.f32 v13, v59  }
0x374: {  	v6 =	vand.u32 $0x18, v6;
	[tilespmem:s8+$0xD300] =	vst v10;
	v4 =	vand.u32 $0x18, v15;
	v15 =	vshra.s32 v18, v14;
	v10 =	vld.idx.msk [tilespmem:v17+s7+$0x0], $0xffff  }
0x375: {  	s8 =	simm.s32 $0x7380;
	v14 =	vshra.s32 v19, v16;
	[tilespmem:s12+$0xD300] =	vst v13;
	v13 =	vand.u32 $0xFF, v15;
	v15 =	vand.u32 $0xFF0, v5;
	v5 =	vld.idx.msk [tilespmem:v61+s10+$0x0], $0xffff  }
.LBB2_17:
0x376: {  	s16 =	sadd.s32 $0x40, s16;
	v16 =	vld [tilespmem:s8+$0x0];
	v14 =	vshll.u32 v14, $0x4;
	v7 =	vshra.s32 v12, v7;
	v12 =	vadd.s32 v13, v15;
	s17 =	sadd.s32 $0x80, s17  }
0x377: {  	v6 =	vshra.s32 v11, v6;
	s4 =	sand.u32 $0x40, s16;
	s9 =	sand.u32 $0xF00, s17;
	p1 =	slt.u32 s16, $0x7C0;
	v11 =	vand.u32 $0xFF0, v14;
	v13 =	vld [tilespmem:s25+$0x7300];
	v7 =	vshll.u32 v7, $0x4  }
0x378: {  	v6 =	vshll.u32 v6, $0x4;
	v2 =	vshra.s32 v9, v2;
	s9 =	sadd.s32 $0xA300, s9;
	s12 =	sor.u32 $0x10, s4;
	s19 =	sor.u32 $0x30, s4;
	v7 =	vand.u32 $0xFF0, v7;
	v14 =	vld [tilespmem:s31+$0x7300]  }
0x379: {  	s23 =	sor.u32 $0x20, s4;
	v6 =	vand.u32 $0xFF0, v6;
	v2 =	vand.u32 $0xFF, v2;
	v3 =	vshra.s32 v8, v3;
	s20 =	sor.u32 s12, s9;
	s26 =	sor.u32 s19, s9;
	v8 =	vld [tilespmem:s22+$0x7300]  }
0x37a: {  	s4 =	sor.u32 s4, s9;
	s9 =	sor.u32 s23, s9;
	v4 =	vshra.s32 v10, v4;
	v2 =	vadd.s32 v2, v11;
	v3 =	vand.u32 $0xFF, v3;
	v9 =	vld [tilespmem:s26+$0x0]  }
0x37b: {  	v4 =	vand.u32 $0xFF, v4;
	v3 =	vadd.s32 v3, v7;
	v5 =	vmul.f32 v5, v1;
	v7 =	vld.idx.msk [tilespmem:v12+s10+$0x0], $0xffff;
	v1 =	vmovc v16  }
0x37c: {  	s1 =	sadd.s32 $0x40, s1;
	v16 =	vadd.s32 v4, v6;
	v10 =	vld [tilespmem:s26+$0x80]  }
0x37d: {  	v4 =	vld [tilespmem:s20+$0x0];
	[tilespmem:s1+$0x0] =	vst v5  }
0x37e: {  	v5 =	vld [tilespmem:s9+$0x0]  }
0x37f: {  	v11 =	vld [tilespmem:s4+$0x0]  }
0x380: {  	v15 =	vshra.s32 v9, $0x2;
	v12 =	vld [tilespmem:s20+$0x80]  }
0x381: {  	v6 =	vmul.f32 v7, v8;
	v17 =	vld [tilespmem:s9+$0x80];
	v18 =	vshra.s32 v10, $0x2  }
0x382: {  	v8 =	vld [tilespmem:s4+$0x80];
	s4 =	sand.u32 $0x780, s16;
	v19 =	vshra.s32 v4, $0x2;
	v7 =	vshll.u32 v4, $0x3  }
0x383: {  	s9 =	sor.u32 s4, s12;
	v20 =	vand.u32 $0x18, v7;
	s12 =	sor.u32 s4, s23;
	v21 =	vshra.s32 v5, $0x2;
	v7 =	vshll.u32 v5, $0x3;
	v22 =	vld.idx.msk [tilespmem:v2+s10+$0x0], $0xffff;
	[tilespmem:s22+$0xD300] =	vst v6;
	s22 =	sor.u32 s4, s19  }
0x384: {  	v23 =	vshra.s32 v11, $0x2;
	v2 =	vshll.u32 v11, $0x3;
	v7 =	vand.u32 $0x18, v7;
	[tilespmem:s22+$0xF300] =	vst v9;
	v24 =	vld.idx.msk [tilespmem:v3+s10+$0x0], $0xffff  }
0x385: {  	v6 =	vand.u32 $0x18, v2;
	[tilespmem:s9+$0xF300] =	vst v4;
	v25 =	vshra.s32 v12, $0x2;
	v2 =	vshll.u32 v12, $0x3;
	v15 =	vld.idx.msk [tilespmem:v15+s7+$0x0], $0xffff  }
0x386: {  	s6 =	sadd.s32 $0x40, s6;
	v2 =	vand.u32 $0x18, v2;
	[tilespmem:s12+$0xF300] =	vst v5;
	v5 =	vshra.s32 v17, $0x2;
	v3 =	vshll.u32 v17, $0x3;
	v17 =	vld.idx.msk [tilespmem:v18+s7+$0x0], $0xffff  }
0x387: {  	[tilespmem:s6+$0x0] =	vst v11;
	v18 =	vshra.s32 v8, $0x2;
	v4 =	vshll.u32 v8, $0x3;
	v19 =	vld.idx.msk [tilespmem:v19+s7+$0x0], $0xffff;
	v3 =	vand.u32 $0x18, v3  }
0x388: {  	v4 =	vand.u32 $0x18, v4;
	v12 =	vld.idx.msk [tilespmem:v21+s7+$0x0], $0xffff  }
.Ltmp9:
0x389: {  	v8 =	vshll.u32 v9, $0x3;
	v13 =	vmul.f32 v22, v13;
	v11 =	vld.idx.msk [tilespmem:v23+s7+$0x0], $0xffff;
	(pc) =	sbr.rel @p1 .LBB2_17-.Ltmp9, $4  }
0x38a: {  	v10 =	vshll.u32 v10, $0x3;
	v21 =	vand.u32 $0x18, v8;
	v14 =	vmul.f32 v24, v14;
	v9 =	vld.idx.msk [tilespmem:v25+s7+$0x0], $0xffff  }
0x38b: {  	v8 =	vld.idx.msk [tilespmem:v5+s7+$0x0], $0xffff;
	v5 =	vshra.s32 v15, v21;
	v15 =	vand.u32 $0x18, v10;
	[tilespmem:s25+$0xD300] =	vst v13;
	s25 =	smov.u32 s9  }
0x38c: {  	v10 =	vld.idx.msk [tilespmem:v18+s7+$0x0], $0xffff;
	v13 =	vshra.s32 v17, v15;
	v5 =	vshll.u32 v5, $0x4;
	[tilespmem:s31+$0xD300] =	vst v14;
	s31 =	smov.u32 s12  }
0x38d: {  	s8 =	sadd.s32 $0x40, s8;
	v14 =	vshra.s32 v19, v20;
	v13 =	vand.u32 $0xFF, v13;
	v15 =	vand.u32 $0xFF0, v5;
	v5 =	vld.idx.msk [tilespmem:v16+s10+$0x0], $0xffff  }
0x38e: {  	v14 =	vshll.u32 v14, $0x4;
	v7 =	vshra.s32 v12, v7  }
0x38f: {  	v12 =	vadd.s32 v13, v15;
	v6 =	vshra.s32 v11, v6;
	v11 =	vand.u32 $0xFF0, v14  }
0x390: {  	v7 =	vshll.u32 v7, $0x4;
	v6 =	vshll.u32 v6, $0x4;
	v2 =	vshra.s32 v9, v2  }
0x391: {  	v7 =	vand.u32 $0xFF0, v7;
	v2 =	vand.u32 $0xFF, v2;
	v3 =	vshra.s32 v8, v3  }
0x392: {  	v9 =	vld [tilespmem:s25+$0x7300];
	v4 =	vshra.s32 v10, v4;
	v2 =	vadd.s32 v2, v11;
	v3 =	vand.u32 $0xFF, v3  }
0x393: {  	v8 =	vld [tilespmem:s8+$0x0];
	v6 =	vand.u32 $0xFF0, v6;
	v4 =	vand.u32 $0xFF, v4;
	v3 =	vadd.s32 v3, v7  }
0x394: {  	v7 =	vld [tilespmem:s31+$0x7300];
	v4 =	vadd.s32 v4, v6  }
0x395: {  	v6 =	vld [tilespmem:s22+$0x7300]  }
0x396: {  	v10 =	vld.idx.msk [tilespmem:v12+s10+$0x0], $0xffff  }
0x397: {  	v2 =	vld.idx.msk [tilespmem:v2+s10+$0x0], $0xffff  }
0x398: {  	v3 =	vld.idx.msk [tilespmem:v3+s10+$0x0], $0xffff  }
0x399: {  	v4 =	vld.idx.msk [tilespmem:v4+s10+$0x0], $0xffff  }
0x39a: {  	v1 =	vmul.f32 v5, v1  }
0x39b: {  	s1 =	sadd.s32 $0x40, s1;
	v5 =	vmul.f32 v10, v6  }
0x39c: {  	[tilespmem:s1+$0x0] =	vst v1;
	v1 =	vmul.f32 v2, v9  }
0x39d: {  	[tilespmem:s22+$0xD300] =	vst v5;
	v2 =	vmul.f32 v3, v7  }
0x39e: {  	[tilespmem:s25+$0xD300] =	vst v1;
	v1 =	vmul.f32 v4, v8  }
0x39f: {  	s1 =	sadd.s32 $0x40, s1;
	[tilespmem:s31+$0xD300] =	vst v2  }
0x3a0: {  	s16 =	simm.s32 $0xF300;
	s4 =	simm.s32 $0xD300;
	[tilespmem:s1+$0x0] =	vst v1  }
0x3a1: {  	[spmem:s5] =	stream.indirect.scatter.add.f32 [tilespmem:s4], [sflag:$0x5], $0x1, s16, s18, $0xb8;
	[tilespmem:$0x133F0] =	vst v63  }
0x3a2: {  	_ =	swait.ge [sflag:s3], $0x800  }
0x3a3: {  	[sflag:s3] =	ssyncset.done $0x0  }
0x3a4: {  	[sflag:s3] =	ssyncadd.s32 $0xFFFFF800  }
0x3a5: {  	_ =	swait.ge [sflag:s3], $0x1000  }
0x3a6: {  	[sflag:s3] =	ssyncset.done $0x0  }
0x3a7: {  	[sflag:s3] =	ssyncadd.s32 $0xFFFFF000  }
0x3a8: {  	s17 =	sadd.s32 s24, s14;
	s6 =	simm.s32 $0x0;
	_ =	swait.ge [sflag:s11], $0x800  }
0x3a9: {  	s20 =	simm.s32 $0x6B00;
	s19 =	sshll.u32 s17, $0x8;
	[sflag:s11] =	ssyncset.done $0x0  }
0x3aa: {  	s1 =	sshll.u32 s17, $0x9;
	s4 =	sadd.s32 s0, s19;
	[sflag:s11] =	ssyncadd.s32 $0xFFFFF800  }
0x3ab: {  	[tilespmem:s20], [sflag:$0x2] =	stream.linear.gather [hbm4b:s4+s6], $0x800, $0x38;
	[tilespmem:$0x133F0] =	vst v63  }
0x3ac: {  	s23 =	simm.s32 $0x0;
	s22 =	simm.s32 $0x9300;
	s1 =	sadd.s32 s2, s1  }
0x3ad: {  	[tilespmem:s22], [sflag:$0x2] =	stream.linear.gather [hbm4b:s1+s6], $0x1000, $0x38;
	[tilespmem:$0x133F0] =	vst v63  }
0x3ae: {  	s25 =	sand.u32 $0x40, s23;
	s6 =	sand.u32 $0xF00, s6  }
0x3af: {  	s26 =	sor.u32 $0x30, s25;
	s6 =	sadd.s32 $0xB300, s6  }
0x3b0: {  	s9 =	sor.u32 s26, s6  }
0x3b1: {  	s12 =	sor.u32 $0x10, s25;
	v1 =	vld [tilespmem:s9+$0x0]  }
0x3b2: {  	s16 =	sor.u32 $0x20, s25;
	s28 =	sor.u32 s12, s6;
	v2 =	vld [tilespmem:s9+$0x80]  }
0x3b3: {  	s31 =	sor.u32 s16, s6;
	v4 =	vld [tilespmem:s28+$0x0]  }
0x3b4: {  	s4 =	sor.u32 s25, s6;
	v5 =	vld [tilespmem:s31+$0x0]  }
0x3b5: {  	v6 =	vld [tilespmem:s4+$0x0]  }
0x3b6: {  	s14 =	simm.s32 $0x40;
	s20 =	simm.s32 $0x80;
	v7 =	vld [tilespmem:s28+$0x80]  }
0x3b7: {  	s1 =	sand.u32 $0x780, s23;
	s23 =	sand.u32 $0x40, s14;
	v10 =	vld [tilespmem:s4+$0x80];
	s4 =	sand.u32 $0xF00, s20;
	v3 =	vshra.s32 v1, $0x2  }
0x3b8: {  	s17 =	sor.u32 s1, s26;
	s19 =	sor.u32 $0x20, s23;
	v8 =	vld [tilespmem:s31+$0x80];
	s4 =	sadd.s32 $0xB300, s4;
	v9 =	vshra.s32 v2, $0x2  }
0x3b9: {  	s25 =	sor.u32 $0x30, s23;
	v17 =	vld [tilespmem:s17+$0x7B00];
	s28 =	sor.u32 $0x10, s23;
	s20 =	sor.u32 s19, s4;
	v11 =	vshra.s32 v4, $0x2  }
0x3ba: {  	s26 =	sor.u32 s25, s4;
	s31 =	sor.u32 s28, s4;
	s4 =	sor.u32 s23, s4;
	v19 =	vld [tilespmem:s20+$0x80];
	v12 =	vshra.s32 v5, $0x2  }
0x3bb: {  	v21 =	vld [tilespmem:s4+$0x80];
	v13 =	vshra.s32 v6, $0x2;
	[tilespmem:s17+$0xFB00] =	vst v1  }
0x3bc: {  	s22 =	sor.u32 s1, s12;
	v14 =	vshra.s32 v7, $0x2;
	v3 =	vld.idx.msk [tilespmem:v3+s7+$0x0], $0xffff  }
0x3bd: {  	s1 =	sor.u32 s1, s16;
	[tilespmem:s22+$0xFB00] =	vst v4;
	v15 =	vshra.s32 v8, $0x2;
	v9 =	vld.idx.msk [tilespmem:v9+s7+$0x0], $0xffff  }
0x3be: {  	s9 =	simm.s32 $0xFB00;
	[tilespmem:s1+$0xFB00] =	vst v5;
	v16 =	vshra.s32 v10, $0x2;
	v11 =	vld.idx.msk [tilespmem:v11+s7+$0x0], $0xffff  }
0x3bf: {  	[tilespmem:s9+$0x0] =	vst v6;
	v12 =	vld.idx.msk [tilespmem:v12+s7+$0x0], $0xffff  }
0x3c0: {  	v13 =	vld.idx.msk [tilespmem:v13+s7+$0x0], $0xffff  }
0x3c1: {  	v2 =	vshll.u32 v2, $0x3;
	v14 =	vld.idx.msk [tilespmem:v14+s7+$0x0], $0xffff  }
0x3c2: {  	v2 =	vand.u32 $0x18, v2;
	v15 =	vld.idx.msk [tilespmem:v15+s7+$0x0], $0xffff  }
0x3c3: {  	v1 =	vshll.u32 v1, $0x3;
	v5 =	vshll.u32 v5, $0x3;
	v2 =	vshra.s32 v9, v2;
	v9 =	vld.idx.msk [tilespmem:v16+s7+$0x0], $0xffff  }
0x3c4: {  	v7 =	vshll.u32 v7, $0x3;
	v5 =	vand.u32 $0x18, v5;
	v16 =	vshll.u32 v4, $0x3;
	v4 =	vld [tilespmem:s1+$0x7B00]  }
0x3c5: {  	v8 =	vshll.u32 v8, $0x3;
	v7 =	vand.u32 $0x18, v7;
	v5 =	vshra.s32 v12, v5;
	v12 =	vld [tilespmem:s26+$0x80]  }
0x3c6: {  	v1 =	vand.u32 $0x18, v1;
	v8 =	vand.u32 $0x18, v8;
	v7 =	vshra.s32 v14, v7;
	v14 =	vld [tilespmem:s31+$0x0]  }
0x3c7: {  	s12 =	simm.s32 $0x7B00;
	v1 =	vshra.s32 v3, v1;
	v8 =	vshra.s32 v15, v8;
	v15 =	vld [tilespmem:s31+$0x80]  }
0x3c8: {  	v1 =	vshll.u32 v1, $0x4;
	v3 =	vand.u32 $0xFF, v2;
	v2 =	vld [tilespmem:s12+$0x0];
	v16 =	vand.u32 $0x18, v16  }
0x3c9: {  	s6 =	sand.u32 $0x780, s14;
	s14 =	simm.s32 $0x80;
	v5 =	vshll.u32 v5, $0x4;
	v1 =	vand.u32 $0xFF0, v1;
	v11 =	vshra.s32 v11, v16;
	v16 =	vld [tilespmem:s26+$0x0]  }
0x3ca: {  	s16 =	simm.s32 $0x100;
	s8 =	sor.u32 s6, s25;
	v8 =	vand.u32 $0xFF, v8;
	v5 =	vand.u32 $0xFF0, v5;
	s26 =	sor.u32 s6, s19;
	v1 =	vadd.s32 v3, v1;
	v3 =	vld [tilespmem:s22+$0x7B00]  }
0x3cb: {  	v11 =	vshll.u32 v11, $0x4;
	v5 =	vadd.s32 v8, v5;
	v8 =	vld [tilespmem:s4+$0x0];
	s4 =	sor.u32 s6, s28;
	s6 =	sand.u32 $0x40, s14;
	s28 =	sand.u32 $0xF00, s16  }
0x3cc: {  	v7 =	vand.u32 $0xFF, v7;
	v11 =	vand.u32 $0xFF0, v11;
	v55 =	vld [tilespmem:s4+$0x7B00];
	s9 =	sadd.s32 $0xB300, s28;
	s12 =	sor.u32 $0x30, s6  }
0x3cd: {  	v25 =	vshra.s32 v21, $0x2;
	v7 =	vadd.s32 v7, v11;
	v11 =	vld [tilespmem:s20+$0x0];
	s31 =	sor.u32 s12, s9  }
0x3ce: {  	v56 =	vld [tilespmem:s31+$0x0]  }
0x3cf: {  	v6 =	vshll.u32 v6, $0x3;
	v20 =	vshra.s32 v12, $0x2;
	v57 =	vld [tilespmem:s31+$0x80]  }
0x3d0: {  	s23 =	simm.s32 $0xFB40;
	v10 =	vshll.u32 v10, $0x3;
	v6 =	vand.u32 $0x18, v6;
	v22 =	vshra.s32 v14, $0x2;
	v1 =	vld.idx.msk [tilespmem:v1+s10+$0x0], $0xffff  }
0x3d1: {  	v10 =	vand.u32 $0x18, v10;
	v6 =	vshra.s32 v13, v6;
	v13 =	vshra.s32 v15, $0x2;
	v5 =	vld.idx.msk [tilespmem:v5+s10+$0x0], $0xffff;
	[tilespmem:s23+$0x0] =	vst v8  }
0x3d2: {  	v6 =	vshll.u32 v6, $0x4;
	v9 =	vshra.s32 v9, v10;
	v10 =	vshra.s32 v19, $0x2;
	v54 =	vld.idx.msk [tilespmem:v25+s7+$0x0], $0xffff  }
0x3d3: {  	v6 =	vand.u32 $0xFF0, v6;
	v9 =	vand.u32 $0xFF, v9;
	v18 =	vshra.s32 v16, $0x2;
	[tilespmem:s8+$0xFB00] =	vst v16;
	v7 =	vld.idx.msk [tilespmem:v7+s10+$0x0], $0xffff  }
0x3d4: {  	[tilespmem:s4+$0xFB00] =	vst v14;
	v6 =	vadd.s32 v9, v6;
	v20 =	vld.idx.msk [tilespmem:v20+s7+$0x0], $0xffff  }
0x3d5: {  	v23 =	vshra.s32 v11, $0x2;
	v22 =	vld.idx.msk [tilespmem:v22+s7+$0x0], $0xffff  }
0x3d6: {  	v12 =	vshll.u32 v12, $0x3;
	v24 =	vshra.s32 v8, $0x2;
	[tilespmem:s26+$0xFB00] =	vst v11;
	v13 =	vld.idx.msk [tilespmem:v13+s7+$0x0], $0xffff  }
0x3d7: {  	v14 =	vshll.u32 v14, $0x3;
	v15 =	vshll.u32 v15, $0x3;
	v19 =	vshll.u32 v19, $0x3;
	v10 =	vld.idx.msk [tilespmem:v10+s7+$0x0], $0xffff  }
0x3d8: {  	v12 =	vand.u32 $0x18, v12;
	v14 =	vand.u32 $0x18, v14;
	v15 =	vand.u32 $0x18, v15;
	v18 =	vld.idx.msk [tilespmem:v18+s7+$0x0], $0xffff  }
0x3d9: {  	v19 =	vand.u32 $0x18, v19;
	v16 =	vshll.u32 v16, $0x3;
	v8 =	vshll.u32 v8, $0x3;
	v6 =	vld.idx.msk [tilespmem:v6+s10+$0x0], $0xffff  }
0x3da: {  	v16 =	vand.u32 $0x18, v16;
	v8 =	vand.u32 $0x18, v8;
	v11 =	vshll.u32 v11, $0x3;
	v9 =	vld.idx.msk [tilespmem:v23+s7+$0x0], $0xffff  }
0x3db: {  	s25 =	simm.s32 $0x7B40;
	v11 =	vand.u32 $0x18, v11;
	v53 =	vld.idx.msk [tilespmem:v24+s7+$0x0], $0xffff;
	v17 =	vmul.f32 v1, v17;
	v12 =	vshra.s32 v20, v12  }
0x3dc: {  	s20 =	sor.u32 $0x10, s6;
	v1 =	vld [tilespmem:s25+$0x0];
	s25 =	sor.u32 $0x20, s6;
	s6 =	sor.u32 s6, s9;
	v14 =	vshra.s32 v22, v14;
	v13 =	vshra.s32 v13, v15;
	v3 =	vmul.f32 v7, v3  }
0x3dd: {  	s23 =	sor.u32 s20, s9;
	v60 =	vld [tilespmem:s6+$0x80];
	v12 =	vand.u32 $0xFF, v12;
	v14 =	vshll.u32 v14, $0x4;
	v16 =	vshra.s32 v18, v16  }
0x3de: {  	s28 =	sor.u32 s25, s9;
	v15 =	vld [tilespmem:s23+$0x0];
	v13 =	vand.u32 $0xFF, v13;
	v10 =	vshra.s32 v10, v19;
	v16 =	vshll.u32 v16, $0x4  }
0x3df: {  	v58 =	vld [tilespmem:s28+$0x0];
	v10 =	vand.u32 $0xFF, v10;
	v16 =	vand.u32 $0xFF0, v16;
	v9 =	vshra.s32 v9, v11  }
0x3e0: {  	v59 =	vld [tilespmem:s28+$0x80];
	v7 =	vshra.s32 v53, v8;
	v12 =	vadd.s32 v12, v16;
	v9 =	vshll.u32 v9, $0x4  }
0x3e1: {  	[tilespmem:s17+$0xDB00] =	vst v17;
	v17 =	vld [tilespmem:s26+$0x7B00];
	v8 =	vshra.s32 v56, $0x2;
	v11 =	vand.u32 $0xFF0, v14;
	v9 =	vand.u32 $0xFF0, v9  }
0x3e2: {  	v4 =	vmul.f32 v5, v4;
	v11 =	vadd.s32 v13, v11;
	v9 =	vadd.s32 v10, v9;
	v10 =	vld [tilespmem:s6+$0x0]  }
0x3e3: {  	s31 =	sand.u32 $0x780, s14;
	v5 =	vshll.u32 v7, $0x4;
	v7 =	vshra.s32 v57, $0x2;
	v16 =	vld [tilespmem:s8+$0x7B00];
	v13 =	vshll.u32 v21, $0x3  }
0x3e4: {  	s17 =	sor.u32 s31, s12;
	v14 =	vld [tilespmem:s23+$0x80];
	v13 =	vand.u32 $0x18, v13  }
0x3e5: {  	[tilespmem:s17+$0xFB00] =	vst v56;
	v6 =	vmul.f32 v6, v2;
	v61 =	vshra.s32 v15, $0x2;
	v13 =	vshra.s32 v54, v13;
	v12 =	vld.idx.msk [tilespmem:v12+s10+$0x0], $0xffff  }
0x3e6: {  	[tilespmem:s1+$0xDB00] =	vst v4;
	v5 =	vand.u32 $0xFF0, v5;
	v62 =	vshra.s32 v58, $0x2;
	v29 =	vld.idx.msk [tilespmem:v8+s7+$0x0], $0xffff;
	v13 =	vand.u32 $0xFF, v13  }
0x3e7: {  	[tilespmem:s22+$0xDB00] =	vst v3;
	s22 =	sor.u32 s31, s20;
	v2 =	vshll.u32 v15, $0x3;
	v26 =	vadd.s32 v13, v5;
	v11 =	vld.idx.msk [tilespmem:v11+s10+$0x0], $0xffff;
	v13 =	vshra.s32 v10, $0x2  }
0x3e8: {  	[tilespmem:s22+$0xFB00] =	vst v15;
	v15 =	vshra.s32 v60, $0x2;
	v4 =	vshll.u32 v59, $0x3;
	v8 =	vshra.s32 v59, $0x2;
	v7 =	vld.idx.msk [tilespmem:v7+s7+$0x0], $0xffff  }
0x3e9: {  	s25 =	sor.u32 s31, s25;
	v28 =	vand.u32 $0x18, v2;
	v2 =	vshll.u32 v58, $0x3;
	v27 =	vld.idx.msk [tilespmem:v9+s10+$0x0], $0xffff;
	v9 =	vshra.s32 v14, $0x2  }
0x3ea: {  	[tilespmem:s25+$0xFB00] =	vst v58;
	v4 =	vand.u32 $0x18, v4;
	s6 =	simm.s32 $0xFB80;
	v63 =	vld.idx.msk [tilespmem:v61+s7+$0x0], $0xffff;
	v16 =	vmul.f32 v12, v16;
	v12 =	vshll.u32 v14, $0x3  }
0x3eb: {  	v5 =	vand.u32 $0x18, v2;
	v3 =	vshll.u32 v10, $0x3;
	[tilespmem:s6+$0x0] =	vst v10;
	v2 =	vand.u32 $0x18, v12;
	v12 =	vld.idx.msk [tilespmem:v62+s7+$0x0], $0xffff  }
0x3ec: {  	s1 =	simm.s32 $0xDB00;
	v10 =	vshll.u32 v60, $0x3;
	v14 =	vmul.f32 v11, v55;
	v11 =	vld.idx.msk [tilespmem:v13+s7+$0x0], $0xffff;
	v13 =	vshll.u32 v56, $0x3  }
0x3ed: {  	[tilespmem:s1+$0x0] =	vst v6;
	v8 =	vld.idx.msk [tilespmem:v8+s7+$0x0], $0xffff;
	v3 =	vand.u32 $0x18, v3;
	v6 =	vand.u32 $0x18, v13;
	v13 =	vshll.u32 v57, $0x3  }
0x3ee: {  	[tilespmem:s8+$0xDB00] =	vst v16;
	v9 =	vld.idx.msk [tilespmem:v9+s7+$0x0], $0xffff;
	v16 =	vmul.f32 v27, v17;
	v17 =	vshra.s32 v29, v6;
	v13 =	vand.u32 $0x18, v13  }
0x3ef: {  	[tilespmem:s4+$0xDB00] =	vst v14;
	v6 =	vand.u32 $0x18, v10;
	v10 =	vld.idx.msk [tilespmem:v15+s7+$0x0], $0xffff;
	v7 =	vshra.s32 v7, v13;
	v15 =	vshll.u32 v17, $0x4  }
0x3f0: {  	s8 =	simm.s32 $0x7B80;
	v14 =	vshra.s32 v63, v28;
	[tilespmem:s26+$0xDB00] =	vst v16;
	v13 =	vand.u32 $0xFF, v7;
	v15 =	vand.u32 $0xFF0, v15;
	v7 =	vld.idx.msk [tilespmem:v26+s10+$0x0], $0xffff  }
.LBB2_19:
0x3f1: {  	s14 =	sadd.s32 $0x40, s14;
	v16 =	vld [tilespmem:s8+$0x0];
	v14 =	vshll.u32 v14, $0x4;
	v5 =	vshra.s32 v12, v5;
	v12 =	vadd.s32 v13, v15;
	s16 =	sadd.s32 $0x80, s16  }
0x3f2: {  	v3 =	vshra.s32 v11, v3;
	s4 =	sand.u32 $0x40, s14;
	s9 =	sand.u32 $0xF00, s16;
	p1 =	slt.u32 s14, $0x7C0;
	v11 =	vand.u32 $0xFF0, v14;
	v13 =	vld [tilespmem:s22+$0x7B00];
	v5 =	vshll.u32 v5, $0x4  }
0x3f3: {  	v3 =	vshll.u32 v3, $0x4;
	v2 =	vshra.s32 v9, v2;
	s9 =	sadd.s32 $0xB300, s9;
	s12 =	sor.u32 $0x10, s4;
	s19 =	sor.u32 $0x30, s4;
	v5 =	vand.u32 $0xFF0, v5;
	v14 =	vld [tilespmem:s25+$0x7B00]  }
0x3f4: {  	s23 =	sor.u32 $0x20, s4;
	v3 =	vand.u32 $0xFF0, v3;
	v2 =	vand.u32 $0xFF, v2;
	v4 =	vshra.s32 v8, v4;
	s20 =	sor.u32 s12, s9;
	s26 =	sor.u32 s19, s9;
	v8 =	vld [tilespmem:s17+$0x7B00]  }
0x3f5: {  	s4 =	sor.u32 s4, s9;
	s9 =	sor.u32 s23, s9;
	v6 =	vshra.s32 v10, v6;
	v2 =	vadd.s32 v2, v11;
	v4 =	vand.u32 $0xFF, v4;
	v9 =	vld [tilespmem:s26+$0x0]  }
0x3f6: {  	v6 =	vand.u32 $0xFF, v6;
	v4 =	vadd.s32 v4, v5;
	v7 =	vmul.f32 v7, v1;
	v5 =	vld.idx.msk [tilespmem:v12+s10+$0x0], $0xffff;
	v1 =	vmovc v16  }
0x3f7: {  	s1 =	sadd.s32 $0x40, s1;
	v16 =	vadd.s32 v6, v3;
	v10 =	vld [tilespmem:s26+$0x80]  }
0x3f8: {  	v6 =	vld [tilespmem:s20+$0x0];
	[tilespmem:s1+$0x0] =	vst v7  }
0x3f9: {  	v7 =	vld [tilespmem:s9+$0x0]  }
0x3fa: {  	v11 =	vld [tilespmem:s4+$0x0]  }
0x3fb: {  	v15 =	vshra.s32 v9, $0x2;
	v12 =	vld [tilespmem:s20+$0x80]  }
0x3fc: {  	v3 =	vmul.f32 v5, v8;
	v17 =	vld [tilespmem:s9+$0x80];
	v18 =	vshra.s32 v10, $0x2  }
0x3fd: {  	v8 =	vld [tilespmem:s4+$0x80];
	s4 =	sand.u32 $0x780, s14;
	v19 =	vshra.s32 v6, $0x2;
	v5 =	vshll.u32 v6, $0x3  }
0x3fe: {  	s9 =	sor.u32 s4, s12;
	v20 =	vand.u32 $0x18, v5;
	s12 =	sor.u32 s4, s23;
	v21 =	vshra.s32 v7, $0x2;
	v5 =	vshll.u32 v7, $0x3;
	v22 =	vld.idx.msk [tilespmem:v2+s10+$0x0], $0xffff;
	[tilespmem:s17+$0xDB00] =	vst v3;
	s17 =	sor.u32 s4, s19  }
0x3ff: {  	v23 =	vshra.s32 v11, $0x2;
	v2 =	vshll.u32 v11, $0x3;
	v5 =	vand.u32 $0x18, v5;
	[tilespmem:s17+$0xFB00] =	vst v9;
	v24 =	vld.idx.msk [tilespmem:v4+s10+$0x0], $0xffff  }
0x400: {  	v3 =	vand.u32 $0x18, v2;
	[tilespmem:s9+$0xFB00] =	vst v6;
	v25 =	vshra.s32 v12, $0x2;
	v2 =	vshll.u32 v12, $0x3;
	v15 =	vld.idx.msk [tilespmem:v15+s7+$0x0], $0xffff  }
0x401: {  	s6 =	sadd.s32 $0x40, s6;
	v2 =	vand.u32 $0x18, v2;
	[tilespmem:s12+$0xFB00] =	vst v7;
	v7 =	vshra.s32 v17, $0x2;
	v4 =	vshll.u32 v17, $0x3;
	v17 =	vld.idx.msk [tilespmem:v18+s7+$0x0], $0xffff  }
0x402: {  	[tilespmem:s6+$0x0] =	vst v11;
	v18 =	vshra.s32 v8, $0x2;
	v6 =	vshll.u32 v8, $0x3;
	v19 =	vld.idx.msk [tilespmem:v19+s7+$0x0], $0xffff;
	v4 =	vand.u32 $0x18, v4  }
0x403: {  	v6 =	vand.u32 $0x18, v6;
	v12 =	vld.idx.msk [tilespmem:v21+s7+$0x0], $0xffff  }
.Ltmp10:
0x404: {  	v8 =	vshll.u32 v9, $0x3;
	v13 =	vmul.f32 v22, v13;
	v11 =	vld.idx.msk [tilespmem:v23+s7+$0x0], $0xffff;
	(pc) =	sbr.rel @p1 .LBB2_19-.Ltmp10, $4  }
0x405: {  	v10 =	vshll.u32 v10, $0x3;
	v21 =	vand.u32 $0x18, v8;
	v14 =	vmul.f32 v24, v14;
	v9 =	vld.idx.msk [tilespmem:v25+s7+$0x0], $0xffff  }
0x406: {  	v8 =	vld.idx.msk [tilespmem:v7+s7+$0x0], $0xffff;
	v7 =	vshra.s32 v15, v21;
	v15 =	vand.u32 $0x18, v10;
	[tilespmem:s22+$0xDB00] =	vst v13;
	s22 =	smov.u32 s9  }
0x407: {  	v10 =	vld.idx.msk [tilespmem:v18+s7+$0x0], $0xffff;
	v13 =	vshra.s32 v17, v15;
	v7 =	vshll.u32 v7, $0x4;
	[tilespmem:s25+$0xDB00] =	vst v14;
	s25 =	smov.u32 s12  }
0x408: {  	s8 =	sadd.s32 $0x40, s8;
	v14 =	vshra.s32 v19, v20;
	v13 =	vand.u32 $0xFF, v13;
	v15 =	vand.u32 $0xFF0, v7;
	v7 =	vld.idx.msk [tilespmem:v16+s10+$0x0], $0xffff  }
0x409: {  	v14 =	vshll.u32 v14, $0x4;
	v5 =	vshra.s32 v12, v5  }
0x40a: {  	v57 =	vadd.s32 v13, v15;
	v3 =	vshra.s32 v11, v3;
	v58 =	vand.u32 $0xFF0, v14  }
0x40b: {  	v5 =	vshll.u32 v5, $0x4;
	v3 =	vshll.u32 v3, $0x4;
	v2 =	vshra.s32 v9, v2  }
0x40c: {  	v5 =	vand.u32 $0xFF0, v5;
	v2 =	vand.u32 $0xFF, v2;
	v4 =	vshra.s32 v8, v4  }
0x40d: {  	v59 =	vld [tilespmem:s8+$0x0];
	v6 =	vshra.s32 v10, v6;
	v2 =	vadd.s32 v2, v58;
	v4 =	vand.u32 $0xFF, v4  }
0x40e: {  	v60 =	vld [tilespmem:s22+$0x7B00];
	v3 =	vand.u32 $0xFF0, v3;
	v6 =	vand.u32 $0xFF, v6;
	v4 =	vadd.s32 v4, v5  }
0x40f: {  	v61 =	vld [tilespmem:s25+$0x7B00];
	v3 =	vadd.s32 v6, v3  }
0x410: {  	v62 =	vld [tilespmem:s17+$0x7B00]  }
0x411: {  	v63 =	vld.idx.msk [tilespmem:v57+s10+$0x0], $0xffff  }
0x412: {  	v2 =	vld.idx.msk [tilespmem:v2+s10+$0x0], $0xffff  }
0x413: {  	v4 =	vld.idx.msk [tilespmem:v4+s10+$0x0], $0xffff  }
0x414: {  	v3 =	vld.idx.msk [tilespmem:v3+s10+$0x0], $0xffff  }
0x415: {  	v1 =	vmul.f32 v7, v1  }
0x416: {  	s1 =	sadd.s32 $0x40, s1;
	s13 =	sadd.s32 $0x1, s13;
	v6 =	vmul.f32 v63, v62  }
0x417: {  	p1 =	sne.s32 s13, $0x17;
	[tilespmem:s1+$0x0] =	vst v1;
	v1 =	vmul.f32 v2, v60  }
.Ltmp11:
0x418: {  	[tilespmem:s17+$0xDB00] =	vst v6;
	v2 =	vmul.f32 v4, v61;
	(pc) =	sbr.rel @p1 .LBB2_12-.Ltmp11, $4  }
0x419: {  	[tilespmem:s22+$0xDB00] =	vst v1;
	v1 =	vmul.f32 v3, v59  }
0x41a: {  	s1 =	sadd.s32 $0x40, s1;
	[tilespmem:s25+$0xDB00] =	vst v2  }
0x41b: {  	s31 =	simm.s32 $0xFB00;
	s4 =	simm.s32 $0xDB00;
	[tilespmem:s1+$0x0] =	vst v1  }
0x41c: {  	[spmem:s5] =	stream.indirect.scatter.add.f32 [tilespmem:s4], [sflag:$0x6], $0x1, s31, s18, $0xb8;
	[tilespmem:$0x133F0] =	vst v63  }
0x41d: {  	_ =	swait.ge [sflag:s15], $0x800  }
0x41e: {  	[sflag:s15] =	ssyncset.done $0x0  }
0x41f: {  	[sflag:s15] =	ssyncadd.s32 $0xFFFFF800  }
0x420: {  	_ =	swait.ge [sflag:s15], $0x1000  }
0x421: {  	[sflag:s15] =	ssyncset.done $0x0  }
0x422: {  	[sflag:s15] =	ssyncadd.s32 $0xFFFFF000  }
0x423: {  	_ =	swait.ge [sflag:s30], $0x800  }
0x424: {  	s1 =	simm.s32 $0x0;
	[sflag:s30] =	ssyncset.done $0x0  }
0x425: {  	s6 =	simm.s32 $0x7300;
	s4 =	rddreg [dreg:$0x17];
	[sflag:s30] =	ssyncadd.s32 $0xFFFFF800  }
0x426: {  	[tilespmem:s6], [sflag:$0x3] =	stream.linear.gather [hbm4b:s4+s1], $0x800, $0x38;
	[tilespmem:$0x133F0] =	vst v63  }
0x427: {  	s19 =	simm.s32 $0xA300;
	s20 =	simm.s32 $0x0;
	s17 =	rddreg [dreg:$0x18]  }
0x428: {  	[tilespmem:s19], [sflag:$0x3] =	stream.linear.gather [hbm4b:s17+s1], $0x1000, $0x38;
	[tilespmem:$0x133F0] =	vst v63  }
0x429: {  	s22 =	sand.u32 $0x40, s20;
	s1 =	sand.u32 $0xF00, s1  }
0x42a: {  	s8 =	sor.u32 $0x30, s22;
	s1 =	sadd.s32 $0x8300, s1  }
0x42b: {  	s9 =	sor.u32 s8, s1  }
0x42c: {  	s12 =	sor.u32 $0x10, s22;
	v1 =	vld [tilespmem:s9+$0x0]  }
0x42d: {  	s14 =	sor.u32 $0x20, s22;
	s13 =	sor.u32 s12, s1;
	v2 =	vld [tilespmem:s9+$0x80]  }
0x42e: {  	s23 =	sor.u32 s14, s1;
	v4 =	vld [tilespmem:s13+$0x0]  }
0x42f: {  	s1 =	sor.u32 s22, s1;
	v5 =	vld [tilespmem:s23+$0x0]  }
0x430: {  	s25 =	sand.u32 $0x780, s20;
	v6 =	vld [tilespmem:s1+$0x0]  }
0x431: {  	s31 =	simm.s32 $0x40;
	s16 =	sor.u32 s25, s8;
	s8 =	simm.s32 $0x80;
	v7 =	vld [tilespmem:s13+$0x80]  }
0x432: {  	s17 =	sor.u32 s25, s12;
	v8 =	vld [tilespmem:s23+$0x80];
	s9 =	sand.u32 $0x40, s31;
	s4 =	sand.u32 $0xF00, s8;
	v3 =	vshra.s32 v1, $0x2  }
0x433: {  	v10 =	vld [tilespmem:s1+$0x80];
	s1 =	sor.u32 s25, s14;
	s4 =	sadd.s32 $0x8300, s4;
	s19 =	sor.u32 $0x20, s9;
	v9 =	vshra.s32 v2, $0x2  }
0x434: {  	v17 =	vld [tilespmem:s16+$0x6300];
	s13 =	sor.u32 $0x30, s9;
	s22 =	sor.u32 $0x10, s9;
	s25 =	sor.u32 s19, s4;
	v11 =	vshra.s32 v4, $0x2  }
0x435: {  	s20 =	sor.u32 s13, s4;
	s23 =	sor.u32 s22, s4;
	s4 =	sor.u32 s9, s4;
	v19 =	vld [tilespmem:s25+$0x80];
	v12 =	vshra.s32 v5, $0x2  }
0x436: {  	v21 =	vld [tilespmem:s4+$0x80];
	v13 =	vshra.s32 v6, $0x2;
	[tilespmem:s16+$0xE300] =	vst v1  }
0x437: {  	v14 =	vshra.s32 v7, $0x2;
	v3 =	vld.idx.msk [tilespmem:v3+s7+$0x0], $0xffff  }
0x438: {  	[tilespmem:s17+$0xE300] =	vst v4;
	v15 =	vshra.s32 v8, $0x2;
	v9 =	vld.idx.msk [tilespmem:v9+s7+$0x0], $0xffff  }
0x439: {  	s26 =	simm.s32 $0xE300;
	[tilespmem:s1+$0xE300] =	vst v5;
	v16 =	vshra.s32 v10, $0x2;
	v11 =	vld.idx.msk [tilespmem:v11+s7+$0x0], $0xffff  }
0x43a: {  	[tilespmem:s26+$0x0] =	vst v6;
	v12 =	vld.idx.msk [tilespmem:v12+s7+$0x0], $0xffff  }
0x43b: {  	v13 =	vld.idx.msk [tilespmem:v13+s7+$0x0], $0xffff  }
0x43c: {  	v2 =	vshll.u32 v2, $0x3;
	v14 =	vld.idx.msk [tilespmem:v14+s7+$0x0], $0xffff  }
0x43d: {  	v2 =	vand.u32 $0x18, v2;
	v15 =	vld.idx.msk [tilespmem:v15+s7+$0x0], $0xffff  }
0x43e: {  	v1 =	vshll.u32 v1, $0x3;
	v5 =	vshll.u32 v5, $0x3;
	v2 =	vshra.s32 v9, v2;
	v9 =	vld.idx.msk [tilespmem:v16+s7+$0x0], $0xffff  }
0x43f: {  	v7 =	vshll.u32 v7, $0x3;
	v5 =	vand.u32 $0x18, v5;
	v16 =	vshll.u32 v4, $0x3;
	v4 =	vld [tilespmem:s1+$0x6300]  }
0x440: {  	v8 =	vshll.u32 v8, $0x3;
	v7 =	vand.u32 $0x18, v7;
	v5 =	vshra.s32 v12, v5;
	v12 =	vld [tilespmem:s20+$0x80]  }
0x441: {  	v1 =	vand.u32 $0x18, v1;
	v8 =	vand.u32 $0x18, v8;
	v7 =	vshra.s32 v14, v7;
	v14 =	vld [tilespmem:s23+$0x0]  }
0x442: {  	s28 =	simm.s32 $0x6300;
	v1 =	vshra.s32 v3, v1;
	v8 =	vshra.s32 v15, v8;
	v15 =	vld [tilespmem:s23+$0x80]  }
0x443: {  	v1 =	vshll.u32 v1, $0x4;
	v3 =	vand.u32 $0xFF, v2;
	v2 =	vld [tilespmem:s28+$0x0];
	v16 =	vand.u32 $0x18, v16  }
0x444: {  	s6 =	sand.u32 $0x780, s31;
	v5 =	vshll.u32 v5, $0x4;
	v1 =	vand.u32 $0xFF0, v1;
	v11 =	vshra.s32 v11, v16;
	v16 =	vld [tilespmem:s20+$0x0]  }
0x445: {  	s14 =	simm.s32 $0x100;
	s8 =	sor.u32 s6, s13;
	s13 =	simm.s32 $0x80;
	v8 =	vand.u32 $0xFF, v8;
	v5 =	vand.u32 $0xFF0, v5;
	v1 =	vadd.s32 v3, v1;
	v3 =	vld [tilespmem:s17+$0x6300]  }
0x446: {  	s31 =	sand.u32 $0x40, s13;
	v11 =	vshll.u32 v11, $0x4;
	v5 =	vadd.s32 v8, v5;
	v8 =	vld [tilespmem:s4+$0x0];
	s4 =	sor.u32 s6, s22;
	s22 =	sand.u32 $0xF00, s14  }
0x447: {  	s12 =	sor.u32 $0x30, s31;
	v7 =	vand.u32 $0xFF, v7;
	v11 =	vand.u32 $0xFF0, v11;
	v55 =	vld [tilespmem:s4+$0x6300];
	s9 =	sadd.s32 $0x8300, s22  }
0x448: {  	v7 =	vadd.s32 v7, v11;
	v11 =	vld [tilespmem:s25+$0x0];
	s23 =	sor.u32 s12, s9  }
0x449: {  	v25 =	vshra.s32 v21, $0x2;
	v56 =	vld [tilespmem:s23+$0x0]  }
0x44a: {  	s25 =	sor.u32 s6, s19;
	s6 =	sor.u32 s31, s9;
	v57 =	vld [tilespmem:s23+$0x80]  }
0x44b: {  	v6 =	vshll.u32 v6, $0x3;
	v20 =	vshra.s32 v12, $0x2;
	v60 =	vld [tilespmem:s6+$0x80]  }
0x44c: {  	s26 =	simm.s32 $0xE340;
	v6 =	vand.u32 $0x18, v6;
	v22 =	vshra.s32 v14, $0x2;
	v1 =	vld.idx.msk [tilespmem:v1+s10+$0x0], $0xffff  }
0x44d: {  	v10 =	vshll.u32 v10, $0x3;
	v6 =	vshra.s32 v13, v6;
	v13 =	vshra.s32 v15, $0x2;
	v5 =	vld.idx.msk [tilespmem:v5+s10+$0x0], $0xffff;
	[tilespmem:s26+$0x0] =	vst v8  }
0x44e: {  	v10 =	vand.u32 $0x18, v10;
	v18 =	vshra.s32 v16, $0x2;
	v54 =	vld.idx.msk [tilespmem:v25+s7+$0x0], $0xffff  }
0x44f: {  	v6 =	vshll.u32 v6, $0x4;
	v9 =	vshra.s32 v9, v10;
	v10 =	vshra.s32 v19, $0x2;
	[tilespmem:s8+$0xE300] =	vst v16;
	v7 =	vld.idx.msk [tilespmem:v7+s10+$0x0], $0xffff  }
0x450: {  	v6 =	vand.u32 $0xFF0, v6;
	[tilespmem:s4+$0xE300] =	vst v14;
	v12 =	vshll.u32 v12, $0x3;
	v23 =	vshra.s32 v11, $0x2;
	v20 =	vld.idx.msk [tilespmem:v20+s7+$0x0], $0xffff  }
0x451: {  	v14 =	vshll.u32 v14, $0x3;
	v9 =	vand.u32 $0xFF, v9;
	v24 =	vshra.s32 v8, $0x2;
	v22 =	vld.idx.msk [tilespmem:v22+s7+$0x0], $0xffff  }
0x452: {  	v15 =	vshll.u32 v15, $0x3;
	v19 =	vshll.u32 v19, $0x3;
	v6 =	vadd.s32 v9, v6;
	v13 =	vld.idx.msk [tilespmem:v13+s7+$0x0], $0xffff  }
0x453: {  	v12 =	vand.u32 $0x18, v12;
	v14 =	vand.u32 $0x18, v14;
	v15 =	vand.u32 $0x18, v15;
	[tilespmem:s25+$0xE300] =	vst v11;
	v18 =	vld.idx.msk [tilespmem:v18+s7+$0x0], $0xffff  }
0x454: {  	v19 =	vand.u32 $0x18, v19;
	v16 =	vshll.u32 v16, $0x3;
	v8 =	vshll.u32 v8, $0x3;
	v10 =	vld.idx.msk [tilespmem:v10+s7+$0x0], $0xffff  }
0x455: {  	v16 =	vand.u32 $0x18, v16;
	v8 =	vand.u32 $0x18, v8;
	v11 =	vshll.u32 v11, $0x3;
	v9 =	vld.idx.msk [tilespmem:v23+s7+$0x0], $0xffff  }
0x456: {  	v11 =	vand.u32 $0x18, v11;
	v53 =	vld.idx.msk [tilespmem:v24+s7+$0x0], $0xffff;
	v17 =	vmul.f32 v1, v17;
	v12 =	vshra.s32 v20, v12  }
0x457: {  	s28 =	simm.s32 $0x6340;
	s26 =	sor.u32 $0x20, s31;
	v6 =	vld.idx.msk [tilespmem:v6+s10+$0x0], $0xffff;
	v14 =	vshra.s32 v22, v14;
	v13 =	vshra.s32 v13, v15;
	v3 =	vmul.f32 v7, v3  }
0x458: {  	v1 =	vld [tilespmem:s28+$0x0];
	s28 =	sor.u32 s26, s9;
	v12 =	vand.u32 $0xFF, v12;
	v14 =	vshll.u32 v14, $0x4;
	v16 =	vshra.s32 v18, v16  }
0x459: {  	s20 =	sor.u32 $0x10, s31;
	v58 =	vld [tilespmem:s28+$0x0];
	v13 =	vand.u32 $0xFF, v13;
	v10 =	vshra.s32 v10, v19;
	v16 =	vshll.u32 v16, $0x4  }
0x45a: {  	s22 =	sor.u32 s20, s9;
	v59 =	vld [tilespmem:s28+$0x80];
	v10 =	vand.u32 $0xFF, v10;
	v16 =	vand.u32 $0xFF0, v16;
	v9 =	vshra.s32 v9, v11  }
0x45b: {  	v15 =	vld [tilespmem:s22+$0x0];
	v7 =	vshra.s32 v53, v8;
	v12 =	vadd.s32 v12, v16;
	v9 =	vshll.u32 v9, $0x4  }
0x45c: {  	[tilespmem:s16+$0xC300] =	vst v17;
	v17 =	vld [tilespmem:s25+$0x6300];
	v8 =	vshra.s32 v56, $0x2;
	v11 =	vand.u32 $0xFF0, v14;
	v9 =	vand.u32 $0xFF0, v9  }
0x45d: {  	v4 =	vmul.f32 v5, v4;
	v11 =	vadd.s32 v13, v11;
	v9 =	vadd.s32 v10, v9;
	v10 =	vld [tilespmem:s6+$0x0]  }
0x45e: {  	s31 =	sand.u32 $0x780, s13;
	v5 =	vshll.u32 v7, $0x4;
	v7 =	vshra.s32 v57, $0x2;
	v16 =	vld [tilespmem:s8+$0x6300];
	v13 =	vshll.u32 v21, $0x3  }
0x45f: {  	s16 =	sor.u32 s31, s12;
	v14 =	vld [tilespmem:s22+$0x80];
	v13 =	vand.u32 $0x18, v13  }
0x460: {  	[tilespmem:s16+$0xE300] =	vst v56;
	v6 =	vmul.f32 v6, v2;
	v61 =	vshra.s32 v15, $0x2;
	v13 =	vshra.s32 v54, v13;
	v12 =	vld.idx.msk [tilespmem:v12+s10+$0x0], $0xffff  }
0x461: {  	[tilespmem:s1+$0xC300] =	vst v4;
	v62 =	vshra.s32 v58, $0x2;
	v5 =	vand.u32 $0xFF0, v5;
	v29 =	vld.idx.msk [tilespmem:v8+s7+$0x0], $0xffff;
	v13 =	vand.u32 $0xFF, v13  }
0x462: {  	[tilespmem:s17+$0xC300] =	vst v3;
	s17 =	sor.u32 s31, s20;
	v4 =	vshll.u32 v59, $0x3;
	v26 =	vadd.s32 v13, v5;
	v11 =	vld.idx.msk [tilespmem:v11+s10+$0x0], $0xffff;
	v13 =	vshra.s32 v10, $0x2  }
0x463: {  	v2 =	vshll.u32 v15, $0x3;
	[tilespmem:s17+$0xE300] =	vst v15;
	v15 =	vshra.s32 v60, $0x2;
	v8 =	vshra.s32 v59, $0x2;
	v7 =	vld.idx.msk [tilespmem:v7+s7+$0x0], $0xffff  }
0x464: {  	s22 =	sor.u32 s31, s26;
	v4 =	vand.u32 $0x18, v4;
	v28 =	vand.u32 $0x18, v2;
	v27 =	vld.idx.msk [tilespmem:v9+s10+$0x0], $0xffff;
	v9 =	vshra.s32 v14, $0x2  }
0x465: {  	v2 =	vshll.u32 v58, $0x3;
	[tilespmem:s22+$0xE300] =	vst v58;
	s6 =	simm.s32 $0xE380;
	v63 =	vld.idx.msk [tilespmem:v61+s7+$0x0], $0xffff;
	v16 =	vmul.f32 v12, v16;
	v12 =	vshll.u32 v14, $0x3  }
0x466: {  	v5 =	vand.u32 $0x18, v2;
	v3 =	vshll.u32 v10, $0x3;
	[tilespmem:s6+$0x0] =	vst v10;
	v2 =	vand.u32 $0x18, v12;
	v12 =	vld.idx.msk [tilespmem:v62+s7+$0x0], $0xffff  }
0x467: {  	s1 =	simm.s32 $0xC300;
	v10 =	vshll.u32 v60, $0x3;
	v14 =	vmul.f32 v11, v55;
	v11 =	vld.idx.msk [tilespmem:v13+s7+$0x0], $0xffff;
	v13 =	vshll.u32 v56, $0x3  }
0x468: {  	[tilespmem:s1+$0x0] =	vst v6;
	v8 =	vld.idx.msk [tilespmem:v8+s7+$0x0], $0xffff;
	v3 =	vand.u32 $0x18, v3;
	v6 =	vand.u32 $0x18, v13;
	v13 =	vshll.u32 v57, $0x3  }
0x469: {  	[tilespmem:s8+$0xC300] =	vst v16;
	v9 =	vld.idx.msk [tilespmem:v9+s7+$0x0], $0xffff;
	v16 =	vmul.f32 v27, v17;
	v17 =	vshra.s32 v29, v6;
	v13 =	vand.u32 $0x18, v13  }
0x46a: {  	[tilespmem:s4+$0xC300] =	vst v14;
	v6 =	vand.u32 $0x18, v10;
	v10 =	vld.idx.msk [tilespmem:v15+s7+$0x0], $0xffff;
	v7 =	vshra.s32 v7, v13;
	v15 =	vshll.u32 v17, $0x4  }
0x46b: {  	s26 =	simm.s32 $0x7;
	s8 =	simm.s32 $0x6380;
	v14 =	vshra.s32 v63, v28;
	[tilespmem:s25+$0xC300] =	vst v16;
	v13 =	vand.u32 $0xFF, v7;
	v15 =	vand.u32 $0xFF0, v15;
	v7 =	vld.idx.msk [tilespmem:v26+s10+$0x0], $0xffff  }
.LBB2_22:
0x46c: {  	s13 =	sadd.s32 $0x40, s13;
	v16 =	vld [tilespmem:s8+$0x0];
	v14 =	vshll.u32 v14, $0x4;
	v5 =	vshra.s32 v12, v5;
	v12 =	vadd.s32 v13, v15;
	s14 =	sadd.s32 $0x80, s14  }
0x46d: {  	v3 =	vshra.s32 v11, v3;
	s4 =	sand.u32 $0x40, s13;
	s9 =	sand.u32 $0xF00, s14;
	p1 =	slt.u32 s13, $0x7C0;
	v11 =	vand.u32 $0xFF0, v14;
	v13 =	vld [tilespmem:s17+$0x6300];
	v5 =	vshll.u32 v5, $0x4  }
0x46e: {  	v3 =	vshll.u32 v3, $0x4;
	v2 =	vshra.s32 v9, v2;
	s9 =	sadd.s32 $0x8300, s9;
	s12 =	sor.u32 $0x10, s4;
	s19 =	sor.u32 $0x30, s4;
	v5 =	vand.u32 $0xFF0, v5;
	v14 =	vld [tilespmem:s22+$0x6300]  }
0x46f: {  	s23 =	sor.u32 $0x20, s4;
	v3 =	vand.u32 $0xFF0, v3;
	v2 =	vand.u32 $0xFF, v2;
	v4 =	vshra.s32 v8, v4;
	s20 =	sor.u32 s12, s9;
	s25 =	sor.u32 s19, s9;
	v8 =	vld [tilespmem:s16+$0x6300]  }
0x470: {  	s4 =	sor.u32 s4, s9;
	s9 =	sor.u32 s23, s9;
	v6 =	vshra.s32 v10, v6;
	v2 =	vadd.s32 v2, v11;
	v4 =	vand.u32 $0xFF, v4;
	v9 =	vld [tilespmem:s25+$0x0]  }
0x471: {  	v6 =	vand.u32 $0xFF, v6;
	v4 =	vadd.s32 v4, v5;
	v7 =	vmul.f32 v7, v1;
	v5 =	vld.idx.msk [tilespmem:v12+s10+$0x0], $0xffff;
	v1 =	vmovc v16  }
0x472: {  	s1 =	sadd.s32 $0x40, s1;
	v16 =	vadd.s32 v6, v3;
	v10 =	vld [tilespmem:s25+$0x80]  }
0x473: {  	v6 =	vld [tilespmem:s20+$0x0];
	[tilespmem:s1+$0x0] =	vst v7  }
0x474: {  	v7 =	vld [tilespmem:s9+$0x0]  }
0x475: {  	v11 =	vld [tilespmem:s4+$0x0]  }
0x476: {  	v15 =	vshra.s32 v9, $0x2;
	v12 =	vld [tilespmem:s20+$0x80]  }
0x477: {  	v3 =	vmul.f32 v5, v8;
	v17 =	vld [tilespmem:s9+$0x80];
	v18 =	vshra.s32 v10, $0x2  }
0x478: {  	v8 =	vld [tilespmem:s4+$0x80];
	s4 =	sand.u32 $0x780, s13;
	v19 =	vshra.s32 v6, $0x2;
	v5 =	vshll.u32 v6, $0x3  }
0x479: {  	s9 =	sor.u32 s4, s12;
	v20 =	vand.u32 $0x18, v5;
	s12 =	sor.u32 s4, s23;
	v21 =	vshra.s32 v7, $0x2;
	v5 =	vshll.u32 v7, $0x3;
	v22 =	vld.idx.msk [tilespmem:v2+s10+$0x0], $0xffff;
	[tilespmem:s16+$0xC300] =	vst v3;
	s16 =	sor.u32 s4, s19  }
0x47a: {  	v23 =	vshra.s32 v11, $0x2;
	v2 =	vshll.u32 v11, $0x3;
	v5 =	vand.u32 $0x18, v5;
	[tilespmem:s16+$0xE300] =	vst v9;
	v24 =	vld.idx.msk [tilespmem:v4+s10+$0x0], $0xffff  }
0x47b: {  	v3 =	vand.u32 $0x18, v2;
	[tilespmem:s9+$0xE300] =	vst v6;
	v25 =	vshra.s32 v12, $0x2;
	v2 =	vshll.u32 v12, $0x3;
	v15 =	vld.idx.msk [tilespmem:v15+s7+$0x0], $0xffff  }
0x47c: {  	s6 =	sadd.s32 $0x40, s6;
	v2 =	vand.u32 $0x18, v2;
	[tilespmem:s12+$0xE300] =	vst v7;
	v7 =	vshra.s32 v17, $0x2;
	v4 =	vshll.u32 v17, $0x3;
	v17 =	vld.idx.msk [tilespmem:v18+s7+$0x0], $0xffff  }
0x47d: {  	[tilespmem:s6+$0x0] =	vst v11;
	v18 =	vshra.s32 v8, $0x2;
	v6 =	vshll.u32 v8, $0x3;
	v19 =	vld.idx.msk [tilespmem:v19+s7+$0x0], $0xffff;
	v4 =	vand.u32 $0x18, v4  }
0x47e: {  	v6 =	vand.u32 $0x18, v6;
	v12 =	vld.idx.msk [tilespmem:v21+s7+$0x0], $0xffff  }
.Ltmp12:
0x47f: {  	v8 =	vshll.u32 v9, $0x3;
	v13 =	vmul.f32 v22, v13;
	v11 =	vld.idx.msk [tilespmem:v23+s7+$0x0], $0xffff;
	(pc) =	sbr.rel @p1 .LBB2_22-.Ltmp12, $4  }
0x480: {  	v10 =	vshll.u32 v10, $0x3;
	v21 =	vand.u32 $0x18, v8;
	v14 =	vmul.f32 v24, v14;
	v9 =	vld.idx.msk [tilespmem:v25+s7+$0x0], $0xffff  }
0x481: {  	v8 =	vld.idx.msk [tilespmem:v7+s7+$0x0], $0xffff;
	v7 =	vshra.s32 v15, v21;
	v15 =	vand.u32 $0x18, v10;
	[tilespmem:s17+$0xC300] =	vst v13;
	s17 =	smov.u32 s9  }
0x482: {  	v10 =	vld.idx.msk [tilespmem:v18+s7+$0x0], $0xffff;
	v13 =	vshra.s32 v17, v15;
	v7 =	vshll.u32 v7, $0x4;
	[tilespmem:s22+$0xC300] =	vst v14;
	s22 =	smov.u32 s12  }
0x483: {  	s8 =	sadd.s32 $0x40, s8;
	v14 =	vshra.s32 v19, v20;
	v13 =	vand.u32 $0xFF, v13;
	v15 =	vand.u32 $0xFF0, v7;
	v7 =	vld.idx.msk [tilespmem:v16+s10+$0x0], $0xffff  }
0x484: {  	v14 =	vshll.u32 v14, $0x4;
	v5 =	vshra.s32 v12, v5  }
0x485: {  	v12 =	vadd.s32 v13, v15;
	v3 =	vshra.s32 v11, v3;
	v11 =	vand.u32 $0xFF0, v14  }
0x486: {  	v5 =	vshll.u32 v5, $0x4;
	v3 =	vshll.u32 v3, $0x4;
	v2 =	vshra.s32 v9, v2  }
0x487: {  	v5 =	vand.u32 $0xFF0, v5;
	v2 =	vand.u32 $0xFF, v2;
	v4 =	vshra.s32 v8, v4  }
0x488: {  	v9 =	vld [tilespmem:s17+$0x6300];
	v6 =	vshra.s32 v10, v6;
	v2 =	vadd.s32 v2, v11;
	v4 =	vand.u32 $0xFF, v4  }
0x489: {  	v8 =	vld [tilespmem:s8+$0x0];
	v3 =	vand.u32 $0xFF0, v3;
	v6 =	vand.u32 $0xFF, v6;
	v4 =	vadd.s32 v4, v5  }
0x48a: {  	v5 =	vld [tilespmem:s22+$0x6300];
	v3 =	vadd.s32 v6, v3  }
0x48b: {  	v6 =	vld [tilespmem:s16+$0x6300]  }
0x48c: {  	v10 =	vld.idx.msk [tilespmem:v12+s10+$0x0], $0xffff  }
0x48d: {  	v2 =	vld.idx.msk [tilespmem:v2+s10+$0x0], $0xffff  }
0x48e: {  	v4 =	vld.idx.msk [tilespmem:v4+s10+$0x0], $0xffff  }
0x48f: {  	v3 =	vld.idx.msk [tilespmem:v3+s10+$0x0], $0xffff  }
0x490: {  	v1 =	vmul.f32 v7, v1  }
0x491: {  	s1 =	sadd.s32 $0x40, s1;
	v6 =	vmul.f32 v10, v6  }
0x492: {  	[tilespmem:s1+$0x0] =	vst v1;
	v1 =	vmul.f32 v2, v9  }
0x493: {  	[tilespmem:s16+$0xC300] =	vst v6;
	v2 =	vmul.f32 v4, v5  }
0x494: {  	[tilespmem:s17+$0xC300] =	vst v1;
	v1 =	vmul.f32 v3, v8  }
0x495: {  	s1 =	sadd.s32 $0x40, s1;
	[tilespmem:s22+$0xC300] =	vst v2  }
0x496: {  	s4 =	simm.s32 $0xC300;
	s16 =	simm.s32 $0xE300;
	[tilespmem:s1+$0x0] =	vst v1  }
0x497: {  	[spmem:s5] =	stream.indirect.scatter.add.f32 [tilespmem:s4], [sflag:$0x5], $0x1, s16, s18, $0xb8;
	[tilespmem:$0x133F0] =	vst v63  }
0x498: {  	_ =	swait.ge [sflag:s21], $0x800  }
0x499: {  	[sflag:s21] =	ssyncset.done $0x0  }
0x49a: {  	[sflag:s21] =	ssyncadd.s32 $0xFFFFF800  }
0x49b: {  	_ =	swait.ge [sflag:s21], $0x1000  }
0x49c: {  	[sflag:s21] =	ssyncset.done $0x0  }
0x49d: {  	s6 =	simm.s32 $0x7B00;
	s23 =	simm.s32 $0x0;
	[sflag:s21] =	ssyncadd.s32 $0xFFFFF000  }
0x49e: {  	s25 =	sand.u32 $0x40, s23;
	s17 =	simm.s32 $0x0;
	_ =	swait.ge [sflag:s11], $0x800  }
0x49f: {  	s28 =	sor.u32 $0x30, s25;
	s1 =	sand.u32 $0xF00, s17;
	[sflag:s11] =	ssyncset.done $0x0  }
0x4a0: {  	s1 =	sadd.s32 $0x9300, s1;
	s19 =	rddreg [dreg:$0x19];
	[sflag:s11] =	ssyncadd.s32 $0xFFFFF800  }
0x4a1: {  	[tilespmem:s6], [sflag:$0x4] =	stream.linear.gather [hbm4b:s19+s17], $0x800, $0x38;
	[tilespmem:$0x133F0] =	vst v63  }
0x4a2: {  	s22 =	simm.s32 $0xB300;
	s9 =	sor.u32 s28, s1;
	s20 =	rddreg [dreg:$0x1a]  }
0x4a3: {  	[tilespmem:s22], [sflag:$0x4] =	stream.linear.gather [hbm4b:s20+s17], $0x1000, $0x38;
	[tilespmem:$0x133F0] =	vst v63  }
0x4a4: {  	s12 =	sor.u32 $0x10, s25;
	v1 =	vld [tilespmem:s9+$0x0]  }
0x4a5: {  	s14 =	sor.u32 $0x20, s25;
	s13 =	sor.u32 s12, s1;
	v2 =	vld [tilespmem:s9+$0x80]  }
0x4a6: {  	s31 =	sor.u32 s14, s1;
	v4 =	vld [tilespmem:s13+$0x0]  }
0x4a7: {  	s1 =	sor.u32 s25, s1;
	v5 =	vld [tilespmem:s31+$0x0]  }
0x4a8: {  	v6 =	vld [tilespmem:s1+$0x0]  }
0x4a9: {  	s19 =	simm.s32 $0x80;
	v7 =	vld [tilespmem:s13+$0x80];
	s13 =	simm.s32 $0x40  }
0x4aa: {  	s6 =	sand.u32 $0x780, s23;
	s4 =	sand.u32 $0xF00, s19;
	v8 =	vld [tilespmem:s31+$0x80];
	s20 =	sand.u32 $0x40, s13;
	v3 =	vshra.s32 v1, $0x2  }
0x4ab: {  	s16 =	sor.u32 s6, s28;
	s4 =	sadd.s32 $0x9300, s4;
	v10 =	vld [tilespmem:s1+$0x80];
	s19 =	sor.u32 $0x20, s20;
	v9 =	vshra.s32 v2, $0x2  }
0x4ac: {  	v17 =	vld [tilespmem:s16+$0x6B00];
	s22 =	sor.u32 $0x30, s20;
	s25 =	sor.u32 $0x10, s20;
	s31 =	sor.u32 s19, s4;
	v11 =	vshra.s32 v4, $0x2  }
0x4ad: {  	s23 =	sor.u32 s22, s4;
	s28 =	sor.u32 s25, s4;
	s4 =	sor.u32 s20, s4;
	v19 =	vld [tilespmem:s31+$0x80];
	v12 =	vshra.s32 v5, $0x2  }
0x4ae: {  	v21 =	vld [tilespmem:s4+$0x80];
	v13 =	vshra.s32 v6, $0x2;
	[tilespmem:s16+$0xEB00] =	vst v1  }
0x4af: {  	s17 =	sor.u32 s6, s12;
	v14 =	vshra.s32 v7, $0x2;
	v3 =	vld.idx.msk [tilespmem:v3+s7+$0x0], $0xffff  }
0x4b0: {  	s1 =	sor.u32 s6, s14;
	[tilespmem:s17+$0xEB00] =	vst v4;
	v15 =	vshra.s32 v8, $0x2;
	v9 =	vld.idx.msk [tilespmem:v9+s7+$0x0], $0xffff  }
0x4b1: {  	s9 =	simm.s32 $0xEB00;
	[tilespmem:s1+$0xEB00] =	vst v5;
	v16 =	vshra.s32 v10, $0x2;
	v11 =	vld.idx.msk [tilespmem:v11+s7+$0x0], $0xffff  }
0x4b2: {  	[tilespmem:s9+$0x0] =	vst v6;
	v12 =	vld.idx.msk [tilespmem:v12+s7+$0x0], $0xffff  }
0x4b3: {  	v13 =	vld.idx.msk [tilespmem:v13+s7+$0x0], $0xffff  }
0x4b4: {  	v2 =	vshll.u32 v2, $0x3;
	v14 =	vld.idx.msk [tilespmem:v14+s7+$0x0], $0xffff  }
0x4b5: {  	v2 =	vand.u32 $0x18, v2;
	v15 =	vld.idx.msk [tilespmem:v15+s7+$0x0], $0xffff  }
0x4b6: {  	v1 =	vshll.u32 v1, $0x3;
	v5 =	vshll.u32 v5, $0x3;
	v2 =	vshra.s32 v9, v2;
	v9 =	vld.idx.msk [tilespmem:v16+s7+$0x0], $0xffff  }
0x4b7: {  	v7 =	vshll.u32 v7, $0x3;
	v5 =	vand.u32 $0x18, v5;
	v16 =	vshll.u32 v4, $0x3;
	v4 =	vld [tilespmem:s1+$0x6B00]  }
0x4b8: {  	v8 =	vshll.u32 v8, $0x3;
	v7 =	vand.u32 $0x18, v7;
	v5 =	vshra.s32 v12, v5;
	v12 =	vld [tilespmem:s23+$0x80]  }
0x4b9: {  	v1 =	vand.u32 $0x18, v1;
	v8 =	vand.u32 $0x18, v8;
	v7 =	vshra.s32 v14, v7;
	v14 =	vld [tilespmem:s28+$0x0]  }
0x4ba: {  	s12 =	simm.s32 $0x6B00;
	v1 =	vshra.s32 v3, v1;
	v8 =	vshra.s32 v15, v8;
	v15 =	vld [tilespmem:s28+$0x80]  }
0x4bb: {  	v1 =	vshll.u32 v1, $0x4;
	v3 =	vand.u32 $0xFF, v2;
	v2 =	vld [tilespmem:s12+$0x0];
	v16 =	vand.u32 $0x18, v16  }
0x4bc: {  	s14 =	simm.s32 $0x100;
	s6 =	sand.u32 $0x780, s13;
	v5 =	vshll.u32 v5, $0x4;
	v1 =	vand.u32 $0xFF0, v1;
	v11 =	vshra.s32 v11, v16;
	v16 =	vld [tilespmem:s23+$0x0]  }
0x4bd: {  	s13 =	simm.s32 $0x80;
	s8 =	sor.u32 s6, s22;
	v8 =	vand.u32 $0xFF, v8;
	v5 =	vand.u32 $0xFF0, v5;
	s23 =	sand.u32 $0xF00, s14;
	v1 =	vadd.s32 v3, v1;
	v3 =	vld [tilespmem:s17+$0x6B00]  }
0x4be: {  	v11 =	vshll.u32 v11, $0x4;
	v5 =	vadd.s32 v8, v5;
	v8 =	vld [tilespmem:s4+$0x0];
	s4 =	sor.u32 s6, s25;
	s25 =	sor.u32 s6, s19;
	s6 =	sand.u32 $0x40, s13  }
0x4bf: {  	v7 =	vand.u32 $0xFF, v7;
	s9 =	sadd.s32 $0x9300, s23;
	v11 =	vand.u32 $0xFF0, v11;
	v55 =	vld [tilespmem:s4+$0x6B00];
	s12 =	sor.u32 $0x30, s6  }
0x4c0: {  	v7 =	vadd.s32 v7, v11;
	v11 =	vld [tilespmem:s31+$0x0];
	s28 =	sor.u32 s12, s9  }
0x4c1: {  	s23 =	sor.u32 $0x20, s6;
	v56 =	vld [tilespmem:s28+$0x0]  }
0x4c2: {  	v57 =	vld [tilespmem:s28+$0x80];
	s28 =	sor.u32 s23, s9  }
0x4c3: {  	v6 =	vshll.u32 v6, $0x3;
	v20 =	vshra.s32 v12, $0x2;
	v58 =	vld [tilespmem:s28+$0x0]  }
0x4c4: {  	v6 =	vand.u32 $0x18, v6;
	v22 =	vshra.s32 v14, $0x2;
	v59 =	vld [tilespmem:s28+$0x80]  }
0x4c5: {  	v10 =	vshll.u32 v10, $0x3;
	v6 =	vshra.s32 v13, v6;
	v13 =	vshra.s32 v15, $0x2;
	v1 =	vld.idx.msk [tilespmem:v1+s10+$0x0], $0xffff  }
0x4c6: {  	v10 =	vand.u32 $0x18, v10;
	v25 =	vshra.s32 v21, $0x2;
	v18 =	vshra.s32 v16, $0x2;
	v5 =	vld.idx.msk [tilespmem:v5+s10+$0x0], $0xffff  }
0x4c7: {  	v6 =	vshll.u32 v6, $0x4;
	v9 =	vshra.s32 v9, v10;
	v10 =	vshra.s32 v19, $0x2;
	[tilespmem:s8+$0xEB00] =	vst v16;
	v7 =	vld.idx.msk [tilespmem:v7+s10+$0x0], $0xffff  }
0x4c8: {  	v6 =	vand.u32 $0xFF0, v6;
	[tilespmem:s4+$0xEB00] =	vst v14;
	v12 =	vshll.u32 v12, $0x3;
	v23 =	vshra.s32 v11, $0x2;
	v20 =	vld.idx.msk [tilespmem:v20+s7+$0x0], $0xffff  }
0x4c9: {  	v14 =	vshll.u32 v14, $0x3;
	v15 =	vshll.u32 v15, $0x3;
	v24 =	vshra.s32 v8, $0x2;
	v22 =	vld.idx.msk [tilespmem:v22+s7+$0x0], $0xffff  }
0x4ca: {  	v19 =	vshll.u32 v19, $0x3;
	v9 =	vand.u32 $0xFF, v9;
	v12 =	vand.u32 $0x18, v12;
	v13 =	vld.idx.msk [tilespmem:v13+s7+$0x0], $0xffff  }
0x4cb: {  	s20 =	simm.s32 $0xEB40;
	v14 =	vand.u32 $0x18, v14;
	v15 =	vand.u32 $0x18, v15;
	v19 =	vand.u32 $0x18, v19;
	[tilespmem:s25+$0xEB00] =	vst v11;
	v18 =	vld.idx.msk [tilespmem:v18+s7+$0x0], $0xffff  }
0x4cc: {  	v6 =	vadd.s32 v9, v6;
	v16 =	vshll.u32 v16, $0x3;
	[tilespmem:s20+$0x0] =	vst v8;
	v8 =	vshll.u32 v8, $0x3;
	v10 =	vld.idx.msk [tilespmem:v10+s7+$0x0], $0xffff  }
0x4cd: {  	v16 =	vand.u32 $0x18, v16;
	v8 =	vand.u32 $0x18, v8;
	v11 =	vshll.u32 v11, $0x3;
	v9 =	vld.idx.msk [tilespmem:v23+s7+$0x0], $0xffff  }
0x4ce: {  	v11 =	vand.u32 $0x18, v11;
	v53 =	vld.idx.msk [tilespmem:v24+s7+$0x0], $0xffff;
	v17 =	vmul.f32 v1, v17;
	v12 =	vshra.s32 v20, v12  }
0x4cf: {  	s20 =	sor.u32 $0x10, s6;
	s6 =	sor.u32 s6, s9;
	v54 =	vld.idx.msk [tilespmem:v25+s7+$0x0], $0xffff;
	v14 =	vshra.s32 v22, v14;
	v13 =	vshra.s32 v13, v15;
	v3 =	vmul.f32 v7, v3  }
0x4d0: {  	v60 =	vld [tilespmem:s6+$0x80];
	v12 =	vand.u32 $0xFF, v12;
	v14 =	vshll.u32 v14, $0x4;
	v16 =	vshra.s32 v18, v16  }
0x4d1: {  	s22 =	simm.s32 $0x6B40;
	v6 =	vld.idx.msk [tilespmem:v6+s10+$0x0], $0xffff;
	v13 =	vand.u32 $0xFF, v13;
	v10 =	vshra.s32 v10, v19;
	v16 =	vshll.u32 v16, $0x4  }
0x4d2: {  	s31 =	sor.u32 s20, s9;
	v1 =	vld [tilespmem:s22+$0x0];
	v10 =	vand.u32 $0xFF, v10;
	v16 =	vand.u32 $0xFF0, v16;
	v9 =	vshra.s32 v9, v11  }
0x4d3: {  	v15 =	vld [tilespmem:s31+$0x0];
	v7 =	vshra.s32 v53, v8;
	v12 =	vadd.s32 v12, v16;
	v9 =	vshll.u32 v9, $0x4  }
0x4d4: {  	[tilespmem:s16+$0xCB00] =	vst v17;
	v17 =	vld [tilespmem:s25+$0x6B00];
	v8 =	vshra.s32 v56, $0x2;
	v11 =	vand.u32 $0xFF0, v14;
	v9 =	vand.u32 $0xFF0, v9  }
0x4d5: {  	v4 =	vmul.f32 v5, v4;
	v11 =	vadd.s32 v13, v11;
	v9 =	vadd.s32 v10, v9;
	v10 =	vld [tilespmem:s6+$0x0]  }
0x4d6: {  	v5 =	vshll.u32 v7, $0x4;
	v7 =	vshra.s32 v57, $0x2;
	v14 =	vld [tilespmem:s31+$0x80];
	s31 =	sand.u32 $0x780, s13;
	v13 =	vshll.u32 v21, $0x3  }
0x4d7: {  	v16 =	vld [tilespmem:s8+$0x6B00];
	s16 =	sor.u32 s31, s12;
	v13 =	vand.u32 $0x18, v13  }
0x4d8: {  	v62 =	vshra.s32 v58, $0x2;
	v61 =	vshra.s32 v15, $0x2;
	[tilespmem:s16+$0xEB00] =	vst v56;
	v13 =	vshra.s32 v54, v13;
	v12 =	vld.idx.msk [tilespmem:v12+s10+$0x0], $0xffff  }
0x4d9: {  	[tilespmem:s1+$0xCB00] =	vst v4;
	v4 =	vshll.u32 v59, $0x3;
	v5 =	vand.u32 $0xFF0, v5;
	v29 =	vld.idx.msk [tilespmem:v8+s7+$0x0], $0xffff;
	v13 =	vand.u32 $0xFF, v13  }
0x4da: {  	v4 =	vand.u32 $0x18, v4;
	v26 =	vadd.s32 v13, v5;
	v11 =	vld.idx.msk [tilespmem:v11+s10+$0x0], $0xffff;
	v13 =	vshra.s32 v10, $0x2  }
0x4db: {  	v6 =	vmul.f32 v6, v2;
	[tilespmem:s17+$0xCB00] =	vst v3;
	v2 =	vshll.u32 v15, $0x3;
	s17 =	sor.u32 s31, s20;
	v8 =	vshra.s32 v59, $0x2;
	v7 =	vld.idx.msk [tilespmem:v7+s7+$0x0], $0xffff  }
0x4dc: {  	v28 =	vand.u32 $0x18, v2;
	s22 =	sor.u32 s31, s23;
	v2 =	vshll.u32 v58, $0x3;
	[tilespmem:s17+$0xEB00] =	vst v15;
	v27 =	vld.idx.msk [tilespmem:v9+s10+$0x0], $0xffff;
	v9 =	vshra.s32 v14, $0x2  }
0x4dd: {  	[tilespmem:s22+$0xEB00] =	vst v58;
	v15 =	vshra.s32 v60, $0x2;
	s6 =	simm.s32 $0xEB80;
	v63 =	vld.idx.msk [tilespmem:v61+s7+$0x0], $0xffff;
	v16 =	vmul.f32 v12, v16;
	v12 =	vshll.u32 v14, $0x3  }
0x4de: {  	v5 =	vand.u32 $0x18, v2;
	v3 =	vshll.u32 v10, $0x3;
	[tilespmem:s6+$0x0] =	vst v10;
	v2 =	vand.u32 $0x18, v12;
	v12 =	vld.idx.msk [tilespmem:v62+s7+$0x0], $0xffff  }
0x4df: {  	s1 =	simm.s32 $0xCB00;
	v10 =	vshll.u32 v60, $0x3;
	v14 =	vmul.f32 v11, v55;
	v11 =	vld.idx.msk [tilespmem:v13+s7+$0x0], $0xffff;
	v13 =	vshll.u32 v56, $0x3  }
0x4e0: {  	[tilespmem:s1+$0x0] =	vst v6;
	v8 =	vld.idx.msk [tilespmem:v8+s7+$0x0], $0xffff;
	v3 =	vand.u32 $0x18, v3;
	v6 =	vand.u32 $0x18, v13;
	v13 =	vshll.u32 v57, $0x3  }
0x4e1: {  	[tilespmem:s8+$0xCB00] =	vst v16;
	v9 =	vld.idx.msk [tilespmem:v9+s7+$0x0], $0xffff;
	v16 =	vmul.f32 v27, v17;
	v17 =	vshra.s32 v29, v6;
	v13 =	vand.u32 $0x18, v13  }
0x4e2: {  	[tilespmem:s4+$0xCB00] =	vst v14;
	v6 =	vand.u32 $0x18, v10;
	v10 =	vld.idx.msk [tilespmem:v15+s7+$0x0], $0xffff;
	v7 =	vshra.s32 v7, v13;
	v15 =	vshll.u32 v17, $0x4  }
0x4e3: {  	s8 =	simm.s32 $0x6B80;
	v14 =	vshra.s32 v63, v28;
	[tilespmem:s25+$0xCB00] =	vst v16;
	v13 =	vand.u32 $0xFF, v7;
	v15 =	vand.u32 $0xFF0, v15;
	v7 =	vld.idx.msk [tilespmem:v26+s10+$0x0], $0xffff  }
.LBB2_24:
0x4e4: {  	s13 =	sadd.s32 $0x40, s13;
	v16 =	vld [tilespmem:s8+$0x0];
	v14 =	vshll.u32 v14, $0x4;
	v5 =	vshra.s32 v12, v5;
	v12 =	vadd.s32 v13, v15;
	s14 =	sadd.s32 $0x80, s14  }
0x4e5: {  	v3 =	vshra.s32 v11, v3;
	s4 =	sand.u32 $0x40, s13;
	s9 =	sand.u32 $0xF00, s14;
	p1 =	slt.u32 s13, $0x7C0;
	v11 =	vand.u32 $0xFF0, v14;
	v13 =	vld [tilespmem:s17+$0x6B00];
	v5 =	vshll.u32 v5, $0x4  }
0x4e6: {  	v3 =	vshll.u32 v3, $0x4;
	v2 =	vshra.s32 v9, v2;
	s9 =	sadd.s32 $0x9300, s9;
	s12 =	sor.u32 $0x10, s4;
	s19 =	sor.u32 $0x30, s4;
	v5 =	vand.u32 $0xFF0, v5;
	v14 =	vld [tilespmem:s22+$0x6B00]  }
0x4e7: {  	s23 =	sor.u32 $0x20, s4;
	v3 =	vand.u32 $0xFF0, v3;
	v2 =	vand.u32 $0xFF, v2;
	v4 =	vshra.s32 v8, v4;
	s20 =	sor.u32 s12, s9;
	s25 =	sor.u32 s19, s9;
	v8 =	vld [tilespmem:s16+$0x6B00]  }
0x4e8: {  	s4 =	sor.u32 s4, s9;
	s9 =	sor.u32 s23, s9;
	v6 =	vshra.s32 v10, v6;
	v2 =	vadd.s32 v2, v11;
	v4 =	vand.u32 $0xFF, v4;
	v9 =	vld [tilespmem:s25+$0x0]  }
0x4e9: {  	v6 =	vand.u32 $0xFF, v6;
	v4 =	vadd.s32 v4, v5;
	v7 =	vmul.f32 v7, v1;
	v5 =	vld.idx.msk [tilespmem:v12+s10+$0x0], $0xffff;
	v1 =	vmovc v16  }
0x4ea: {  	s1 =	sadd.s32 $0x40, s1;
	v16 =	vadd.s32 v6, v3;
	v10 =	vld [tilespmem:s25+$0x80]  }
0x4eb: {  	v6 =	vld [tilespmem:s20+$0x0];
	[tilespmem:s1+$0x0] =	vst v7  }
0x4ec: {  	v7 =	vld [tilespmem:s9+$0x0]  }
0x4ed: {  	v11 =	vld [tilespmem:s4+$0x0]  }
0x4ee: {  	v15 =	vshra.s32 v9, $0x2;
	v12 =	vld [tilespmem:s20+$0x80]  }
0x4ef: {  	v3 =	vmul.f32 v5, v8;
	v17 =	vld [tilespmem:s9+$0x80];
	v18 =	vshra.s32 v10, $0x2  }
0x4f0: {  	v8 =	vld [tilespmem:s4+$0x80];
	s4 =	sand.u32 $0x780, s13;
	v19 =	vshra.s32 v6, $0x2;
	v5 =	vshll.u32 v6, $0x3  }
0x4f1: {  	s9 =	sor.u32 s4, s12;
	v20 =	vand.u32 $0x18, v5;
	s12 =	sor.u32 s4, s23;
	v21 =	vshra.s32 v7, $0x2;
	v5 =	vshll.u32 v7, $0x3;
	v22 =	vld.idx.msk [tilespmem:v2+s10+$0x0], $0xffff;
	[tilespmem:s16+$0xCB00] =	vst v3;
	s16 =	sor.u32 s4, s19  }
0x4f2: {  	v23 =	vshra.s32 v11, $0x2;
	v2 =	vshll.u32 v11, $0x3;
	v5 =	vand.u32 $0x18, v5;
	[tilespmem:s16+$0xEB00] =	vst v9;
	v24 =	vld.idx.msk [tilespmem:v4+s10+$0x0], $0xffff  }
0x4f3: {  	v3 =	vand.u32 $0x18, v2;
	[tilespmem:s9+$0xEB00] =	vst v6;
	v25 =	vshra.s32 v12, $0x2;
	v2 =	vshll.u32 v12, $0x3;
	v15 =	vld.idx.msk [tilespmem:v15+s7+$0x0], $0xffff  }
0x4f4: {  	s6 =	sadd.s32 $0x40, s6;
	v2 =	vand.u32 $0x18, v2;
	[tilespmem:s12+$0xEB00] =	vst v7;
	v7 =	vshra.s32 v17, $0x2;
	v4 =	vshll.u32 v17, $0x3;
	v17 =	vld.idx.msk [tilespmem:v18+s7+$0x0], $0xffff  }
0x4f5: {  	[tilespmem:s6+$0x0] =	vst v11;
	v18 =	vshra.s32 v8, $0x2;
	v6 =	vshll.u32 v8, $0x3;
	v19 =	vld.idx.msk [tilespmem:v19+s7+$0x0], $0xffff;
	v4 =	vand.u32 $0x18, v4  }
0x4f6: {  	v6 =	vand.u32 $0x18, v6;
	v12 =	vld.idx.msk [tilespmem:v21+s7+$0x0], $0xffff  }
.Ltmp13:
0x4f7: {  	v8 =	vshll.u32 v9, $0x3;
	v13 =	vmul.f32 v22, v13;
	v11 =	vld.idx.msk [tilespmem:v23+s7+$0x0], $0xffff;
	(pc) =	sbr.rel @p1 .LBB2_24-.Ltmp13, $4  }
0x4f8: {  	v10 =	vshll.u32 v10, $0x3;
	v21 =	vand.u32 $0x18, v8;
	v14 =	vmul.f32 v24, v14;
	v9 =	vld.idx.msk [tilespmem:v25+s7+$0x0], $0xffff  }
0x4f9: {  	v8 =	vld.idx.msk [tilespmem:v7+s7+$0x0], $0xffff;
	v7 =	vshra.s32 v15, v21;
	v15 =	vand.u32 $0x18, v10;
	[tilespmem:s17+$0xCB00] =	vst v13;
	s17 =	smov.u32 s9  }
0x4fa: {  	v10 =	vld.idx.msk [tilespmem:v18+s7+$0x0], $0xffff;
	v13 =	vshra.s32 v17, v15;
	v7 =	vshll.u32 v7, $0x4;
	[tilespmem:s22+$0xCB00] =	vst v14;
	s22 =	smov.u32 s12  }
0x4fb: {  	s8 =	sadd.s32 $0x40, s8;
	v14 =	vshra.s32 v19, v20;
	v13 =	vand.u32 $0xFF, v13;
	v15 =	vand.u32 $0xFF0, v7;
	v7 =	vld.idx.msk [tilespmem:v16+s10+$0x0], $0xffff  }
0x4fc: {  	v14 =	vshll.u32 v14, $0x4;
	v5 =	vshra.s32 v12, v5  }
0x4fd: {  	v12 =	vadd.s32 v13, v15;
	v3 =	vshra.s32 v11, v3;
	v11 =	vand.u32 $0xFF0, v14  }
0x4fe: {  	v5 =	vshll.u32 v5, $0x4;
	v3 =	vshll.u32 v3, $0x4;
	v2 =	vshra.s32 v9, v2  }
0x4ff: {  	v5 =	vand.u32 $0xFF0, v5;
	v2 =	vand.u32 $0xFF, v2;
	v4 =	vshra.s32 v8, v4  }
0x500: {  	v9 =	vld [tilespmem:s17+$0x6B00];
	v6 =	vshra.s32 v10, v6;
	v2 =	vadd.s32 v2, v11;
	v4 =	vand.u32 $0xFF, v4  }
0x501: {  	v8 =	vld [tilespmem:s8+$0x0];
	v3 =	vand.u32 $0xFF0, v3;
	v6 =	vand.u32 $0xFF, v6;
	v4 =	vadd.s32 v4, v5  }
0x502: {  	v5 =	vld [tilespmem:s22+$0x6B00];
	v3 =	vadd.s32 v6, v3  }
0x503: {  	v6 =	vld [tilespmem:s16+$0x6B00]  }
0x504: {  	v10 =	vld.idx.msk [tilespmem:v12+s10+$0x0], $0xffff  }
0x505: {  	v2 =	vld.idx.msk [tilespmem:v2+s10+$0x0], $0xffff  }
0x506: {  	v4 =	vld.idx.msk [tilespmem:v4+s10+$0x0], $0xffff  }
0x507: {  	v3 =	vld.idx.msk [tilespmem:v3+s10+$0x0], $0xffff  }
0x508: {  	v1 =	vmul.f32 v7, v1  }
0x509: {  	s1 =	sadd.s32 $0x40, s1;
	v6 =	vmul.f32 v10, v6  }
0x50a: {  	[tilespmem:s1+$0x0] =	vst v1;
	v1 =	vmul.f32 v2, v9  }
0x50b: {  	[tilespmem:s16+$0xCB00] =	vst v6;
	v2 =	vmul.f32 v4, v5  }
0x50c: {  	[tilespmem:s17+$0xCB00] =	vst v1;
	v1 =	vmul.f32 v3, v8  }
0x50d: {  	s1 =	sadd.s32 $0x40, s1;
	[tilespmem:s22+$0xCB00] =	vst v2  }
0x50e: {  	s4 =	simm.s32 $0xCB00;
	s16 =	simm.s32 $0xEB00;
	[tilespmem:s1+$0x0] =	vst v1  }
0x50f: {  	[spmem:s5] =	stream.indirect.scatter.add.f32 [tilespmem:s4], [sflag:$0x6], $0x1, s16, s18, $0xb8;
	[tilespmem:$0x133F0] =	vst v63  }
0x510: {  	_ =	swait.ge [sflag:s29], $0x800  }
0x511: {  	[sflag:s29] =	ssyncset.done $0x0  }
0x512: {  	[sflag:s29] =	ssyncadd.s32 $0xFFFFF800  }
0x513: {  	_ =	swait.ge [sflag:s29], $0x1000  }
0x514: {  	[sflag:s29] =	ssyncset.done $0x0  }
0x515: {  	s6 =	simm.s32 $0x6300;
	s23 =	simm.s32 $0x0;
	[sflag:s29] =	ssyncadd.s32 $0xFFFFF000  }
0x516: {  	s25 =	sand.u32 $0x40, s23;
	s17 =	simm.s32 $0x0;
	_ =	swait.ge [sflag:s30], $0x800  }
0x517: {  	s28 =	sor.u32 $0x30, s25;
	s1 =	sand.u32 $0xF00, s17;
	[sflag:s30] =	ssyncset.done $0x0  }
0x518: {  	s1 =	sadd.s32 $0xA300, s1;
	s19 =	rddreg [dreg:$0x1b];
	[sflag:s30] =	ssyncadd.s32 $0xFFFFF800  }
0x519: {  	[tilespmem:s6], [sflag:$0x1] =	stream.linear.gather [hbm4b:s19+s17], $0x800, $0x38;
	[tilespmem:$0x133F0] =	vst v63  }
0x51a: {  	s22 =	simm.s32 $0x8300;
	s9 =	sor.u32 s28, s1;
	s20 =	rddreg [dreg:$0x1c]  }
0x51b: {  	[tilespmem:s22], [sflag:$0x1] =	stream.linear.gather [hbm4b:s20+s17], $0x1000, $0x38;
	[tilespmem:$0x133F0] =	vst v63  }
0x51c: {  	s12 =	sor.u32 $0x10, s25;
	v1 =	vld [tilespmem:s9+$0x0]  }
0x51d: {  	s14 =	sor.u32 $0x20, s25;
	s13 =	sor.u32 s12, s1;
	v2 =	vld [tilespmem:s9+$0x80]  }
0x51e: {  	s31 =	sor.u32 s14, s1;
	v4 =	vld [tilespmem:s13+$0x0]  }
0x51f: {  	s1 =	sor.u32 s25, s1;
	v5 =	vld [tilespmem:s31+$0x0]  }
0x520: {  	v6 =	vld [tilespmem:s1+$0x0]  }
0x521: {  	s19 =	simm.s32 $0x80;
	v7 =	vld [tilespmem:s13+$0x80];
	s13 =	simm.s32 $0x40  }
0x522: {  	s6 =	sand.u32 $0x780, s23;
	s4 =	sand.u32 $0xF00, s19;
	v8 =	vld [tilespmem:s31+$0x80];
	s20 =	sand.u32 $0x40, s13;
	v3 =	vshra.s32 v1, $0x2  }
0x523: {  	s16 =	sor.u32 s6, s28;
	s4 =	sadd.s32 $0xA300, s4;
	v10 =	vld [tilespmem:s1+$0x80];
	s19 =	sor.u32 $0x20, s20;
	v9 =	vshra.s32 v2, $0x2  }
0x524: {  	v17 =	vld [tilespmem:s16+$0x7300];
	s22 =	sor.u32 $0x30, s20;
	s25 =	sor.u32 $0x10, s20;
	s31 =	sor.u32 s19, s4;
	v11 =	vshra.s32 v4, $0x2  }
0x525: {  	s23 =	sor.u32 s22, s4;
	s28 =	sor.u32 s25, s4;
	s4 =	sor.u32 s20, s4;
	v19 =	vld [tilespmem:s31+$0x80];
	v12 =	vshra.s32 v5, $0x2  }
0x526: {  	v21 =	vld [tilespmem:s4+$0x80];
	v13 =	vshra.s32 v6, $0x2;
	[tilespmem:s16+$0xF300] =	vst v1  }
0x527: {  	s17 =	sor.u32 s6, s12;
	v14 =	vshra.s32 v7, $0x2;
	v3 =	vld.idx.msk [tilespmem:v3+s7+$0x0], $0xffff  }
0x528: {  	s1 =	sor.u32 s6, s14;
	[tilespmem:s17+$0xF300] =	vst v4;
	v15 =	vshra.s32 v8, $0x2;
	v9 =	vld.idx.msk [tilespmem:v9+s7+$0x0], $0xffff  }
0x529: {  	s9 =	simm.s32 $0xF300;
	[tilespmem:s1+$0xF300] =	vst v5;
	v16 =	vshra.s32 v10, $0x2;
	v11 =	vld.idx.msk [tilespmem:v11+s7+$0x0], $0xffff  }
0x52a: {  	[tilespmem:s9+$0x0] =	vst v6;
	v12 =	vld.idx.msk [tilespmem:v12+s7+$0x0], $0xffff  }
0x52b: {  	v13 =	vld.idx.msk [tilespmem:v13+s7+$0x0], $0xffff  }
0x52c: {  	v2 =	vshll.u32 v2, $0x3;
	v14 =	vld.idx.msk [tilespmem:v14+s7+$0x0], $0xffff  }
0x52d: {  	v2 =	vand.u32 $0x18, v2;
	v15 =	vld.idx.msk [tilespmem:v15+s7+$0x0], $0xffff  }
0x52e: {  	v1 =	vshll.u32 v1, $0x3;
	v5 =	vshll.u32 v5, $0x3;
	v2 =	vshra.s32 v9, v2;
	v9 =	vld.idx.msk [tilespmem:v16+s7+$0x0], $0xffff  }
0x52f: {  	v7 =	vshll.u32 v7, $0x3;
	v5 =	vand.u32 $0x18, v5;
	v16 =	vshll.u32 v4, $0x3;
	v4 =	vld [tilespmem:s1+$0x7300]  }
0x530: {  	v8 =	vshll.u32 v8, $0x3;
	v7 =	vand.u32 $0x18, v7;
	v5 =	vshra.s32 v12, v5;
	v12 =	vld [tilespmem:s23+$0x80]  }
0x531: {  	v1 =	vand.u32 $0x18, v1;
	v8 =	vand.u32 $0x18, v8;
	v7 =	vshra.s32 v14, v7;
	v14 =	vld [tilespmem:s28+$0x0]  }
0x532: {  	s12 =	simm.s32 $0x7300;
	v1 =	vshra.s32 v3, v1;
	v8 =	vshra.s32 v15, v8;
	v15 =	vld [tilespmem:s28+$0x80]  }
0x533: {  	v1 =	vshll.u32 v1, $0x4;
	v3 =	vand.u32 $0xFF, v2;
	v2 =	vld [tilespmem:s12+$0x0];
	v16 =	vand.u32 $0x18, v16  }
0x534: {  	s14 =	simm.s32 $0x100;
	s6 =	sand.u32 $0x780, s13;
	v5 =	vshll.u32 v5, $0x4;
	v1 =	vand.u32 $0xFF0, v1;
	v11 =	vshra.s32 v11, v16;
	v16 =	vld [tilespmem:s23+$0x0]  }
0x535: {  	s13 =	simm.s32 $0x80;
	s8 =	sor.u32 s6, s22;
	v8 =	vand.u32 $0xFF, v8;
	v5 =	vand.u32 $0xFF0, v5;
	s23 =	sand.u32 $0xF00, s14;
	v1 =	vadd.s32 v3, v1;
	v3 =	vld [tilespmem:s17+$0x7300]  }
0x536: {  	v11 =	vshll.u32 v11, $0x4;
	v5 =	vadd.s32 v8, v5;
	v8 =	vld [tilespmem:s4+$0x0];
	s4 =	sor.u32 s6, s25;
	s25 =	sor.u32 s6, s19;
	s6 =	sand.u32 $0x40, s13  }
0x537: {  	v7 =	vand.u32 $0xFF, v7;
	s9 =	sadd.s32 $0xA300, s23;
	v11 =	vand.u32 $0xFF0, v11;
	v55 =	vld [tilespmem:s4+$0x7300];
	s12 =	sor.u32 $0x30, s6  }
0x538: {  	v7 =	vadd.s32 v7, v11;
	v11 =	vld [tilespmem:s31+$0x0];
	s28 =	sor.u32 s12, s9  }
0x539: {  	s23 =	sor.u32 $0x20, s6;
	v56 =	vld [tilespmem:s28+$0x0]  }
0x53a: {  	v57 =	vld [tilespmem:s28+$0x80];
	s28 =	sor.u32 s23, s9  }
0x53b: {  	v6 =	vshll.u32 v6, $0x3;
	v20 =	vshra.s32 v12, $0x2;
	v58 =	vld [tilespmem:s28+$0x0]  }
0x53c: {  	v6 =	vand.u32 $0x18, v6;
	v22 =	vshra.s32 v14, $0x2;
	v59 =	vld [tilespmem:s28+$0x80]  }
0x53d: {  	v10 =	vshll.u32 v10, $0x3;
	v6 =	vshra.s32 v13, v6;
	v13 =	vshra.s32 v15, $0x2;
	v1 =	vld.idx.msk [tilespmem:v1+s10+$0x0], $0xffff  }
0x53e: {  	v10 =	vand.u32 $0x18, v10;
	v25 =	vshra.s32 v21, $0x2;
	v18 =	vshra.s32 v16, $0x2;
	v5 =	vld.idx.msk [tilespmem:v5+s10+$0x0], $0xffff  }
0x53f: {  	v6 =	vshll.u32 v6, $0x4;
	v9 =	vshra.s32 v9, v10;
	v10 =	vshra.s32 v19, $0x2;
	[tilespmem:s8+$0xF300] =	vst v16;
	v7 =	vld.idx.msk [tilespmem:v7+s10+$0x0], $0xffff  }
0x540: {  	v6 =	vand.u32 $0xFF0, v6;
	[tilespmem:s4+$0xF300] =	vst v14;
	v12 =	vshll.u32 v12, $0x3;
	v23 =	vshra.s32 v11, $0x2;
	v20 =	vld.idx.msk [tilespmem:v20+s7+$0x0], $0xffff  }
0x541: {  	v14 =	vshll.u32 v14, $0x3;
	v15 =	vshll.u32 v15, $0x3;
	v24 =	vshra.s32 v8, $0x2;
	v22 =	vld.idx.msk [tilespmem:v22+s7+$0x0], $0xffff  }
0x542: {  	v19 =	vshll.u32 v19, $0x3;
	v9 =	vand.u32 $0xFF, v9;
	v12 =	vand.u32 $0x18, v12;
	v13 =	vld.idx.msk [tilespmem:v13+s7+$0x0], $0xffff  }
0x543: {  	s20 =	simm.s32 $0xF340;
	v14 =	vand.u32 $0x18, v14;
	v15 =	vand.u32 $0x18, v15;
	v19 =	vand.u32 $0x18, v19;
	[tilespmem:s25+$0xF300] =	vst v11;
	v18 =	vld.idx.msk [tilespmem:v18+s7+$0x0], $0xffff  }
0x544: {  	v6 =	vadd.s32 v9, v6;
	v16 =	vshll.u32 v16, $0x3;
	[tilespmem:s20+$0x0] =	vst v8;
	v8 =	vshll.u32 v8, $0x3;
	v10 =	vld.idx.msk [tilespmem:v10+s7+$0x0], $0xffff  }
0x545: {  	v16 =	vand.u32 $0x18, v16;
	v8 =	vand.u32 $0x18, v8;
	v11 =	vshll.u32 v11, $0x3;
	v9 =	vld.idx.msk [tilespmem:v23+s7+$0x0], $0xffff  }
0x546: {  	v11 =	vand.u32 $0x18, v11;
	v53 =	vld.idx.msk [tilespmem:v24+s7+$0x0], $0xffff;
	v17 =	vmul.f32 v1, v17;
	v12 =	vshra.s32 v20, v12  }
0x547: {  	s20 =	sor.u32 $0x10, s6;
	s6 =	sor.u32 s6, s9;
	v54 =	vld.idx.msk [tilespmem:v25+s7+$0x0], $0xffff;
	v14 =	vshra.s32 v22, v14;
	v13 =	vshra.s32 v13, v15;
	v3 =	vmul.f32 v7, v3  }
0x548: {  	v60 =	vld [tilespmem:s6+$0x80];
	v12 =	vand.u32 $0xFF, v12;
	v14 =	vshll.u32 v14, $0x4;
	v16 =	vshra.s32 v18, v16  }
0x549: {  	s22 =	simm.s32 $0x7340;
	v6 =	vld.idx.msk [tilespmem:v6+s10+$0x0], $0xffff;
	v13 =	vand.u32 $0xFF, v13;
	v10 =	vshra.s32 v10, v19;
	v16 =	vshll.u32 v16, $0x4  }
0x54a: {  	s31 =	sor.u32 s20, s9;
	v1 =	vld [tilespmem:s22+$0x0];
	v10 =	vand.u32 $0xFF, v10;
	v16 =	vand.u32 $0xFF0, v16;
	v9 =	vshra.s32 v9, v11  }
0x54b: {  	v15 =	vld [tilespmem:s31+$0x0];
	v7 =	vshra.s32 v53, v8;
	v12 =	vadd.s32 v12, v16;
	v9 =	vshll.u32 v9, $0x4  }
0x54c: {  	[tilespmem:s16+$0xD300] =	vst v17;
	v17 =	vld [tilespmem:s25+$0x7300];
	v8 =	vshra.s32 v56, $0x2;
	v11 =	vand.u32 $0xFF0, v14;
	v9 =	vand.u32 $0xFF0, v9  }
0x54d: {  	v4 =	vmul.f32 v5, v4;
	v11 =	vadd.s32 v13, v11;
	v9 =	vadd.s32 v10, v9;
	v10 =	vld [tilespmem:s6+$0x0]  }
0x54e: {  	v5 =	vshll.u32 v7, $0x4;
	v7 =	vshra.s32 v57, $0x2;
	v14 =	vld [tilespmem:s31+$0x80];
	s31 =	sand.u32 $0x780, s13;
	v13 =	vshll.u32 v21, $0x3  }
0x54f: {  	v16 =	vld [tilespmem:s8+$0x7300];
	s16 =	sor.u32 s31, s12;
	v13 =	vand.u32 $0x18, v13  }
0x550: {  	v62 =	vshra.s32 v58, $0x2;
	v61 =	vshra.s32 v15, $0x2;
	[tilespmem:s16+$0xF300] =	vst v56;
	v13 =	vshra.s32 v54, v13;
	v12 =	vld.idx.msk [tilespmem:v12+s10+$0x0], $0xffff  }
0x551: {  	[tilespmem:s1+$0xD300] =	vst v4;
	v4 =	vshll.u32 v59, $0x3;
	v5 =	vand.u32 $0xFF0, v5;
	v29 =	vld.idx.msk [tilespmem:v8+s7+$0x0], $0xffff;
	v13 =	vand.u32 $0xFF, v13  }
0x552: {  	v4 =	vand.u32 $0x18, v4;
	v26 =	vadd.s32 v13, v5;
	v11 =	vld.idx.msk [tilespmem:v11+s10+$0x0], $0xffff;
	v13 =	vshra.s32 v10, $0x2  }
0x553: {  	v6 =	vmul.f32 v6, v2;
	[tilespmem:s17+$0xD300] =	vst v3;
	v2 =	vshll.u32 v15, $0x3;
	s17 =	sor.u32 s31, s20;
	v8 =	vshra.s32 v59, $0x2;
	v7 =	vld.idx.msk [tilespmem:v7+s7+$0x0], $0xffff  }
0x554: {  	v28 =	vand.u32 $0x18, v2;
	s22 =	sor.u32 s31, s23;
	v2 =	vshll.u32 v58, $0x3;
	[tilespmem:s17+$0xF300] =	vst v15;
	v27 =	vld.idx.msk [tilespmem:v9+s10+$0x0], $0xffff;
	v9 =	vshra.s32 v14, $0x2  }
0x555: {  	[tilespmem:s22+$0xF300] =	vst v58;
	v15 =	vshra.s32 v60, $0x2;
	s6 =	simm.s32 $0xF380;
	v63 =	vld.idx.msk [tilespmem:v61+s7+$0x0], $0xffff;
	v16 =	vmul.f32 v12, v16;
	v12 =	vshll.u32 v14, $0x3  }
0x556: {  	v5 =	vand.u32 $0x18, v2;
	v3 =	vshll.u32 v10, $0x3;
	[tilespmem:s6+$0x0] =	vst v10;
	v2 =	vand.u32 $0x18, v12;
	v12 =	vld.idx.msk [tilespmem:v62+s7+$0x0], $0xffff  }
0x557: {  	s1 =	simm.s32 $0xD300;
	v10 =	vshll.u32 v60, $0x3;
	v14 =	vmul.f32 v11, v55;
	v11 =	vld.idx.msk [tilespmem:v13+s7+$0x0], $0xffff;
	v13 =	vshll.u32 v56, $0x3  }
0x558: {  	[tilespmem:s1+$0x0] =	vst v6;
	v8 =	vld.idx.msk [tilespmem:v8+s7+$0x0], $0xffff;
	v3 =	vand.u32 $0x18, v3;
	v6 =	vand.u32 $0x18, v13;
	v13 =	vshll.u32 v57, $0x3  }
0x559: {  	[tilespmem:s8+$0xD300] =	vst v16;
	v9 =	vld.idx.msk [tilespmem:v9+s7+$0x0], $0xffff;
	v16 =	vmul.f32 v27, v17;
	v17 =	vshra.s32 v29, v6;
	v13 =	vand.u32 $0x18, v13  }
0x55a: {  	[tilespmem:s4+$0xD300] =	vst v14;
	v6 =	vand.u32 $0x18, v10;
	v10 =	vld.idx.msk [tilespmem:v15+s7+$0x0], $0xffff;
	v7 =	vshra.s32 v7, v13;
	v15 =	vshll.u32 v17, $0x4  }
0x55b: {  	s8 =	simm.s32 $0x7380;
	v14 =	vshra.s32 v63, v28;
	[tilespmem:s25+$0xD300] =	vst v16;
	v13 =	vand.u32 $0xFF, v7;
	v15 =	vand.u32 $0xFF0, v15;
	v7 =	vld.idx.msk [tilespmem:v26+s10+$0x0], $0xffff  }
.LBB2_26:
0x55c: {  	s13 =	sadd.s32 $0x40, s13;
	v16 =	vld [tilespmem:s8+$0x0];
	v14 =	vshll.u32 v14, $0x4;
	v5 =	vshra.s32 v12, v5;
	v12 =	vadd.s32 v13, v15;
	s14 =	sadd.s32 $0x80, s14  }
0x55d: {  	v3 =	vshra.s32 v11, v3;
	s4 =	sand.u32 $0x40, s13;
	s9 =	sand.u32 $0xF00, s14;
	p1 =	slt.u32 s13, $0x7C0;
	v11 =	vand.u32 $0xFF0, v14;
	v13 =	vld [tilespmem:s17+$0x7300];
	v5 =	vshll.u32 v5, $0x4  }
0x55e: {  	v3 =	vshll.u32 v3, $0x4;
	v2 =	vshra.s32 v9, v2;
	s9 =	sadd.s32 $0xA300, s9;
	s12 =	sor.u32 $0x10, s4;
	s19 =	sor.u32 $0x30, s4;
	v5 =	vand.u32 $0xFF0, v5;
	v14 =	vld [tilespmem:s22+$0x7300]  }
0x55f: {  	s23 =	sor.u32 $0x20, s4;
	v3 =	vand.u32 $0xFF0, v3;
	v2 =	vand.u32 $0xFF, v2;
	v4 =	vshra.s32 v8, v4;
	s20 =	sor.u32 s12, s9;
	s25 =	sor.u32 s19, s9;
	v8 =	vld [tilespmem:s16+$0x7300]  }
0x560: {  	s4 =	sor.u32 s4, s9;
	s9 =	sor.u32 s23, s9;
	v6 =	vshra.s32 v10, v6;
	v2 =	vadd.s32 v2, v11;
	v4 =	vand.u32 $0xFF, v4;
	v9 =	vld [tilespmem:s25+$0x0]  }
0x561: {  	v6 =	vand.u32 $0xFF, v6;
	v4 =	vadd.s32 v4, v5;
	v7 =	vmul.f32 v7, v1;
	v5 =	vld.idx.msk [tilespmem:v12+s10+$0x0], $0xffff;
	v1 =	vmovc v16  }
0x562: {  	s1 =	sadd.s32 $0x40, s1;
	v16 =	vadd.s32 v6, v3;
	v10 =	vld [tilespmem:s25+$0x80]  }
0x563: {  	v6 =	vld [tilespmem:s20+$0x0];
	[tilespmem:s1+$0x0] =	vst v7  }
0x564: {  	v7 =	vld [tilespmem:s9+$0x0]  }
0x565: {  	v11 =	vld [tilespmem:s4+$0x0]  }
0x566: {  	v15 =	vshra.s32 v9, $0x2;
	v12 =	vld [tilespmem:s20+$0x80]  }
0x567: {  	v3 =	vmul.f32 v5, v8;
	v17 =	vld [tilespmem:s9+$0x80];
	v18 =	vshra.s32 v10, $0x2  }
0x568: {  	v8 =	vld [tilespmem:s4+$0x80];
	s4 =	sand.u32 $0x780, s13;
	v19 =	vshra.s32 v6, $0x2;
	v5 =	vshll.u32 v6, $0x3  }
0x569: {  	s9 =	sor.u32 s4, s12;
	v20 =	vand.u32 $0x18, v5;
	s12 =	sor.u32 s4, s23;
	v21 =	vshra.s32 v7, $0x2;
	v5 =	vshll.u32 v7, $0x3;
	v22 =	vld.idx.msk [tilespmem:v2+s10+$0x0], $0xffff;
	[tilespmem:s16+$0xD300] =	vst v3;
	s16 =	sor.u32 s4, s19  }
0x56a: {  	v23 =	vshra.s32 v11, $0x2;
	v2 =	vshll.u32 v11, $0x3;
	v5 =	vand.u32 $0x18, v5;
	[tilespmem:s16+$0xF300] =	vst v9;
	v24 =	vld.idx.msk [tilespmem:v4+s10+$0x0], $0xffff  }
0x56b: {  	v3 =	vand.u32 $0x18, v2;
	[tilespmem:s9+$0xF300] =	vst v6;
	v25 =	vshra.s32 v12, $0x2;
	v2 =	vshll.u32 v12, $0x3;
	v15 =	vld.idx.msk [tilespmem:v15+s7+$0x0], $0xffff  }
0x56c: {  	s6 =	sadd.s32 $0x40, s6;
	v2 =	vand.u32 $0x18, v2;
	[tilespmem:s12+$0xF300] =	vst v7;
	v7 =	vshra.s32 v17, $0x2;
	v4 =	vshll.u32 v17, $0x3;
	v17 =	vld.idx.msk [tilespmem:v18+s7+$0x0], $0xffff  }
0x56d: {  	[tilespmem:s6+$0x0] =	vst v11;
	v18 =	vshra.s32 v8, $0x2;
	v6 =	vshll.u32 v8, $0x3;
	v19 =	vld.idx.msk [tilespmem:v19+s7+$0x0], $0xffff;
	v4 =	vand.u32 $0x18, v4  }
0x56e: {  	v6 =	vand.u32 $0x18, v6;
	v12 =	vld.idx.msk [tilespmem:v21+s7+$0x0], $0xffff  }
.Ltmp14:
0x56f: {  	v8 =	vshll.u32 v9, $0x3;
	v13 =	vmul.f32 v22, v13;
	v11 =	vld.idx.msk [tilespmem:v23+s7+$0x0], $0xffff;
	(pc) =	sbr.rel @p1 .LBB2_26-.Ltmp14, $4  }
0x570: {  	v10 =	vshll.u32 v10, $0x3;
	v21 =	vand.u32 $0x18, v8;
	v14 =	vmul.f32 v24, v14;
	v9 =	vld.idx.msk [tilespmem:v25+s7+$0x0], $0xffff  }
0x571: {  	v8 =	vld.idx.msk [tilespmem:v7+s7+$0x0], $0xffff;
	v7 =	vshra.s32 v15, v21;
	v15 =	vand.u32 $0x18, v10;
	[tilespmem:s17+$0xD300] =	vst v13;
	s17 =	smov.u32 s9  }
0x572: {  	v10 =	vld.idx.msk [tilespmem:v18+s7+$0x0], $0xffff;
	v13 =	vshra.s32 v17, v15;
	v7 =	vshll.u32 v7, $0x4;
	[tilespmem:s22+$0xD300] =	vst v14;
	s22 =	smov.u32 s12  }
0x573: {  	s8 =	sadd.s32 $0x40, s8;
	v14 =	vshra.s32 v19, v20;
	v13 =	vand.u32 $0xFF, v13;
	v15 =	vand.u32 $0xFF0, v7;
	v7 =	vld.idx.msk [tilespmem:v16+s10+$0x0], $0xffff  }
0x574: {  	v14 =	vshll.u32 v14, $0x4;
	v5 =	vshra.s32 v12, v5  }
0x575: {  	v12 =	vadd.s32 v13, v15;
	v3 =	vshra.s32 v11, v3;
	v11 =	vand.u32 $0xFF0, v14  }
0x576: {  	v5 =	vshll.u32 v5, $0x4;
	v3 =	vshll.u32 v3, $0x4;
	v2 =	vshra.s32 v9, v2  }
0x577: {  	v5 =	vand.u32 $0xFF0, v5;
	v2 =	vand.u32 $0xFF, v2;
	v4 =	vshra.s32 v8, v4  }
0x578: {  	v9 =	vld [tilespmem:s17+$0x7300];
	v6 =	vshra.s32 v10, v6;
	v2 =	vadd.s32 v2, v11;
	v4 =	vand.u32 $0xFF, v4  }
0x579: {  	v8 =	vld [tilespmem:s8+$0x0];
	v3 =	vand.u32 $0xFF0, v3;
	v6 =	vand.u32 $0xFF, v6;
	v4 =	vadd.s32 v4, v5  }
0x57a: {  	v5 =	vld [tilespmem:s22+$0x7300];
	v3 =	vadd.s32 v6, v3  }
0x57b: {  	v6 =	vld [tilespmem:s16+$0x7300]  }
0x57c: {  	v10 =	vld.idx.msk [tilespmem:v12+s10+$0x0], $0xffff  }
0x57d: {  	v2 =	vld.idx.msk [tilespmem:v2+s10+$0x0], $0xffff  }
0x57e: {  	v4 =	vld.idx.msk [tilespmem:v4+s10+$0x0], $0xffff  }
0x57f: {  	v3 =	vld.idx.msk [tilespmem:v3+s10+$0x0], $0xffff  }
0x580: {  	v1 =	vmul.f32 v7, v1  }
0x581: {  	s1 =	sadd.s32 $0x40, s1;
	v6 =	vmul.f32 v10, v6  }
0x582: {  	[tilespmem:s1+$0x0] =	vst v1;
	v1 =	vmul.f32 v2, v9  }
0x583: {  	[tilespmem:s16+$0xD300] =	vst v6;
	v2 =	vmul.f32 v4, v5  }
0x584: {  	[tilespmem:s17+$0xD300] =	vst v1;
	v1 =	vmul.f32 v3, v8  }
0x585: {  	s1 =	sadd.s32 $0x40, s1;
	[tilespmem:s22+$0xD300] =	vst v2  }
0x586: {  	s20 =	simm.s32 $0xF300;
	s4 =	simm.s32 $0xD300;
	[tilespmem:s1+$0x0] =	vst v1  }
0x587: {  	[spmem:s5] =	stream.indirect.scatter.add.f32 [tilespmem:s4], [sflag:$0x5], $0x1, s20, s18, $0xb8;
	[tilespmem:$0x133F0] =	vst v63  }
0x588: {  	_ =	swait.ge [sflag:s3], $0x800  }
0x589: {  	[sflag:s3] =	ssyncset.done $0x0  }
0x58a: {  	[sflag:s3] =	ssyncadd.s32 $0xFFFFF800  }
0x58b: {  	_ =	swait.ge [sflag:s3], $0x1000  }
0x58c: {  	[sflag:s3] =	ssyncset.done $0x0  }
0x58d: {  	[sflag:s3] =	ssyncadd.s32 $0xFFFFF000  }
0x58e: {  	_ =	swait.ge [sflag:s11], $0x800  }
0x58f: {  	s23 =	simm.s32 $0x0;
	s1 =	simm.s32 @!p0 $0x0;
	[sflag:s11] =	ssyncset.done $0x0  }
0x590: {  	s4 =	simm.s32 @!p0 $0x6B00;
	s6 =	rddreg [dreg:$0x1d];
	[sflag:s11] =	ssyncadd.s32 $0xFFFFF800  }
0x591: {  	[tilespmem:s4], [sflag:$0x2] =	stream.linear.gather @!p0 [hbm4b:s6+s1], $0x800, $0x38;
	[tilespmem:$0x133F0] =	vst v63  }
0x592: {  	s22 =	simm.s32 $0x0;
	s4 =	simm.s32 @!p0 $0x9300;
	s6 =	rddreg [dreg:$0x1e]  }
0x593: {  	[tilespmem:s4], [sflag:$0x2] =	stream.linear.gather @!p0 [hbm4b:s6+s1], $0x1000, $0x38;
	[tilespmem:$0x133F0] =	vst v63  }
0x594: {  	s25 =	sand.u32 $0x40, s23;
	s1 =	sand.u32 $0xF00, s22  }
0x595: {  	s28 =	sor.u32 $0x30, s25;
	s1 =	sadd.s32 $0xB300, s1  }
0x596: {  	s9 =	sor.u32 s28, s1  }
0x597: {  	s12 =	sor.u32 $0x10, s25;
	v1 =	vld [tilespmem:s9+$0x0]  }
0x598: {  	s14 =	sor.u32 $0x20, s25;
	s13 =	sor.u32 s12, s1;
	v2 =	vld [tilespmem:s9+$0x80]  }
0x599: {  	s31 =	sor.u32 s14, s1;
	v4 =	vld [tilespmem:s13+$0x0]  }
0x59a: {  	s1 =	sor.u32 s25, s1;
	v5 =	vld [tilespmem:s31+$0x0]  }
0x59b: {  	s6 =	sand.u32 $0x780, s23;
	v6 =	vld [tilespmem:s1+$0x0]  }
0x59c: {  	s19 =	simm.s32 $0x80;
	s16 =	sor.u32 s6, s28;
	v7 =	vld [tilespmem:s13+$0x80];
	s13 =	simm.s32 $0x40  }
0x59d: {  	s4 =	sand.u32 $0xF00, s19;
	v17 =	vld [tilespmem:s16+$0x7B00];
	s20 =	sand.u32 $0x40, s13;
	v3 =	vshra.s32 v1, $0x2  }
0x59e: {  	s4 =	sadd.s32 $0xB300, s4;
	v8 =	vld [tilespmem:s31+$0x80];
	s19 =	sor.u32 $0x20, s20;
	v9 =	vshra.s32 v2, $0x2  }
0x59f: {  	v10 =	vld [tilespmem:s1+$0x80];
	s22 =	sor.u32 $0x30, s20;
	s25 =	sor.u32 $0x10, s20;
	s31 =	sor.u32 s19, s4;
	v11 =	vshra.s32 v4, $0x2  }
0x5a0: {  	s23 =	sor.u32 s22, s4;
	s28 =	sor.u32 s25, s4;
	s4 =	sor.u32 s20, s4;
	v19 =	vld [tilespmem:s31+$0x80];
	v12 =	vshra.s32 v5, $0x2  }
0x5a1: {  	v21 =	vld [tilespmem:s4+$0x80];
	v13 =	vshra.s32 v6, $0x2;
	[tilespmem:s16+$0xFB00] =	vst v1  }
0x5a2: {  	s17 =	sor.u32 s6, s12;
	v14 =	vshra.s32 v7, $0x2;
	v3 =	vld.idx.msk [tilespmem:v3+s7+$0x0], $0xffff  }
0x5a3: {  	s1 =	sor.u32 s6, s14;
	[tilespmem:s17+$0xFB00] =	vst v4;
	v15 =	vshra.s32 v8, $0x2;
	v9 =	vld.idx.msk [tilespmem:v9+s7+$0x0], $0xffff  }
0x5a4: {  	s9 =	simm.s32 $0xFB00;
	[tilespmem:s1+$0xFB00] =	vst v5;
	v16 =	vshra.s32 v10, $0x2;
	v11 =	vld.idx.msk [tilespmem:v11+s7+$0x0], $0xffff  }
0x5a5: {  	[tilespmem:s9+$0x0] =	vst v6;
	v12 =	vld.idx.msk [tilespmem:v12+s7+$0x0], $0xffff  }
0x5a6: {  	v13 =	vld.idx.msk [tilespmem:v13+s7+$0x0], $0xffff  }
0x5a7: {  	v2 =	vshll.u32 v2, $0x3;
	v14 =	vld.idx.msk [tilespmem:v14+s7+$0x0], $0xffff  }
0x5a8: {  	v2 =	vand.u32 $0x18, v2;
	v15 =	vld.idx.msk [tilespmem:v15+s7+$0x0], $0xffff  }
0x5a9: {  	v1 =	vshll.u32 v1, $0x3;
	v5 =	vshll.u32 v5, $0x3;
	v2 =	vshra.s32 v9, v2;
	v9 =	vld.idx.msk [tilespmem:v16+s7+$0x0], $0xffff  }
0x5aa: {  	v7 =	vshll.u32 v7, $0x3;
	v5 =	vand.u32 $0x18, v5;
	v16 =	vshll.u32 v4, $0x3;
	v4 =	vld [tilespmem:s1+$0x7B00]  }
0x5ab: {  	v8 =	vshll.u32 v8, $0x3;
	v7 =	vand.u32 $0x18, v7;
	v5 =	vshra.s32 v12, v5;
	v12 =	vld [tilespmem:s23+$0x80]  }
0x5ac: {  	v1 =	vand.u32 $0x18, v1;
	v8 =	vand.u32 $0x18, v8;
	v7 =	vshra.s32 v14, v7;
	v14 =	vld [tilespmem:s28+$0x0]  }
0x5ad: {  	s12 =	simm.s32 $0x7B00;
	v1 =	vshra.s32 v3, v1;
	v8 =	vshra.s32 v15, v8;
	v15 =	vld [tilespmem:s28+$0x80]  }
0x5ae: {  	v1 =	vshll.u32 v1, $0x4;
	v3 =	vand.u32 $0xFF, v2;
	v2 =	vld [tilespmem:s12+$0x0];
	v16 =	vand.u32 $0x18, v16  }
0x5af: {  	s14 =	simm.s32 $0x100;
	s6 =	sand.u32 $0x780, s13;
	v5 =	vshll.u32 v5, $0x4;
	v1 =	vand.u32 $0xFF0, v1;
	v11 =	vshra.s32 v11, v16;
	v16 =	vld [tilespmem:s23+$0x0]  }
0x5b0: {  	s13 =	simm.s32 $0x80;
	s8 =	sor.u32 s6, s22;
	v8 =	vand.u32 $0xFF, v8;
	v5 =	vand.u32 $0xFF0, v5;
	s23 =	sand.u32 $0xF00, s14;
	v1 =	vadd.s32 v3, v1;
	v3 =	vld [tilespmem:s17+$0x7B00]  }
0x5b1: {  	v11 =	vshll.u32 v11, $0x4;
	v5 =	vadd.s32 v8, v5;
	v8 =	vld [tilespmem:s4+$0x0];
	s4 =	sor.u32 s6, s25;
	s25 =	sor.u32 s6, s19;
	s6 =	sand.u32 $0x40, s13  }
0x5b2: {  	v7 =	vand.u32 $0xFF, v7;
	s9 =	sadd.s32 $0xB300, s23;
	v11 =	vand.u32 $0xFF0, v11;
	v55 =	vld [tilespmem:s4+$0x7B00];
	s12 =	sor.u32 $0x30, s6  }
0x5b3: {  	v7 =	vadd.s32 v7, v11;
	v11 =	vld [tilespmem:s31+$0x0];
	s28 =	sor.u32 s12, s9  }
0x5b4: {  	s23 =	sor.u32 $0x20, s6;
	v56 =	vld [tilespmem:s28+$0x0]  }
0x5b5: {  	v57 =	vld [tilespmem:s28+$0x80];
	s28 =	sor.u32 s23, s9  }
0x5b6: {  	v6 =	vshll.u32 v6, $0x3;
	v20 =	vshra.s32 v12, $0x2;
	v58 =	vld [tilespmem:s28+$0x0]  }
0x5b7: {  	v6 =	vand.u32 $0x18, v6;
	v22 =	vshra.s32 v14, $0x2;
	v59 =	vld [tilespmem:s28+$0x80]  }
0x5b8: {  	v10 =	vshll.u32 v10, $0x3;
	v6 =	vshra.s32 v13, v6;
	v13 =	vshra.s32 v15, $0x2;
	v1 =	vld.idx.msk [tilespmem:v1+s10+$0x0], $0xffff  }
0x5b9: {  	v10 =	vand.u32 $0x18, v10;
	v25 =	vshra.s32 v21, $0x2;
	v18 =	vshra.s32 v16, $0x2;
	v5 =	vld.idx.msk [tilespmem:v5+s10+$0x0], $0xffff  }
0x5ba: {  	v6 =	vshll.u32 v6, $0x4;
	v9 =	vshra.s32 v9, v10;
	v10 =	vshra.s32 v19, $0x2;
	[tilespmem:s8+$0xFB00] =	vst v16;
	v7 =	vld.idx.msk [tilespmem:v7+s10+$0x0], $0xffff  }
0x5bb: {  	v6 =	vand.u32 $0xFF0, v6;
	[tilespmem:s4+$0xFB00] =	vst v14;
	v12 =	vshll.u32 v12, $0x3;
	v23 =	vshra.s32 v11, $0x2;
	v20 =	vld.idx.msk [tilespmem:v20+s7+$0x0], $0xffff  }
0x5bc: {  	v14 =	vshll.u32 v14, $0x3;
	v15 =	vshll.u32 v15, $0x3;
	v24 =	vshra.s32 v8, $0x2;
	v22 =	vld.idx.msk [tilespmem:v22+s7+$0x0], $0xffff  }
0x5bd: {  	v19 =	vshll.u32 v19, $0x3;
	v9 =	vand.u32 $0xFF, v9;
	v12 =	vand.u32 $0x18, v12;
	v13 =	vld.idx.msk [tilespmem:v13+s7+$0x0], $0xffff  }
0x5be: {  	s20 =	simm.s32 $0xFB40;
	v14 =	vand.u32 $0x18, v14;
	v15 =	vand.u32 $0x18, v15;
	v19 =	vand.u32 $0x18, v19;
	[tilespmem:s25+$0xFB00] =	vst v11;
	v18 =	vld.idx.msk [tilespmem:v18+s7+$0x0], $0xffff  }
0x5bf: {  	v6 =	vadd.s32 v9, v6;
	v16 =	vshll.u32 v16, $0x3;
	[tilespmem:s20+$0x0] =	vst v8;
	v8 =	vshll.u32 v8, $0x3;
	v10 =	vld.idx.msk [tilespmem:v10+s7+$0x0], $0xffff  }
0x5c0: {  	v16 =	vand.u32 $0x18, v16;
	v8 =	vand.u32 $0x18, v8;
	v11 =	vshll.u32 v11, $0x3;
	v9 =	vld.idx.msk [tilespmem:v23+s7+$0x0], $0xffff  }
0x5c1: {  	v11 =	vand.u32 $0x18, v11;
	v53 =	vld.idx.msk [tilespmem:v24+s7+$0x0], $0xffff;
	v17 =	vmul.f32 v1, v17;
	v12 =	vshra.s32 v20, v12  }
0x5c2: {  	s20 =	sor.u32 $0x10, s6;
	s6 =	sor.u32 s6, s9;
	v54 =	vld.idx.msk [tilespmem:v25+s7+$0x0], $0xffff;
	v14 =	vshra.s32 v22, v14;
	v13 =	vshra.s32 v13, v15;
	v3 =	vmul.f32 v7, v3  }
0x5c3: {  	v60 =	vld [tilespmem:s6+$0x80];
	v12 =	vand.u32 $0xFF, v12;
	v14 =	vshll.u32 v14, $0x4;
	v16 =	vshra.s32 v18, v16  }
0x5c4: {  	s22 =	simm.s32 $0x7B40;
	v6 =	vld.idx.msk [tilespmem:v6+s10+$0x0], $0xffff;
	v13 =	vand.u32 $0xFF, v13;
	v10 =	vshra.s32 v10, v19;
	v16 =	vshll.u32 v16, $0x4  }
0x5c5: {  	s31 =	sor.u32 s20, s9;
	v1 =	vld [tilespmem:s22+$0x0];
	v10 =	vand.u32 $0xFF, v10;
	v16 =	vand.u32 $0xFF0, v16;
	v9 =	vshra.s32 v9, v11  }
0x5c6: {  	v15 =	vld [tilespmem:s31+$0x0];
	v7 =	vshra.s32 v53, v8;
	v12 =	vadd.s32 v12, v16;
	v9 =	vshll.u32 v9, $0x4  }
0x5c7: {  	[tilespmem:s16+$0xDB00] =	vst v17;
	v17 =	vld [tilespmem:s25+$0x7B00];
	v8 =	vshra.s32 v56, $0x2;
	v11 =	vand.u32 $0xFF0, v14;
	v9 =	vand.u32 $0xFF0, v9  }
0x5c8: {  	v4 =	vmul.f32 v5, v4;
	v11 =	vadd.s32 v13, v11;
	v9 =	vadd.s32 v10, v9;
	v10 =	vld [tilespmem:s6+$0x0]  }
0x5c9: {  	v5 =	vshll.u32 v7, $0x4;
	v7 =	vshra.s32 v57, $0x2;
	v14 =	vld [tilespmem:s31+$0x80];
	s31 =	sand.u32 $0x780, s13;
	v13 =	vshll.u32 v21, $0x3  }
0x5ca: {  	v16 =	vld [tilespmem:s8+$0x7B00];
	s16 =	sor.u32 s31, s12;
	v13 =	vand.u32 $0x18, v13  }
0x5cb: {  	v62 =	vshra.s32 v58, $0x2;
	v61 =	vshra.s32 v15, $0x2;
	[tilespmem:s16+$0xFB00] =	vst v56;
	v13 =	vshra.s32 v54, v13;
	v12 =	vld.idx.msk [tilespmem:v12+s10+$0x0], $0xffff  }
0x5cc: {  	[tilespmem:s1+$0xDB00] =	vst v4;
	v4 =	vshll.u32 v59, $0x3;
	v5 =	vand.u32 $0xFF0, v5;
	v29 =	vld.idx.msk [tilespmem:v8+s7+$0x0], $0xffff;
	v13 =	vand.u32 $0xFF, v13  }
0x5cd: {  	v4 =	vand.u32 $0x18, v4;
	v26 =	vadd.s32 v13, v5;
	v11 =	vld.idx.msk [tilespmem:v11+s10+$0x0], $0xffff;
	v13 =	vshra.s32 v10, $0x2  }
0x5ce: {  	v6 =	vmul.f32 v6, v2;
	[tilespmem:s17+$0xDB00] =	vst v3;
	v2 =	vshll.u32 v15, $0x3;
	s17 =	sor.u32 s31, s20;
	v8 =	vshra.s32 v59, $0x2;
	v7 =	vld.idx.msk [tilespmem:v7+s7+$0x0], $0xffff  }
0x5cf: {  	v28 =	vand.u32 $0x18, v2;
	s22 =	sor.u32 s31, s23;
	v2 =	vshll.u32 v58, $0x3;
	[tilespmem:s17+$0xFB00] =	vst v15;
	v27 =	vld.idx.msk [tilespmem:v9+s10+$0x0], $0xffff;
	v9 =	vshra.s32 v14, $0x2  }
0x5d0: {  	[tilespmem:s22+$0xFB00] =	vst v58;
	v15 =	vshra.s32 v60, $0x2;
	s6 =	simm.s32 $0xFB80;
	v63 =	vld.idx.msk [tilespmem:v61+s7+$0x0], $0xffff;
	v16 =	vmul.f32 v12, v16;
	v12 =	vshll.u32 v14, $0x3  }
0x5d1: {  	v5 =	vand.u32 $0x18, v2;
	v3 =	vshll.u32 v10, $0x3;
	[tilespmem:s6+$0x0] =	vst v10;
	v2 =	vand.u32 $0x18, v12;
	v12 =	vld.idx.msk [tilespmem:v62+s7+$0x0], $0xffff  }
0x5d2: {  	s1 =	simm.s32 $0xDB00;
	v10 =	vshll.u32 v60, $0x3;
	v14 =	vmul.f32 v11, v55;
	v11 =	vld.idx.msk [tilespmem:v13+s7+$0x0], $0xffff;
	v13 =	vshll.u32 v56, $0x3  }
0x5d3: {  	[tilespmem:s1+$0x0] =	vst v6;
	v8 =	vld.idx.msk [tilespmem:v8+s7+$0x0], $0xffff;
	v3 =	vand.u32 $0x18, v3;
	v6 =	vand.u32 $0x18, v13;
	v13 =	vshll.u32 v57, $0x3  }
0x5d4: {  	[tilespmem:s8+$0xDB00] =	vst v16;
	v9 =	vld.idx.msk [tilespmem:v9+s7+$0x0], $0xffff;
	v16 =	vmul.f32 v27, v17;
	v17 =	vshra.s32 v29, v6;
	v13 =	vand.u32 $0x18, v13  }
0x5d5: {  	[tilespmem:s4+$0xDB00] =	vst v14;
	v6 =	vand.u32 $0x18, v10;
	v10 =	vld.idx.msk [tilespmem:v15+s7+$0x0], $0xffff;
	v7 =	vshra.s32 v7, v13;
	v15 =	vshll.u32 v17, $0x4  }
0x5d6: {  	s8 =	simm.s32 $0x7B80;
	v14 =	vshra.s32 v63, v28;
	[tilespmem:s25+$0xDB00] =	vst v16;
	v13 =	vand.u32 $0xFF, v7;
	v15 =	vand.u32 $0xFF0, v15;
	v7 =	vld.idx.msk [tilespmem:v26+s10+$0x0], $0xffff  }
.LBB2_28:
0x5d7: {  	s13 =	sadd.s32 $0x40, s13;
	v16 =	vld [tilespmem:s8+$0x0];
	v14 =	vshll.u32 v14, $0x4;
	v5 =	vshra.s32 v12, v5;
	v12 =	vadd.s32 v13, v15;
	s14 =	sadd.s32 $0x80, s14  }
0x5d8: {  	v3 =	vshra.s32 v11, v3;
	s4 =	sand.u32 $0x40, s13;
	s9 =	sand.u32 $0xF00, s14;
	p1 =	slt.u32 s13, $0x7C0;
	v11 =	vand.u32 $0xFF0, v14;
	v13 =	vld [tilespmem:s17+$0x7B00];
	v5 =	vshll.u32 v5, $0x4  }
0x5d9: {  	v3 =	vshll.u32 v3, $0x4;
	v2 =	vshra.s32 v9, v2;
	s9 =	sadd.s32 $0xB300, s9;
	s12 =	sor.u32 $0x10, s4;
	s19 =	sor.u32 $0x30, s4;
	v5 =	vand.u32 $0xFF0, v5;
	v14 =	vld [tilespmem:s22+$0x7B00]  }
0x5da: {  	s23 =	sor.u32 $0x20, s4;
	v3 =	vand.u32 $0xFF0, v3;
	v2 =	vand.u32 $0xFF, v2;
	v4 =	vshra.s32 v8, v4;
	s20 =	sor.u32 s12, s9;
	s25 =	sor.u32 s19, s9;
	v8 =	vld [tilespmem:s16+$0x7B00]  }
0x5db: {  	s4 =	sor.u32 s4, s9;
	s9 =	sor.u32 s23, s9;
	v6 =	vshra.s32 v10, v6;
	v2 =	vadd.s32 v2, v11;
	v4 =	vand.u32 $0xFF, v4;
	v9 =	vld [tilespmem:s25+$0x0]  }
0x5dc: {  	v6 =	vand.u32 $0xFF, v6;
	v4 =	vadd.s32 v4, v5;
	v7 =	vmul.f32 v7, v1;
	v5 =	vld.idx.msk [tilespmem:v12+s10+$0x0], $0xffff;
	v1 =	vmovc v16  }
0x5dd: {  	s1 =	sadd.s32 $0x40, s1;
	v16 =	vadd.s32 v6, v3;
	v10 =	vld [tilespmem:s25+$0x80]  }
0x5de: {  	v6 =	vld [tilespmem:s20+$0x0];
	[tilespmem:s1+$0x0] =	vst v7  }
0x5df: {  	v7 =	vld [tilespmem:s9+$0x0]  }
0x5e0: {  	v11 =	vld [tilespmem:s4+$0x0]  }
0x5e1: {  	v15 =	vshra.s32 v9, $0x2;
	v12 =	vld [tilespmem:s20+$0x80]  }
0x5e2: {  	v3 =	vmul.f32 v5, v8;
	v17 =	vld [tilespmem:s9+$0x80];
	v18 =	vshra.s32 v10, $0x2  }
0x5e3: {  	v8 =	vld [tilespmem:s4+$0x80];
	s4 =	sand.u32 $0x780, s13;
	v19 =	vshra.s32 v6, $0x2;
	v5 =	vshll.u32 v6, $0x3  }
0x5e4: {  	s9 =	sor.u32 s4, s12;
	v20 =	vand.u32 $0x18, v5;
	s12 =	sor.u32 s4, s23;
	v21 =	vshra.s32 v7, $0x2;
	v5 =	vshll.u32 v7, $0x3;
	v22 =	vld.idx.msk [tilespmem:v2+s10+$0x0], $0xffff;
	[tilespmem:s16+$0xDB00] =	vst v3;
	s16 =	sor.u32 s4, s19  }
0x5e5: {  	v23 =	vshra.s32 v11, $0x2;
	v2 =	vshll.u32 v11, $0x3;
	v5 =	vand.u32 $0x18, v5;
	[tilespmem:s16+$0xFB00] =	vst v9;
	v24 =	vld.idx.msk [tilespmem:v4+s10+$0x0], $0xffff  }
0x5e6: {  	v3 =	vand.u32 $0x18, v2;
	[tilespmem:s9+$0xFB00] =	vst v6;
	v25 =	vshra.s32 v12, $0x2;
	v2 =	vshll.u32 v12, $0x3;
	v15 =	vld.idx.msk [tilespmem:v15+s7+$0x0], $0xffff  }
0x5e7: {  	s6 =	sadd.s32 $0x40, s6;
	v2 =	vand.u32 $0x18, v2;
	[tilespmem:s12+$0xFB00] =	vst v7;
	v7 =	vshra.s32 v17, $0x2;
	v4 =	vshll.u32 v17, $0x3;
	v17 =	vld.idx.msk [tilespmem:v18+s7+$0x0], $0xffff  }
0x5e8: {  	[tilespmem:s6+$0x0] =	vst v11;
	v18 =	vshra.s32 v8, $0x2;
	v6 =	vshll.u32 v8, $0x3;
	v19 =	vld.idx.msk [tilespmem:v19+s7+$0x0], $0xffff;
	v4 =	vand.u32 $0x18, v4  }
0x5e9: {  	v6 =	vand.u32 $0x18, v6;
	v12 =	vld.idx.msk [tilespmem:v21+s7+$0x0], $0xffff  }
.Ltmp15:
0x5ea: {  	v8 =	vshll.u32 v9, $0x3;
	v13 =	vmul.f32 v22, v13;
	v11 =	vld.idx.msk [tilespmem:v23+s7+$0x0], $0xffff;
	(pc) =	sbr.rel @p1 .LBB2_28-.Ltmp15, $4  }
0x5eb: {  	v10 =	vshll.u32 v10, $0x3;
	v21 =	vand.u32 $0x18, v8;
	v14 =	vmul.f32 v24, v14;
	v9 =	vld.idx.msk [tilespmem:v25+s7+$0x0], $0xffff  }
0x5ec: {  	v8 =	vld.idx.msk [tilespmem:v7+s7+$0x0], $0xffff;
	v7 =	vshra.s32 v15, v21;
	v15 =	vand.u32 $0x18, v10;
	[tilespmem:s17+$0xDB00] =	vst v13;
	s17 =	smov.u32 s9  }
0x5ed: {  	v10 =	vld.idx.msk [tilespmem:v18+s7+$0x0], $0xffff;
	v13 =	vshra.s32 v17, v15;
	v7 =	vshll.u32 v7, $0x4;
	[tilespmem:s22+$0xDB00] =	vst v14;
	s22 =	smov.u32 s12  }
0x5ee: {  	s8 =	sadd.s32 $0x40, s8;
	v14 =	vshra.s32 v19, v20;
	v13 =	vand.u32 $0xFF, v13;
	v15 =	vand.u32 $0xFF0, v7;
	v7 =	vld.idx.msk [tilespmem:v16+s10+$0x0], $0xffff  }
0x5ef: {  	v14 =	vshll.u32 v14, $0x4;
	v5 =	vshra.s32 v12, v5  }
0x5f0: {  	v12 =	vadd.s32 v13, v15;
	v3 =	vshra.s32 v11, v3;
	v11 =	vand.u32 $0xFF0, v14  }
0x5f1: {  	v5 =	vshll.u32 v5, $0x4;
	v3 =	vshll.u32 v3, $0x4;
	v2 =	vshra.s32 v9, v2  }
0x5f2: {  	v5 =	vand.u32 $0xFF0, v5;
	v2 =	vand.u32 $0xFF, v2;
	v4 =	vshra.s32 v8, v4  }
0x5f3: {  	v9 =	vld [tilespmem:s17+$0x7B00];
	v6 =	vshra.s32 v10, v6;
	v2 =	vadd.s32 v2, v11;
	v4 =	vand.u32 $0xFF, v4  }
0x5f4: {  	v8 =	vld [tilespmem:s8+$0x0];
	v3 =	vand.u32 $0xFF0, v3;
	v6 =	vand.u32 $0xFF, v6;
	v4 =	vadd.s32 v4, v5  }
0x5f5: {  	v5 =	vld [tilespmem:s22+$0x7B00];
	v3 =	vadd.s32 v6, v3  }
0x5f6: {  	v6 =	vld [tilespmem:s16+$0x7B00]  }
0x5f7: {  	v10 =	vld.idx.msk [tilespmem:v12+s10+$0x0], $0xffff  }
0x5f8: {  	v2 =	vld.idx.msk [tilespmem:v2+s10+$0x0], $0xffff  }
0x5f9: {  	v4 =	vld.idx.msk [tilespmem:v4+s10+$0x0], $0xffff  }
0x5fa: {  	v3 =	vld.idx.msk [tilespmem:v3+s10+$0x0], $0xffff  }
0x5fb: {  	v1 =	vmul.f32 v7, v1  }
0x5fc: {  	s1 =	sadd.s32 $0x40, s1;
	v6 =	vmul.f32 v10, v6  }
0x5fd: {  	[tilespmem:s1+$0x0] =	vst v1;
	v1 =	vmul.f32 v2, v9  }
0x5fe: {  	[tilespmem:s16+$0xDB00] =	vst v6;
	v2 =	vmul.f32 v4, v5  }
0x5ff: {  	[tilespmem:s17+$0xDB00] =	vst v1;
	v1 =	vmul.f32 v3, v8  }
0x600: {  	s1 =	sadd.s32 $0x40, s1;
	[tilespmem:s22+$0xDB00] =	vst v2  }
0x601: {  	s4 =	simm.s32 $0xDB00;
	s22 =	simm.s32 $0xFB00;
	[tilespmem:s1+$0x0] =	vst v1  }
0x602: {  	[spmem:s5] =	stream.indirect.scatter.add.f32 [tilespmem:s4], [sflag:$0x6], $0x1, s22, s18, $0xb8;
	[tilespmem:$0x133F0] =	vst v63  }
0x603: {  	_ =	swait.ge [sflag:s15], $0x800  }
0x604: {  	[sflag:s15] =	ssyncset.done $0x0  }
0x605: {  	[sflag:s15] =	ssyncadd.s32 $0xFFFFF800  }
0x606: {  	_ =	swait.ge [sflag:s15], $0x1000  }
0x607: {  	[sflag:s15] =	ssyncset.done $0x0  }
0x608: {  	s23 =	simm.s32 $0x0;
	s25 =	simm.s32 $0x0;
	[sflag:s15] =	ssyncadd.s32 $0xFFFFF000  }
0x609: {  	s6 =	sand.u32 $0x40, s25;
	s1 =	sand.u32 $0xF00, s23;
	_ =	swait.ge [sflag:s30], $0x800  }
0x60a: {  	s28 =	sor.u32 $0x30, s6;
	s1 =	sadd.s32 $0x8300, s1;
	[sflag:s30] =	ssyncset.done $0x0  }
0x60b: {  	s9 =	sor.u32 s28, s1;
	[sflag:s30] =	ssyncadd.s32 $0xFFFFF800  }
0x60c: {  	s12 =	sor.u32 $0x10, s6;
	v1 =	vld [tilespmem:s9+$0x0]  }
0x60d: {  	s14 =	sor.u32 $0x20, s6;
	s13 =	sor.u32 s12, s1;
	v2 =	vld [tilespmem:s9+$0x80]  }
0x60e: {  	s31 =	sor.u32 s14, s1;
	v4 =	vld [tilespmem:s13+$0x0]  }
0x60f: {  	s1 =	sor.u32 s6, s1;
	v5 =	vld [tilespmem:s31+$0x0]  }
0x610: {  	v6 =	vld [tilespmem:s1+$0x0]  }
0x611: {  	s19 =	simm.s32 $0x80;
	v7 =	vld [tilespmem:s13+$0x80];
	s13 =	simm.s32 $0x40  }
0x612: {  	s4 =	sand.u32 $0xF00, s19;
	s6 =	sand.u32 $0x780, s25;
	v8 =	vld [tilespmem:s31+$0x80];
	s20 =	sand.u32 $0x40, s13;
	v3 =	vshra.s32 v1, $0x2  }
0x613: {  	s4 =	sadd.s32 $0x8300, s4;
	s16 =	sor.u32 s6, s28;
	v10 =	vld [tilespmem:s1+$0x80];
	s19 =	sor.u32 $0x20, s20;
	v9 =	vshra.s32 v2, $0x2  }
0x614: {  	v17 =	vld [tilespmem:s16+$0x6300];
	s22 =	sor.u32 $0x30, s20;
	s25 =	sor.u32 $0x10, s20;
	s31 =	sor.u32 s19, s4;
	v11 =	vshra.s32 v4, $0x2  }
0x615: {  	s23 =	sor.u32 s22, s4;
	s28 =	sor.u32 s25, s4;
	s4 =	sor.u32 s20, s4;
	v19 =	vld [tilespmem:s31+$0x80];
	v12 =	vshra.s32 v5, $0x2  }
0x616: {  	v21 =	vld [tilespmem:s4+$0x80];
	v13 =	vshra.s32 v6, $0x2;
	[tilespmem:s16+$0xE300] =	vst v1  }
0x617: {  	s17 =	sor.u32 s6, s12;
	v14 =	vshra.s32 v7, $0x2;
	v3 =	vld.idx.msk [tilespmem:v3+s7+$0x0], $0xffff  }
0x618: {  	s1 =	sor.u32 s6, s14;
	[tilespmem:s17+$0xE300] =	vst v4;
	v15 =	vshra.s32 v8, $0x2;
	v9 =	vld.idx.msk [tilespmem:v9+s7+$0x0], $0xffff  }
0x619: {  	s9 =	simm.s32 $0xE300;
	[tilespmem:s1+$0xE300] =	vst v5;
	v16 =	vshra.s32 v10, $0x2;
	v11 =	vld.idx.msk [tilespmem:v11+s7+$0x0], $0xffff  }
0x61a: {  	[tilespmem:s9+$0x0] =	vst v6;
	v12 =	vld.idx.msk [tilespmem:v12+s7+$0x0], $0xffff  }
0x61b: {  	v13 =	vld.idx.msk [tilespmem:v13+s7+$0x0], $0xffff  }
0x61c: {  	v2 =	vshll.u32 v2, $0x3;
	v14 =	vld.idx.msk [tilespmem:v14+s7+$0x0], $0xffff  }
0x61d: {  	v2 =	vand.u32 $0x18, v2;
	v15 =	vld.idx.msk [tilespmem:v15+s7+$0x0], $0xffff  }
0x61e: {  	v1 =	vshll.u32 v1, $0x3;
	v5 =	vshll.u32 v5, $0x3;
	v2 =	vshra.s32 v9, v2;
	v9 =	vld.idx.msk [tilespmem:v16+s7+$0x0], $0xffff  }
0x61f: {  	v7 =	vshll.u32 v7, $0x3;
	v5 =	vand.u32 $0x18, v5;
	v16 =	vshll.u32 v4, $0x3;
	v4 =	vld [tilespmem:s1+$0x6300]  }
0x620: {  	v8 =	vshll.u32 v8, $0x3;
	v7 =	vand.u32 $0x18, v7;
	v5 =	vshra.s32 v12, v5;
	v12 =	vld [tilespmem:s23+$0x80]  }
0x621: {  	v1 =	vand.u32 $0x18, v1;
	v8 =	vand.u32 $0x18, v8;
	v7 =	vshra.s32 v14, v7;
	v14 =	vld [tilespmem:s28+$0x0]  }
0x622: {  	s12 =	simm.s32 $0x6300;
	v1 =	vshra.s32 v3, v1;
	v8 =	vshra.s32 v15, v8;
	v15 =	vld [tilespmem:s28+$0x80]  }
0x623: {  	v1 =	vshll.u32 v1, $0x4;
	v3 =	vand.u32 $0xFF, v2;
	v2 =	vld [tilespmem:s12+$0x0];
	v16 =	vand.u32 $0x18, v16  }
0x624: {  	s14 =	simm.s32 $0x100;
	s6 =	sand.u32 $0x780, s13;
	v5 =	vshll.u32 v5, $0x4;
	v1 =	vand.u32 $0xFF0, v1;
	v11 =	vshra.s32 v11, v16;
	v16 =	vld [tilespmem:s23+$0x0]  }
0x625: {  	s13 =	simm.s32 $0x80;
	s8 =	sor.u32 s6, s22;
	v8 =	vand.u32 $0xFF, v8;
	v5 =	vand.u32 $0xFF0, v5;
	s23 =	sand.u32 $0xF00, s14;
	v1 =	vadd.s32 v3, v1;
	v3 =	vld [tilespmem:s17+$0x6300]  }
0x626: {  	v11 =	vshll.u32 v11, $0x4;
	v5 =	vadd.s32 v8, v5;
	v8 =	vld [tilespmem:s4+$0x0];
	s4 =	sor.u32 s6, s25;
	s25 =	sor.u32 s6, s19;
	s6 =	sand.u32 $0x40, s13  }
0x627: {  	v7 =	vand.u32 $0xFF, v7;
	s9 =	sadd.s32 $0x8300, s23;
	v11 =	vand.u32 $0xFF0, v11;
	v55 =	vld [tilespmem:s4+$0x6300];
	s12 =	sor.u32 $0x30, s6  }
0x628: {  	v7 =	vadd.s32 v7, v11;
	v11 =	vld [tilespmem:s31+$0x0];
	s28 =	sor.u32 s12, s9  }
0x629: {  	s23 =	sor.u32 $0x20, s6;
	v56 =	vld [tilespmem:s28+$0x0]  }
0x62a: {  	v57 =	vld [tilespmem:s28+$0x80];
	s28 =	sor.u32 s23, s9  }
0x62b: {  	v6 =	vshll.u32 v6, $0x3;
	v20 =	vshra.s32 v12, $0x2;
	v58 =	vld [tilespmem:s28+$0x0]  }
0x62c: {  	v6 =	vand.u32 $0x18, v6;
	v22 =	vshra.s32 v14, $0x2;
	v59 =	vld [tilespmem:s28+$0x80]  }
0x62d: {  	v10 =	vshll.u32 v10, $0x3;
	v6 =	vshra.s32 v13, v6;
	v13 =	vshra.s32 v15, $0x2;
	v1 =	vld.idx.msk [tilespmem:v1+s10+$0x0], $0xffff  }
0x62e: {  	v10 =	vand.u32 $0x18, v10;
	v25 =	vshra.s32 v21, $0x2;
	v18 =	vshra.s32 v16, $0x2;
	v5 =	vld.idx.msk [tilespmem:v5+s10+$0x0], $0xffff  }
0x62f: {  	v6 =	vshll.u32 v6, $0x4;
	v9 =	vshra.s32 v9, v10;
	v10 =	vshra.s32 v19, $0x2;
	[tilespmem:s8+$0xE300] =	vst v16;
	v7 =	vld.idx.msk [tilespmem:v7+s10+$0x0], $0xffff  }
0x630: {  	v6 =	vand.u32 $0xFF0, v6;
	[tilespmem:s4+$0xE300] =	vst v14;
	v12 =	vshll.u32 v12, $0x3;
	v23 =	vshra.s32 v11, $0x2;
	v20 =	vld.idx.msk [tilespmem:v20+s7+$0x0], $0xffff  }
0x631: {  	v14 =	vshll.u32 v14, $0x3;
	v15 =	vshll.u32 v15, $0x3;
	v24 =	vshra.s32 v8, $0x2;
	v22 =	vld.idx.msk [tilespmem:v22+s7+$0x0], $0xffff  }
0x632: {  	v19 =	vshll.u32 v19, $0x3;
	v9 =	vand.u32 $0xFF, v9;
	v12 =	vand.u32 $0x18, v12;
	v13 =	vld.idx.msk [tilespmem:v13+s7+$0x0], $0xffff  }
0x633: {  	s20 =	simm.s32 $0xE340;
	v14 =	vand.u32 $0x18, v14;
	v15 =	vand.u32 $0x18, v15;
	v19 =	vand.u32 $0x18, v19;
	[tilespmem:s25+$0xE300] =	vst v11;
	v18 =	vld.idx.msk [tilespmem:v18+s7+$0x0], $0xffff  }
0x634: {  	v6 =	vadd.s32 v9, v6;
	v16 =	vshll.u32 v16, $0x3;
	[tilespmem:s20+$0x0] =	vst v8;
	v8 =	vshll.u32 v8, $0x3;
	v10 =	vld.idx.msk [tilespmem:v10+s7+$0x0], $0xffff  }
0x635: {  	v16 =	vand.u32 $0x18, v16;
	v8 =	vand.u32 $0x18, v8;
	v11 =	vshll.u32 v11, $0x3;
	v9 =	vld.idx.msk [tilespmem:v23+s7+$0x0], $0xffff  }
0x636: {  	v11 =	vand.u32 $0x18, v11;
	v53 =	vld.idx.msk [tilespmem:v24+s7+$0x0], $0xffff;
	v17 =	vmul.f32 v1, v17;
	v12 =	vshra.s32 v20, v12  }
0x637: {  	s20 =	sor.u32 $0x10, s6;
	s6 =	sor.u32 s6, s9;
	v54 =	vld.idx.msk [tilespmem:v25+s7+$0x0], $0xffff;
	v14 =	vshra.s32 v22, v14;
	v13 =	vshra.s32 v13, v15;
	v3 =	vmul.f32 v7, v3  }
0x638: {  	v60 =	vld [tilespmem:s6+$0x80];
	v12 =	vand.u32 $0xFF, v12;
	v14 =	vshll.u32 v14, $0x4;
	v16 =	vshra.s32 v18, v16  }
0x639: {  	s22 =	simm.s32 $0x6340;
	v6 =	vld.idx.msk [tilespmem:v6+s10+$0x0], $0xffff;
	v13 =	vand.u32 $0xFF, v13;
	v10 =	vshra.s32 v10, v19;
	v16 =	vshll.u32 v16, $0x4  }
0x63a: {  	s31 =	sor.u32 s20, s9;
	v1 =	vld [tilespmem:s22+$0x0];
	v10 =	vand.u32 $0xFF, v10;
	v16 =	vand.u32 $0xFF0, v16;
	v9 =	vshra.s32 v9, v11  }
0x63b: {  	v15 =	vld [tilespmem:s31+$0x0];
	v7 =	vshra.s32 v53, v8;
	v12 =	vadd.s32 v12, v16;
	v9 =	vshll.u32 v9, $0x4  }
0x63c: {  	[tilespmem:s16+$0xC300] =	vst v17;
	v17 =	vld [tilespmem:s25+$0x6300];
	v8 =	vshra.s32 v56, $0x2;
	v11 =	vand.u32 $0xFF0, v14;
	v9 =	vand.u32 $0xFF0, v9  }
0x63d: {  	v4 =	vmul.f32 v5, v4;
	v11 =	vadd.s32 v13, v11;
	v9 =	vadd.s32 v10, v9;
	v10 =	vld [tilespmem:s6+$0x0]  }
0x63e: {  	v5 =	vshll.u32 v7, $0x4;
	v7 =	vshra.s32 v57, $0x2;
	v14 =	vld [tilespmem:s31+$0x80];
	s31 =	sand.u32 $0x780, s13;
	v13 =	vshll.u32 v21, $0x3  }
0x63f: {  	v16 =	vld [tilespmem:s8+$0x6300];
	s16 =	sor.u32 s31, s12;
	v13 =	vand.u32 $0x18, v13  }
0x640: {  	v62 =	vshra.s32 v58, $0x2;
	v61 =	vshra.s32 v15, $0x2;
	[tilespmem:s16+$0xE300] =	vst v56;
	v13 =	vshra.s32 v54, v13;
	v12 =	vld.idx.msk [tilespmem:v12+s10+$0x0], $0xffff  }
0x641: {  	[tilespmem:s1+$0xC300] =	vst v4;
	v4 =	vshll.u32 v59, $0x3;
	v5 =	vand.u32 $0xFF0, v5;
	v29 =	vld.idx.msk [tilespmem:v8+s7+$0x0], $0xffff;
	v13 =	vand.u32 $0xFF, v13  }
0x642: {  	v4 =	vand.u32 $0x18, v4;
	v26 =	vadd.s32 v13, v5;
	v11 =	vld.idx.msk [tilespmem:v11+s10+$0x0], $0xffff;
	v13 =	vshra.s32 v10, $0x2  }
0x643: {  	v6 =	vmul.f32 v6, v2;
	[tilespmem:s17+$0xC300] =	vst v3;
	v2 =	vshll.u32 v15, $0x3;
	s17 =	sor.u32 s31, s20;
	v8 =	vshra.s32 v59, $0x2;
	v7 =	vld.idx.msk [tilespmem:v7+s7+$0x0], $0xffff  }
0x644: {  	v28 =	vand.u32 $0x18, v2;
	s22 =	sor.u32 s31, s23;
	v2 =	vshll.u32 v58, $0x3;
	[tilespmem:s17+$0xE300] =	vst v15;
	v27 =	vld.idx.msk [tilespmem:v9+s10+$0x0], $0xffff;
	v9 =	vshra.s32 v14, $0x2  }
0x645: {  	[tilespmem:s22+$0xE300] =	vst v58;
	v15 =	vshra.s32 v60, $0x2;
	s6 =	simm.s32 $0xE380;
	v63 =	vld.idx.msk [tilespmem:v61+s7+$0x0], $0xffff;
	v16 =	vmul.f32 v12, v16;
	v12 =	vshll.u32 v14, $0x3  }
0x646: {  	v5 =	vand.u32 $0x18, v2;
	v3 =	vshll.u32 v10, $0x3;
	[tilespmem:s6+$0x0] =	vst v10;
	v2 =	vand.u32 $0x18, v12;
	v12 =	vld.idx.msk [tilespmem:v62+s7+$0x0], $0xffff  }
0x647: {  	s1 =	simm.s32 $0xC300;
	v10 =	vshll.u32 v60, $0x3;
	v14 =	vmul.f32 v11, v55;
	v11 =	vld.idx.msk [tilespmem:v13+s7+$0x0], $0xffff;
	v13 =	vshll.u32 v56, $0x3  }
0x648: {  	[tilespmem:s1+$0x0] =	vst v6;
	v8 =	vld.idx.msk [tilespmem:v8+s7+$0x0], $0xffff;
	v3 =	vand.u32 $0x18, v3;
	v6 =	vand.u32 $0x18, v13;
	v13 =	vshll.u32 v57, $0x3  }
0x649: {  	[tilespmem:s8+$0xC300] =	vst v16;
	v9 =	vld.idx.msk [tilespmem:v9+s7+$0x0], $0xffff;
	v16 =	vmul.f32 v27, v17;
	v17 =	vshra.s32 v29, v6;
	v13 =	vand.u32 $0x18, v13  }
0x64a: {  	[tilespmem:s4+$0xC300] =	vst v14;
	v6 =	vand.u32 $0x18, v10;
	v10 =	vld.idx.msk [tilespmem:v15+s7+$0x0], $0xffff;
	v7 =	vshra.s32 v7, v13;
	v15 =	vshll.u32 v17, $0x4  }
0x64b: {  	s8 =	simm.s32 $0x6380;
	v14 =	vshra.s32 v63, v28;
	[tilespmem:s25+$0xC300] =	vst v16;
	v13 =	vand.u32 $0xFF, v7;
	v15 =	vand.u32 $0xFF0, v15;
	v7 =	vld.idx.msk [tilespmem:v26+s10+$0x0], $0xffff  }
.LBB2_30:
0x64c: {  	s13 =	sadd.s32 $0x40, s13;
	v16 =	vld [tilespmem:s8+$0x0];
	v14 =	vshll.u32 v14, $0x4;
	v5 =	vshra.s32 v12, v5;
	v12 =	vadd.s32 v13, v15;
	s14 =	sadd.s32 $0x80, s14  }
0x64d: {  	v3 =	vshra.s32 v11, v3;
	s4 =	sand.u32 $0x40, s13;
	s9 =	sand.u32 $0xF00, s14;
	p1 =	slt.u32 s13, $0x7C0;
	v11 =	vand.u32 $0xFF0, v14;
	v13 =	vld [tilespmem:s17+$0x6300];
	v5 =	vshll.u32 v5, $0x4  }
0x64e: {  	v3 =	vshll.u32 v3, $0x4;
	v2 =	vshra.s32 v9, v2;
	s9 =	sadd.s32 $0x8300, s9;
	s12 =	sor.u32 $0x10, s4;
	s19 =	sor.u32 $0x30, s4;
	v5 =	vand.u32 $0xFF0, v5;
	v14 =	vld [tilespmem:s22+$0x6300]  }
0x64f: {  	s23 =	sor.u32 $0x20, s4;
	v3 =	vand.u32 $0xFF0, v3;
	v2 =	vand.u32 $0xFF, v2;
	v4 =	vshra.s32 v8, v4;
	s20 =	sor.u32 s12, s9;
	s25 =	sor.u32 s19, s9;
	v8 =	vld [tilespmem:s16+$0x6300]  }
0x650: {  	s4 =	sor.u32 s4, s9;
	s9 =	sor.u32 s23, s9;
	v6 =	vshra.s32 v10, v6;
	v2 =	vadd.s32 v2, v11;
	v4 =	vand.u32 $0xFF, v4;
	v9 =	vld [tilespmem:s25+$0x0]  }
0x651: {  	v6 =	vand.u32 $0xFF, v6;
	v4 =	vadd.s32 v4, v5;
	v7 =	vmul.f32 v7, v1;
	v5 =	vld.idx.msk [tilespmem:v12+s10+$0x0], $0xffff;
	v1 =	vmovc v16  }
0x652: {  	s1 =	sadd.s32 $0x40, s1;
	v16 =	vadd.s32 v6, v3;
	v10 =	vld [tilespmem:s25+$0x80]  }
0x653: {  	v6 =	vld [tilespmem:s20+$0x0];
	[tilespmem:s1+$0x0] =	vst v7  }
0x654: {  	v7 =	vld [tilespmem:s9+$0x0]  }
0x655: {  	v11 =	vld [tilespmem:s4+$0x0]  }
0x656: {  	v15 =	vshra.s32 v9, $0x2;
	v12 =	vld [tilespmem:s20+$0x80]  }
0x657: {  	v3 =	vmul.f32 v5, v8;
	v17 =	vld [tilespmem:s9+$0x80];
	v18 =	vshra.s32 v10, $0x2  }
0x658: {  	v8 =	vld [tilespmem:s4+$0x80];
	s4 =	sand.u32 $0x780, s13;
	v19 =	vshra.s32 v6, $0x2;
	v5 =	vshll.u32 v6, $0x3  }
0x659: {  	s9 =	sor.u32 s4, s12;
	v20 =	vand.u32 $0x18, v5;
	s12 =	sor.u32 s4, s23;
	v21 =	vshra.s32 v7, $0x2;
	v5 =	vshll.u32 v7, $0x3;
	v22 =	vld.idx.msk [tilespmem:v2+s10+$0x0], $0xffff;
	[tilespmem:s16+$0xC300] =	vst v3;
	s16 =	sor.u32 s4, s19  }
0x65a: {  	v23 =	vshra.s32 v11, $0x2;
	v2 =	vshll.u32 v11, $0x3;
	v5 =	vand.u32 $0x18, v5;
	[tilespmem:s16+$0xE300] =	vst v9;
	v24 =	vld.idx.msk [tilespmem:v4+s10+$0x0], $0xffff  }
0x65b: {  	v3 =	vand.u32 $0x18, v2;
	[tilespmem:s9+$0xE300] =	vst v6;
	v25 =	vshra.s32 v12, $0x2;
	v2 =	vshll.u32 v12, $0x3;
	v15 =	vld.idx.msk [tilespmem:v15+s7+$0x0], $0xffff  }
0x65c: {  	s6 =	sadd.s32 $0x40, s6;
	v2 =	vand.u32 $0x18, v2;
	[tilespmem:s12+$0xE300] =	vst v7;
	v7 =	vshra.s32 v17, $0x2;
	v4 =	vshll.u32 v17, $0x3;
	v17 =	vld.idx.msk [tilespmem:v18+s7+$0x0], $0xffff  }
0x65d: {  	[tilespmem:s6+$0x0] =	vst v11;
	v18 =	vshra.s32 v8, $0x2;
	v6 =	vshll.u32 v8, $0x3;
	v19 =	vld.idx.msk [tilespmem:v19+s7+$0x0], $0xffff;
	v4 =	vand.u32 $0x18, v4  }
0x65e: {  	v6 =	vand.u32 $0x18, v6;
	v12 =	vld.idx.msk [tilespmem:v21+s7+$0x0], $0xffff  }
.Ltmp16:
0x65f: {  	v8 =	vshll.u32 v9, $0x3;
	v13 =	vmul.f32 v22, v13;
	v11 =	vld.idx.msk [tilespmem:v23+s7+$0x0], $0xffff;
	(pc) =	sbr.rel @p1 .LBB2_30-.Ltmp16, $4  }
0x660: {  	v10 =	vshll.u32 v10, $0x3;
	v21 =	vand.u32 $0x18, v8;
	v14 =	vmul.f32 v24, v14;
	v9 =	vld.idx.msk [tilespmem:v25+s7+$0x0], $0xffff  }
0x661: {  	v8 =	vld.idx.msk [tilespmem:v7+s7+$0x0], $0xffff;
	v7 =	vshra.s32 v15, v21;
	v15 =	vand.u32 $0x18, v10;
	[tilespmem:s17+$0xC300] =	vst v13;
	s17 =	smov.u32 s9  }
0x662: {  	v10 =	vld.idx.msk [tilespmem:v18+s7+$0x0], $0xffff;
	v13 =	vshra.s32 v17, v15;
	v7 =	vshll.u32 v7, $0x4;
	[tilespmem:s22+$0xC300] =	vst v14;
	s22 =	smov.u32 s12  }
0x663: {  	s8 =	sadd.s32 $0x40, s8;
	v14 =	vshra.s32 v19, v20;
	v13 =	vand.u32 $0xFF, v13;
	v15 =	vand.u32 $0xFF0, v7;
	v7 =	vld.idx.msk [tilespmem:v16+s10+$0x0], $0xffff  }
0x664: {  	v14 =	vshll.u32 v14, $0x4;
	v5 =	vshra.s32 v12, v5  }
0x665: {  	v57 =	vadd.s32 v13, v15;
	v3 =	vshra.s32 v11, v3;
	v58 =	vand.u32 $0xFF0, v14  }
0x666: {  	v5 =	vshll.u32 v5, $0x4;
	v3 =	vshll.u32 v3, $0x4;
	v2 =	vshra.s32 v9, v2  }
0x667: {  	v5 =	vand.u32 $0xFF0, v5;
	v2 =	vand.u32 $0xFF, v2;
	v4 =	vshra.s32 v8, v4  }
0x668: {  	v59 =	vld [tilespmem:s8+$0x0];
	v6 =	vshra.s32 v10, v6;
	v2 =	vadd.s32 v2, v58;
	v4 =	vand.u32 $0xFF, v4  }
0x669: {  	v60 =	vld [tilespmem:s17+$0x6300];
	v3 =	vand.u32 $0xFF0, v3;
	v6 =	vand.u32 $0xFF, v6;
	v4 =	vadd.s32 v4, v5  }
0x66a: {  	v61 =	vld [tilespmem:s22+$0x6300];
	v3 =	vadd.s32 v6, v3  }
0x66b: {  	v62 =	vld [tilespmem:s16+$0x6300]  }
0x66c: {  	v63 =	vld.idx.msk [tilespmem:v57+s10+$0x0], $0xffff  }
0x66d: {  	v2 =	vld.idx.msk [tilespmem:v2+s10+$0x0], $0xffff  }
0x66e: {  	v4 =	vld.idx.msk [tilespmem:v4+s10+$0x0], $0xffff  }
0x66f: {  	v3 =	vld.idx.msk [tilespmem:v3+s10+$0x0], $0xffff  }
0x670: {  	v1 =	vmul.f32 v7, v1  }
0x671: {  	s1 =	sadd.s32 $0x40, s1;
	v6 =	vmul.f32 v63, v62  }
0x672: {  	[tilespmem:s1+$0x0] =	vst v1;
	v1 =	vmul.f32 v2, v60  }
0x673: {  	[tilespmem:s16+$0xC300] =	vst v6;
	v2 =	vmul.f32 v4, v61  }
0x674: {  	[tilespmem:s17+$0xC300] =	vst v1;
	v1 =	vmul.f32 v3, v59  }
0x675: {  	s1 =	sadd.s32 $0x40, s1;
	[tilespmem:s22+$0xC300] =	vst v2  }
0x676: {  	s31 =	simm.s32 $0xE300;
	s4 =	simm.s32 $0xC300;
	[tilespmem:s1+$0x0] =	vst v1  }
0x677: {  	[spmem:s5] =	stream.indirect.scatter.add.f32 [tilespmem:s4], [sflag:$0x5], $0x1, s31, s18, $0xb8;
	[tilespmem:$0x133F0] =	vst v63  }
0x678: {  	_ =	swait.ge [sflag:s11], $0x800  }
.Ltmp17:
0x679: {  	[sflag:s11] =	ssyncset.done $0x0;
	(pc) =	sbr.rel @p0 .LBB2_35-.Ltmp17, $4  }
0x67a: {  	[sflag:s11] =	ssyncadd.s32 $0xFFFFF800  }
0x67b: {  	_ =	swait.ge [sflag:s30], $0x800  }
0x67c: {  	[sflag:s30] =	ssyncset.done $0x0  }
0x67d: {  	s4 =	sld [smem:$0x7FD];
	[sflag:s30] =	ssyncadd.s32 $0xFFFFF800  }
0x67e: {  	_ =	swait.ge [sflag:s21], $0x800  }
0x67f: {  	[sflag:s21] =	ssyncset.done $0x0  }
0x680: {  	s1 =	simm.s32 $0x0;
	s4 =	simm.s32 $0x0;
	[sflag:s21] =	ssyncadd.s32 $0xFFFFF800  }
0x681: {  	s6 =	sand.u32 $0x40, s4;
	s1 =	sand.u32 $0xF00, s1;
	_ =	swait.ge [sflag:s21], $0x1000  }
0x682: {  	s1 =	sadd.s32 $0x9300, s1;
	s8 =	sor.u32 $0x30, s6;
	[sflag:s21] =	ssyncset.done $0x0  }
0x683: {  	s9 =	sor.u32 s8, s1;
	[sflag:s21] =	ssyncadd.s32 $0xFFFFF000  }
0x684: {  	s12 =	sor.u32 $0x10, s6;
	v1 =	vld [tilespmem:s9+$0x0]  }
0x685: {  	s14 =	sor.u32 $0x20, s6;
	s13 =	sor.u32 s12, s1;
	v2 =	vld [tilespmem:s9+$0x80]  }
0x686: {  	s31 =	sor.u32 s14, s1;
	v4 =	vld [tilespmem:s13+$0x0]  }
0x687: {  	s1 =	sor.u32 s6, s1;
	v5 =	vld [tilespmem:s31+$0x0]  }
0x688: {  	v6 =	vld [tilespmem:s1+$0x0]  }
0x689: {  	s20 =	simm.s32 $0x80;
	v7 =	vld [tilespmem:s13+$0x80];
	s13 =	simm.s32 $0x40  }
0x68a: {  	s6 =	sand.u32 $0x780, s4;
	s4 =	sand.u32 $0xF00, s20;
	v8 =	vld [tilespmem:s31+$0x80];
	s22 =	sand.u32 $0x40, s13;
	v3 =	vshra.s32 v1, $0x2  }
0x68b: {  	s16 =	sor.u32 s6, s8;
	s4 =	sadd.s32 $0x9300, s4;
	v10 =	vld [tilespmem:s1+$0x80];
	s19 =	sor.u32 $0x20, s22;
	v9 =	vshra.s32 v2, $0x2  }
0x68c: {  	v17 =	vld [tilespmem:s16+$0x6B00];
	s23 =	sor.u32 $0x30, s22;
	s28 =	sor.u32 $0x10, s22;
	s20 =	sor.u32 s19, s4;
	v11 =	vshra.s32 v4, $0x2  }
0x68d: {  	s25 =	sor.u32 s23, s4;
	s31 =	sor.u32 s28, s4;
	s4 =	sor.u32 s22, s4;
	v19 =	vld [tilespmem:s20+$0x80];
	v12 =	vshra.s32 v5, $0x2  }
0x68e: {  	v21 =	vld [tilespmem:s4+$0x80];
	v13 =	vshra.s32 v6, $0x2;
	[tilespmem:s16+$0xEB00] =	vst v1  }
0x68f: {  	s17 =	sor.u32 s6, s12;
	v14 =	vshra.s32 v7, $0x2;
	v3 =	vld.idx.msk [tilespmem:v3+s7+$0x0], $0xffff  }
0x690: {  	s1 =	sor.u32 s6, s14;
	[tilespmem:s17+$0xEB00] =	vst v4;
	v15 =	vshra.s32 v8, $0x2;
	v9 =	vld.idx.msk [tilespmem:v9+s7+$0x0], $0xffff  }
0x691: {  	s9 =	simm.s32 $0xEB00;
	[tilespmem:s1+$0xEB00] =	vst v5;
	v16 =	vshra.s32 v10, $0x2;
	v11 =	vld.idx.msk [tilespmem:v11+s7+$0x0], $0xffff  }
0x692: {  	[tilespmem:s9+$0x0] =	vst v6;
	v12 =	vld.idx.msk [tilespmem:v12+s7+$0x0], $0xffff  }
0x693: {  	v13 =	vld.idx.msk [tilespmem:v13+s7+$0x0], $0xffff  }
0x694: {  	v2 =	vshll.u32 v2, $0x3;
	v14 =	vld.idx.msk [tilespmem:v14+s7+$0x0], $0xffff  }
0x695: {  	v2 =	vand.u32 $0x18, v2;
	v15 =	vld.idx.msk [tilespmem:v15+s7+$0x0], $0xffff  }
0x696: {  	v1 =	vshll.u32 v1, $0x3;
	v5 =	vshll.u32 v5, $0x3;
	v2 =	vshra.s32 v9, v2;
	v9 =	vld.idx.msk [tilespmem:v16+s7+$0x0], $0xffff  }
0x697: {  	v7 =	vshll.u32 v7, $0x3;
	v5 =	vand.u32 $0x18, v5;
	v16 =	vshll.u32 v4, $0x3;
	v4 =	vld [tilespmem:s1+$0x6B00]  }
0x698: {  	v8 =	vshll.u32 v8, $0x3;
	v7 =	vand.u32 $0x18, v7;
	v5 =	vshra.s32 v12, v5;
	v12 =	vld [tilespmem:s25+$0x80]  }
0x699: {  	v1 =	vand.u32 $0x18, v1;
	v8 =	vand.u32 $0x18, v8;
	v7 =	vshra.s32 v14, v7;
	v14 =	vld [tilespmem:s31+$0x0]  }
0x69a: {  	s12 =	simm.s32 $0x6B00;
	v1 =	vshra.s32 v3, v1;
	v8 =	vshra.s32 v15, v8;
	v15 =	vld [tilespmem:s31+$0x80]  }
0x69b: {  	v1 =	vshll.u32 v1, $0x4;
	v3 =	vand.u32 $0xFF, v2;
	v2 =	vld [tilespmem:s12+$0x0];
	v16 =	vand.u32 $0x18, v16  }
0x69c: {  	s14 =	simm.s32 $0x100;
	s6 =	sand.u32 $0x780, s13;
	v5 =	vshll.u32 v5, $0x4;
	v1 =	vand.u32 $0xFF0, v1;
	v11 =	vshra.s32 v11, v16;
	v16 =	vld [tilespmem:s25+$0x0]  }
0x69d: {  	s13 =	simm.s32 $0x80;
	s8 =	sor.u32 s6, s23;
	v8 =	vand.u32 $0xFF, v8;
	v5 =	vand.u32 $0xFF0, v5;
	s25 =	sor.u32 s6, s19;
	v1 =	vadd.s32 v3, v1;
	v3 =	vld [tilespmem:s17+$0x6B00]  }
0x69e: {  	v11 =	vshll.u32 v11, $0x4;
	v5 =	vadd.s32 v8, v5;
	v8 =	vld [tilespmem:s4+$0x0];
	s4 =	sor.u32 s6, s28;
	s6 =	sand.u32 $0x40, s13;
	s28 =	sand.u32 $0xF00, s14  }
0x69f: {  	v7 =	vand.u32 $0xFF, v7;
	v11 =	vand.u32 $0xFF0, v11;
	v55 =	vld [tilespmem:s4+$0x6B00];
	s9 =	sadd.s32 $0x9300, s28;
	s12 =	sor.u32 $0x30, s6  }
0x6a0: {  	v25 =	vshra.s32 v21, $0x2;
	v7 =	vadd.s32 v7, v11;
	v11 =	vld [tilespmem:s20+$0x0];
	s31 =	sor.u32 s12, s9  }
0x6a1: {  	v56 =	vld [tilespmem:s31+$0x0]  }
0x6a2: {  	v6 =	vshll.u32 v6, $0x3;
	v20 =	vshra.s32 v12, $0x2;
	v57 =	vld [tilespmem:s31+$0x80]  }
0x6a3: {  	s22 =	simm.s32 $0xEB40;
	v10 =	vshll.u32 v10, $0x3;
	v6 =	vand.u32 $0x18, v6;
	v22 =	vshra.s32 v14, $0x2;
	v1 =	vld.idx.msk [tilespmem:v1+s10+$0x0], $0xffff  }
0x6a4: {  	v10 =	vand.u32 $0x18, v10;
	v6 =	vshra.s32 v13, v6;
	v13 =	vshra.s32 v15, $0x2;
	v5 =	vld.idx.msk [tilespmem:v5+s10+$0x0], $0xffff;
	[tilespmem:s22+$0x0] =	vst v8  }
0x6a5: {  	v6 =	vshll.u32 v6, $0x4;
	v9 =	vshra.s32 v9, v10;
	v10 =	vshra.s32 v19, $0x2;
	v54 =	vld.idx.msk [tilespmem:v25+s7+$0x0], $0xffff  }
0x6a6: {  	v6 =	vand.u32 $0xFF0, v6;
	v9 =	vand.u32 $0xFF, v9;
	v18 =	vshra.s32 v16, $0x2;
	[tilespmem:s8+$0xEB00] =	vst v16;
	v7 =	vld.idx.msk [tilespmem:v7+s10+$0x0], $0xffff  }
0x6a7: {  	[tilespmem:s4+$0xEB00] =	vst v14;
	v6 =	vadd.s32 v9, v6;
	v20 =	vld.idx.msk [tilespmem:v20+s7+$0x0], $0xffff  }
0x6a8: {  	v23 =	vshra.s32 v11, $0x2;
	v22 =	vld.idx.msk [tilespmem:v22+s7+$0x0], $0xffff  }
0x6a9: {  	v12 =	vshll.u32 v12, $0x3;
	v24 =	vshra.s32 v8, $0x2;
	[tilespmem:s25+$0xEB00] =	vst v11;
	v13 =	vld.idx.msk [tilespmem:v13+s7+$0x0], $0xffff  }
0x6aa: {  	v14 =	vshll.u32 v14, $0x3;
	v15 =	vshll.u32 v15, $0x3;
	v19 =	vshll.u32 v19, $0x3;
	v10 =	vld.idx.msk [tilespmem:v10+s7+$0x0], $0xffff  }
0x6ab: {  	v12 =	vand.u32 $0x18, v12;
	v14 =	vand.u32 $0x18, v14;
	v15 =	vand.u32 $0x18, v15;
	v18 =	vld.idx.msk [tilespmem:v18+s7+$0x0], $0xffff  }
0x6ac: {  	v19 =	vand.u32 $0x18, v19;
	v16 =	vshll.u32 v16, $0x3;
	v8 =	vshll.u32 v8, $0x3;
	v6 =	vld.idx.msk [tilespmem:v6+s10+$0x0], $0xffff  }
0x6ad: {  	v16 =	vand.u32 $0x18, v16;
	v8 =	vand.u32 $0x18, v8;
	v11 =	vshll.u32 v11, $0x3;
	v9 =	vld.idx.msk [tilespmem:v23+s7+$0x0], $0xffff  }
0x6ae: {  	s23 =	simm.s32 $0x6B40;
	v11 =	vand.u32 $0x18, v11;
	v53 =	vld.idx.msk [tilespmem:v24+s7+$0x0], $0xffff;
	v17 =	vmul.f32 v1, v17;
	v12 =	vshra.s32 v20, v12  }
0x6af: {  	s20 =	sor.u32 $0x10, s6;
	v1 =	vld [tilespmem:s23+$0x0];
	s23 =	sor.u32 $0x20, s6;
	s6 =	sor.u32 s6, s9;
	v14 =	vshra.s32 v22, v14;
	v13 =	vshra.s32 v13, v15;
	v3 =	vmul.f32 v7, v3  }
0x6b0: {  	s22 =	sor.u32 s20, s9;
	v60 =	vld [tilespmem:s6+$0x80];
	v12 =	vand.u32 $0xFF, v12;
	v14 =	vshll.u32 v14, $0x4;
	v16 =	vshra.s32 v18, v16  }
0x6b1: {  	s28 =	sor.u32 s23, s9;
	v15 =	vld [tilespmem:s22+$0x0];
	v13 =	vand.u32 $0xFF, v13;
	v10 =	vshra.s32 v10, v19;
	v16 =	vshll.u32 v16, $0x4  }
0x6b2: {  	v58 =	vld [tilespmem:s28+$0x0];
	v10 =	vand.u32 $0xFF, v10;
	v16 =	vand.u32 $0xFF0, v16;
	v9 =	vshra.s32 v9, v11  }
0x6b3: {  	v59 =	vld [tilespmem:s28+$0x80];
	v7 =	vshra.s32 v53, v8;
	v12 =	vadd.s32 v12, v16;
	v9 =	vshll.u32 v9, $0x4  }
0x6b4: {  	[tilespmem:s16+$0xCB00] =	vst v17;
	v17 =	vld [tilespmem:s25+$0x6B00];
	v8 =	vshra.s32 v56, $0x2;
	v11 =	vand.u32 $0xFF0, v14;
	v9 =	vand.u32 $0xFF0, v9  }
0x6b5: {  	v4 =	vmul.f32 v5, v4;
	v11 =	vadd.s32 v13, v11;
	v9 =	vadd.s32 v10, v9;
	v10 =	vld [tilespmem:s6+$0x0]  }
0x6b6: {  	s31 =	sand.u32 $0x780, s13;
	v5 =	vshll.u32 v7, $0x4;
	v7 =	vshra.s32 v57, $0x2;
	v16 =	vld [tilespmem:s8+$0x6B00];
	v13 =	vshll.u32 v21, $0x3  }
0x6b7: {  	s16 =	sor.u32 s31, s12;
	v14 =	vld [tilespmem:s22+$0x80];
	v13 =	vand.u32 $0x18, v13  }
0x6b8: {  	[tilespmem:s16+$0xEB00] =	vst v56;
	v6 =	vmul.f32 v6, v2;
	v61 =	vshra.s32 v15, $0x2;
	v13 =	vshra.s32 v54, v13;
	v12 =	vld.idx.msk [tilespmem:v12+s10+$0x0], $0xffff  }
0x6b9: {  	[tilespmem:s1+$0xCB00] =	vst v4;
	v5 =	vand.u32 $0xFF0, v5;
	v62 =	vshra.s32 v58, $0x2;
	v29 =	vld.idx.msk [tilespmem:v8+s7+$0x0], $0xffff;
	v13 =	vand.u32 $0xFF, v13  }
0x6ba: {  	[tilespmem:s17+$0xCB00] =	vst v3;
	s17 =	sor.u32 s31, s20;
	v2 =	vshll.u32 v15, $0x3;
	v26 =	vadd.s32 v13, v5;
	v11 =	vld.idx.msk [tilespmem:v11+s10+$0x0], $0xffff;
	v13 =	vshra.s32 v10, $0x2  }
0x6bb: {  	[tilespmem:s17+$0xEB00] =	vst v15;
	v15 =	vshra.s32 v60, $0x2;
	v4 =	vshll.u32 v59, $0x3;
	v8 =	vshra.s32 v59, $0x2;
	v7 =	vld.idx.msk [tilespmem:v7+s7+$0x0], $0xffff  }
0x6bc: {  	s22 =	sor.u32 s31, s23;
	v28 =	vand.u32 $0x18, v2;
	v2 =	vshll.u32 v58, $0x3;
	v27 =	vld.idx.msk [tilespmem:v9+s10+$0x0], $0xffff;
	v9 =	vshra.s32 v14, $0x2  }
0x6bd: {  	[tilespmem:s22+$0xEB00] =	vst v58;
	v4 =	vand.u32 $0x18, v4;
	s6 =	simm.s32 $0xEB80;
	v63 =	vld.idx.msk [tilespmem:v61+s7+$0x0], $0xffff;
	v16 =	vmul.f32 v12, v16;
	v12 =	vshll.u32 v14, $0x3  }
0x6be: {  	v5 =	vand.u32 $0x18, v2;
	v3 =	vshll.u32 v10, $0x3;
	[tilespmem:s6+$0x0] =	vst v10;
	v2 =	vand.u32 $0x18, v12;
	v12 =	vld.idx.msk [tilespmem:v62+s7+$0x0], $0xffff  }
0x6bf: {  	s1 =	simm.s32 $0xCB00;
	v10 =	vshll.u32 v60, $0x3;
	v14 =	vmul.f32 v11, v55;
	v11 =	vld.idx.msk [tilespmem:v13+s7+$0x0], $0xffff;
	v13 =	vshll.u32 v56, $0x3  }
0x6c0: {  	[tilespmem:s1+$0x0] =	vst v6;
	v8 =	vld.idx.msk [tilespmem:v8+s7+$0x0], $0xffff;
	v3 =	vand.u32 $0x18, v3;
	v6 =	vand.u32 $0x18, v13;
	v13 =	vshll.u32 v57, $0x3  }
0x6c1: {  	[tilespmem:s8+$0xCB00] =	vst v16;
	v9 =	vld.idx.msk [tilespmem:v9+s7+$0x0], $0xffff;
	v16 =	vmul.f32 v27, v17;
	v17 =	vshra.s32 v29, v6;
	v13 =	vand.u32 $0x18, v13  }
0x6c2: {  	[tilespmem:s4+$0xCB00] =	vst v14;
	v6 =	vand.u32 $0x18, v10;
	v10 =	vld.idx.msk [tilespmem:v15+s7+$0x0], $0xffff;
	v7 =	vshra.s32 v7, v13;
	v15 =	vshll.u32 v17, $0x4  }
0x6c3: {  	s8 =	simm.s32 $0x6B80;
	v14 =	vshra.s32 v63, v28;
	[tilespmem:s25+$0xCB00] =	vst v16;
	v13 =	vand.u32 $0xFF, v7;
	v15 =	vand.u32 $0xFF0, v15;
	v7 =	vld.idx.msk [tilespmem:v26+s10+$0x0], $0xffff  }
.LBB2_33:
0x6c4: {  	s13 =	sadd.s32 $0x40, s13;
	v16 =	vld [tilespmem:s8+$0x0];
	v14 =	vshll.u32 v14, $0x4;
	v5 =	vshra.s32 v12, v5;
	v12 =	vadd.s32 v13, v15;
	s14 =	sadd.s32 $0x80, s14  }
0x6c5: {  	v3 =	vshra.s32 v11, v3;
	s4 =	sand.u32 $0x40, s13;
	s9 =	sand.u32 $0xF00, s14;
	p1 =	slt.u32 s13, $0x7C0;
	v11 =	vand.u32 $0xFF0, v14;
	v13 =	vld [tilespmem:s17+$0x6B00];
	v5 =	vshll.u32 v5, $0x4  }
0x6c6: {  	v3 =	vshll.u32 v3, $0x4;
	v2 =	vshra.s32 v9, v2;
	s9 =	sadd.s32 $0x9300, s9;
	s12 =	sor.u32 $0x10, s4;
	s19 =	sor.u32 $0x30, s4;
	v5 =	vand.u32 $0xFF0, v5;
	v14 =	vld [tilespmem:s22+$0x6B00]  }
0x6c7: {  	s23 =	sor.u32 $0x20, s4;
	v3 =	vand.u32 $0xFF0, v3;
	v2 =	vand.u32 $0xFF, v2;
	v4 =	vshra.s32 v8, v4;
	s20 =	sor.u32 s12, s9;
	s25 =	sor.u32 s19, s9;
	v8 =	vld [tilespmem:s16+$0x6B00]  }
0x6c8: {  	s4 =	sor.u32 s4, s9;
	s9 =	sor.u32 s23, s9;
	v6 =	vshra.s32 v10, v6;
	v2 =	vadd.s32 v2, v11;
	v4 =	vand.u32 $0xFF, v4;
	v9 =	vld [tilespmem:s25+$0x0]  }
0x6c9: {  	v6 =	vand.u32 $0xFF, v6;
	v4 =	vadd.s32 v4, v5;
	v7 =	vmul.f32 v7, v1;
	v5 =	vld.idx.msk [tilespmem:v12+s10+$0x0], $0xffff;
	v1 =	vmovc v16  }
0x6ca: {  	s1 =	sadd.s32 $0x40, s1;
	v16 =	vadd.s32 v6, v3;
	v10 =	vld [tilespmem:s25+$0x80]  }
0x6cb: {  	v6 =	vld [tilespmem:s20+$0x0];
	[tilespmem:s1+$0x0] =	vst v7  }
0x6cc: {  	v7 =	vld [tilespmem:s9+$0x0]  }
0x6cd: {  	v11 =	vld [tilespmem:s4+$0x0]  }
0x6ce: {  	v15 =	vshra.s32 v9, $0x2;
	v12 =	vld [tilespmem:s20+$0x80]  }
0x6cf: {  	v3 =	vmul.f32 v5, v8;
	v17 =	vld [tilespmem:s9+$0x80];
	v18 =	vshra.s32 v10, $0x2  }
0x6d0: {  	v8 =	vld [tilespmem:s4+$0x80];
	s4 =	sand.u32 $0x780, s13;
	v19 =	vshra.s32 v6, $0x2;
	v5 =	vshll.u32 v6, $0x3  }
0x6d1: {  	s9 =	sor.u32 s4, s12;
	v20 =	vand.u32 $0x18, v5;
	s12 =	sor.u32 s4, s23;
	v21 =	vshra.s32 v7, $0x2;
	v5 =	vshll.u32 v7, $0x3;
	v22 =	vld.idx.msk [tilespmem:v2+s10+$0x0], $0xffff;
	[tilespmem:s16+$0xCB00] =	vst v3;
	s16 =	sor.u32 s4, s19  }
0x6d2: {  	v23 =	vshra.s32 v11, $0x2;
	v2 =	vshll.u32 v11, $0x3;
	v5 =	vand.u32 $0x18, v5;
	[tilespmem:s16+$0xEB00] =	vst v9;
	v24 =	vld.idx.msk [tilespmem:v4+s10+$0x0], $0xffff  }
0x6d3: {  	v3 =	vand.u32 $0x18, v2;
	[tilespmem:s9+$0xEB00] =	vst v6;
	v25 =	vshra.s32 v12, $0x2;
	v2 =	vshll.u32 v12, $0x3;
	v15 =	vld.idx.msk [tilespmem:v15+s7+$0x0], $0xffff  }
0x6d4: {  	s6 =	sadd.s32 $0x40, s6;
	v2 =	vand.u32 $0x18, v2;
	[tilespmem:s12+$0xEB00] =	vst v7;
	v7 =	vshra.s32 v17, $0x2;
	v4 =	vshll.u32 v17, $0x3;
	v17 =	vld.idx.msk [tilespmem:v18+s7+$0x0], $0xffff  }
0x6d5: {  	[tilespmem:s6+$0x0] =	vst v11;
	v18 =	vshra.s32 v8, $0x2;
	v6 =	vshll.u32 v8, $0x3;
	v19 =	vld.idx.msk [tilespmem:v19+s7+$0x0], $0xffff;
	v4 =	vand.u32 $0x18, v4  }
0x6d6: {  	v6 =	vand.u32 $0x18, v6;
	v12 =	vld.idx.msk [tilespmem:v21+s7+$0x0], $0xffff  }
.Ltmp18:
0x6d7: {  	v8 =	vshll.u32 v9, $0x3;
	v13 =	vmul.f32 v22, v13;
	v11 =	vld.idx.msk [tilespmem:v23+s7+$0x0], $0xffff;
	(pc) =	sbr.rel @p1 .LBB2_33-.Ltmp18, $4  }
0x6d8: {  	v10 =	vshll.u32 v10, $0x3;
	v21 =	vand.u32 $0x18, v8;
	v14 =	vmul.f32 v24, v14;
	v9 =	vld.idx.msk [tilespmem:v25+s7+$0x0], $0xffff  }
0x6d9: {  	v8 =	vld.idx.msk [tilespmem:v7+s7+$0x0], $0xffff;
	v7 =	vshra.s32 v15, v21;
	v15 =	vand.u32 $0x18, v10;
	[tilespmem:s17+$0xCB00] =	vst v13;
	s17 =	smov.u32 s9  }
0x6da: {  	v10 =	vld.idx.msk [tilespmem:v18+s7+$0x0], $0xffff;
	v13 =	vshra.s32 v17, v15;
	v7 =	vshll.u32 v7, $0x4;
	[tilespmem:s22+$0xCB00] =	vst v14;
	s22 =	smov.u32 s12  }
0x6db: {  	s8 =	sadd.s32 $0x40, s8;
	v14 =	vshra.s32 v19, v20;
	v13 =	vand.u32 $0xFF, v13;
	v15 =	vand.u32 $0xFF0, v7;
	v7 =	vld.idx.msk [tilespmem:v16+s10+$0x0], $0xffff  }
0x6dc: {  	v14 =	vshll.u32 v14, $0x4;
	v5 =	vshra.s32 v12, v5  }
0x6dd: {  	v57 =	vadd.s32 v13, v15;
	v3 =	vshra.s32 v11, v3;
	v58 =	vand.u32 $0xFF0, v14  }
0x6de: {  	v5 =	vshll.u32 v5, $0x4;
	v3 =	vshll.u32 v3, $0x4;
	v2 =	vshra.s32 v9, v2  }
0x6df: {  	v5 =	vand.u32 $0xFF0, v5;
	v2 =	vand.u32 $0xFF, v2;
	v4 =	vshra.s32 v8, v4  }
0x6e0: {  	v59 =	vld [tilespmem:s8+$0x0];
	v6 =	vshra.s32 v10, v6;
	v2 =	vadd.s32 v2, v58;
	v4 =	vand.u32 $0xFF, v4  }
0x6e1: {  	v60 =	vld [tilespmem:s17+$0x6B00];
	v3 =	vand.u32 $0xFF0, v3;
	v6 =	vand.u32 $0xFF, v6;
	v4 =	vadd.s32 v4, v5  }
0x6e2: {  	v61 =	vld [tilespmem:s22+$0x6B00];
	v3 =	vadd.s32 v6, v3  }
0x6e3: {  	v62 =	vld [tilespmem:s16+$0x6B00]  }
0x6e4: {  	v63 =	vld.idx.msk [tilespmem:v57+s10+$0x0], $0xffff  }
0x6e5: {  	v2 =	vld.idx.msk [tilespmem:v2+s10+$0x0], $0xffff  }
0x6e6: {  	v4 =	vld.idx.msk [tilespmem:v4+s10+$0x0], $0xffff  }
0x6e7: {  	v3 =	vld.idx.msk [tilespmem:v3+s10+$0x0], $0xffff  }
0x6e8: {  	v1 =	vmul.f32 v7, v1  }
0x6e9: {  	s1 =	sadd.s32 $0x40, s1;
	v6 =	vmul.f32 v63, v62  }
0x6ea: {  	[tilespmem:s1+$0x0] =	vst v1;
	v1 =	vmul.f32 v2, v60  }
0x6eb: {  	[tilespmem:s16+$0xCB00] =	vst v6;
	v2 =	vmul.f32 v4, v61  }
0x6ec: {  	[tilespmem:s17+$0xCB00] =	vst v1;
	v1 =	vmul.f32 v3, v59  }
0x6ed: {  	s1 =	sadd.s32 $0x40, s1;
	[tilespmem:s22+$0xCB00] =	vst v2  }
.Ltmp19:
0x6ee: {  	s31 =	simm.s32 $0xEB00;
	s4 =	simm.s32 $0xCB00;
	[tilespmem:s1+$0x0] =	vst v1;
	(pc) =	sbr.rel .LBB2_35-.Ltmp19, $4  }
0x6ef: {  	[spmem:s5] =	stream.indirect.scatter.add.f32 [tilespmem:s4], [sflag:$0x7], $0x1, s31, s18, $0xb8;
	[tilespmem:$0x133F0] =	vst v63  }
0x6f0: {  	_ =	swait.ge [sflag:s26], $0x800  }
0x6f1: {  	[sflag:s26] =	ssyncset.done $0x0  }
0x6f2: {  	s4 =	sld [smem:$0x7FD];
	[sflag:s26] =	ssyncadd.s32 $0xFFFFF800  }
.LBB2_36:
0x6f3: {  	_ =	sfence.sel $0x180000  }
0x6f4: {  	[bflag:$0x0] =	sbarrier.arrive $0xFFFF  }
0x6f5: {  	_ =	strace $0x90000047  }
0x6f6: {  	s0 =	stileid.u32;
	[bflag:$0x2] =	sbarrier.arrive $0xFFFF  }
0x6f7: {  	p0 =	sne.s32 s0, $0x0;
	s0 =	rddreg [dreg:$0x6]  }
0x6f8: {  	s0 =	sadd.s32 @!p0 $0x100000, s0  }
0x6f9: {  	[sflag:s0] =	ssyncadd.tile.s32 @!p0 $0x1;
	_ =	shalt  }
.Lfunc_end2:
_tile_overlayer_lowered:
.L_overlay_start_2:
0x6fa: {  	(tag) =	ssettag $0x2  }
0x6fb: {  	s0 =	rddreg [dreg:$0x0];
	s2 =	stileid.u32  }
0x6fc: {  	s1 =	rddreg [dreg:$0x1];
	p0 =	sne.s32 s2, $0x0  }
0x6fd: {  	s3 =	rddreg [dreg:$0x2];
	[bflag:$0x3] =	sbarrier.arrive $0xFFFF;
	s2 =	simm.s32 @!p0 $0x1C07  }
0x6fe: {  	[timem:s3], [sflag:s2] =	dma.local @!p0 [hbm:s0], s1  }
0x6ff: {  	s0 =	simm.s32 @!p0 $0x7  }
0x700: {  	_ =	swait.ge @!p0 [sflag:s0], s1  }
0x701: {  	s1 =	ssub.s32 @!p0 $0x0, s1;
	[sflag:s0] =	ssyncset.done @!p0 $0x0  }
0x702: {  	[sflag:s0] =	ssyncadd.s32 @!p0 s1  }
0x703: {  	[bflag:$0x3] =	sbarrier.arrive $0xFFFF  }
0x704: {  	_ =	shalt  }

</sc_bundles>
